<compile_context>
chip_gen: v7x
topology: tpu7x:2x2x1
jax: 0.10.2.dev20260603
libtpu: 0.0.44.dev20260713+nightly
codegen_flags: <defaults>
</compile_context>

<pallas_src>
import functools

import jax
import jax.numpy as jnp
from jax import lax
from jax.experimental import pallas as pl
from jax.experimental.pallas import tpu as pltpu
from jax.experimental.pallas import tpu_sc as plsc

_N = 6400000
_G = 100000
_NC = 2
_NS = 16
_BLK = 4000

_NEG = float("-inf")


def _make_sc_kernel(N, G, NC, NS, BLK, interpret=False):
  NW = NC * NS
  CHUNK = N // NW
  NB = CHUNK // BLK
  VPB = BLK // 16
  GA = G + 96
  WSL = GA // NS
  TRASH = G
  SENT = 2**31 - 1
  WOFF = 16
  LCAP = WOFF + BLK + 128
  NRMAX = (BLK + 127) // 128

  assert CHUNK % BLK == 0 and BLK % 128 == 0 or True
  assert N % NW == 0 and BLK % 16 == 0 and GA % NS == 0 and WSL % 8 == 0

  mesh = plsc.VectorSubcoreMesh(
      core_axis_name="c", subcore_axis_name="s",
      num_cores=NC, num_subcores=NS)

  def body(x_hbm, t_hbm, g_hbm, cnt_out, sum_out, max_out,
           gbuf, tbuf, xbuf, Lg, Lm, Lc, Lp,
           Lg2, Lmi2, Ssum2, Scnt2, Lmv2,
           gsc, msc, csc, psc, tmp16, zbuf, bgv, bmv,
           slots, rgbuf, rmbuf, recg, recm, ridx2, rval2,
           c_sh, s_sh, m_sh, bg_sh, bm_sh, dsem, fsem):
    core = lax.axis_index("c")
    sub = lax.axis_index("s")
    wid = core * NS + sub
    base = pl.multiple_of(wid * CHUNK, 8)
    iota = lax.broadcasted_iota(jnp.int32, (16,), 0)
    trashv = jnp.full((16,), TRASH, jnp.int32)

    def fill(ref, val, n, dtype):
      v = jnp.full((16,), val, dtype)
      def st(i, _):
        ref[pl.ds(i * 16, 16)] = v
        return 0
      lax.fori_loop(0, n // 16, st, 0)

    wsl0 = pl.multiple_of(sub * WSL, 8)
    fill(zbuf, 0.0, WSL, jnp.float32)
    pltpu.sync_copy(zbuf, c_sh.at[pl.ds(wsl0, WSL)])
    pltpu.sync_copy(zbuf, s_sh.at[pl.ds(wsl0, WSL)])
    fill(zbuf, _NEG, WSL, jnp.float32)
    pltpu.sync_copy(zbuf, m_sh.at[pl.ds(wsl0, WSL)])
    for u in range(5):
      gsc[pl.ds(u * 32, 16)] = jnp.full((16,), -1, jnp.int32)
      msc[pl.ds(u * 32, 16)] = jnp.zeros((16,), jnp.float32)
    plsc.subcore_barrier()

    pltpu.sync_copy(
        g_hbm.at[pl.ds(pl.multiple_of(jnp.maximum(base - 16, 0), 8), 16)],
        tmp16)
    prevg = tmp16[pl.ds(0, 16)][15]
    pltpu.sync_copy(g_hbm.at[pl.ds(base, 16)], tmp16)
    firstg = tmp16[pl.ds(0, 16)][0]
    fsg = jnp.where((prevg == firstg) & (wid > 0), firstg, jnp.int32(-1))
    fsgv = jnp.full((16,), fsg, jnp.int32)
    redv = jnp.full((16,), jnp.int32(G + 1) + sub, jnp.int32)

    def issue_loads(bb, pp):
      bel = pl.multiple_of(base + bb * BLK, 8)
      il = bel + BLK == N

      @pl.when(il)
      def _():
        pltpu.async_copy(g_hbm.at[pl.ds(bel, BLK)],
                         gbuf.at[pl.ds(pp * (BLK + 16), BLK)], dsem.at[pp])

      @pl.when(jnp.logical_not(il))
      def _():
        pltpu.async_copy(g_hbm.at[pl.ds(bel, BLK + 16)], gbuf.at[pl.ds(pp * (BLK + 16), BLK + 16)],
                         dsem.at[pp])

      pltpu.async_copy(t_hbm.at[pl.ds(bel, BLK)], tbuf.at[pl.ds(pp * BLK, BLK)], dsem.at[pp])
      pltpu.async_copy(x_hbm.at[pl.ds(bel, BLK)], xbuf.at[pl.ds(pp * BLK, BLK)], dsem.at[pp])

    def drain_loads(bb, pp):
      bel = pl.multiple_of(base + bb * BLK, 8)
      il = bel + BLK == N

      @pl.when(il)
      def _():
        pltpu.make_async_copy(g_hbm.at[pl.ds(bel, BLK)],
                              gbuf.at[pl.ds(pp * (BLK + 16), BLK)],
                              dsem.at[pp]).wait()

      @pl.when(jnp.logical_not(il))
      def _():
        pltpu.make_async_copy(g_hbm.at[pl.ds(bel, BLK + 16)], gbuf.at[pl.ds(pp * (BLK + 16), BLK + 16)],
                              dsem.at[pp]).wait()

      pltpu.make_async_copy(t_hbm.at[pl.ds(bel, BLK)], tbuf.at[pl.ds(pp * BLK, BLK)],
                            dsem.at[pp]).wait()
      pltpu.make_async_copy(x_hbm.at[pl.ds(bel, BLK)], xbuf.at[pl.ds(pp * BLK, BLK)],
                            dsem.at[pp]).wait()

    issue_loads(0, 0)

    def block_body(b, carry):
      pg, pm, ppos = carry
      p = b & 1
      bel = pl.multiple_of(base + b * BLK, 8)
      is_last = bel + BLK == N

      @pl.when(b + 1 < NB)
      def _():
        issue_loads(b + 1, (b + 1) & 1)

      drain_loads(b, p)

      @pl.when(is_last)
      def _():
        gbuf[pl.ds(p * (BLK + 16) + BLK, 16)] = jnp.full((16,), SENT, jnp.int32)

      Lp[pl.ds(0, 16)] = jnp.full((16,), ppos, jnp.int32)

      def vec_body(v, off):
        for u in range(5):
          o = (v * 5 + u) * 16
          su = u * 32
          g = gbuf[pl.ds(p * (BLK + 16) + o, 16)]
          gn = gbuf[pl.ds(p * (BLK + 16) + o + 1, 16)]
          t = tbuf[pl.ds(p * BLK + o, 16)]
          x = xbuf[pl.ds(p * BLK + o, 16)]
          enc = lax.shift_left(g, 14) + (t * 16384.0).astype(jnp.int32)
          m = plsc.cummax(enc)
          c = plsc.cumsum(x)
          e = (g != gn) | (iota == 15)
          offw = WOFF + off
          plsc.store_compressed(Lg.at[pl.ds(offw, 16)], g, mask=e)
          plsc.store_compressed(Lm.at[pl.ds(offw, 16)], m, mask=e)
          plsc.store_compressed(Lc.at[pl.ds(offw, 16)], c, mask=e)
          pos = iota + (b * BLK + o)
          plsc.store_compressed(Lp.at[pl.ds(offw, 16)], pos, mask=e)
          pc = plsc.all_reduce_population_count(e)
          off = off + pc[0]
        return off

      off = lax.fori_loop(0, VPB // 5, vec_body, jnp.int32(0))

      lkv = gbuf[pl.ds(p * (BLK + 16) + BLK - 1, 16)]
      cont = lkv[0] == lkv[1]
      supp = jnp.where(cont, off - 1, jnp.int32(-2))

      for k in range(8):
        Lg[pl.ds(WOFF + off + k * 16, 16)] = trashv

      nrows = lax.shift_right_logical(off + 127, 7)

      def row_body(j, rpm):
        for k in range(8):
          p0 = WOFF + j * 128 + k * 16
          lg = Lg[pl.ds(p0, 16)]
          lgn = Lg[pl.ds(p0 + 1, 16)]
          lc = Lc[pl.ds(p0, 16)]
          lcm = Lc[pl.ds(p0 - 1, 16)]
          lp = Lp[pl.ds(p0, 16)]
          lpm = Lp[pl.ds(p0 - 1, 16)]
          csub = jnp.where(
              lax.shift_right_arithmetic(lp, 4)
              == lax.shift_right_arithmetic(lpm, 4), lcm, 0.0)
          lm = Lm[pl.ds(p0, 16)]
          lm = jnp.maximum(lm, jnp.full((16,), rpm, jnp.int32))
          lm = plsc.cummax(lm)
          Lm[pl.ds(p0, 16)] = lm
          ridx = iota + (j * 128 + k * 16)
          is_end = (lg != lgn) & (ridx != supp)
          Lg2[j, pl.ds(k * 16, 16)] = lg
          Lmi2[j, pl.ds(k * 16, 16)] = jnp.where(
              is_end, jnp.where(lg == fsgv, redv, lg), trashv)
          Ssum2[j, pl.ds(k * 16, 16)] = lc - csub
          Scnt2[j, pl.ds(k * 16, 16)] = (lp - lpm).astype(jnp.float32)
          Lmv2[j, pl.ds(k * 16, 16)] = (
              (lm & 16383).astype(jnp.float32) * (1.0 / 16384.0))
          rpm = lm[15]
        pltpu.async_copy(Ssum2.at[j], s_sh.at[Lg2.at[j]], fsem, add=True)
        pltpu.async_copy(Scnt2.at[j], c_sh.at[Lg2.at[j]], fsem, add=True)
        pltpu.async_copy(Lmv2.at[j], m_sh.at[Lmi2.at[j]], fsem)
        return rpm

      lax.fori_loop(0, nrows, row_body, pm)

      def row_wait(j, _):
        pltpu.make_async_copy(Ssum2.at[j], s_sh.at[Lg2.at[j]], fsem).wait()
        pltpu.make_async_copy(Scnt2.at[j], c_sh.at[Lg2.at[j]], fsem).wait()
        pltpu.make_async_copy(Lmv2.at[j], m_sh.at[Lmi2.at[j]], fsem).wait()
        return 0

      lax.fori_loop(0, nrows, row_wait, 0)

      ppos2 = Lp[pl.ds(off, 16)][15]
      pg2 = Lg[pl.ds(off, 16)][15]
      pm2 = Lm[pl.ds(off, 16)][15]
      return (pg2, pm2, ppos2)

    cg, cme, ppos = lax.fori_loop(
        0, NB, block_body,
        (jnp.int32(-1), jnp.int32(-1), jnp.int32(-1)))
    cm = (cme & 16383).astype(jnp.float32) * (1.0 / 16384.0)
    del ppos

    fsg_rec = jnp.where(fsg == -1, TRASH, fsg)
    bg = jnp.where(iota == 0, jnp.full((16,), fsg_rec, jnp.int32),
                   jnp.where(iota == 1, jnp.full((16,), cg, jnp.int32),
                             trashv))
    bm = jnp.where(iota == 1, jnp.full((16,), cm, jnp.float32),
                   jnp.full((16,), _NEG, jnp.float32))
    bgv[pl.ds(0, 16)] = bg
    bmv[pl.ds(0, 16)] = bm
    b8 = pl.multiple_of(sub * 8, 8)
    pltpu.sync_copy(bgv.at[pl.ds(0, 8)], bg_sh.at[pl.ds(b8, 8)])
    pltpu.sync_copy(bmv.at[pl.ds(0, 8)], bm_sh.at[pl.ds(b8, 8)])
    plsc.subcore_barrier()

    @pl.when(sub == 0)
    def _():
      pltpu.sync_copy(bg_sh, rgbuf)
      pltpu.sync_copy(bm_sh, rmbuf)
      pltpu.sync_copy(m_sh.at[pl.ds(G, 32)], slots)
      recg[pl.ds(32, 16)] = jnp.full((16,), SENT, jnp.int32)
      half = lax.shift_right_logical(iota, 1)
      odd = (iota & 1) == 1
      for r in range(2):
        sl = half + r * 8
        src = sl * 8 + (iota & 1)
        gvec = plsc.load_gather(rgbuf, [src])
        recg[pl.ds(16 * r, 16)] = gvec
        m_even = plsc.load_gather(slots, [sl + 1])
        m_odd = plsc.load_gather(rmbuf, [sl * 8 + 1])
        recm[pl.ds(16 * r, 16)] = jnp.where(odd, m_odd, m_even)
      ccg = jnp.int32(-1)
      ccm = _NEG
      for r in range(2):
        g = recg[pl.ds(16 * r, 16)]
        m0 = recm[pl.ds(16 * r, 16)]
        gn = recg[pl.ds(16 * r + 1, 16)]
        m = jnp.where(g == jnp.full((16,), ccg, jnp.int32),
                      jnp.maximum(m0, jnp.full((16,), ccm, jnp.float32)), m0)
        gsc[pl.ds(16, 16)] = g
        for d in (1, 2, 4, 8):
          msc[pl.ds(16, 16)] = m
          gs = gsc[pl.ds(16 - d, 16)]
          ms = msc[pl.ds(16 - d, 16)]
          m = jnp.where(g == gs, jnp.maximum(m, ms), m)
        e = g != gn
        ridx2[r, pl.ds(0, 16)] = jnp.where(e, g, trashv)
        rval2[r, pl.ds(0, 16)] = m
        ccg = g[15]
        ccm = m[15]
      for r in range(2):
        pltpu.sync_copy(rval2.at[r], m_sh.at[ridx2.at[r]])

    plsc.subcore_barrier()

    ob = pl.multiple_of(core * GA + wsl0, 8)
    for sh, out in ((c_sh, cnt_out), (s_sh, sum_out), (m_sh, max_out)):
      pltpu.sync_copy(sh.at[pl.ds(wsl0, WSL)], zbuf)
      pltpu.sync_copy(zbuf, out.at[pl.ds(ob, WSL)])

  f32 = jnp.float32
  i32 = jnp.int32
  out_type = [jax.ShapeDtypeStruct((NC * GA,), f32)] * 3
  scratch = [
      pltpu.VMEM((2 * (BLK + 16),), i32),
      pltpu.VMEM((2 * BLK,), f32),
      pltpu.VMEM((2 * BLK,), f32),
      pltpu.VMEM((LCAP,), i32),
      pltpu.VMEM((LCAP,), i32),
      pltpu.VMEM((LCAP,), f32),
      pltpu.VMEM((LCAP,), i32),
      pltpu.VMEM((NRMAX, 128), i32),
      pltpu.VMEM((NRMAX, 128), i32),
      pltpu.VMEM((NRMAX, 128), f32),
      pltpu.VMEM((NRMAX, 128), f32),
      pltpu.VMEM((NRMAX, 128), f32),
      pltpu.VMEM((160,), i32),
      pltpu.VMEM((160,), f32),
      pltpu.VMEM((16,), f32),
      pltpu.VMEM((16,), i32),
      pltpu.VMEM((16,), i32),
      pltpu.VMEM((WSL,), f32),
      pltpu.VMEM((16,), i32),
      pltpu.VMEM((16,), f32),
      pltpu.VMEM((32,), f32),
      pltpu.VMEM((128,), i32),
      pltpu.VMEM((128,), f32),
      pltpu.VMEM((48,), i32),
      pltpu.VMEM((48,), f32),
      pltpu.VMEM((2, 16), i32),
      pltpu.VMEM((2, 16), f32),
      pltpu.VMEM_SHARED((GA,), f32),
      pltpu.VMEM_SHARED((GA,), f32),
      pltpu.VMEM_SHARED((GA,), f32),
      pltpu.VMEM_SHARED((128,), i32),
      pltpu.VMEM_SHARED((128,), f32),
      pltpu.SemaphoreType.DMA((2,)),
      pltpu.SemaphoreType.DMA,
  ]
  return pl.kernel(body, out_type=out_type, mesh=mesh,
                   scratch_types=scratch,
                   compiler_params=pltpu.CompilerParams(
                       needs_layout_passes=False),
                   interpret=interpret)


def _make_tc_kernel(G, NC, GA, interpret=False):
  BCOL = 5888
  NSTEP = GA // BCOL
  assert NSTEP * BCOL == GA

  def tc_body(c_ref, s_ref, m_ref, out_ref, acc_ref):
    i = pl.program_id(0)

    @pl.when(i == 0)
    def _():
      acc_ref[0] = 0.0
      acc_ref[1] = 0.0

    c = c_ref[0:1, :] + c_ref[1:2, :]
    s = s_ref[0:1, :] + s_ref[1:2, :]
    m = jnp.maximum(m_ref[0:1, :], m_ref[1:2, :])
    col = lax.broadcasted_iota(jnp.int32, (1, BCOL), 1) + i * BCOL
    valid = (col < G) & (c > 0.0)
    mean = jnp.where(valid, s / jnp.maximum(c, 1.0), 0.0)
    tm = jnp.where(valid, m, 0.0)

    def lgs(x):
      return jnp.minimum(x, 0.0) - jnp.log1p(jnp.exp(-jnp.abs(x)))

    per = tm * lgs(mean) + (1.0 - tm) * lgs(1.0 - mean)
    per = jnp.where(valid, per, 0.0)
    acc_ref[0] += jnp.sum(per)
    acc_ref[1] += jnp.sum(valid.astype(jnp.float32))

    @pl.when(i == NSTEP - 1)
    def _():
      out_ref[0, 0] = -acc_ref[0] / acc_ref[1]

  return pl.pallas_call(
      tc_body,
      grid=(NSTEP,),
      in_specs=[pl.BlockSpec((NC, BCOL), lambda i: (0, i))] * 3,
      out_specs=pl.BlockSpec((1, 1), lambda i: (0, 0),
                             memory_space=pltpu.SMEM),
      out_shape=jax.ShapeDtypeStruct((1, 1), jnp.float32),
      scratch_shapes=[pltpu.SMEM((2,), jnp.float32)],
      interpret=interpret,
  )


@functools.lru_cache(maxsize=None)
def _build():
  sc = _make_sc_kernel(_N, _G, _NC, _NS, _BLK)
  tc = _make_tc_kernel(_G, _NC, _G + 96)
  return sc, tc


def kernel(input, target, group_id):
  sc, tc = _build()
  cnt2, sum2, max2 = sc(input.astype(jnp.float32),
                        target.astype(jnp.float32),
                        group_id.astype(jnp.int32))
  ga = _G + 96
  out = tc(cnt2.reshape(_NC, ga), sum2.reshape(_NC, ga),
           max2.reshape(_NC, ga))
  return out[0, 0]

# --- scband reference (transcript-rebuilt; emitter-appended) ---
"""Pipeline reference for scband-grouped-bcewith-logits-loss-42210938585615 (READ-ONLY COPY).

The authoritative reference and input builder live on the scoring server;
editing this copy changes nothing except your own understanding.
"""

import jax, jax.numpy as jnp
import numpy as np

N = 6400000
G = 100000
POS_WEIGHT = 1.0


def setup_inputs(seed: int = 0) -> dict:
    key = jax.random.key(seed)
    k1, k2, k3 = jax.random.split(key, 3)
    inp = jax.random.normal(k1, (N,), dtype=jnp.float32)
    target = jax.random.uniform(k2, (N,), dtype=jnp.float32)
    group_id = jnp.sort(jax.random.randint(k3, (N,), 0, G, dtype=jnp.int64 if jax.config.jax_enable_x64 else jnp.int32))
    return {"input": inp, "target": target, "group_id": group_id}


def reference(input, target, group_id):
    # Vectorized, faithful translation of the per-unique-group torch loop:
    # for each present group g: reduced_input = mean(input[g]), reduced_target = max(target[g])
    # loss += pos_weight * reduced_target * logsigmoid(reduced_input)
    #       + (1 - reduced_target) * logsigmoid(1 - reduced_input)
    # return -loss / num_unique_groups
    ones = jnp.ones_like(input)
    counts = jax.ops.segment_sum(ones, group_id, num_segments=G)
    sums = jax.ops.segment_sum(input, group_id, num_segments=G)
    mask = counts > 0
    mean = sums / jnp.maximum(counts, 1.0)
    tmax = jax.ops.segment_max(target, group_id, num_segments=G)
    tmax = jnp.where(mask, tmax, 0.0)
    per_group = POS_WEIGHT * tmax * jax.nn.log_sigmoid(mean) + (1.0 - tmax) * jax.nn.log_sigmoid(1.0 - mean)
    per_group = jnp.where(mask, per_group, 0.0)
    nu = jnp.sum(mask.astype(jnp.float32))
    loss = -jnp.sum(per_group) / nu
    return loss

if __name__ == "__main__":
    import jax
    _d = setup_inputs()
    print(jax.jit(kernel)(*tuple(_d.values())))

</pallas_src>

<mosaic_0001>
#map = affine_map<(d0, d1) -> (0)>
module attributes {stable_mosaic.version = 14 : i64} {
  func.func @body(%arg0: i32, %arg1: i32, %arg2: memref<6400000xf32, #tpu.memory_space<hbm>>, %arg3: memref<6400000xf32, #tpu.memory_space<hbm>>, %arg4: memref<6400000xi32, #tpu.memory_space<hbm>>, %arg5: memref<200192xf32, #tpu.memory_space<hbm>>, %arg6: memref<200192xf32, #tpu.memory_space<hbm>>, %arg7: memref<200192xf32, #tpu.memory_space<hbm>>, %arg8: memref<8032xi32, #tpu.memory_space<vmem>>, %arg9: memref<8000xf32, #tpu.memory_space<vmem>>, %arg10: memref<8000xf32, #tpu.memory_space<vmem>>, %arg11: memref<4144xi32, #tpu.memory_space<vmem>>, %arg12: memref<4144xi32, #tpu.memory_space<vmem>>, %arg13: memref<4144xf32, #tpu.memory_space<vmem>>, %arg14: memref<4144xi32, #tpu.memory_space<vmem>>, %arg15: memref<32x128xi32, #tpu.memory_space<vmem>>, %arg16: memref<32x128xi32, #tpu.memory_space<vmem>>, %arg17: memref<32x128xf32, #tpu.memory_space<vmem>>, %arg18: memref<32x128xf32, #tpu.memory_space<vmem>>, %arg19: memref<32x128xf32, #tpu.memory_space<vmem>>, %arg20: memref<160xi32, #tpu.memory_space<vmem>>, %arg21: memref<160xf32, #tpu.memory_space<vmem>>, %arg22: memref<16xf32, #tpu.memory_space<vmem>>, %arg23: memref<16xi32, #tpu.memory_space<vmem>>, %arg24: memref<16xi32, #tpu.memory_space<vmem>>, %arg25: memref<6256xf32, #tpu.memory_space<vmem>>, %arg26: memref<16xi32, #tpu.memory_space<vmem>>, %arg27: memref<16xf32, #tpu.memory_space<vmem>>, %arg28: memref<32xf32, #tpu.memory_space<vmem>>, %arg29: memref<128xi32, #tpu.memory_space<vmem>>, %arg30: memref<128xf32, #tpu.memory_space<vmem>>, %arg31: memref<48xi32, #tpu.memory_space<vmem>>, %arg32: memref<48xf32, #tpu.memory_space<vmem>>, %arg33: memref<2x16xi32, #tpu.memory_space<vmem>>, %arg34: memref<2x16xf32, #tpu.memory_space<vmem>>, %arg35: memref<100096xf32, #tpu.memory_space<vmem_shared>>, %arg36: memref<100096xf32, #tpu.memory_space<vmem_shared>>, %arg37: memref<100096xf32, #tpu.memory_space<vmem_shared>>, %arg38: memref<128xi32, #tpu.memory_space<vmem_shared>>, %arg39: memref<128xf32, #tpu.memory_space<vmem_shared>>, %arg40: memref<2x!tpu.dma_semaphore, #tpu.memory_space<semaphore_mem>>, %arg41: memref<!tpu.dma_semaphore, #tpu.memory_space<semaphore_mem>>) attributes {dimension_semantics = [#tpu.dimension_semantics<core_parallel>, #tpu.dimension_semantics<subcore_parallel>], iteration_bounds = array<i64: 2, 16>, scalar_prefetch = 0 : i64, scratch_operands = 34 : i64, tpu.core_type = #tpu.core_type<sc_vector_subcore>, window_params = [{transform_indices = #map}, {transform_indices = #map}, {transform_indices = #map}, {transform_indices = #map}, {transform_indices = #map}, {transform_indices = #map}]} {
    %mul3A = arith.constant 16 : i32
    %mul3A_0 = arith.muli %arg0, %mul3A : i32
    %add3A = arith.addi %mul3A_0, %arg1 : i32
    %mul3A_1 = arith.constant 200000 : i32
    %mul3A_2 = arith.muli %add3A, %mul3A_1 : i32
    %multiple_of3A = tpu.assume_multiple %mul3A_2, 8 : i32
    %iota3A = tpu.iota {dimensions = array<i32: 0>} : vector<16xi32>
    %broadcast_in_dim3A = arith.constant 100000 : i32
    %broadcast_in_dim3A_3 = vector.broadcast %broadcast_in_dim3A : i32 to vector<16xi32>
    %mul3A_4 = arith.constant 6256 : i32
    %mul3A_5 = arith.muli %arg1, %mul3A_4 : i32
    %multiple_of3A_6 = tpu.assume_multiple %mul3A_5, 8 : i32
    %broadcast_in_dim3A_7 = arith.constant 0.000000e+00 : f32
    %broadcast_in_dim3A_8 = vector.broadcast %broadcast_in_dim3A_7 : f32 to vector<16xf32>
    %scan3A = arith.constant 0 : i32
    %scan3A_9 = arith.constant 0 : i32
    %scan3A_10 = arith.constant 391 : i32
    %scan3A_11 = arith.addi %scan3A_9, %scan3A_10 : i32
    %scan3A_12 = arith.constant 1 : i32
    %scan3A_13 = scf.for %scan3A_158 = %scan3A_9 to %scan3A_11 step %scan3A_12 iter_args(%scan3A_159 = %scan3A) -> (i32)  : i32 {
      %mul3A_160 = arith.constant 16 : i32
      %mul3A_161 = arith.muli %scan3A_158, %mul3A_160 : i32
      %swap3A_162 = arith.index_cast %mul3A_161 : i32 to index
      %swap3A_163 = tpu.vector_load %arg25[%swap3A_162] {strides = array<i32>} : memref<6256xf32, #tpu.memory_space<vmem>>, vector<16xf32>,
      tpu.vector_store %arg25[%swap3A_162], %broadcast_in_dim3A_8 {strides = array<i32>} : memref<6256xf32, #tpu.memory_space<vmem>>, vector<16xf32>,
      %scan3A_164 = arith.constant 0 : i32
      scf.yield %scan3A_164 : i32
    }
    %scan3A_14 = arith.constant 391 : i32
    "tpu.region"() ({
      %run_scoped3A = tpu.sem_alloc : memref<!tpu.dma_semaphore, #tpu.memory_space<semaphore_mem>>
      %dma_start3A_158 = tpu.memref_slice %arg35[%multiple_of3A_6] : memref<100096xf32, #tpu.memory_space<vmem_shared>> -> memref<6256xf32, #tpu.memory_space<vmem_shared>>
      %dma_start3A_159 = tpu.memref_slice %arg35[%multiple_of3A_6] : memref<100096xf32, #tpu.memory_space<vmem_shared>> -> memref<6256xf32, #tpu.memory_space<vmem_shared>>
      tpu.enqueue_dma source(%arg25 : memref<6256xf32, #tpu.memory_space<vmem>>) target(%dma_start3A_159 : memref<6256xf32, #tpu.memory_space<vmem_shared>>) target_semaphore(%run_scoped3A : memref<!tpu.dma_semaphore, #tpu.memory_space<semaphore_mem>>)
      %dma_wait3A = tpu.memref_slice %arg35[%multiple_of3A_6] : memref<100096xf32, #tpu.memory_space<vmem_shared>> -> memref<6256xf32, #tpu.memory_space<vmem_shared>>
      %dma_wait3A_160 = tpu.memref_slice %arg35[%multiple_of3A_6] : memref<100096xf32, #tpu.memory_space<vmem_shared>> -> memref<6256xf32, #tpu.memory_space<vmem_shared>>
      tpu.wait_dma2 semaphore(%run_scoped3A : memref<!tpu.dma_semaphore, #tpu.memory_space<semaphore_mem>>) src(%arg25 : memref<6256xf32, #tpu.memory_space<vmem>>) dst(%dma_wait3A_160 : memref<6256xf32, #tpu.memory_space<vmem_shared>>)
      tpu.yield
    }) : () -> ()
    "tpu.region"() ({
      %run_scoped3A = tpu.sem_alloc : memref<!tpu.dma_semaphore, #tpu.memory_space<semaphore_mem>>
      %dma_start3A_158 = tpu.memref_slice %arg36[%multiple_of3A_6] : memref<100096xf32, #tpu.memory_space<vmem_shared>> -> memref<6256xf32, #tpu.memory_space<vmem_shared>>
      %dma_start3A_159 = tpu.memref_slice %arg36[%multiple_of3A_6] : memref<100096xf32, #tpu.memory_space<vmem_shared>> -> memref<6256xf32, #tpu.memory_space<vmem_shared>>
      tpu.enqueue_dma source(%arg25 : memref<6256xf32, #tpu.memory_space<vmem>>) target(%dma_start3A_159 : memref<6256xf32, #tpu.memory_space<vmem_shared>>) target_semaphore(%run_scoped3A : memref<!tpu.dma_semaphore, #tpu.memory_space<semaphore_mem>>)
      %dma_wait3A = tpu.memref_slice %arg36[%multiple_of3A_6] : memref<100096xf32, #tpu.memory_space<vmem_shared>> -> memref<6256xf32, #tpu.memory_space<vmem_shared>>
      %dma_wait3A_160 = tpu.memref_slice %arg36[%multiple_of3A_6] : memref<100096xf32, #tpu.memory_space<vmem_shared>> -> memref<6256xf32, #tpu.memory_space<vmem_shared>>
      tpu.wait_dma2 semaphore(%run_scoped3A : memref<!tpu.dma_semaphore, #tpu.memory_space<semaphore_mem>>) src(%arg25 : memref<6256xf32, #tpu.memory_space<vmem>>) dst(%dma_wait3A_160 : memref<6256xf32, #tpu.memory_space<vmem_shared>>)
      tpu.yield
    }) : () -> ()
    %broadcast_in_dim3A_15 = arith.constant 0xFF800000 : f32
    %broadcast_in_dim3A_16 = vector.broadcast %broadcast_in_dim3A_15 : f32 to vector<16xf32>
    %scan3A_17 = arith.constant 0 : i32
    %scan3A_18 = arith.constant 0 : i32
    %scan3A_19 = arith.constant 391 : i32
    %scan3A_20 = arith.addi %scan3A_18, %scan3A_19 : i32
    %scan3A_21 = arith.constant 1 : i32
    %scan3A_22 = scf.for %scan3A_158 = %scan3A_18 to %scan3A_20 step %scan3A_21 iter_args(%scan3A_159 = %scan3A_17) -> (i32)  : i32 {
      %mul3A_160 = arith.constant 16 : i32
      %mul3A_161 = arith.muli %scan3A_158, %mul3A_160 : i32
      %swap3A_162 = arith.index_cast %mul3A_161 : i32 to index
      %swap3A_163 = tpu.vector_load %arg25[%swap3A_162] {strides = array<i32>} : memref<6256xf32, #tpu.memory_space<vmem>>, vector<16xf32>,
      tpu.vector_store %arg25[%swap3A_162], %broadcast_in_dim3A_16 {strides = array<i32>} : memref<6256xf32, #tpu.memory_space<vmem>>, vector<16xf32>,
      %scan3A_164 = arith.constant 0 : i32
      scf.yield %scan3A_164 : i32
    }
    %scan3A_23 = arith.constant 391 : i32
    "tpu.region"() ({
      %run_scoped3A = tpu.sem_alloc : memref<!tpu.dma_semaphore, #tpu.memory_space<semaphore_mem>>
      %dma_start3A_158 = tpu.memref_slice %arg37[%multiple_of3A_6] : memref<100096xf32, #tpu.memory_space<vmem_shared>> -> memref<6256xf32, #tpu.memory_space<vmem_shared>>
      %dma_start3A_159 = tpu.memref_slice %arg37[%multiple_of3A_6] : memref<100096xf32, #tpu.memory_space<vmem_shared>> -> memref<6256xf32, #tpu.memory_space<vmem_shared>>
      tpu.enqueue_dma source(%arg25 : memref<6256xf32, #tpu.memory_space<vmem>>) target(%dma_start3A_159 : memref<6256xf32, #tpu.memory_space<vmem_shared>>) target_semaphore(%run_scoped3A : memref<!tpu.dma_semaphore, #tpu.memory_space<semaphore_mem>>)
      %dma_wait3A = tpu.memref_slice %arg37[%multiple_of3A_6] : memref<100096xf32, #tpu.memory_space<vmem_shared>> -> memref<6256xf32, #tpu.memory_space<vmem_shared>>
      %dma_wait3A_160 = tpu.memref_slice %arg37[%multiple_of3A_6] : memref<100096xf32, #tpu.memory_space<vmem_shared>> -> memref<6256xf32, #tpu.memory_space<vmem_shared>>
      tpu.wait_dma2 semaphore(%run_scoped3A : memref<!tpu.dma_semaphore, #tpu.memory_space<semaphore_mem>>) src(%arg25 : memref<6256xf32, #tpu.memory_space<vmem>>) dst(%dma_wait3A_160 : memref<6256xf32, #tpu.memory_space<vmem_shared>>)
      tpu.yield
    }) : () -> ()
    %broadcast_in_dim3A_24 = arith.constant -1 : i32
    %broadcast_in_dim3A_25 = vector.broadcast %broadcast_in_dim3A_24 : i32 to vector<16xi32>
    %swap3A = arith.constant 0 : index
    %swap3A_26 = tpu.vector_load %arg20[%swap3A] {strides = array<i32>} : memref<160xi32, #tpu.memory_space<vmem>>, vector<16xi32>,
    tpu.vector_store %arg20[%swap3A], %broadcast_in_dim3A_25 {strides = array<i32>} : memref<160xi32, #tpu.memory_space<vmem>>, vector<16xi32>,
    %broadcast_in_dim3A_27 = arith.constant 0.000000e+00 : f32
    %broadcast_in_dim3A_28 = vector.broadcast %broadcast_in_dim3A_27 : f32 to vector<16xf32>
    %swap3A_29 = arith.constant 0 : index
    %swap3A_30 = tpu.vector_load %arg21[%swap3A_29] {strides = array<i32>} : memref<160xf32, #tpu.memory_space<vmem>>, vector<16xf32>,
    tpu.vector_store %arg21[%swap3A_29], %broadcast_in_dim3A_28 {strides = array<i32>} : memref<160xf32, #tpu.memory_space<vmem>>, vector<16xf32>,
    %broadcast_in_dim3A_31 = arith.constant -1 : i32
    %broadcast_in_dim3A_32 = vector.broadcast %broadcast_in_dim3A_31 : i32 to vector<16xi32>
    %swap3A_33 = arith.constant 32 : index
    %swap3A_34 = tpu.vector_load %arg20[%swap3A_33] {strides = array<i32>} : memref<160xi32, #tpu.memory_space<vmem>>, vector<16xi32>,
    tpu.vector_store %arg20[%swap3A_33], %broadcast_in_dim3A_32 {strides = array<i32>} : memref<160xi32, #tpu.memory_space<vmem>>, vector<16xi32>,
    %broadcast_in_dim3A_35 = arith.constant 0.000000e+00 : f32
    %broadcast_in_dim3A_36 = vector.broadcast %broadcast_in_dim3A_35 : f32 to vector<16xf32>
    %swap3A_37 = arith.constant 32 : index
    %swap3A_38 = tpu.vector_load %arg21[%swap3A_37] {strides = array<i32>} : memref<160xf32, #tpu.memory_space<vmem>>, vector<16xf32>,
    tpu.vector_store %arg21[%swap3A_37], %broadcast_in_dim3A_36 {strides = array<i32>} : memref<160xf32, #tpu.memory_space<vmem>>, vector<16xf32>,
    %broadcast_in_dim3A_39 = arith.constant -1 : i32
    %broadcast_in_dim3A_40 = vector.broadcast %broadcast_in_dim3A_39 : i32 to vector<16xi32>
    %swap3A_41 = arith.constant 64 : index
    %swap3A_42 = tpu.vector_load %arg20[%swap3A_41] {strides = array<i32>} : memref<160xi32, #tpu.memory_space<vmem>>, vector<16xi32>,
    tpu.vector_store %arg20[%swap3A_41], %broadcast_in_dim3A_40 {strides = array<i32>} : memref<160xi32, #tpu.memory_space<vmem>>, vector<16xi32>,
    %broadcast_in_dim3A_43 = arith.constant 0.000000e+00 : f32
    %broadcast_in_dim3A_44 = vector.broadcast %broadcast_in_dim3A_43 : f32 to vector<16xf32>
    %swap3A_45 = arith.constant 64 : index
    %swap3A_46 = tpu.vector_load %arg21[%swap3A_45] {strides = array<i32>} : memref<160xf32, #tpu.memory_space<vmem>>, vector<16xf32>,
    tpu.vector_store %arg21[%swap3A_45], %broadcast_in_dim3A_44 {strides = array<i32>} : memref<160xf32, #tpu.memory_space<vmem>>, vector<16xf32>,
    %broadcast_in_dim3A_47 = arith.constant -1 : i32
    %broadcast_in_dim3A_48 = vector.broadcast %broadcast_in_dim3A_47 : i32 to vector<16xi32>
    %swap3A_49 = arith.constant 96 : index
    %swap3A_50 = tpu.vector_load %arg20[%swap3A_49] {strides = array<i32>} : memref<160xi32, #tpu.memory_space<vmem>>, vector<16xi32>,
    tpu.vector_store %arg20[%swap3A_49], %broadcast_in_dim3A_48 {strides = array<i32>} : memref<160xi32, #tpu.memory_space<vmem>>, vector<16xi32>,
    %broadcast_in_dim3A_51 = arith.constant 0.000000e+00 : f32
    %broadcast_in_dim3A_52 = vector.broadcast %broadcast_in_dim3A_51 : f32 to vector<16xf32>
    %swap3A_53 = arith.constant 96 : index
    %swap3A_54 = tpu.vector_load %arg21[%swap3A_53] {strides = array<i32>} : memref<160xf32, #tpu.memory_space<vmem>>, vector<16xf32>,
    tpu.vector_store %arg21[%swap3A_53], %broadcast_in_dim3A_52 {strides = array<i32>} : memref<160xf32, #tpu.memory_space<vmem>>, vector<16xf32>,
    %broadcast_in_dim3A_55 = arith.constant -1 : i32
    %broadcast_in_dim3A_56 = vector.broadcast %broadcast_in_dim3A_55 : i32 to vector<16xi32>
    %swap3A_57 = arith.constant 128 : index
    %swap3A_58 = tpu.vector_load %arg20[%swap3A_57] {strides = array<i32>} : memref<160xi32, #tpu.memory_space<vmem>>, vector<16xi32>,
    tpu.vector_store %arg20[%swap3A_57], %broadcast_in_dim3A_56 {strides = array<i32>} : memref<160xi32, #tpu.memory_space<vmem>>, vector<16xi32>,
    %broadcast_in_dim3A_59 = arith.constant 0.000000e+00 : f32
    %broadcast_in_dim3A_60 = vector.broadcast %broadcast_in_dim3A_59 : f32 to vector<16xf32>
    %swap3A_61 = arith.constant 128 : index
    %swap3A_62 = tpu.vector_load %arg21[%swap3A_61] {strides = array<i32>} : memref<160xf32, #tpu.memory_space<vmem>>, vector<16xf32>,
    tpu.vector_store %arg21[%swap3A_61], %broadcast_in_dim3A_60 {strides = array<i32>} : memref<160xf32, #tpu.memory_space<vmem>>, vector<16xf32>,
    %barrier3A = arith.constant 0 : index
    tpu.barrier barrier_id(%barrier3A)
    %sub3A = arith.constant 16 : i32
    %sub3A_63 = arith.subi %multiple_of3A, %sub3A : i32
    %max3A = arith.constant 0 : i32
    %max3A_64 = arith.maxsi %sub3A_63, %max3A : i32
    %multiple_of3A_65 = tpu.assume_multiple %max3A_64, 8 : i32
    "tpu.region"() ({
      %run_scoped3A = tpu.sem_alloc : memref<!tpu.dma_semaphore, #tpu.memory_space<semaphore_mem>>
      %dma_start3A_158 = tpu.memref_slice %arg4[%multiple_of3A_65] : memref<6400000xi32, #tpu.memory_space<hbm>> -> memref<16xi32, #tpu.memory_space<hbm>>
      %dma_start3A_159 = tpu.memref_slice %arg4[%multiple_of3A_65] : memref<6400000xi32, #tpu.memory_space<hbm>> -> memref<16xi32, #tpu.memory_space<hbm>>
      tpu.enqueue_dma source(%dma_start3A_159 : memref<16xi32, #tpu.memory_space<hbm>>) target(%arg24 : memref<16xi32, #tpu.memory_space<vmem>>) target_semaphore(%run_scoped3A : memref<!tpu.dma_semaphore, #tpu.memory_space<semaphore_mem>>)
      %dma_wait3A = tpu.memref_slice %arg4[%multiple_of3A_65] : memref<6400000xi32, #tpu.memory_space<hbm>> -> memref<16xi32, #tpu.memory_space<hbm>>
      %dma_wait3A_160 = tpu.memref_slice %arg4[%multiple_of3A_65] : memref<6400000xi32, #tpu.memory_space<hbm>> -> memref<16xi32, #tpu.memory_space<hbm>>
      tpu.wait_dma2 semaphore(%run_scoped3A : memref<!tpu.dma_semaphore, #tpu.memory_space<semaphore_mem>>) src(%dma_wait3A_160 : memref<16xi32, #tpu.memory_space<hbm>>) dst(%arg24 : memref<16xi32, #tpu.memory_space<vmem>>)
      tpu.yield
    }) : () -> ()
    %get3A = arith.constant 0 : index
    %get3A_66 = tpu.vector_load %arg24[%get3A] {strides = array<i32>} : memref<16xi32, #tpu.memory_space<vmem>>, vector<16xi32>,
    %slice3A = vector.extract_strided_slice %get3A_66 {offsets = [15], sizes = [1], strides = [1]} : vector<16xi32> to vector<1xi32>
    %squeeze3A = vector.extract %slice3A[0] : i32 from vector<1xi32>
    "tpu.region"() ({
      %run_scoped3A = tpu.sem_alloc : memref<!tpu.dma_semaphore, #tpu.memory_space<semaphore_mem>>
      %dma_start3A_158 = tpu.memref_slice %arg4[%multiple_of3A] : memref<6400000xi32, #tpu.memory_space<hbm>> -> memref<16xi32, #tpu.memory_space<hbm>>
      %dma_start3A_159 = tpu.memref_slice %arg4[%multiple_of3A] : memref<6400000xi32, #tpu.memory_space<hbm>> -> memref<16xi32, #tpu.memory_space<hbm>>
      tpu.enqueue_dma source(%dma_start3A_159 : memref<16xi32, #tpu.memory_space<hbm>>) target(%arg24 : memref<16xi32, #tpu.memory_space<vmem>>) target_semaphore(%run_scoped3A : memref<!tpu.dma_semaphore, #tpu.memory_space<semaphore_mem>>)
      %dma_wait3A = tpu.memref_slice %arg4[%multiple_of3A] : memref<6400000xi32, #tpu.memory_space<hbm>> -> memref<16xi32, #tpu.memory_space<hbm>>
      %dma_wait3A_160 = tpu.memref_slice %arg4[%multiple_of3A] : memref<6400000xi32, #tpu.memory_space<hbm>> -> memref<16xi32, #tpu.memory_space<hbm>>
      tpu.wait_dma2 semaphore(%run_scoped3A : memref<!tpu.dma_semaphore, #tpu.memory_space<semaphore_mem>>) src(%dma_wait3A_160 : memref<16xi32, #tpu.memory_space<hbm>>) dst(%arg24 : memref<16xi32, #tpu.memory_space<vmem>>)
      tpu.yield
    }) : () -> ()
    %get3A_67 = arith.constant 0 : index
    %get3A_68 = tpu.vector_load %arg24[%get3A_67] {strides = array<i32>} : memref<16xi32, #tpu.memory_space<vmem>>, vector<16xi32>,
    %slice3A_69 = vector.extract_strided_slice %get3A_68 {offsets = [0], sizes = [1], strides = [1]} : vector<16xi32> to vector<1xi32>
    %squeeze3A_70 = vector.extract %slice3A_69[0] : i32 from vector<1xi32>
    %eq3A = arith.cmpi eq, %squeeze3A, %squeeze3A_70 : i32
    %gt3A = arith.constant 0 : i32
    %gt3A_71 = arith.cmpi sgt, %add3A, %gt3A : i32
    %and3A = arith.andi %eq3A, %gt3A_71 : i1
    %jit3A = arith.constant -1 : i32
    %select_n3A = arith.select %and3A, %squeeze3A_70, %jit3A : i32
    %broadcast_in_dim3A_72 = vector.broadcast %select_n3A : i32 to vector<16xi32>
    %add3A_73 = arith.constant 100001 : i32
    %add3A_74 = arith.addi %add3A_73, %arg1 : i32
    %broadcast_in_dim3A_75 = vector.broadcast %add3A_74 : i32 to vector<16xi32>
    %add3A_76 = arith.constant 0 : i32
    %add3A_77 = arith.addi %multiple_of3A, %add3A_76 : i32
    %multiple_of3A_78 = tpu.assume_multiple %add3A_77, 8 : i32
    %add3A_79 = arith.constant 4000 : i32
    %add3A_80 = arith.addi %multiple_of3A_78, %add3A_79 : i32
    %eq3A_81 = arith.constant 6400000 : i32
    %eq3A_82 = arith.cmpi eq, %add3A_80, %eq3A_81 : i32
    %convert_element_type3A = arith.extui %eq3A_82 : i1 to i32
    %cond3A = arith.constant 0 : i32
    %cond3A_83 = arith.cmpi ne, %convert_element_type3A, %cond3A : i32
    scf.if %cond3A_83 {
      %dma_start3A_158 = arith.constant 0 : i32
      %dma_start3A_159 = arith.constant 0 : i32
      %dma_start3A_160 = tpu.memref_slice %arg8[%dma_start3A_159] : memref<8032xi32, #tpu.memory_space<vmem>> -> memref<4000xi32, #tpu.memory_space<vmem>>
      %dma_start3A_161 = tpu.memref_slice %arg4[%multiple_of3A_78] : memref<6400000xi32, #tpu.memory_space<hbm>> -> memref<4000xi32, #tpu.memory_space<hbm>>
      %dma_start3A_162 = tpu.memref_slice %arg40[%dma_start3A_158] : memref<2x!tpu.dma_semaphore, #tpu.memory_space<semaphore_mem>> -> memref<1x!tpu.dma_semaphore, #tpu.memory_space<semaphore_mem>>
      %dma_start3A_163 = tpu.memref_squeeze %dma_start3A_162 : memref<1x!tpu.dma_semaphore, #tpu.memory_space<semaphore_mem>> -> memref<!tpu.dma_semaphore, #tpu.memory_space<semaphore_mem>>
      %dma_start3A_164 = arith.constant 0 : i32
      %dma_start3A_165 = tpu.memref_slice %arg8[%dma_start3A_164] : memref<8032xi32, #tpu.memory_space<vmem>> -> memref<4000xi32, #tpu.memory_space<vmem>>
      %dma_start3A_166 = tpu.memref_slice %arg4[%multiple_of3A_78] : memref<6400000xi32, #tpu.memory_space<hbm>> -> memref<4000xi32, #tpu.memory_space<hbm>>
      tpu.enqueue_dma source(%dma_start3A_166 : memref<4000xi32, #tpu.memory_space<hbm>>) target(%dma_start3A_165 : memref<4000xi32, #tpu.memory_space<vmem>>) target_semaphore(%dma_start3A_163 : memref<!tpu.dma_semaphore, #tpu.memory_space<semaphore_mem>>)
    } else {
    }
    %not3A = arith.constant true
    %not3A_84 = arith.xori %eq3A_82, %not3A : i1
    %convert_element_type3A_85 = arith.extui %not3A_84 : i1 to i32
    %cond3A_86 = arith.constant 0 : i32
    %cond3A_87 = arith.cmpi ne, %convert_element_type3A_85, %cond3A_86 : i32
    scf.if %cond3A_87 {
      %dma_start3A_158 = arith.constant 0 : i32
      %dma_start3A_159 = arith.constant 0 : i32
      %dma_start3A_160 = tpu.memref_slice %arg8[%dma_start3A_159] : memref<8032xi32, #tpu.memory_space<vmem>> -> memref<4016xi32, #tpu.memory_space<vmem>>
      %dma_start3A_161 = tpu.memref_slice %arg4[%multiple_of3A_78] : memref<6400000xi32, #tpu.memory_space<hbm>> -> memref<4016xi32, #tpu.memory_space<hbm>>
      %dma_start3A_162 = tpu.memref_slice %arg40[%dma_start3A_158] : memref<2x!tpu.dma_semaphore, #tpu.memory_space<semaphore_mem>> -> memref<1x!tpu.dma_semaphore, #tpu.memory_space<semaphore_mem>>
      %dma_start3A_163 = tpu.memref_squeeze %dma_start3A_162 : memref<1x!tpu.dma_semaphore, #tpu.memory_space<semaphore_mem>> -> memref<!tpu.dma_semaphore, #tpu.memory_space<semaphore_mem>>
      %dma_start3A_164 = arith.constant 0 : i32
      %dma_start3A_165 = tpu.memref_slice %arg8[%dma_start3A_164] : memref<8032xi32, #tpu.memory_space<vmem>> -> memref<4016xi32, #tpu.memory_space<vmem>>
      %dma_start3A_166 = tpu.memref_slice %arg4[%multiple_of3A_78] : memref<6400000xi32, #tpu.memory_space<hbm>> -> memref<4016xi32, #tpu.memory_space<hbm>>
      tpu.enqueue_dma source(%dma_start3A_166 : memref<4016xi32, #tpu.memory_space<hbm>>) target(%dma_start3A_165 : memref<4016xi32, #tpu.memory_space<vmem>>) target_semaphore(%dma_start3A_163 : memref<!tpu.dma_semaphore, #tpu.memory_space<semaphore_mem>>)
    } else {
    }
    %dma_start3A = arith.constant 0 : i32
    %dma_start3A_88 = arith.constant 0 : i32
    %dma_start3A_89 = tpu.memref_slice %arg9[%dma_start3A_88] : memref<8000xf32, #tpu.memory_space<vmem>> -> memref<4000xf32, #tpu.memory_space<vmem>>
    %dma_start3A_90 = tpu.memref_slice %arg3[%multiple_of3A_78] : memref<6400000xf32, #tpu.memory_space<hbm>> -> memref<4000xf32, #tpu.memory_space<hbm>>
    %dma_start3A_91 = tpu.memref_slice %arg40[%dma_start3A] : memref<2x!tpu.dma_semaphore, #tpu.memory_space<semaphore_mem>> -> memref<1x!tpu.dma_semaphore, #tpu.memory_space<semaphore_mem>>
    %dma_start3A_92 = tpu.memref_squeeze %dma_start3A_91 : memref<1x!tpu.dma_semaphore, #tpu.memory_space<semaphore_mem>> -> memref<!tpu.dma_semaphore, #tpu.memory_space<semaphore_mem>>
    %dma_start3A_93 = arith.constant 0 : i32
    %dma_start3A_94 = tpu.memref_slice %arg9[%dma_start3A_93] : memref<8000xf32, #tpu.memory_space<vmem>> -> memref<4000xf32, #tpu.memory_space<vmem>>
    %dma_start3A_95 = tpu.memref_slice %arg3[%multiple_of3A_78] : memref<6400000xf32, #tpu.memory_space<hbm>> -> memref<4000xf32, #tpu.memory_space<hbm>>
    tpu.enqueue_dma source(%dma_start3A_95 : memref<4000xf32, #tpu.memory_space<hbm>>) target(%dma_start3A_94 : memref<4000xf32, #tpu.memory_space<vmem>>) target_semaphore(%dma_start3A_92 : memref<!tpu.dma_semaphore, #tpu.memory_space<semaphore_mem>>)
    %dma_start3A_96 = arith.constant 0 : i32
    %dma_start3A_97 = arith.constant 0 : i32
    %dma_start3A_98 = tpu.memref_slice %arg10[%dma_start3A_97] : memref<8000xf32, #tpu.memory_space<vmem>> -> memref<4000xf32, #tpu.memory_space<vmem>>
    %dma_start3A_99 = tpu.memref_slice %arg2[%multiple_of3A_78] : memref<6400000xf32, #tpu.memory_space<hbm>> -> memref<4000xf32, #tpu.memory_space<hbm>>
    %dma_start3A_100 = tpu.memref_slice %arg40[%dma_start3A_96] : memref<2x!tpu.dma_semaphore, #tpu.memory_space<semaphore_mem>> -> memref<1x!tpu.dma_semaphore, #tpu.memory_space<semaphore_mem>>
    %dma_start3A_101 = tpu.memref_squeeze %dma_start3A_100 : memref<1x!tpu.dma_semaphore, #tpu.memory_space<semaphore_mem>> -> memref<!tpu.dma_semaphore, #tpu.memory_space<semaphore_mem>>
    %dma_start3A_102 = arith.constant 0 : i32
    %dma_start3A_103 = tpu.memref_slice %arg10[%dma_start3A_102] : memref<8000xf32, #tpu.memory_space<vmem>> -> memref<4000xf32, #tpu.memory_space<vmem>>
    %dma_start3A_104 = tpu.memref_slice %arg2[%multiple_of3A_78] : memref<6400000xf32, #tpu.memory_space<hbm>> -> memref<4000xf32, #tpu.memory_space<hbm>>
    tpu.enqueue_dma source(%dma_start3A_104 : memref<4000xf32, #tpu.memory_space<hbm>>) target(%dma_start3A_103 : memref<4000xf32, #tpu.memory_space<vmem>>) target_semaphore(%dma_start3A_101 : memref<!tpu.dma_semaphore, #tpu.memory_space<semaphore_mem>>)
    %scan3A_105 = arith.constant -1 : i32
    %scan3A_106 = arith.constant -1 : i32
    %scan3A_107 = arith.constant -1 : i32
    %scan3A_108 = arith.constant 0 : i32
    %scan3A_109 = arith.constant 50 : i32
    %scan3A_110 = arith.addi %scan3A_108, %scan3A_109 : i32
    %scan3A_111 = arith.constant 1 : i32
    %scan3A_112:3 = scf.for %scan3A_158 = %scan3A_108 to %scan3A_110 step %scan3A_111 iter_args(%scan3A_159 = %scan3A_105, %scan3A_160 = %scan3A_106, %scan3A_161 = %scan3A_107) -> (i32, i32, i32)  : i32 {
      %and3A_162 = arith.constant 1 : i32
      %and3A_163 = arith.andi %scan3A_158, %and3A_162 : i32
      %mul3A_164 = arith.constant 4000 : i32
      %mul3A_165 = arith.muli %scan3A_158, %mul3A_164 : i32
      %add3A_166 = arith.addi %multiple_of3A, %mul3A_165 : i32
      %multiple_of3A_167 = tpu.assume_multiple %add3A_166, 8 : i32
      %add3A_168 = arith.constant 4000 : i32
      %add3A_169 = arith.addi %multiple_of3A_167, %add3A_168 : i32
      %eq3A_170 = arith.constant 6400000 : i32
      %eq3A_171 = arith.cmpi eq, %add3A_169, %eq3A_170 : i32
      %add3A_172 = arith.constant 1 : i32
      %add3A_173 = arith.addi %scan3A_158, %add3A_172 : i32
      %lt3A = arith.constant 50 : i32
      %lt3A_174 = arith.cmpi slt, %add3A_173, %lt3A : i32
      %convert_element_type3A_175 = arith.extui %lt3A_174 : i1 to i32
      %cond3A_176 = arith.constant 0 : i32
      %cond3A_177 = arith.cmpi ne, %convert_element_type3A_175, %cond3A_176 : i32
      scf.if %cond3A_177 {
        %add3A_324 = arith.constant 1 : i32
        %add3A_325 = arith.addi %scan3A_158, %add3A_324 : i32
        %add3A_326 = arith.constant 1 : i32
        %add3A_327 = arith.addi %scan3A_158, %add3A_326 : i32
        %and3A_328 = arith.constant 1 : i32
        %and3A_329 = arith.andi %add3A_327, %and3A_328 : i32
        %mul3A_330 = arith.constant 4000 : i32
        %mul3A_331 = arith.muli %add3A_325, %mul3A_330 : i32
        %add3A_332 = arith.addi %multiple_of3A, %mul3A_331 : i32
        %multiple_of3A_333 = tpu.assume_multiple %add3A_332, 8 : i32
        %add3A_334 = arith.constant 4000 : i32
        %add3A_335 = arith.addi %multiple_of3A_333, %add3A_334 : i32
        %eq3A_336 = arith.constant 6400000 : i32
        %eq3A_337 = arith.cmpi eq, %add3A_335, %eq3A_336 : i32
        %convert_element_type3A_338 = arith.extui %eq3A_337 : i1 to i32
        %cond3A_339 = arith.constant 0 : i32
        %cond3A_340 = arith.cmpi ne, %convert_element_type3A_338, %cond3A_339 : i32
        scf.if %cond3A_340 {
          %mul3A_362 = arith.constant 4016 : i32
          %mul3A_363 = arith.muli %and3A_329, %mul3A_362 : i32
          %dma_start3A_364 = tpu.memref_slice %arg8[%mul3A_363] : memref<8032xi32, #tpu.memory_space<vmem>> -> memref<4000xi32, #tpu.memory_space<vmem>>
          %dma_start3A_365 = tpu.memref_slice %arg4[%multiple_of3A_333] : memref<6400000xi32, #tpu.memory_space<hbm>> -> memref<4000xi32, #tpu.memory_space<hbm>>
          %dma_start3A_366 = tpu.memref_slice %arg40[%and3A_329] : memref<2x!tpu.dma_semaphore, #tpu.memory_space<semaphore_mem>> -> memref<1x!tpu.dma_semaphore, #tpu.memory_space<semaphore_mem>>
          %dma_start3A_367 = tpu.memref_squeeze %dma_start3A_366 : memref<1x!tpu.dma_semaphore, #tpu.memory_space<semaphore_mem>> -> memref<!tpu.dma_semaphore, #tpu.memory_space<semaphore_mem>>
          %dma_start3A_368 = tpu.memref_slice %arg8[%mul3A_363] : memref<8032xi32, #tpu.memory_space<vmem>> -> memref<4000xi32, #tpu.memory_space<vmem>>
          %dma_start3A_369 = tpu.memref_slice %arg4[%multiple_of3A_333] : memref<6400000xi32, #tpu.memory_space<hbm>> -> memref<4000xi32, #tpu.memory_space<hbm>>
          tpu.enqueue_dma source(%dma_start3A_369 : memref<4000xi32, #tpu.memory_space<hbm>>) target(%dma_start3A_368 : memref<4000xi32, #tpu.memory_space<vmem>>) target_semaphore(%dma_start3A_367 : memref<!tpu.dma_semaphore, #tpu.memory_space<semaphore_mem>>)
        } else {
        }
        %not3A_341 = arith.constant true
        %not3A_342 = arith.xori %eq3A_337, %not3A_341 : i1
        %convert_element_type3A_343 = arith.extui %not3A_342 : i1 to i32
        %cond3A_344 = arith.constant 0 : i32
        %cond3A_345 = arith.cmpi ne, %convert_element_type3A_343, %cond3A_344 : i32
        scf.if %cond3A_345 {
          %mul3A_362 = arith.constant 4016 : i32
          %mul3A_363 = arith.muli %and3A_329, %mul3A_362 : i32
          %dma_start3A_364 = tpu.memref_slice %arg8[%mul3A_363] : memref<8032xi32, #tpu.memory_space<vmem>> -> memref<4016xi32, #tpu.memory_space<vmem>>
          %dma_start3A_365 = tpu.memref_slice %arg4[%multiple_of3A_333] : memref<6400000xi32, #tpu.memory_space<hbm>> -> memref<4016xi32, #tpu.memory_space<hbm>>
          %dma_start3A_366 = tpu.memref_slice %arg40[%and3A_329] : memref<2x!tpu.dma_semaphore, #tpu.memory_space<semaphore_mem>> -> memref<1x!tpu.dma_semaphore, #tpu.memory_space<semaphore_mem>>
          %dma_start3A_367 = tpu.memref_squeeze %dma_start3A_366 : memref<1x!tpu.dma_semaphore, #tpu.memory_space<semaphore_mem>> -> memref<!tpu.dma_semaphore, #tpu.memory_space<semaphore_mem>>
          %dma_start3A_368 = tpu.memref_slice %arg8[%mul3A_363] : memref<8032xi32, #tpu.memory_space<vmem>> -> memref<4016xi32, #tpu.memory_space<vmem>>
          %dma_start3A_369 = tpu.memref_slice %arg4[%multiple_of3A_333] : memref<6400000xi32, #tpu.memory_space<hbm>> -> memref<4016xi32, #tpu.memory_space<hbm>>
          tpu.enqueue_dma source(%dma_start3A_369 : memref<4016xi32, #tpu.memory_space<hbm>>) target(%dma_start3A_368 : memref<4016xi32, #tpu.memory_space<vmem>>) target_semaphore(%dma_start3A_367 : memref<!tpu.dma_semaphore, #tpu.memory_space<semaphore_mem>>)
        } else {
        }
        %mul3A_346 = arith.constant 4000 : i32
        %mul3A_347 = arith.muli %and3A_329, %mul3A_346 : i32
        %dma_start3A_348 = tpu.memref_slice %arg9[%mul3A_347] : memref<8000xf32, #tpu.memory_space<vmem>> -> memref<4000xf32, #tpu.memory_space<vmem>>
        %dma_start3A_349 = tpu.memref_slice %arg3[%multiple_of3A_333] : memref<6400000xf32, #tpu.memory_space<hbm>> -> memref<4000xf32, #tpu.memory_space<hbm>>
        %dma_start3A_350 = tpu.memref_slice %arg40[%and3A_329] : memref<2x!tpu.dma_semaphore, #tpu.memory_space<semaphore_mem>> -> memref<1x!tpu.dma_semaphore, #tpu.memory_space<semaphore_mem>>
        %dma_start3A_351 = tpu.memref_squeeze %dma_start3A_350 : memref<1x!tpu.dma_semaphore, #tpu.memory_space<semaphore_mem>> -> memref<!tpu.dma_semaphore, #tpu.memory_space<semaphore_mem>>
        %dma_start3A_352 = tpu.memref_slice %arg9[%mul3A_347] : memref<8000xf32, #tpu.memory_space<vmem>> -> memref<4000xf32, #tpu.memory_space<vmem>>
        %dma_start3A_353 = tpu.memref_slice %arg3[%multiple_of3A_333] : memref<6400000xf32, #tpu.memory_space<hbm>> -> memref<4000xf32, #tpu.memory_space<hbm>>
        tpu.enqueue_dma source(%dma_start3A_353 : memref<4000xf32, #tpu.memory_space<hbm>>) target(%dma_start3A_352 : memref<4000xf32, #tpu.memory_space<vmem>>) target_semaphore(%dma_start3A_351 : memref<!tpu.dma_semaphore, #tpu.memory_space<semaphore_mem>>)
        %mul3A_354 = arith.constant 4000 : i32
        %mul3A_355 = arith.muli %and3A_329, %mul3A_354 : i32
        %dma_start3A_356 = tpu.memref_slice %arg10[%mul3A_355] : memref<8000xf32, #tpu.memory_space<vmem>> -> memref<4000xf32, #tpu.memory_space<vmem>>
        %dma_start3A_357 = tpu.memref_slice %arg2[%multiple_of3A_333] : memref<6400000xf32, #tpu.memory_space<hbm>> -> memref<4000xf32, #tpu.memory_space<hbm>>
        %dma_start3A_358 = tpu.memref_slice %arg40[%and3A_329] : memref<2x!tpu.dma_semaphore, #tpu.memory_space<semaphore_mem>> -> memref<1x!tpu.dma_semaphore, #tpu.memory_space<semaphore_mem>>
        %dma_start3A_359 = tpu.memref_squeeze %dma_start3A_358 : memref<1x!tpu.dma_semaphore, #tpu.memory_space<semaphore_mem>> -> memref<!tpu.dma_semaphore, #tpu.memory_space<semaphore_mem>>
        %dma_start3A_360 = tpu.memref_slice %arg10[%mul3A_355] : memref<8000xf32, #tpu.memory_space<vmem>> -> memref<4000xf32, #tpu.memory_space<vmem>>
        %dma_start3A_361 = tpu.memref_slice %arg2[%multiple_of3A_333] : memref<6400000xf32, #tpu.memory_space<hbm>> -> memref<4000xf32, #tpu.memory_space<hbm>>
        tpu.enqueue_dma source(%dma_start3A_361 : memref<4000xf32, #tpu.memory_space<hbm>>) target(%dma_start3A_360 : memref<4000xf32, #tpu.memory_space<vmem>>) target_semaphore(%dma_start3A_359 : memref<!tpu.dma_semaphore, #tpu.memory_space<semaphore_mem>>)
      } else {
      }
      %mul3A_178 = arith.constant 4000 : i32
      %mul3A_179 = arith.muli %scan3A_158, %mul3A_178 : i32
      %add3A_180 = arith.addi %multiple_of3A, %mul3A_179 : i32
      %multiple_of3A_181 = tpu.assume_multiple %add3A_180, 8 : i32
      %add3A_182 = arith.constant 4000 : i32
      %add3A_183 = arith.addi %multiple_of3A_181, %add3A_182 : i32
      %eq3A_184 = arith.constant 6400000 : i32
      %eq3A_185 = arith.cmpi eq, %add3A_183, %eq3A_184 : i32
      %convert_element_type3A_186 = arith.extui %eq3A_185 : i1 to i32
      %cond3A_187 = arith.constant 0 : i32
      %cond3A_188 = arith.cmpi ne, %convert_element_type3A_186, %cond3A_187 : i32
      scf.if %cond3A_188 {
        %mul3A_324 = arith.constant 4016 : i32
        %mul3A_325 = arith.muli %and3A_163, %mul3A_324 : i32
        %dma_wait3A_326 = tpu.memref_slice %arg8[%mul3A_325] : memref<8032xi32, #tpu.memory_space<vmem>> -> memref<4000xi32, #tpu.memory_space<vmem>>
        %dma_wait3A_327 = tpu.memref_slice %arg4[%multiple_of3A_181] : memref<6400000xi32, #tpu.memory_space<hbm>> -> memref<4000xi32, #tpu.memory_space<hbm>>
        %dma_wait3A_328 = tpu.memref_slice %arg40[%and3A_163] : memref<2x!tpu.dma_semaphore, #tpu.memory_space<semaphore_mem>> -> memref<1x!tpu.dma_semaphore, #tpu.memory_space<semaphore_mem>>
        %dma_wait3A_329 = tpu.memref_squeeze %dma_wait3A_328 : memref<1x!tpu.dma_semaphore, #tpu.memory_space<semaphore_mem>> -> memref<!tpu.dma_semaphore, #tpu.memory_space<semaphore_mem>>
        %dma_wait3A_330 = tpu.memref_slice %arg8[%mul3A_325] : memref<8032xi32, #tpu.memory_space<vmem>> -> memref<4000xi32, #tpu.memory_space<vmem>>
        %dma_wait3A_331 = tpu.memref_slice %arg4[%multiple_of3A_181] : memref<6400000xi32, #tpu.memory_space<hbm>> -> memref<4000xi32, #tpu.memory_space<hbm>>
        tpu.wait_dma2 semaphore(%dma_wait3A_329 : memref<!tpu.dma_semaphore, #tpu.memory_space<semaphore_mem>>) src(%dma_wait3A_331 : memref<4000xi32, #tpu.memory_space<hbm>>) dst(%dma_wait3A_330 : memref<4000xi32, #tpu.memory_space<vmem>>)
      } else {
      }
      %not3A_189 = arith.constant true
      %not3A_190 = arith.xori %eq3A_185, %not3A_189 : i1
      %convert_element_type3A_191 = arith.extui %not3A_190 : i1 to i32
      %cond3A_192 = arith.constant 0 : i32
      %cond3A_193 = arith.cmpi ne, %convert_element_type3A_191, %cond3A_192 : i32
      scf.if %cond3A_193 {
        %mul3A_324 = arith.constant 4016 : i32
        %mul3A_325 = arith.muli %and3A_163, %mul3A_324 : i32
        %dma_wait3A_326 = tpu.memref_slice %arg8[%mul3A_325] : memref<8032xi32, #tpu.memory_space<vmem>> -> memref<4016xi32, #tpu.memory_space<vmem>>
        %dma_wait3A_327 = tpu.memref_slice %arg4[%multiple_of3A_181] : memref<6400000xi32, #tpu.memory_space<hbm>> -> memref<4016xi32, #tpu.memory_space<hbm>>
        %dma_wait3A_328 = tpu.memref_slice %arg40[%and3A_163] : memref<2x!tpu.dma_semaphore, #tpu.memory_space<semaphore_mem>> -> memref<1x!tpu.dma_semaphore, #tpu.memory_space<semaphore_mem>>
        %dma_wait3A_329 = tpu.memref_squeeze %dma_wait3A_328 : memref<1x!tpu.dma_semaphore, #tpu.memory_space<semaphore_mem>> -> memref<!tpu.dma_semaphore, #tpu.memory_space<semaphore_mem>>
        %dma_wait3A_330 = tpu.memref_slice %arg8[%mul3A_325] : memref<8032xi32, #tpu.memory_space<vmem>> -> memref<4016xi32, #tpu.memory_space<vmem>>
        %dma_wait3A_331 = tpu.memref_slice %arg4[%multiple_of3A_181] : memref<6400000xi32, #tpu.memory_space<hbm>> -> memref<4016xi32, #tpu.memory_space<hbm>>
        tpu.wait_dma2 semaphore(%dma_wait3A_329 : memref<!tpu.dma_semaphore, #tpu.memory_space<semaphore_mem>>) src(%dma_wait3A_331 : memref<4016xi32, #tpu.memory_space<hbm>>) dst(%dma_wait3A_330 : memref<4016xi32, #tpu.memory_space<vmem>>)
      } else {
      }
      %mul3A_194 = arith.constant 4000 : i32
      %mul3A_195 = arith.muli %and3A_163, %mul3A_194 : i32
      %dma_wait3A = tpu.memref_slice %arg9[%mul3A_195] : memref<8000xf32, #tpu.memory_space<vmem>> -> memref<4000xf32, #tpu.memory_space<vmem>>
      %dma_wait3A_196 = tpu.memref_slice %arg3[%multiple_of3A_181] : memref<6400000xf32, #tpu.memory_space<hbm>> -> memref<4000xf32, #tpu.memory_space<hbm>>
      %dma_wait3A_197 = tpu.memref_slice %arg40[%and3A_163] : memref<2x!tpu.dma_semaphore, #tpu.memory_space<semaphore_mem>> -> memref<1x!tpu.dma_semaphore, #tpu.memory_space<semaphore_mem>>
      %dma_wait3A_198 = tpu.memref_squeeze %dma_wait3A_197 : memref<1x!tpu.dma_semaphore, #tpu.memory_space<semaphore_mem>> -> memref<!tpu.dma_semaphore, #tpu.memory_space<semaphore_mem>>
      %dma_wait3A_199 = tpu.memref_slice %arg9[%mul3A_195] : memref<8000xf32, #tpu.memory_space<vmem>> -> memref<4000xf32, #tpu.memory_space<vmem>>
      %dma_wait3A_200 = tpu.memref_slice %arg3[%multiple_of3A_181] : memref<6400000xf32, #tpu.memory_space<hbm>> -> memref<4000xf32, #tpu.memory_space<hbm>>
      tpu.wait_dma2 semaphore(%dma_wait3A_198 : memref<!tpu.dma_semaphore, #tpu.memory_space<semaphore_mem>>) src(%dma_wait3A_200 : memref<4000xf32, #tpu.memory_space<hbm>>) dst(%dma_wait3A_199 : memref<4000xf32, #tpu.memory_space<vmem>>)
      %mul3A_201 = arith.constant 4000 : i32
      %mul3A_202 = arith.muli %and3A_163, %mul3A_201 : i32
      %dma_wait3A_203 = tpu.memref_slice %arg10[%mul3A_202] : memref<8000xf32, #tpu.memory_space<vmem>> -> memref<4000xf32, #tpu.memory_space<vmem>>
      %dma_wait3A_204 = tpu.memref_slice %arg2[%multiple_of3A_181] : memref<6400000xf32, #tpu.memory_space<hbm>> -> memref<4000xf32, #tpu.memory_space<hbm>>
      %dma_wait3A_205 = tpu.memref_slice %arg40[%and3A_163] : memref<2x!tpu.dma_semaphore, #tpu.memory_space<semaphore_mem>> -> memref<1x!tpu.dma_semaphore, #tpu.memory_space<semaphore_mem>>
      %dma_wait3A_206 = tpu.memref_squeeze %dma_wait3A_205 : memref<1x!tpu.dma_semaphore, #tpu.memory_space<semaphore_mem>> -> memref<!tpu.dma_semaphore, #tpu.memory_space<semaphore_mem>>
      %dma_wait3A_207 = tpu.memref_slice %arg10[%mul3A_202] : memref<8000xf32, #tpu.memory_space<vmem>> -> memref<4000xf32, #tpu.memory_space<vmem>>
      %dma_wait3A_208 = tpu.memref_slice %arg2[%multiple_of3A_181] : memref<6400000xf32, #tpu.memory_space<hbm>> -> memref<4000xf32, #tpu.memory_space<hbm>>
      tpu.wait_dma2 semaphore(%dma_wait3A_206 : memref<!tpu.dma_semaphore, #tpu.memory_space<semaphore_mem>>) src(%dma_wait3A_208 : memref<4000xf32, #tpu.memory_space<hbm>>) dst(%dma_wait3A_207 : memref<4000xf32, #tpu.memory_space<vmem>>)
      %convert_element_type3A_209 = arith.extui %eq3A_171 : i1 to i32
      %cond3A_210 = arith.constant 0 : i32
      %cond3A_211 = arith.cmpi ne, %convert_element_type3A_209, %cond3A_210 : i32
      scf.if %cond3A_211 {
        %broadcast_in_dim3A_324 = arith.constant 2147483647 : i32
        %broadcast_in_dim3A_325 = vector.broadcast %broadcast_in_dim3A_324 : i32 to vector<16xi32>
        %mul3A_326 = arith.constant 4016 : i32
        %mul3A_327 = arith.muli %and3A_163, %mul3A_326 : i32
        %add3A_328 = arith.constant 4000 : i32
        %add3A_329 = arith.addi %mul3A_327, %add3A_328 : i32
        %swap3A_330 = arith.index_cast %add3A_329 : i32 to index
        %swap3A_331 = tpu.vector_load %arg8[%swap3A_330] {strides = array<i32>} : memref<8032xi32, #tpu.memory_space<vmem>>, vector<16xi32>,
        tpu.vector_store %arg8[%swap3A_330], %broadcast_in_dim3A_325 {strides = array<i32>} : memref<8032xi32, #tpu.memory_space<vmem>>, vector<16xi32>,
      } else {
      }
      %broadcast_in_dim3A_212 = vector.broadcast %scan3A_161 : i32 to vector<16xi32>
      %swap3A_213 = arith.constant 0 : index
      %swap3A_214 = tpu.vector_load %arg14[%swap3A_213] {strides = array<i32>} : memref<4144xi32, #tpu.memory_space<vmem>>, vector<16xi32>,
      tpu.vector_store %arg14[%swap3A_213], %broadcast_in_dim3A_212 {strides = array<i32>} : memref<4144xi32, #tpu.memory_space<vmem>>, vector<16xi32>,
      %scan3A_215 = arith.constant 0 : i32
      %scan3A_216 = arith.constant 0 : i32
      %scan3A_217 = arith.constant 50 : i32
      %scan3A_218 = arith.addi %scan3A_216, %scan3A_217 : i32
      %scan3A_219 = arith.constant 1 : i32
      %scan3A_220 = scf.for %scan3A_324 = %scan3A_216 to %scan3A_218 step %scan3A_219 iter_args(%scan3A_325 = %scan3A_215) -> (i32)  : i32 {
        %mul3A_326 = arith.constant 5 : i32
        %mul3A_327 = arith.muli %scan3A_324, %mul3A_326 : i32
        %add3A_328 = arith.constant 0 : i32
        %add3A_329 = arith.addi %mul3A_327, %add3A_328 : i32
        %mul3A_330 = arith.constant 16 : i32
        %mul3A_331 = arith.muli %add3A_329, %mul3A_330 : i32
        %mul3A_332 = arith.constant 4016 : i32
        %mul3A_333 = arith.muli %and3A_163, %mul3A_332 : i32
        %add3A_334 = arith.addi %mul3A_333, %mul3A_331 : i32
        %get3A_335 = arith.index_cast %add3A_334 : i32 to index
        %get3A_336 = tpu.vector_load %arg8[%get3A_335] {strides = array<i32>} : memref<8032xi32, #tpu.memory_space<vmem>>, vector<16xi32>,
        %mul3A_337 = arith.constant 4016 : i32
        %mul3A_338 = arith.muli %and3A_163, %mul3A_337 : i32
        %add3A_339 = arith.addi %mul3A_338, %mul3A_331 : i32
        %add3A_340 = arith.constant 1 : i32
        %add3A_341 = arith.addi %add3A_339, %add3A_340 : i32
        %get3A_342 = arith.index_cast %add3A_341 : i32 to index
        %get3A_343 = tpu.vector_load %arg8[%get3A_342] {strides = array<i32>} : memref<8032xi32, #tpu.memory_space<vmem>>, vector<16xi32>,
        %mul3A_344 = arith.constant 4000 : i32
        %mul3A_345 = arith.muli %and3A_163, %mul3A_344 : i32
        %add3A_346 = arith.addi %mul3A_345, %mul3A_331 : i32
        %get3A_347 = arith.index_cast %add3A_346 : i32 to index
        %get3A_348 = tpu.vector_load %arg9[%get3A_347] {strides = array<i32>} : memref<8000xf32, #tpu.memory_space<vmem>>, vector<16xf32>,
        %mul3A_349 = arith.constant 4000 : i32
        %mul3A_350 = arith.muli %and3A_163, %mul3A_349 : i32
        %add3A_351 = arith.addi %mul3A_350, %mul3A_331 : i32
        %get3A_352 = arith.index_cast %add3A_351 : i32 to index
        %get3A_353 = tpu.vector_load %arg10[%get3A_352] {strides = array<i32>} : memref<8000xf32, #tpu.memory_space<vmem>>, vector<16xf32>,
        %shift_left3A = arith.constant 14 : i32
        %shift_left3A_354 = vector.broadcast %shift_left3A : i32 to vector<16xi32>
        %shift_left3A_355 = arith.shli %get3A_336, %shift_left3A_354 : vector<16xi32>
        %mul3A_356 = arith.constant 1.638400e+04 : f32
        %mul3A_357 = vector.broadcast %mul3A_356 : f32 to vector<16xf32>
        %mul3A_358 = arith.mulf %get3A_348, %mul3A_357 : vector<16xf32>
        %convert_element_type3A_359 = arith.fptosi %mul3A_358 : vector<16xf32> to vector<16xi32>
        %add3A_360 = arith.addi %shift_left3A_355, %convert_element_type3A_359 : vector<16xi32>
        %broadcast_in_dim3A_361 = arith.constant true
        %broadcast_in_dim3A_362 = vector.broadcast %broadcast_in_dim3A_361 : i1 to vector<16xi1>
        %masked_cummax3A = arith.constant -2147483648 : i32
        %masked_cummax3A_363 = vector.broadcast %masked_cummax3A : i32 to vector<16xi32>
        %masked_cummax3A_364 = arith.xori %add3A_360, %masked_cummax3A_363 : vector<16xi32>
        %masked_cummax3A_365 = tpu.scan <max>, %masked_cummax3A_364 masked %broadcast_in_dim3A_362 : vector<16xi32>, vector<16xi1> -> vector<16xi32>
        %masked_cummax3A_366 = arith.xori %masked_cummax3A_365, %masked_cummax3A_363 : vector<16xi32>
        %broadcast_in_dim3A_367 = arith.constant true
        %broadcast_in_dim3A_368 = vector.broadcast %broadcast_in_dim3A_367 : i1 to vector<16xi1>
        %masked_cumsum3A = tpu.scan <sum>, %get3A_353 masked %broadcast_in_dim3A_368 : vector<16xf32>, vector<16xi1> -> vector<16xf32>
        %ne3A = arith.cmpi ne, %get3A_336, %get3A_343 : vector<16xi32>
        %eq3A_369 = arith.constant 15 : i32
        %eq3A_370 = vector.broadcast %eq3A_369 : i32 to vector<16xi32>
        %eq3A_371 = arith.cmpi eq, %iota3A, %eq3A_370 : vector<16xi32>
        %or3A = arith.ori %ne3A, %eq3A_371 : vector<16xi1>
        %add3A_372 = arith.constant 16 : i32
        %add3A_373 = arith.addi %add3A_372, %scan3A_325 : i32
        %swap3A_374 = arith.index_cast %add3A_373 : i32 to index
        %swap3A_375 = tpu.vector_load %arg11[%swap3A_374] masked %or3A {strides = array<i32>} : memref<4144xi32, #tpu.memory_space<vmem>>, vector<16xi32>, vector<16xi1>
        tpu.vector_store %arg11[%swap3A_374], %get3A_336 masked %or3A {strides = array<i32>} : memref<4144xi32, #tpu.memory_space<vmem>>, vector<16xi32>, vector<16xi1>
        %swap3A_376 = arith.index_cast %add3A_373 : i32 to index
        %swap3A_377 = tpu.vector_load %arg12[%swap3A_376] masked %or3A {strides = array<i32>} : memref<4144xi32, #tpu.memory_space<vmem>>, vector<16xi32>, vector<16xi1>
        tpu.vector_store %arg12[%swap3A_376], %masked_cummax3A_366 masked %or3A {strides = array<i32>} : memref<4144xi32, #tpu.memory_space<vmem>>, vector<16xi32>, vector<16xi1>
        %swap3A_378 = arith.index_cast %add3A_373 : i32 to index
        %swap3A_379 = tpu.vector_load %arg13[%swap3A_378] masked %or3A {strides = array<i32>} : memref<4144xf32, #tpu.memory_space<vmem>>, vector<16xf32>, vector<16xi1>
        tpu.vector_store %arg13[%swap3A_378], %masked_cumsum3A masked %or3A {strides = array<i32>} : memref<4144xf32, #tpu.memory_space<vmem>>, vector<16xf32>, vector<16xi1>
        %mul3A_380 = arith.constant 4000 : i32
        %mul3A_381 = arith.muli %scan3A_158, %mul3A_380 : i32
        %add3A_382 = arith.addi %mul3A_381, %mul3A_331 : i32
        %add3A_383 = vector.broadcast %add3A_382 : i32 to vector<16xi32>
        %add3A_384 = arith.addi %iota3A, %add3A_383 : vector<16xi32>
        %swap3A_385 = arith.index_cast %add3A_373 : i32 to index
        %swap3A_386 = tpu.vector_load %arg14[%swap3A_385] masked %or3A {strides = array<i32>} : memref<4144xi32, #tpu.memory_space<vmem>>, vector<16xi32>, vector<16xi1>
        tpu.vector_store %arg14[%swap3A_385], %add3A_384 masked %or3A {strides = array<i32>} : memref<4144xi32, #tpu.memory_space<vmem>>, vector<16xi32>, vector<16xi1>
        %all_reduce_population_count3A = tpu.all_reduce %or3A {dim = 0 : i64, kind = #tpu.reduction_kind<sum>} : vector<16xi1> -> vector<16xi32>
        %slice3A_387 = vector.extract_strided_slice %all_reduce_population_count3A {offsets = [0], sizes = [1], strides = [1]} : vector<16xi32> to vector<1xi32>
        %squeeze3A_388 = vector.extract %slice3A_387[0] : i32 from vector<1xi32>
        %add3A_389 = arith.addi %scan3A_325, %squeeze3A_388 : i32
        %mul3A_390 = arith.constant 5 : i32
        %mul3A_391 = arith.muli %scan3A_324, %mul3A_390 : i32
        %add3A_392 = arith.constant 1 : i32
        %add3A_393 = arith.addi %mul3A_391, %add3A_392 : i32
        %mul3A_394 = arith.constant 16 : i32
        %mul3A_395 = arith.muli %add3A_393, %mul3A_394 : i32
        %mul3A_396 = arith.constant 4016 : i32
        %mul3A_397 = arith.muli %and3A_163, %mul3A_396 : i32
        %add3A_398 = arith.addi %mul3A_397, %mul3A_395 : i32
        %get3A_399 = arith.index_cast %add3A_398 : i32 to index
        %get3A_400 = tpu.vector_load %arg8[%get3A_399] {strides = array<i32>} : memref<8032xi32, #tpu.memory_space<vmem>>, vector<16xi32>,
        %mul3A_401 = arith.constant 4016 : i32
        %mul3A_402 = arith.muli %and3A_163, %mul3A_401 : i32
        %add3A_403 = arith.addi %mul3A_402, %mul3A_395 : i32
        %add3A_404 = arith.constant 1 : i32
        %add3A_405 = arith.addi %add3A_403, %add3A_404 : i32
        %get3A_406 = arith.index_cast %add3A_405 : i32 to index
        %get3A_407 = tpu.vector_load %arg8[%get3A_406] {strides = array<i32>} : memref<8032xi32, #tpu.memory_space<vmem>>, vector<16xi32>,
        %mul3A_408 = arith.constant 4000 : i32
        %mul3A_409 = arith.muli %and3A_163, %mul3A_408 : i32
        %add3A_410 = arith.addi %mul3A_409, %mul3A_395 : i32
        %get3A_411 = arith.index_cast %add3A_410 : i32 to index
        %get3A_412 = tpu.vector_load %arg9[%get3A_411] {strides = array<i32>} : memref<8000xf32, #tpu.memory_space<vmem>>, vector<16xf32>,
        %mul3A_413 = arith.constant 4000 : i32
        %mul3A_414 = arith.muli %and3A_163, %mul3A_413 : i32
        %add3A_415 = arith.addi %mul3A_414, %mul3A_395 : i32
        %get3A_416 = arith.index_cast %add3A_415 : i32 to index
        %get3A_417 = tpu.vector_load %arg10[%get3A_416] {strides = array<i32>} : memref<8000xf32, #tpu.memory_space<vmem>>, vector<16xf32>,
        %shift_left3A_418 = arith.constant 14 : i32
        %shift_left3A_419 = vector.broadcast %shift_left3A_418 : i32 to vector<16xi32>
        %shift_left3A_420 = arith.shli %get3A_400, %shift_left3A_419 : vector<16xi32>
        %mul3A_421 = arith.constant 1.638400e+04 : f32
        %mul3A_422 = vector.broadcast %mul3A_421 : f32 to vector<16xf32>
        %mul3A_423 = arith.mulf %get3A_412, %mul3A_422 : vector<16xf32>
        %convert_element_type3A_424 = arith.fptosi %mul3A_423 : vector<16xf32> to vector<16xi32>
        %add3A_425 = arith.addi %shift_left3A_420, %convert_element_type3A_424 : vector<16xi32>
        %broadcast_in_dim3A_426 = arith.constant true
        %broadcast_in_dim3A_427 = vector.broadcast %broadcast_in_dim3A_426 : i1 to vector<16xi1>
        %masked_cummax3A_428 = arith.constant -2147483648 : i32
        %masked_cummax3A_429 = vector.broadcast %masked_cummax3A_428 : i32 to vector<16xi32>
        %masked_cummax3A_430 = arith.xori %add3A_425, %masked_cummax3A_429 : vector<16xi32>
        %masked_cummax3A_431 = tpu.scan <max>, %masked_cummax3A_430 masked %broadcast_in_dim3A_427 : vector<16xi32>, vector<16xi1> -> vector<16xi32>
        %masked_cummax3A_432 = arith.xori %masked_cummax3A_431, %masked_cummax3A_429 : vector<16xi32>
        %broadcast_in_dim3A_433 = arith.constant true
        %broadcast_in_dim3A_434 = vector.broadcast %broadcast_in_dim3A_433 : i1 to vector<16xi1>
        %masked_cumsum3A_435 = tpu.scan <sum>, %get3A_417 masked %broadcast_in_dim3A_434 : vector<16xf32>, vector<16xi1> -> vector<16xf32>
        %ne3A_436 = arith.cmpi ne, %get3A_400, %get3A_407 : vector<16xi32>
        %eq3A_437 = arith.constant 15 : i32
        %eq3A_438 = vector.broadcast %eq3A_437 : i32 to vector<16xi32>
        %eq3A_439 = arith.cmpi eq, %iota3A, %eq3A_438 : vector<16xi32>
        %or3A_440 = arith.ori %ne3A_436, %eq3A_439 : vector<16xi1>
        %add3A_441 = arith.constant 16 : i32
        %add3A_442 = arith.addi %add3A_441, %add3A_389 : i32
        %swap3A_443 = arith.index_cast %add3A_442 : i32 to index
        %swap3A_444 = tpu.vector_load %arg11[%swap3A_443] masked %or3A_440 {strides = array<i32>} : memref<4144xi32, #tpu.memory_space<vmem>>, vector<16xi32>, vector<16xi1>
        tpu.vector_store %arg11[%swap3A_443], %get3A_400 masked %or3A_440 {strides = array<i32>} : memref<4144xi32, #tpu.memory_space<vmem>>, vector<16xi32>, vector<16xi1>
        %swap3A_445 = arith.index_cast %add3A_442 : i32 to index
        %swap3A_446 = tpu.vector_load %arg12[%swap3A_445] masked %or3A_440 {strides = array<i32>} : memref<4144xi32, #tpu.memory_space<vmem>>, vector<16xi32>, vector<16xi1>
        tpu.vector_store %arg12[%swap3A_445], %masked_cummax3A_432 masked %or3A_440 {strides = array<i32>} : memref<4144xi32, #tpu.memory_space<vmem>>, vector<16xi32>, vector<16xi1>
        %swap3A_447 = arith.index_cast %add3A_442 : i32 to index
        %swap3A_448 = tpu.vector_load %arg13[%swap3A_447] masked %or3A_440 {strides = array<i32>} : memref<4144xf32, #tpu.memory_space<vmem>>, vector<16xf32>, vector<16xi1>
        tpu.vector_store %arg13[%swap3A_447], %masked_cumsum3A_435 masked %or3A_440 {strides = array<i32>} : memref<4144xf32, #tpu.memory_space<vmem>>, vector<16xf32>, vector<16xi1>
        %mul3A_449 = arith.constant 4000 : i32
        %mul3A_450 = arith.muli %scan3A_158, %mul3A_449 : i32
        %add3A_451 = arith.addi %mul3A_450, %mul3A_395 : i32
        %add3A_452 = vector.broadcast %add3A_451 : i32 to vector<16xi32>
        %add3A_453 = arith.addi %iota3A, %add3A_452 : vector<16xi32>
        %swap3A_454 = arith.index_cast %add3A_442 : i32 to index
        %swap3A_455 = tpu.vector_load %arg14[%swap3A_454] masked %or3A_440 {strides = array<i32>} : memref<4144xi32, #tpu.memory_space<vmem>>, vector<16xi32>, vector<16xi1>
        tpu.vector_store %arg14[%swap3A_454], %add3A_453 masked %or3A_440 {strides = array<i32>} : memref<4144xi32, #tpu.memory_space<vmem>>, vector<16xi32>, vector<16xi1>
        %all_reduce_population_count3A_456 = tpu.all_reduce %or3A_440 {dim = 0 : i64, kind = #tpu.reduction_kind<sum>} : vector<16xi1> -> vector<16xi32>
        %slice3A_457 = vector.extract_strided_slice %all_reduce_population_count3A_456 {offsets = [0], sizes = [1], strides = [1]} : vector<16xi32> to vector<1xi32>
        %squeeze3A_458 = vector.extract %slice3A_457[0] : i32 from vector<1xi32>
        %add3A_459 = arith.addi %add3A_389, %squeeze3A_458 : i32
        %mul3A_460 = arith.constant 5 : i32
        %mul3A_461 = arith.muli %scan3A_324, %mul3A_460 : i32
        %add3A_462 = arith.constant 2 : i32
        %add3A_463 = arith.addi %mul3A_461, %add3A_462 : i32
        %mul3A_464 = arith.constant 16 : i32
        %mul3A_465 = arith.muli %add3A_463, %mul3A_464 : i32
        %mul3A_466 = arith.constant 4016 : i32
        %mul3A_467 = arith.muli %and3A_163, %mul3A_466 : i32
        %add3A_468 = arith.addi %mul3A_467, %mul3A_465 : i32
        %get3A_469 = arith.index_cast %add3A_468 : i32 to index
        %get3A_470 = tpu.vector_load %arg8[%get3A_469] {strides = array<i32>} : memref<8032xi32, #tpu.memory_space<vmem>>, vector<16xi32>,
        %mul3A_471 = arith.constant 4016 : i32
        %mul3A_472 = arith.muli %and3A_163, %mul3A_471 : i32
        %add3A_473 = arith.addi %mul3A_472, %mul3A_465 : i32
        %add3A_474 = arith.constant 1 : i32
        %add3A_475 = arith.addi %add3A_473, %add3A_474 : i32
        %get3A_476 = arith.index_cast %add3A_475 : i32 to index
        %get3A_477 = tpu.vector_load %arg8[%get3A_476] {strides = array<i32>} : memref<8032xi32, #tpu.memory_space<vmem>>, vector<16xi32>,
        %mul3A_478 = arith.constant 4000 : i32
        %mul3A_479 = arith.muli %and3A_163, %mul3A_478 : i32
        %add3A_480 = arith.addi %mul3A_479, %mul3A_465 : i32
        %get3A_481 = arith.index_cast %add3A_480 : i32 to index
        %get3A_482 = tpu.vector_load %arg9[%get3A_481] {strides = array<i32>} : memref<8000xf32, #tpu.memory_space<vmem>>, vector<16xf32>,
        %mul3A_483 = arith.constant 4000 : i32
        %mul3A_484 = arith.muli %and3A_163, %mul3A_483 : i32
        %add3A_485 = arith.addi %mul3A_484, %mul3A_465 : i32
        %get3A_486 = arith.index_cast %add3A_485 : i32 to index
        %get3A_487 = tpu.vector_load %arg10[%get3A_486] {strides = array<i32>} : memref<8000xf32, #tpu.memory_space<vmem>>, vector<16xf32>,
        %shift_left3A_488 = arith.constant 14 : i32
        %shift_left3A_489 = vector.broadcast %shift_left3A_488 : i32 to vector<16xi32>
        %shift_left3A_490 = arith.shli %get3A_470, %shift_left3A_489 : vector<16xi32>
        %mul3A_491 = arith.constant 1.638400e+04 : f32
        %mul3A_492 = vector.broadcast %mul3A_491 : f32 to vector<16xf32>
        %mul3A_493 = arith.mulf %get3A_482, %mul3A_492 : vector<16xf32>
        %convert_element_type3A_494 = arith.fptosi %mul3A_493 : vector<16xf32> to vector<16xi32>
        %add3A_495 = arith.addi %shift_left3A_490, %convert_element_type3A_494 : vector<16xi32>
        %broadcast_in_dim3A_496 = arith.constant true
        %broadcast_in_dim3A_497 = vector.broadcast %broadcast_in_dim3A_496 : i1 to vector<16xi1>
        %masked_cummax3A_498 = arith.constant -2147483648 : i32
        %masked_cummax3A_499 = vector.broadcast %masked_cummax3A_498 : i32 to vector<16xi32>
        %masked_cummax3A_500 = arith.xori %add3A_495, %masked_cummax3A_499 : vector<16xi32>
        %masked_cummax3A_501 = tpu.scan <max>, %masked_cummax3A_500 masked %broadcast_in_dim3A_497 : vector<16xi32>, vector<16xi1> -> vector<16xi32>
        %masked_cummax3A_502 = arith.xori %masked_cummax3A_501, %masked_cummax3A_499 : vector<16xi32>
        %broadcast_in_dim3A_503 = arith.constant true
        %broadcast_in_dim3A_504 = vector.broadcast %broadcast_in_dim3A_503 : i1 to vector<16xi1>
        %masked_cumsum3A_505 = tpu.scan <sum>, %get3A_487 masked %broadcast_in_dim3A_504 : vector<16xf32>, vector<16xi1> -> vector<16xf32>
        %ne3A_506 = arith.cmpi ne, %get3A_470, %get3A_477 : vector<16xi32>
        %eq3A_507 = arith.constant 15 : i32
        %eq3A_508 = vector.broadcast %eq3A_507 : i32 to vector<16xi32>
        %eq3A_509 = arith.cmpi eq, %iota3A, %eq3A_508 : vector<16xi32>
        %or3A_510 = arith.ori %ne3A_506, %eq3A_509 : vector<16xi1>
        %add3A_511 = arith.constant 16 : i32
        %add3A_512 = arith.addi %add3A_511, %add3A_459 : i32
        %swap3A_513 = arith.index_cast %add3A_512 : i32 to index
        %swap3A_514 = tpu.vector_load %arg11[%swap3A_513] masked %or3A_510 {strides = array<i32>} : memref<4144xi32, #tpu.memory_space<vmem>>, vector<16xi32>, vector<16xi1>
        tpu.vector_store %arg11[%swap3A_513], %get3A_470 masked %or3A_510 {strides = array<i32>} : memref<4144xi32, #tpu.memory_space<vmem>>, vector<16xi32>, vector<16xi1>
        %swap3A_515 = arith.index_cast %add3A_512 : i32 to index
        %swap3A_516 = tpu.vector_load %arg12[%swap3A_515] masked %or3A_510 {strides = array<i32>} : memref<4144xi32, #tpu.memory_space<vmem>>, vector<16xi32>, vector<16xi1>
        tpu.vector_store %arg12[%swap3A_515], %masked_cummax3A_502 masked %or3A_510 {strides = array<i32>} : memref<4144xi32, #tpu.memory_space<vmem>>, vector<16xi32>, vector<16xi1>
        %swap3A_517 = arith.index_cast %add3A_512 : i32 to index
        %swap3A_518 = tpu.vector_load %arg13[%swap3A_517] masked %or3A_510 {strides = array<i32>} : memref<4144xf32, #tpu.memory_space<vmem>>, vector<16xf32>, vector<16xi1>
        tpu.vector_store %arg13[%swap3A_517], %masked_cumsum3A_505 masked %or3A_510 {strides = array<i32>} : memref<4144xf32, #tpu.memory_space<vmem>>, vector<16xf32>, vector<16xi1>
        %mul3A_519 = arith.constant 4000 : i32
        %mul3A_520 = arith.muli %scan3A_158, %mul3A_519 : i32
        %add3A_521 = arith.addi %mul3A_520, %mul3A_465 : i32
        %add3A_522 = vector.broadcast %add3A_521 : i32 to vector<16xi32>
        %add3A_523 = arith.addi %iota3A, %add3A_522 : vector<16xi32>
        %swap3A_524 = arith.index_cast %add3A_512 : i32 to index
        %swap3A_525 = tpu.vector_load %arg14[%swap3A_524] masked %or3A_510 {strides = array<i32>} : memref<4144xi32, #tpu.memory_space<vmem>>, vector<16xi32>, vector<16xi1>
        tpu.vector_store %arg14[%swap3A_524], %add3A_523 masked %or3A_510 {strides = array<i32>} : memref<4144xi32, #tpu.memory_space<vmem>>, vector<16xi32>, vector<16xi1>
        %all_reduce_population_count3A_526 = tpu.all_reduce %or3A_510 {dim = 0 : i64, kind = #tpu.reduction_kind<sum>} : vector<16xi1> -> vector<16xi32>
        %slice3A_527 = vector.extract_strided_slice %all_reduce_population_count3A_526 {offsets = [0], sizes = [1], strides = [1]} : vector<16xi32> to vector<1xi32>
        %squeeze3A_528 = vector.extract %slice3A_527[0] : i32 from vector<1xi32>
        %add3A_529 = arith.addi %add3A_459, %squeeze3A_528 : i32
        %mul3A_530 = arith.constant 5 : i32
        %mul3A_531 = arith.muli %scan3A_324, %mul3A_530 : i32
        %add3A_532 = arith.constant 3 : i32
        %add3A_533 = arith.addi %mul3A_531, %add3A_532 : i32
        %mul3A_534 = arith.constant 16 : i32
        %mul3A_535 = arith.muli %add3A_533, %mul3A_534 : i32
        %mul3A_536 = arith.constant 4016 : i32
        %mul3A_537 = arith.muli %and3A_163, %mul3A_536 : i32
        %add3A_538 = arith.addi %mul3A_537, %mul3A_535 : i32
        %get3A_539 = arith.index_cast %add3A_538 : i32 to index
        %get3A_540 = tpu.vector_load %arg8[%get3A_539] {strides = array<i32>} : memref<8032xi32, #tpu.memory_space<vmem>>, vector<16xi32>,
        %mul3A_541 = arith.constant 4016 : i32
        %mul3A_542 = arith.muli %and3A_163, %mul3A_541 : i32
        %add3A_543 = arith.addi %mul3A_542, %mul3A_535 : i32
        %add3A_544 = arith.constant 1 : i32
        %add3A_545 = arith.addi %add3A_543, %add3A_544 : i32
        %get3A_546 = arith.index_cast %add3A_545 : i32 to index
        %get3A_547 = tpu.vector_load %arg8[%get3A_546] {strides = array<i32>} : memref<8032xi32, #tpu.memory_space<vmem>>, vector<16xi32>,
        %mul3A_548 = arith.constant 4000 : i32
        %mul3A_549 = arith.muli %and3A_163, %mul3A_548 : i32
        %add3A_550 = arith.addi %mul3A_549, %mul3A_535 : i32
        %get3A_551 = arith.index_cast %add3A_550 : i32 to index
        %get3A_552 = tpu.vector_load %arg9[%get3A_551] {strides = array<i32>} : memref<8000xf32, #tpu.memory_space<vmem>>, vector<16xf32>,
        %mul3A_553 = arith.constant 4000 : i32
        %mul3A_554 = arith.muli %and3A_163, %mul3A_553 : i32
        %add3A_555 = arith.addi %mul3A_554, %mul3A_535 : i32
        %get3A_556 = arith.index_cast %add3A_555 : i32 to index
        %get3A_557 = tpu.vector_load %arg10[%get3A_556] {strides = array<i32>} : memref<8000xf32, #tpu.memory_space<vmem>>, vector<16xf32>,
        %shift_left3A_558 = arith.constant 14 : i32
        %shift_left3A_559 = vector.broadcast %shift_left3A_558 : i32 to vector<16xi32>
        %shift_left3A_560 = arith.shli %get3A_540, %shift_left3A_559 : vector<16xi32>
        %mul3A_561 = arith.constant 1.638400e+04 : f32
        %mul3A_562 = vector.broadcast %mul3A_561 : f32 to vector<16xf32>
        %mul3A_563 = arith.mulf %get3A_552, %mul3A_562 : vector<16xf32>
        %convert_element_type3A_564 = arith.fptosi %mul3A_563 : vector<16xf32> to vector<16xi32>
        %add3A_565 = arith.addi %shift_left3A_560, %convert_element_type3A_564 : vector<16xi32>
        %broadcast_in_dim3A_566 = arith.constant true
        %broadcast_in_dim3A_567 = vector.broadcast %broadcast_in_dim3A_566 : i1 to vector<16xi1>
        %masked_cummax3A_568 = arith.constant -2147483648 : i32
        %masked_cummax3A_569 = vector.broadcast %masked_cummax3A_568 : i32 to vector<16xi32>
        %masked_cummax3A_570 = arith.xori %add3A_565, %masked_cummax3A_569 : vector<16xi32>
        %masked_cummax3A_571 = tpu.scan <max>, %masked_cummax3A_570 masked %broadcast_in_dim3A_567 : vector<16xi32>, vector<16xi1> -> vector<16xi32>
        %masked_cummax3A_572 = arith.xori %masked_cummax3A_571, %masked_cummax3A_569 : vector<16xi32>
        %broadcast_in_dim3A_573 = arith.constant true
        %broadcast_in_dim3A_574 = vector.broadcast %broadcast_in_dim3A_573 : i1 to vector<16xi1>
        %masked_cumsum3A_575 = tpu.scan <sum>, %get3A_557 masked %broadcast_in_dim3A_574 : vector<16xf32>, vector<16xi1> -> vector<16xf32>
        %ne3A_576 = arith.cmpi ne, %get3A_540, %get3A_547 : vector<16xi32>
        %eq3A_577 = arith.constant 15 : i32
        %eq3A_578 = vector.broadcast %eq3A_577 : i32 to vector<16xi32>
        %eq3A_579 = arith.cmpi eq, %iota3A, %eq3A_578 : vector<16xi32>
        %or3A_580 = arith.ori %ne3A_576, %eq3A_579 : vector<16xi1>
        %add3A_581 = arith.constant 16 : i32
        %add3A_582 = arith.addi %add3A_581, %add3A_529 : i32
        %swap3A_583 = arith.index_cast %add3A_582 : i32 to index
        %swap3A_584 = tpu.vector_load %arg11[%swap3A_583] masked %or3A_580 {strides = array<i32>} : memref<4144xi32, #tpu.memory_space<vmem>>, vector<16xi32>, vector<16xi1>
        tpu.vector_store %arg11[%swap3A_583], %get3A_540 masked %or3A_580 {strides = array<i32>} : memref<4144xi32, #tpu.memory_space<vmem>>, vector<16xi32>, vector<16xi1>
        %swap3A_585 = arith.index_cast %add3A_582 : i32 to index
        %swap3A_586 = tpu.vector_load %arg12[%swap3A_585] masked %or3A_580 {strides = array<i32>} : memref<4144xi32, #tpu.memory_space<vmem>>, vector<16xi32>, vector<16xi1>
        tpu.vector_store %arg12[%swap3A_585], %masked_cummax3A_572 masked %or3A_580 {strides = array<i32>} : memref<4144xi32, #tpu.memory_space<vmem>>, vector<16xi32>, vector<16xi1>
        %swap3A_587 = arith.index_cast %add3A_582 : i32 to index
        %swap3A_588 = tpu.vector_load %arg13[%swap3A_587] masked %or3A_580 {strides = array<i32>} : memref<4144xf32, #tpu.memory_space<vmem>>, vector<16xf32>, vector<16xi1>
        tpu.vector_store %arg13[%swap3A_587], %masked_cumsum3A_575 masked %or3A_580 {strides = array<i32>} : memref<4144xf32, #tpu.memory_space<vmem>>, vector<16xf32>, vector<16xi1>
        %mul3A_589 = arith.constant 4000 : i32
        %mul3A_590 = arith.muli %scan3A_158, %mul3A_589 : i32
        %add3A_591 = arith.addi %mul3A_590, %mul3A_535 : i32
        %add3A_592 = vector.broadcast %add3A_591 : i32 to vector<16xi32>
        %add3A_593 = arith.addi %iota3A, %add3A_592 : vector<16xi32>
        %swap3A_594 = arith.index_cast %add3A_582 : i32 to index
        %swap3A_595 = tpu.vector_load %arg14[%swap3A_594] masked %or3A_580 {strides = array<i32>} : memref<4144xi32, #tpu.memory_space<vmem>>, vector<16xi32>, vector<16xi1>
        tpu.vector_store %arg14[%swap3A_594], %add3A_593 masked %or3A_580 {strides = array<i32>} : memref<4144xi32, #tpu.memory_space<vmem>>, vector<16xi32>, vector<16xi1>
        %all_reduce_population_count3A_596 = tpu.all_reduce %or3A_580 {dim = 0 : i64, kind = #tpu.reduction_kind<sum>} : vector<16xi1> -> vector<16xi32>
        %slice3A_597 = vector.extract_strided_slice %all_reduce_population_count3A_596 {offsets = [0], sizes = [1], strides = [1]} : vector<16xi32> to vector<1xi32>
        %squeeze3A_598 = vector.extract %slice3A_597[0] : i32 from vector<1xi32>
        %add3A_599 = arith.addi %add3A_529, %squeeze3A_598 : i32
        %mul3A_600 = arith.constant 5 : i32
        %mul3A_601 = arith.muli %scan3A_324, %mul3A_600 : i32
        %add3A_602 = arith.constant 4 : i32
        %add3A_603 = arith.addi %mul3A_601, %add3A_602 : i32
        %mul3A_604 = arith.constant 16 : i32
        %mul3A_605 = arith.muli %add3A_603, %mul3A_604 : i32
        %mul3A_606 = arith.constant 4016 : i32
        %mul3A_607 = arith.muli %and3A_163, %mul3A_606 : i32
        %add3A_608 = arith.addi %mul3A_607, %mul3A_605 : i32
        %get3A_609 = arith.index_cast %add3A_608 : i32 to index
        %get3A_610 = tpu.vector_load %arg8[%get3A_609] {strides = array<i32>} : memref<8032xi32, #tpu.memory_space<vmem>>, vector<16xi32>,
        %mul3A_611 = arith.constant 4016 : i32
        %mul3A_612 = arith.muli %and3A_163, %mul3A_611 : i32
        %add3A_613 = arith.addi %mul3A_612, %mul3A_605 : i32
        %add3A_614 = arith.constant 1 : i32
        %add3A_615 = arith.addi %add3A_613, %add3A_614 : i32
        %get3A_616 = arith.index_cast %add3A_615 : i32 to index
        %get3A_617 = tpu.vector_load %arg8[%get3A_616] {strides = array<i32>} : memref<8032xi32, #tpu.memory_space<vmem>>, vector<16xi32>,
        %mul3A_618 = arith.constant 4000 : i32
        %mul3A_619 = arith.muli %and3A_163, %mul3A_618 : i32
        %add3A_620 = arith.addi %mul3A_619, %mul3A_605 : i32
        %get3A_621 = arith.index_cast %add3A_620 : i32 to index
        %get3A_622 = tpu.vector_load %arg9[%get3A_621] {strides = array<i32>} : memref<8000xf32, #tpu.memory_space<vmem>>, vector<16xf32>,
        %mul3A_623 = arith.constant 4000 : i32
        %mul3A_624 = arith.muli %and3A_163, %mul3A_623 : i32
        %add3A_625 = arith.addi %mul3A_624, %mul3A_605 : i32
        %get3A_626 = arith.index_cast %add3A_625 : i32 to index
        %get3A_627 = tpu.vector_load %arg10[%get3A_626] {strides = array<i32>} : memref<8000xf32, #tpu.memory_space<vmem>>, vector<16xf32>,
        %shift_left3A_628 = arith.constant 14 : i32
        %shift_left3A_629 = vector.broadcast %shift_left3A_628 : i32 to vector<16xi32>
        %shift_left3A_630 = arith.shli %get3A_610, %shift_left3A_629 : vector<16xi32>
        %mul3A_631 = arith.constant 1.638400e+04 : f32
        %mul3A_632 = vector.broadcast %mul3A_631 : f32 to vector<16xf32>
        %mul3A_633 = arith.mulf %get3A_622, %mul3A_632 : vector<16xf32>
        %convert_element_type3A_634 = arith.fptosi %mul3A_633 : vector<16xf32> to vector<16xi32>
        %add3A_635 = arith.addi %shift_left3A_630, %convert_element_type3A_634 : vector<16xi32>
        %broadcast_in_dim3A_636 = arith.constant true
        %broadcast_in_dim3A_637 = vector.broadcast %broadcast_in_dim3A_636 : i1 to vector<16xi1>
        %masked_cummax3A_638 = arith.constant -2147483648 : i32
        %masked_cummax3A_639 = vector.broadcast %masked_cummax3A_638 : i32 to vector<16xi32>
        %masked_cummax3A_640 = arith.xori %add3A_635, %masked_cummax3A_639 : vector<16xi32>
        %masked_cummax3A_641 = tpu.scan <max>, %masked_cummax3A_640 masked %broadcast_in_dim3A_637 : vector<16xi32>, vector<16xi1> -> vector<16xi32>
        %masked_cummax3A_642 = arith.xori %masked_cummax3A_641, %masked_cummax3A_639 : vector<16xi32>
        %broadcast_in_dim3A_643 = arith.constant true
        %broadcast_in_dim3A_644 = vector.broadcast %broadcast_in_dim3A_643 : i1 to vector<16xi1>
        %masked_cumsum3A_645 = tpu.scan <sum>, %get3A_627 masked %broadcast_in_dim3A_644 : vector<16xf32>, vector<16xi1> -> vector<16xf32>
        %ne3A_646 = arith.cmpi ne, %get3A_610, %get3A_617 : vector<16xi32>
        %eq3A_647 = arith.constant 15 : i32
        %eq3A_648 = vector.broadcast %eq3A_647 : i32 to vector<16xi32>
        %eq3A_649 = arith.cmpi eq, %iota3A, %eq3A_648 : vector<16xi32>
        %or3A_650 = arith.ori %ne3A_646, %eq3A_649 : vector<16xi1>
        %add3A_651 = arith.constant 16 : i32
        %add3A_652 = arith.addi %add3A_651, %add3A_599 : i32
        %swap3A_653 = arith.index_cast %add3A_652 : i32 to index
        %swap3A_654 = tpu.vector_load %arg11[%swap3A_653] masked %or3A_650 {strides = array<i32>} : memref<4144xi32, #tpu.memory_space<vmem>>, vector<16xi32>, vector<16xi1>
        tpu.vector_store %arg11[%swap3A_653], %get3A_610 masked %or3A_650 {strides = array<i32>} : memref<4144xi32, #tpu.memory_space<vmem>>, vector<16xi32>, vector<16xi1>
        %swap3A_655 = arith.index_cast %add3A_652 : i32 to index
        %swap3A_656 = tpu.vector_load %arg12[%swap3A_655] masked %or3A_650 {strides = array<i32>} : memref<4144xi32, #tpu.memory_space<vmem>>, vector<16xi32>, vector<16xi1>
        tpu.vector_store %arg12[%swap3A_655], %masked_cummax3A_642 masked %or3A_650 {strides = array<i32>} : memref<4144xi32, #tpu.memory_space<vmem>>, vector<16xi32>, vector<16xi1>
        %swap3A_657 = arith.index_cast %add3A_652 : i32 to index
        %swap3A_658 = tpu.vector_load %arg13[%swap3A_657] masked %or3A_650 {strides = array<i32>} : memref<4144xf32, #tpu.memory_space<vmem>>, vector<16xf32>, vector<16xi1>
        tpu.vector_store %arg13[%swap3A_657], %masked_cumsum3A_645 masked %or3A_650 {strides = array<i32>} : memref<4144xf32, #tpu.memory_space<vmem>>, vector<16xf32>, vector<16xi1>
        %mul3A_659 = arith.constant 4000 : i32
        %mul3A_660 = arith.muli %scan3A_158, %mul3A_659 : i32
        %add3A_661 = arith.addi %mul3A_660, %mul3A_605 : i32
        %add3A_662 = vector.broadcast %add3A_661 : i32 to vector<16xi32>
        %add3A_663 = arith.addi %iota3A, %add3A_662 : vector<16xi32>
        %swap3A_664 = arith.index_cast %add3A_652 : i32 to index
        %swap3A_665 = tpu.vector_load %arg14[%swap3A_664] masked %or3A_650 {strides = array<i32>} : memref<4144xi32, #tpu.memory_space<vmem>>, vector<16xi32>, vector<16xi1>
        tpu.vector_store %arg14[%swap3A_664], %add3A_663 masked %or3A_650 {strides = array<i32>} : memref<4144xi32, #tpu.memory_space<vmem>>, vector<16xi32>, vector<16xi1>
        %all_reduce_population_count3A_666 = tpu.all_reduce %or3A_650 {dim = 0 : i64, kind = #tpu.reduction_kind<sum>} : vector<16xi1> -> vector<16xi32>
        %slice3A_667 = vector.extract_strided_slice %all_reduce_population_count3A_666 {offsets = [0], sizes = [1], strides = [1]} : vector<16xi32> to vector<1xi32>
        %squeeze3A_668 = vector.extract %slice3A_667[0] : i32 from vector<1xi32>
        %add3A_669 = arith.addi %add3A_599, %squeeze3A_668 : i32
        scf.yield %add3A_669 : i32
      }
      %scan3A_221 = arith.constant 50 : i32
      %mul3A_222 = arith.constant 4016 : i32
      %mul3A_223 = arith.muli %and3A_163, %mul3A_222 : i32
      %add3A_224 = arith.constant 4000 : i32
      %add3A_225 = arith.addi %mul3A_223, %add3A_224 : i32
      %sub3A_226 = arith.constant 1 : i32
      %sub3A_227 = arith.subi %add3A_225, %sub3A_226 : i32
      %get3A_228 = arith.index_cast %sub3A_227 : i32 to index
      %get3A_229 = tpu.vector_load %arg8[%get3A_228] {strides = array<i32>} : memref<8032xi32, #tpu.memory_space<vmem>>, vector<16xi32>,
      %slice3A_230 = vector.extract_strided_slice %get3A_229 {offsets = [0], sizes = [1], strides = [1]} : vector<16xi32> to vector<1xi32>
      %squeeze3A_231 = vector.extract %slice3A_230[0] : i32 from vector<1xi32>
      %slice3A_232 = vector.extract_strided_slice %get3A_229 {offsets = [1], sizes = [1], strides = [1]} : vector<16xi32> to vector<1xi32>
      %squeeze3A_233 = vector.extract %slice3A_232[0] : i32 from vector<1xi32>
      %eq3A_234 = arith.cmpi eq, %squeeze3A_231, %squeeze3A_233 : i32
      %sub3A_235 = arith.constant 1 : i32
      %sub3A_236 = arith.subi %scan3A_220, %sub3A_235 : i32
      %jit3A_237 = arith.constant -2 : i32
      %select_n3A_238 = arith.select %eq3A_234, %sub3A_236, %jit3A_237 : i32
      %add3A_239 = arith.constant 16 : i32
      %add3A_240 = arith.addi %add3A_239, %scan3A_220 : i32
      %add3A_241 = arith.constant 0 : i32
      %add3A_242 = arith.addi %add3A_240, %add3A_241 : i32
      %swap3A_243 = arith.index_cast %add3A_242 : i32 to index
      %swap3A_244 = tpu.vector_load %arg11[%swap3A_243] {strides = array<i32>} : memref<4144xi32, #tpu.memory_space<vmem>>, vector<16xi32>,
      tpu.vector_store %arg11[%swap3A_243], %broadcast_in_dim3A_3 {strides = array<i32>} : memref<4144xi32, #tpu.memory_space<vmem>>, vector<16xi32>,
      %add3A_245 = arith.constant 16 : i32
      %add3A_246 = arith.addi %add3A_245, %scan3A_220 : i32
      %add3A_247 = arith.constant 16 : i32
      %add3A_248 = arith.addi %add3A_246, %add3A_247 : i32
      %swap3A_249 = arith.index_cast %add3A_248 : i32 to index
      %swap3A_250 = tpu.vector_load %arg11[%swap3A_249] {strides = array<i32>} : memref<4144xi32, #tpu.memory_space<vmem>>, vector<16xi32>,
      tpu.vector_store %arg11[%swap3A_249], %broadcast_in_dim3A_3 {strides = array<i32>} : memref<4144xi32, #tpu.memory_space<vmem>>, vector<16xi32>,
      %add3A_251 = arith.constant 16 : i32
      %add3A_252 = arith.addi %add3A_251, %scan3A_220 : i32
      %add3A_253 = arith.constant 32 : i32
      %add3A_254 = arith.addi %add3A_252, %add3A_253 : i32
      %swap3A_255 = arith.index_cast %add3A_254 : i32 to index
      %swap3A_256 = tpu.vector_load %arg11[%swap3A_255] {strides = array<i32>} : memref<4144xi32, #tpu.memory_space<vmem>>, vector<16xi32>,
      tpu.vector_store %arg11[%swap3A_255], %broadcast_in_dim3A_3 {strides = array<i32>} : memref<4144xi32, #tpu.memory_space<vmem>>, vector<16xi32>,
      %add3A_257 = arith.constant 16 : i32
      %add3A_258 = arith.addi %add3A_257, %scan3A_220 : i32
      %add3A_259 = arith.constant 48 : i32
      %add3A_260 = arith.addi %add3A_258, %add3A_259 : i32
      %swap3A_261 = arith.index_cast %add3A_260 : i32 to index
      %swap3A_262 = tpu.vector_load %arg11[%swap3A_261] {strides = array<i32>} : memref<4144xi32, #tpu.memory_space<vmem>>, vector<16xi32>,
      tpu.vector_store %arg11[%swap3A_261], %broadcast_in_dim3A_3 {strides = array<i32>} : memref<4144xi32, #tpu.memory_space<vmem>>, vector<16xi32>,
      %add3A_263 = arith.constant 16 : i32
      %add3A_264 = arith.addi %add3A_263, %scan3A_220 : i32
      %add3A_265 = arith.constant 64 : i32
      %add3A_266 = arith.addi %add3A_264, %add3A_265 : i32
      %swap3A_267 = arith.index_cast %add3A_266 : i32 to index
      %swap3A_268 = tpu.vector_load %arg11[%swap3A_267] {strides = array<i32>} : memref<4144xi32, #tpu.memory_space<vmem>>, vector<16xi32>,
      tpu.vector_store %arg11[%swap3A_267], %broadcast_in_dim3A_3 {strides = array<i32>} : memref<4144xi32, #tpu.memory_space<vmem>>, vector<16xi32>,
      %add3A_269 = arith.constant 16 : i32
      %add3A_270 = arith.addi %add3A_269, %scan3A_220 : i32
      %add3A_271 = arith.constant 80 : i32
      %add3A_272 = arith.addi %add3A_270, %add3A_271 : i32
      %swap3A_273 = arith.index_cast %add3A_272 : i32 to index
      %swap3A_274 = tpu.vector_load %arg11[%swap3A_273] {strides = array<i32>} : memref<4144xi32, #tpu.memory_space<vmem>>, vector<16xi32>,
      tpu.vector_store %arg11[%swap3A_273], %broadcast_in_dim3A_3 {strides = array<i32>} : memref<4144xi32, #tpu.memory_space<vmem>>, vector<16xi32>,
      %add3A_275 = arith.constant 16 : i32
      %add3A_276 = arith.addi %add3A_275, %scan3A_220 : i32
      %add3A_277 = arith.constant 96 : i32
      %add3A_278 = arith.addi %add3A_276, %add3A_277 : i32
      %swap3A_279 = arith.index_cast %add3A_278 : i32 to index
      %swap3A_280 = tpu.vector_load %arg11[%swap3A_279] {strides = array<i32>} : memref<4144xi32, #tpu.memory_space<vmem>>, vector<16xi32>,
      tpu.vector_store %arg11[%swap3A_279], %broadcast_in_dim3A_3 {strides = array<i32>} : memref<4144xi32, #tpu.memory_space<vmem>>, vector<16xi32>,
      %add3A_281 = arith.constant 16 : i32
      %add3A_282 = arith.addi %add3A_281, %scan3A_220 : i32
      %add3A_283 = arith.constant 112 : i32
      %add3A_284 = arith.addi %add3A_282, %add3A_283 : i32
      %swap3A_285 = arith.index_cast %add3A_284 : i32 to index
      %swap3A_286 = tpu.vector_load %arg11[%swap3A_285] {strides = array<i32>} : memref<4144xi32, #tpu.memory_space<vmem>>, vector<16xi32>,
      tpu.vector_store %arg11[%swap3A_285], %broadcast_in_dim3A_3 {strides = array<i32>} : memref<4144xi32, #tpu.memory_space<vmem>>, vector<16xi32>,
      %add3A_287 = arith.constant 127 : i32
      %add3A_288 = arith.addi %scan3A_220, %add3A_287 : i32
      %shift_right_logical3A = arith.constant 7 : i32
      %shift_right_logical3A_289 = arith.shrui %add3A_288, %shift_right_logical3A : i32
      %while3A = arith.constant 0 : i32
      %while3A_290 = arith.subi %shift_right_logical3A_289, %while3A : i32
      %while3A_291 = arith.addi %while3A, %while3A_290 : i32
      %while3A_292 = arith.constant 1 : i32
      %while3A_293 = arith.divsi %while3A_290, %while3A_292 : i32
      %while3A_294 = arith.muli %while3A_293, %while3A_292 : i32
      %while3A_295 = arith.addi %while3A, %while3A_294 : i32
      %while3A_296 = arith.constant 1 : i32
      %while3A_297 = scf.for %while3A_324 = %while3A to %while3A_295 step %while3A_296 iter_args(%while3A_325 = %scan3A_160) -> (i32)  : i32 {
        %mul3A_326 = arith.constant 128 : i32
        %mul3A_327 = arith.muli %while3A_324, %mul3A_326 : i32
        %add3A_328 = arith.constant 16 : i32
        %add3A_329 = arith.addi %add3A_328, %mul3A_327 : i32
        %add3A_330 = arith.constant 0 : i32
        %add3A_331 = arith.addi %add3A_329, %add3A_330 : i32
        %get3A_332 = arith.index_cast %add3A_331 : i32 to index
        %get3A_333 = tpu.vector_load %arg11[%get3A_332] {strides = array<i32>} : memref<4144xi32, #tpu.memory_space<vmem>>, vector<16xi32>,
        %add3A_334 = arith.constant 1 : i32
        %add3A_335 = arith.addi %add3A_331, %add3A_334 : i32
        %get3A_336 = arith.index_cast %add3A_335 : i32 to index
        %get3A_337 = tpu.vector_load %arg11[%get3A_336] {strides = array<i32>} : memref<4144xi32, #tpu.memory_space<vmem>>, vector<16xi32>,
        %get3A_338 = arith.index_cast %add3A_331 : i32 to index
        %get3A_339 = tpu.vector_load %arg13[%get3A_338] {strides = array<i32>} : memref<4144xf32, #tpu.memory_space<vmem>>, vector<16xf32>,
        %sub3A_340 = arith.constant 1 : i32
        %sub3A_341 = arith.subi %add3A_331, %sub3A_340 : i32
        %get3A_342 = arith.index_cast %sub3A_341 : i32 to index
        %get3A_343 = tpu.vector_load %arg13[%get3A_342] {strides = array<i32>} : memref<4144xf32, #tpu.memory_space<vmem>>, vector<16xf32>,
        %get3A_344 = arith.index_cast %add3A_331 : i32 to index
        %get3A_345 = tpu.vector_load %arg14[%get3A_344] {strides = array<i32>} : memref<4144xi32, #tpu.memory_space<vmem>>, vector<16xi32>,
        %sub3A_346 = arith.constant 1 : i32
        %sub3A_347 = arith.subi %add3A_331, %sub3A_346 : i32
        %get3A_348 = arith.index_cast %sub3A_347 : i32 to index
        %get3A_349 = tpu.vector_load %arg14[%get3A_348] {strides = array<i32>} : memref<4144xi32, #tpu.memory_space<vmem>>, vector<16xi32>,
        %shift_right_arithmetic3A = arith.constant 4 : i32
        %shift_right_arithmetic3A_350 = vector.broadcast %shift_right_arithmetic3A : i32 to vector<16xi32>
        %shift_right_arithmetic3A_351 = arith.shrsi %get3A_345, %shift_right_arithmetic3A_350 : vector<16xi32>
        %shift_right_arithmetic3A_352 = arith.constant 4 : i32
        %shift_right_arithmetic3A_353 = vector.broadcast %shift_right_arithmetic3A_352 : i32 to vector<16xi32>
        %shift_right_arithmetic3A_354 = arith.shrsi %get3A_349, %shift_right_arithmetic3A_353 : vector<16xi32>
        %eq3A_355 = arith.cmpi eq, %shift_right_arithmetic3A_351, %shift_right_arithmetic3A_354 : vector<16xi32>
        %jit3A_356 = arith.constant 0.000000e+00 : f32
        %broadcast_in_dim3A_357 = vector.broadcast %jit3A_356 : f32 to vector<16xf32>
        %select_n3A_358 = arith.select %eq3A_355, %get3A_343, %broadcast_in_dim3A_357 : vector<16xi1>, vector<16xf32>
        %get3A_359 = arith.index_cast %add3A_331 : i32 to index
        %get3A_360 = tpu.vector_load %arg12[%get3A_359] {strides = array<i32>} : memref<4144xi32, #tpu.memory_space<vmem>>, vector<16xi32>,
        %broadcast_in_dim3A_361 = vector.broadcast %while3A_325 : i32 to vector<16xi32>
        %max3A_362 = arith.maxsi %get3A_360, %broadcast_in_dim3A_361 : vector<16xi32>
        %broadcast_in_dim3A_363 = arith.constant true
        %broadcast_in_dim3A_364 = vector.broadcast %broadcast_in_dim3A_363 : i1 to vector<16xi1>
        %masked_cummax3A = arith.constant -2147483648 : i32
        %masked_cummax3A_365 = vector.broadcast %masked_cummax3A : i32 to vector<16xi32>
        %masked_cummax3A_366 = arith.xori %max3A_362, %masked_cummax3A_365 : vector<16xi32>
        %masked_cummax3A_367 = tpu.scan <max>, %masked_cummax3A_366 masked %broadcast_in_dim3A_364 : vector<16xi32>, vector<16xi1> -> vector<16xi32>
        %masked_cummax3A_368 = arith.xori %masked_cummax3A_367, %masked_cummax3A_365 : vector<16xi32>
        %swap3A_369 = arith.index_cast %add3A_331 : i32 to index
        %swap3A_370 = tpu.vector_load %arg12[%swap3A_369] {strides = array<i32>} : memref<4144xi32, #tpu.memory_space<vmem>>, vector<16xi32>,
        tpu.vector_store %arg12[%swap3A_369], %masked_cummax3A_368 {strides = array<i32>} : memref<4144xi32, #tpu.memory_space<vmem>>, vector<16xi32>,
        %mul3A_371 = arith.constant 128 : i32
        %mul3A_372 = arith.muli %while3A_324, %mul3A_371 : i32
        %add3A_373 = arith.constant 0 : i32
        %add3A_374 = arith.addi %mul3A_372, %add3A_373 : i32
        %add3A_375 = vector.broadcast %add3A_374 : i32 to vector<16xi32>
        %add3A_376 = arith.addi %iota3A, %add3A_375 : vector<16xi32>
        %ne3A = arith.cmpi ne, %get3A_333, %get3A_337 : vector<16xi32>
        %ne3A_377 = vector.broadcast %select_n3A_238 : i32 to vector<16xi32>
        %ne3A_378 = arith.cmpi ne, %add3A_376, %ne3A_377 : vector<16xi32>
        %and3A_379 = arith.andi %ne3A, %ne3A_378 : vector<16xi1>
        %swap3A_380 = arith.index_cast %while3A_324 : i32 to index
        %swap3A_381 = arith.constant 0 : index
        %swap3A_382 = tpu.vector_load %arg15[%swap3A_380, %swap3A_381] {strides = array<i32>} : memref<32x128xi32, #tpu.memory_space<vmem>>, vector<16xi32>,
        tpu.vector_store %arg15[%swap3A_380, %swap3A_381], %get3A_333 {strides = array<i32>} : memref<32x128xi32, #tpu.memory_space<vmem>>, vector<16xi32>,
        %eq3A_383 = arith.cmpi eq, %get3A_333, %broadcast_in_dim3A_72 : vector<16xi32>
        %select_n3A_384 = arith.select %eq3A_383, %broadcast_in_dim3A_75, %get3A_333 : vector<16xi1>, vector<16xi32>
        %select_n3A_385 = arith.select %and3A_379, %select_n3A_384, %broadcast_in_dim3A_3 : vector<16xi1>, vector<16xi32>
        %swap3A_386 = arith.index_cast %while3A_324 : i32 to index
        %swap3A_387 = arith.constant 0 : index
        %swap3A_388 = tpu.vector_load %arg16[%swap3A_386, %swap3A_387] {strides = array<i32>} : memref<32x128xi32, #tpu.memory_space<vmem>>, vector<16xi32>,
        tpu.vector_store %arg16[%swap3A_386, %swap3A_387], %select_n3A_385 {strides = array<i32>} : memref<32x128xi32, #tpu.memory_space<vmem>>, vector<16xi32>,
        %sub3A_389 = arith.subf %get3A_339, %select_n3A_358 : vector<16xf32>
        %swap3A_390 = arith.index_cast %while3A_324 : i32 to index
        %swap3A_391 = arith.constant 0 : index
        %swap3A_392 = tpu.vector_load %arg17[%swap3A_390, %swap3A_391] {strides = array<i32>} : memref<32x128xf32, #tpu.memory_space<vmem>>, vector<16xf32>,
        tpu.vector_store %arg17[%swap3A_390, %swap3A_391], %sub3A_389 {strides = array<i32>} : memref<32x128xf32, #tpu.memory_space<vmem>>, vector<16xf32>,
        %sub3A_393 = arith.subi %get3A_345, %get3A_349 : vector<16xi32>
        %convert_element_type3A_394 = arith.sitofp %sub3A_393 : vector<16xi32> to vector<16xf32>
        %swap3A_395 = arith.index_cast %while3A_324 : i32 to index
        %swap3A_396 = arith.constant 0 : index
        %swap3A_397 = tpu.vector_load %arg18[%swap3A_395, %swap3A_396] {strides = array<i32>} : memref<32x128xf32, #tpu.memory_space<vmem>>, vector<16xf32>,
        tpu.vector_store %arg18[%swap3A_395, %swap3A_396], %convert_element_type3A_394 {strides = array<i32>} : memref<32x128xf32, #tpu.memory_space<vmem>>, vector<16xf32>,
        %and3A_398 = arith.constant 16383 : i32
        %and3A_399 = vector.broadcast %and3A_398 : i32 to vector<16xi32>
        %and3A_400 = arith.andi %masked_cummax3A_368, %and3A_399 : vector<16xi32>
        %convert_element_type3A_401 = arith.sitofp %and3A_400 : vector<16xi32> to vector<16xf32>
        %mul3A_402 = arith.constant 6.10351563E-5 : f32
        %mul3A_403 = vector.broadcast %mul3A_402 : f32 to vector<16xf32>
        %mul3A_404 = arith.mulf %convert_element_type3A_401, %mul3A_403 : vector<16xf32>
        %swap3A_405 = arith.index_cast %while3A_324 : i32 to index
        %swap3A_406 = arith.constant 0 : index
        %swap3A_407 = tpu.vector_load %arg19[%swap3A_405, %swap3A_406] {strides = array<i32>} : memref<32x128xf32, #tpu.memory_space<vmem>>, vector<16xf32>,
        tpu.vector_store %arg19[%swap3A_405, %swap3A_406], %mul3A_404 {strides = array<i32>} : memref<32x128xf32, #tpu.memory_space<vmem>>, vector<16xf32>,
        %slice3A_408 = vector.extract_strided_slice %masked_cummax3A_368 {offsets = [15], sizes = [1], strides = [1]} : vector<16xi32> to vector<1xi32>
        %squeeze3A_409 = vector.extract %slice3A_408[0] : i32 from vector<1xi32>
        %mul3A_410 = arith.constant 128 : i32
        %mul3A_411 = arith.muli %while3A_324, %mul3A_410 : i32
        %add3A_412 = arith.constant 16 : i32
        %add3A_413 = arith.addi %add3A_412, %mul3A_411 : i32
        %add3A_414 = arith.constant 16 : i32
        %add3A_415 = arith.addi %add3A_413, %add3A_414 : i32
        %get3A_416 = arith.index_cast %add3A_415 : i32 to index
        %get3A_417 = tpu.vector_load %arg11[%get3A_416] {strides = array<i32>} : memref<4144xi32, #tpu.memory_space<vmem>>, vector<16xi32>,
        %add3A_418 = arith.constant 1 : i32
        %add3A_419 = arith.addi %add3A_415, %add3A_418 : i32
        %get3A_420 = arith.index_cast %add3A_419 : i32 to index
        %get3A_421 = tpu.vector_load %arg11[%get3A_420] {strides = array<i32>} : memref<4144xi32, #tpu.memory_space<vmem>>, vector<16xi32>,
        %get3A_422 = arith.index_cast %add3A_415 : i32 to index
        %get3A_423 = tpu.vector_load %arg13[%get3A_422] {strides = array<i32>} : memref<4144xf32, #tpu.memory_space<vmem>>, vector<16xf32>,
        %sub3A_424 = arith.constant 1 : i32
        %sub3A_425 = arith.subi %add3A_415, %sub3A_424 : i32
        %get3A_426 = arith.index_cast %sub3A_425 : i32 to index
        %get3A_427 = tpu.vector_load %arg13[%get3A_426] {strides = array<i32>} : memref<4144xf32, #tpu.memory_space<vmem>>, vector<16xf32>,
        %get3A_428 = arith.index_cast %add3A_415 : i32 to index
        %get3A_429 = tpu.vector_load %arg14[%get3A_428] {strides = array<i32>} : memref<4144xi32, #tpu.memory_space<vmem>>, vector<16xi32>,
        %sub3A_430 = arith.constant 1 : i32
        %sub3A_431 = arith.subi %add3A_415, %sub3A_430 : i32
        %get3A_432 = arith.index_cast %sub3A_431 : i32 to index
        %get3A_433 = tpu.vector_load %arg14[%get3A_432] {strides = array<i32>} : memref<4144xi32, #tpu.memory_space<vmem>>, vector<16xi32>,
        %shift_right_arithmetic3A_434 = arith.constant 4 : i32
        %shift_right_arithmetic3A_435 = vector.broadcast %shift_right_arithmetic3A_434 : i32 to vector<16xi32>
        %shift_right_arithmetic3A_436 = arith.shrsi %get3A_429, %shift_right_arithmetic3A_435 : vector<16xi32>
        %shift_right_arithmetic3A_437 = arith.constant 4 : i32
        %shift_right_arithmetic3A_438 = vector.broadcast %shift_right_arithmetic3A_437 : i32 to vector<16xi32>
        %shift_right_arithmetic3A_439 = arith.shrsi %get3A_433, %shift_right_arithmetic3A_438 : vector<16xi32>
        %eq3A_440 = arith.cmpi eq, %shift_right_arithmetic3A_436, %shift_right_arithmetic3A_439 : vector<16xi32>
        %jit3A_441 = arith.constant 0.000000e+00 : f32
        %broadcast_in_dim3A_442 = vector.broadcast %jit3A_441 : f32 to vector<16xf32>
        %select_n3A_443 = arith.select %eq3A_440, %get3A_427, %broadcast_in_dim3A_442 : vector<16xi1>, vector<16xf32>
        %get3A_444 = arith.index_cast %add3A_415 : i32 to index
        %get3A_445 = tpu.vector_load %arg12[%get3A_444] {strides = array<i32>} : memref<4144xi32, #tpu.memory_space<vmem>>, vector<16xi32>,
        %broadcast_in_dim3A_446 = vector.broadcast %squeeze3A_409 : i32 to vector<16xi32>
        %max3A_447 = arith.maxsi %get3A_445, %broadcast_in_dim3A_446 : vector<16xi32>
        %broadcast_in_dim3A_448 = arith.constant true
        %broadcast_in_dim3A_449 = vector.broadcast %broadcast_in_dim3A_448 : i1 to vector<16xi1>
        %masked_cummax3A_450 = arith.constant -2147483648 : i32
        %masked_cummax3A_451 = vector.broadcast %masked_cummax3A_450 : i32 to vector<16xi32>
        %masked_cummax3A_452 = arith.xori %max3A_447, %masked_cummax3A_451 : vector<16xi32>
        %masked_cummax3A_453 = tpu.scan <max>, %masked_cummax3A_452 masked %broadcast_in_dim3A_449 : vector<16xi32>, vector<16xi1> -> vector<16xi32>
        %masked_cummax3A_454 = arith.xori %masked_cummax3A_453, %masked_cummax3A_451 : vector<16xi32>
        %swap3A_455 = arith.index_cast %add3A_415 : i32 to index
        %swap3A_456 = tpu.vector_load %arg12[%swap3A_455] {strides = array<i32>} : memref<4144xi32, #tpu.memory_space<vmem>>, vector<16xi32>,
        tpu.vector_store %arg12[%swap3A_455], %masked_cummax3A_454 {strides = array<i32>} : memref<4144xi32, #tpu.memory_space<vmem>>, vector<16xi32>,
        %mul3A_457 = arith.constant 128 : i32
        %mul3A_458 = arith.muli %while3A_324, %mul3A_457 : i32
        %add3A_459 = arith.constant 16 : i32
        %add3A_460 = arith.addi %mul3A_458, %add3A_459 : i32
        %add3A_461 = vector.broadcast %add3A_460 : i32 to vector<16xi32>
        %add3A_462 = arith.addi %iota3A, %add3A_461 : vector<16xi32>
        %ne3A_463 = arith.cmpi ne, %get3A_417, %get3A_421 : vector<16xi32>
        %ne3A_464 = vector.broadcast %select_n3A_238 : i32 to vector<16xi32>
        %ne3A_465 = arith.cmpi ne, %add3A_462, %ne3A_464 : vector<16xi32>
        %and3A_466 = arith.andi %ne3A_463, %ne3A_465 : vector<16xi1>
        %swap3A_467 = arith.index_cast %while3A_324 : i32 to index
        %swap3A_468 = arith.constant 16 : index
        %swap3A_469 = tpu.vector_load %arg15[%swap3A_467, %swap3A_468] {strides = array<i32>} : memref<32x128xi32, #tpu.memory_space<vmem>>, vector<16xi32>,
        tpu.vector_store %arg15[%swap3A_467, %swap3A_468], %get3A_417 {strides = array<i32>} : memref<32x128xi32, #tpu.memory_space<vmem>>, vector<16xi32>,
        %eq3A_470 = arith.cmpi eq, %get3A_417, %broadcast_in_dim3A_72 : vector<16xi32>
        %select_n3A_471 = arith.select %eq3A_470, %broadcast_in_dim3A_75, %get3A_417 : vector<16xi1>, vector<16xi32>
        %select_n3A_472 = arith.select %and3A_466, %select_n3A_471, %broadcast_in_dim3A_3 : vector<16xi1>, vector<16xi32>
        %swap3A_473 = arith.index_cast %while3A_324 : i32 to index
        %swap3A_474 = arith.constant 16 : index
        %swap3A_475 = tpu.vector_load %arg16[%swap3A_473, %swap3A_474] {strides = array<i32>} : memref<32x128xi32, #tpu.memory_space<vmem>>, vector<16xi32>,
        tpu.vector_store %arg16[%swap3A_473, %swap3A_474], %select_n3A_472 {strides = array<i32>} : memref<32x128xi32, #tpu.memory_space<vmem>>, vector<16xi32>,
        %sub3A_476 = arith.subf %get3A_423, %select_n3A_443 : vector<16xf32>
        %swap3A_477 = arith.index_cast %while3A_324 : i32 to index
        %swap3A_478 = arith.constant 16 : index
        %swap3A_479 = tpu.vector_load %arg17[%swap3A_477, %swap3A_478] {strides = array<i32>} : memref<32x128xf32, #tpu.memory_space<vmem>>, vector<16xf32>,
        tpu.vector_store %arg17[%swap3A_477, %swap3A_478], %sub3A_476 {strides = array<i32>} : memref<32x128xf32, #tpu.memory_space<vmem>>, vector<16xf32>,
        %sub3A_480 = arith.subi %get3A_429, %get3A_433 : vector<16xi32>
        %convert_element_type3A_481 = arith.sitofp %sub3A_480 : vector<16xi32> to vector<16xf32>
        %swap3A_482 = arith.index_cast %while3A_324 : i32 to index
        %swap3A_483 = arith.constant 16 : index
        %swap3A_484 = tpu.vector_load %arg18[%swap3A_482, %swap3A_483] {strides = array<i32>} : memref<32x128xf32, #tpu.memory_space<vmem>>, vector<16xf32>,
        tpu.vector_store %arg18[%swap3A_482, %swap3A_483], %convert_element_type3A_481 {strides = array<i32>} : memref<32x128xf32, #tpu.memory_space<vmem>>, vector<16xf32>,
        %and3A_485 = arith.constant 16383 : i32
        %and3A_486 = vector.broadcast %and3A_485 : i32 to vector<16xi32>
        %and3A_487 = arith.andi %masked_cummax3A_454, %and3A_486 : vector<16xi32>
        %convert_element_type3A_488 = arith.sitofp %and3A_487 : vector<16xi32> to vector<16xf32>
        %mul3A_489 = arith.constant 6.10351563E-5 : f32
        %mul3A_490 = vector.broadcast %mul3A_489 : f32 to vector<16xf32>
        %mul3A_491 = arith.mulf %convert_element_type3A_488, %mul3A_490 : vector<16xf32>
        %swap3A_492 = arith.index_cast %while3A_324 : i32 to index
        %swap3A_493 = arith.constant 16 : index
        %swap3A_494 = tpu.vector_load %arg19[%swap3A_492, %swap3A_493] {strides = array<i32>} : memref<32x128xf32, #tpu.memory_space<vmem>>, vector<16xf32>,
        tpu.vector_store %arg19[%swap3A_492, %swap3A_493], %mul3A_491 {strides = array<i32>} : memref<32x128xf32, #tpu.memory_space<vmem>>, vector<16xf32>,
        %slice3A_495 = vector.extract_strided_slice %masked_cummax3A_454 {offsets = [15], sizes = [1], strides = [1]} : vector<16xi32> to vector<1xi32>
        %squeeze3A_496 = vector.extract %slice3A_495[0] : i32 from vector<1xi32>
        %mul3A_497 = arith.constant 128 : i32
        %mul3A_498 = arith.muli %while3A_324, %mul3A_497 : i32
        %add3A_499 = arith.constant 16 : i32
        %add3A_500 = arith.addi %add3A_499, %mul3A_498 : i32
        %add3A_501 = arith.constant 32 : i32
        %add3A_502 = arith.addi %add3A_500, %add3A_501 : i32
        %get3A_503 = arith.index_cast %add3A_502 : i32 to index
        %get3A_504 = tpu.vector_load %arg11[%get3A_503] {strides = array<i32>} : memref<4144xi32, #tpu.memory_space<vmem>>, vector<16xi32>,
        %add3A_505 = arith.constant 1 : i32
        %add3A_506 = arith.addi %add3A_502, %add3A_505 : i32
        %get3A_507 = arith.index_cast %add3A_506 : i32 to index
        %get3A_508 = tpu.vector_load %arg11[%get3A_507] {strides = array<i32>} : memref<4144xi32, #tpu.memory_space<vmem>>, vector<16xi32>,
        %get3A_509 = arith.index_cast %add3A_502 : i32 to index
        %get3A_510 = tpu.vector_load %arg13[%get3A_509] {strides = array<i32>} : memref<4144xf32, #tpu.memory_space<vmem>>, vector<16xf32>,
        %sub3A_511 = arith.constant 1 : i32
        %sub3A_512 = arith.subi %add3A_502, %sub3A_511 : i32
        %get3A_513 = arith.index_cast %sub3A_512 : i32 to index
        %get3A_514 = tpu.vector_load %arg13[%get3A_513] {strides = array<i32>} : memref<4144xf32, #tpu.memory_space<vmem>>, vector<16xf32>,
        %get3A_515 = arith.index_cast %add3A_502 : i32 to index
        %get3A_516 = tpu.vector_load %arg14[%get3A_515] {strides = array<i32>} : memref<4144xi32, #tpu.memory_space<vmem>>, vector<16xi32>,
        %sub3A_517 = arith.constant 1 : i32
        %sub3A_518 = arith.subi %add3A_502, %sub3A_517 : i32
        %get3A_519 = arith.index_cast %sub3A_518 : i32 to index
        %get3A_520 = tpu.vector_load %arg14[%get3A_519] {strides = array<i32>} : memref<4144xi32, #tpu.memory_space<vmem>>, vector<16xi32>,
        %shift_right_arithmetic3A_521 = arith.constant 4 : i32
        %shift_right_arithmetic3A_522 = vector.broadcast %shift_right_arithmetic3A_521 : i32 to vector<16xi32>
        %shift_right_arithmetic3A_523 = arith.shrsi %get3A_516, %shift_right_arithmetic3A_522 : vector<16xi32>
        %shift_right_arithmetic3A_524 = arith.constant 4 : i32
        %shift_right_arithmetic3A_525 = vector.broadcast %shift_right_arithmetic3A_524 : i32 to vector<16xi32>
        %shift_right_arithmetic3A_526 = arith.shrsi %get3A_520, %shift_right_arithmetic3A_525 : vector<16xi32>
        %eq3A_527 = arith.cmpi eq, %shift_right_arithmetic3A_523, %shift_right_arithmetic3A_526 : vector<16xi32>
        %jit3A_528 = arith.constant 0.000000e+00 : f32
        %broadcast_in_dim3A_529 = vector.broadcast %jit3A_528 : f32 to vector<16xf32>
        %select_n3A_530 = arith.select %eq3A_527, %get3A_514, %broadcast_in_dim3A_529 : vector<16xi1>, vector<16xf32>
        %get3A_531 = arith.index_cast %add3A_502 : i32 to index
        %get3A_532 = tpu.vector_load %arg12[%get3A_531] {strides = array<i32>} : memref<4144xi32, #tpu.memory_space<vmem>>, vector<16xi32>,
        %broadcast_in_dim3A_533 = vector.broadcast %squeeze3A_496 : i32 to vector<16xi32>
        %max3A_534 = arith.maxsi %get3A_532, %broadcast_in_dim3A_533 : vector<16xi32>
        %broadcast_in_dim3A_535 = arith.constant true
        %broadcast_in_dim3A_536 = vector.broadcast %broadcast_in_dim3A_535 : i1 to vector<16xi1>
        %masked_cummax3A_537 = arith.constant -2147483648 : i32
        %masked_cummax3A_538 = vector.broadcast %masked_cummax3A_537 : i32 to vector<16xi32>
        %masked_cummax3A_539 = arith.xori %max3A_534, %masked_cummax3A_538 : vector<16xi32>
        %masked_cummax3A_540 = tpu.scan <max>, %masked_cummax3A_539 masked %broadcast_in_dim3A_536 : vector<16xi32>, vector<16xi1> -> vector<16xi32>
        %masked_cummax3A_541 = arith.xori %masked_cummax3A_540, %masked_cummax3A_538 : vector<16xi32>
        %swap3A_542 = arith.index_cast %add3A_502 : i32 to index
        %swap3A_543 = tpu.vector_load %arg12[%swap3A_542] {strides = array<i32>} : memref<4144xi32, #tpu.memory_space<vmem>>, vector<16xi32>,
        tpu.vector_store %arg12[%swap3A_542], %masked_cummax3A_541 {strides = array<i32>} : memref<4144xi32, #tpu.memory_space<vmem>>, vector<16xi32>,
        %mul3A_544 = arith.constant 128 : i32
        %mul3A_545 = arith.muli %while3A_324, %mul3A_544 : i32
        %add3A_546 = arith.constant 32 : i32
        %add3A_547 = arith.addi %mul3A_545, %add3A_546 : i32
        %add3A_548 = vector.broadcast %add3A_547 : i32 to vector<16xi32>
        %add3A_549 = arith.addi %iota3A, %add3A_548 : vector<16xi32>
        %ne3A_550 = arith.cmpi ne, %get3A_504, %get3A_508 : vector<16xi32>
        %ne3A_551 = vector.broadcast %select_n3A_238 : i32 to vector<16xi32>
        %ne3A_552 = arith.cmpi ne, %add3A_549, %ne3A_551 : vector<16xi32>
        %and3A_553 = arith.andi %ne3A_550, %ne3A_552 : vector<16xi1>
        %swap3A_554 = arith.index_cast %while3A_324 : i32 to index
        %swap3A_555 = arith.constant 32 : index
        %swap3A_556 = tpu.vector_load %arg15[%swap3A_554, %swap3A_555] {strides = array<i32>} : memref<32x128xi32, #tpu.memory_space<vmem>>, vector<16xi32>,
        tpu.vector_store %arg15[%swap3A_554, %swap3A_555], %get3A_504 {strides = array<i32>} : memref<32x128xi32, #tpu.memory_space<vmem>>, vector<16xi32>,
        %eq3A_557 = arith.cmpi eq, %get3A_504, %broadcast_in_dim3A_72 : vector<16xi32>
        %select_n3A_558 = arith.select %eq3A_557, %broadcast_in_dim3A_75, %get3A_504 : vector<16xi1>, vector<16xi32>
        %select_n3A_559 = arith.select %and3A_553, %select_n3A_558, %broadcast_in_dim3A_3 : vector<16xi1>, vector<16xi32>
        %swap3A_560 = arith.index_cast %while3A_324 : i32 to index
        %swap3A_561 = arith.constant 32 : index
        %swap3A_562 = tpu.vector_load %arg16[%swap3A_560, %swap3A_561] {strides = array<i32>} : memref<32x128xi32, #tpu.memory_space<vmem>>, vector<16xi32>,
        tpu.vector_store %arg16[%swap3A_560, %swap3A_561], %select_n3A_559 {strides = array<i32>} : memref<32x128xi32, #tpu.memory_space<vmem>>, vector<16xi32>,
        %sub3A_563 = arith.subf %get3A_510, %select_n3A_530 : vector<16xf32>
        %swap3A_564 = arith.index_cast %while3A_324 : i32 to index
        %swap3A_565 = arith.constant 32 : index
        %swap3A_566 = tpu.vector_load %arg17[%swap3A_564, %swap3A_565] {strides = array<i32>} : memref<32x128xf32, #tpu.memory_space<vmem>>, vector<16xf32>,
        tpu.vector_store %arg17[%swap3A_564, %swap3A_565], %sub3A_563 {strides = array<i32>} : memref<32x128xf32, #tpu.memory_space<vmem>>, vector<16xf32>,
        %sub3A_567 = arith.subi %get3A_516, %get3A_520 : vector<16xi32>
        %convert_element_type3A_568 = arith.sitofp %sub3A_567 : vector<16xi32> to vector<16xf32>
        %swap3A_569 = arith.index_cast %while3A_324 : i32 to index
        %swap3A_570 = arith.constant 32 : index
        %swap3A_571 = tpu.vector_load %arg18[%swap3A_569, %swap3A_570] {strides = array<i32>} : memref<32x128xf32, #tpu.memory_space<vmem>>, vector<16xf32>,
        tpu.vector_store %arg18[%swap3A_569, %swap3A_570], %convert_element_type3A_568 {strides = array<i32>} : memref<32x128xf32, #tpu.memory_space<vmem>>, vector<16xf32>,
        %and3A_572 = arith.constant 16383 : i32
        %and3A_573 = vector.broadcast %and3A_572 : i32 to vector<16xi32>
        %and3A_574 = arith.andi %masked_cummax3A_541, %and3A_573 : vector<16xi32>
        %convert_element_type3A_575 = arith.sitofp %and3A_574 : vector<16xi32> to vector<16xf32>
        %mul3A_576 = arith.constant 6.10351563E-5 : f32
        %mul3A_577 = vector.broadcast %mul3A_576 : f32 to vector<16xf32>
        %mul3A_578 = arith.mulf %convert_element_type3A_575, %mul3A_577 : vector<16xf32>
        %swap3A_579 = arith.index_cast %while3A_324 : i32 to index
        %swap3A_580 = arith.constant 32 : index
        %swap3A_581 = tpu.vector_load %arg19[%swap3A_579, %swap3A_580] {strides = array<i32>} : memref<32x128xf32, #tpu.memory_space<vmem>>, vector<16xf32>,
        tpu.vector_store %arg19[%swap3A_579, %swap3A_580], %mul3A_578 {strides = array<i32>} : memref<32x128xf32, #tpu.memory_space<vmem>>, vector<16xf32>,
        %slice3A_582 = vector.extract_strided_slice %masked_cummax3A_541 {offsets = [15], sizes = [1], strides = [1]} : vector<16xi32> to vector<1xi32>
        %squeeze3A_583 = vector.extract %slice3A_582[0] : i32 from vector<1xi32>
        %mul3A_584 = arith.constant 128 : i32
        %mul3A_585 = arith.muli %while3A_324, %mul3A_584 : i32
        %add3A_586 = arith.constant 16 : i32
        %add3A_587 = arith.addi %add3A_586, %mul3A_585 : i32
        %add3A_588 = arith.constant 48 : i32
        %add3A_589 = arith.addi %add3A_587, %add3A_588 : i32
        %get3A_590 = arith.index_cast %add3A_589 : i32 to index
        %get3A_591 = tpu.vector_load %arg11[%get3A_590] {strides = array<i32>} : memref<4144xi32, #tpu.memory_space<vmem>>, vector<16xi32>,
        %add3A_592 = arith.constant 1 : i32
        %add3A_593 = arith.addi %add3A_589, %add3A_592 : i32
        %get3A_594 = arith.index_cast %add3A_593 : i32 to index
        %get3A_595 = tpu.vector_load %arg11[%get3A_594] {strides = array<i32>} : memref<4144xi32, #tpu.memory_space<vmem>>, vector<16xi32>,
        %get3A_596 = arith.index_cast %add3A_589 : i32 to index
        %get3A_597 = tpu.vector_load %arg13[%get3A_596] {strides = array<i32>} : memref<4144xf32, #tpu.memory_space<vmem>>, vector<16xf32>,
        %sub3A_598 = arith.constant 1 : i32
        %sub3A_599 = arith.subi %add3A_589, %sub3A_598 : i32
        %get3A_600 = arith.index_cast %sub3A_599 : i32 to index
        %get3A_601 = tpu.vector_load %arg13[%get3A_600] {strides = array<i32>} : memref<4144xf32, #tpu.memory_space<vmem>>, vector<16xf32>,
        %get3A_602 = arith.index_cast %add3A_589 : i32 to index
        %get3A_603 = tpu.vector_load %arg14[%get3A_602] {strides = array<i32>} : memref<4144xi32, #tpu.memory_space<vmem>>, vector<16xi32>,
        %sub3A_604 = arith.constant 1 : i32
        %sub3A_605 = arith.subi %add3A_589, %sub3A_604 : i32
        %get3A_606 = arith.index_cast %sub3A_605 : i32 to index
        %get3A_607 = tpu.vector_load %arg14[%get3A_606] {strides = array<i32>} : memref<4144xi32, #tpu.memory_space<vmem>>, vector<16xi32>,
        %shift_right_arithmetic3A_608 = arith.constant 4 : i32
        %shift_right_arithmetic3A_609 = vector.broadcast %shift_right_arithmetic3A_608 : i32 to vector<16xi32>
        %shift_right_arithmetic3A_610 = arith.shrsi %get3A_603, %shift_right_arithmetic3A_609 : vector<16xi32>
        %shift_right_arithmetic3A_611 = arith.constant 4 : i32
        %shift_right_arithmetic3A_612 = vector.broadcast %shift_right_arithmetic3A_611 : i32 to vector<16xi32>
        %shift_right_arithmetic3A_613 = arith.shrsi %get3A_607, %shift_right_arithmetic3A_612 : vector<16xi32>
        %eq3A_614 = arith.cmpi eq, %shift_right_arithmetic3A_610, %shift_right_arithmetic3A_613 : vector<16xi32>
        %jit3A_615 = arith.constant 0.000000e+00 : f32
        %broadcast_in_dim3A_616 = vector.broadcast %jit3A_615 : f32 to vector<16xf32>
        %select_n3A_617 = arith.select %eq3A_614, %get3A_601, %broadcast_in_dim3A_616 : vector<16xi1>, vector<16xf32>
        %get3A_618 = arith.index_cast %add3A_589 : i32 to index
        %get3A_619 = tpu.vector_load %arg12[%get3A_618] {strides = array<i32>} : memref<4144xi32, #tpu.memory_space<vmem>>, vector<16xi32>,
        %broadcast_in_dim3A_620 = vector.broadcast %squeeze3A_583 : i32 to vector<16xi32>
        %max3A_621 = arith.maxsi %get3A_619, %broadcast_in_dim3A_620 : vector<16xi32>
        %broadcast_in_dim3A_622 = arith.constant true
        %broadcast_in_dim3A_623 = vector.broadcast %broadcast_in_dim3A_622 : i1 to vector<16xi1>
        %masked_cummax3A_624 = arith.constant -2147483648 : i32
        %masked_cummax3A_625 = vector.broadcast %masked_cummax3A_624 : i32 to vector<16xi32>
        %masked_cummax3A_626 = arith.xori %max3A_621, %masked_cummax3A_625 : vector<16xi32>
        %masked_cummax3A_627 = tpu.scan <max>, %masked_cummax3A_626 masked %broadcast_in_dim3A_623 : vector<16xi32>, vector<16xi1> -> vector<16xi32>
        %masked_cummax3A_628 = arith.xori %masked_cummax3A_627, %masked_cummax3A_625 : vector<16xi32>
        %swap3A_629 = arith.index_cast %add3A_589 : i32 to index
        %swap3A_630 = tpu.vector_load %arg12[%swap3A_629] {strides = array<i32>} : memref<4144xi32, #tpu.memory_space<vmem>>, vector<16xi32>,
        tpu.vector_store %arg12[%swap3A_629], %masked_cummax3A_628 {strides = array<i32>} : memref<4144xi32, #tpu.memory_space<vmem>>, vector<16xi32>,
        %mul3A_631 = arith.constant 128 : i32
        %mul3A_632 = arith.muli %while3A_324, %mul3A_631 : i32
        %add3A_633 = arith.constant 48 : i32
        %add3A_634 = arith.addi %mul3A_632, %add3A_633 : i32
        %add3A_635 = vector.broadcast %add3A_634 : i32 to vector<16xi32>
        %add3A_636 = arith.addi %iota3A, %add3A_635 : vector<16xi32>
        %ne3A_637 = arith.cmpi ne, %get3A_591, %get3A_595 : vector<16xi32>
        %ne3A_638 = vector.broadcast %select_n3A_238 : i32 to vector<16xi32>
        %ne3A_639 = arith.cmpi ne, %add3A_636, %ne3A_638 : vector<16xi32>
        %and3A_640 = arith.andi %ne3A_637, %ne3A_639 : vector<16xi1>
        %swap3A_641 = arith.index_cast %while3A_324 : i32 to index
        %swap3A_642 = arith.constant 48 : index
        %swap3A_643 = tpu.vector_load %arg15[%swap3A_641, %swap3A_642] {strides = array<i32>} : memref<32x128xi32, #tpu.memory_space<vmem>>, vector<16xi32>,
        tpu.vector_store %arg15[%swap3A_641, %swap3A_642], %get3A_591 {strides = array<i32>} : memref<32x128xi32, #tpu.memory_space<vmem>>, vector<16xi32>,
        %eq3A_644 = arith.cmpi eq, %get3A_591, %broadcast_in_dim3A_72 : vector<16xi32>
        %select_n3A_645 = arith.select %eq3A_644, %broadcast_in_dim3A_75, %get3A_591 : vector<16xi1>, vector<16xi32>
        %select_n3A_646 = arith.select %and3A_640, %select_n3A_645, %broadcast_in_dim3A_3 : vector<16xi1>, vector<16xi32>
        %swap3A_647 = arith.index_cast %while3A_324 : i32 to index
        %swap3A_648 = arith.constant 48 : index
        %swap3A_649 = tpu.vector_load %arg16[%swap3A_647, %swap3A_648] {strides = array<i32>} : memref<32x128xi32, #tpu.memory_space<vmem>>, vector<16xi32>,
        tpu.vector_store %arg16[%swap3A_647, %swap3A_648], %select_n3A_646 {strides = array<i32>} : memref<32x128xi32, #tpu.memory_space<vmem>>, vector<16xi32>,
        %sub3A_650 = arith.subf %get3A_597, %select_n3A_617 : vector<16xf32>
        %swap3A_651 = arith.index_cast %while3A_324 : i32 to index
        %swap3A_652 = arith.constant 48 : index
        %swap3A_653 = tpu.vector_load %arg17[%swap3A_651, %swap3A_652] {strides = array<i32>} : memref<32x128xf32, #tpu.memory_space<vmem>>, vector<16xf32>,
        tpu.vector_store %arg17[%swap3A_651, %swap3A_652], %sub3A_650 {strides = array<i32>} : memref<32x128xf32, #tpu.memory_space<vmem>>, vector<16xf32>,
        %sub3A_654 = arith.subi %get3A_603, %get3A_607 : vector<16xi32>
        %convert_element_type3A_655 = arith.sitofp %sub3A_654 : vector<16xi32> to vector<16xf32>
        %swap3A_656 = arith.index_cast %while3A_324 : i32 to index
        %swap3A_657 = arith.constant 48 : index
        %swap3A_658 = tpu.vector_load %arg18[%swap3A_656, %swap3A_657] {strides = array<i32>} : memref<32x128xf32, #tpu.memory_space<vmem>>, vector<16xf32>,
        tpu.vector_store %arg18[%swap3A_656, %swap3A_657], %convert_element_type3A_655 {strides = array<i32>} : memref<32x128xf32, #tpu.memory_space<vmem>>, vector<16xf32>,
        %and3A_659 = arith.constant 16383 : i32
        %and3A_660 = vector.broadcast %and3A_659 : i32 to vector<16xi32>
        %and3A_661 = arith.andi %masked_cummax3A_628, %and3A_660 : vector<16xi32>
        %convert_element_type3A_662 = arith.sitofp %and3A_661 : vector<16xi32> to vector<16xf32>
        %mul3A_663 = arith.constant 6.10351563E-5 : f32
        %mul3A_664 = vector.broadcast %mul3A_663 : f32 to vector<16xf32>
        %mul3A_665 = arith.mulf %convert_element_type3A_662, %mul3A_664 : vector<16xf32>
        %swap3A_666 = arith.index_cast %while3A_324 : i32 to index
        %swap3A_667 = arith.constant 48 : index
        %swap3A_668 = tpu.vector_load %arg19[%swap3A_666, %swap3A_667] {strides = array<i32>} : memref<32x128xf32, #tpu.memory_space<vmem>>, vector<16xf32>,
        tpu.vector_store %arg19[%swap3A_666, %swap3A_667], %mul3A_665 {strides = array<i32>} : memref<32x128xf32, #tpu.memory_space<vmem>>, vector<16xf32>,
        %slice3A_669 = vector.extract_strided_slice %masked_cummax3A_628 {offsets = [15], sizes = [1], strides = [1]} : vector<16xi32> to vector<1xi32>
        %squeeze3A_670 = vector.extract %slice3A_669[0] : i32 from vector<1xi32>
        %mul3A_671 = arith.constant 128 : i32
        %mul3A_672 = arith.muli %while3A_324, %mul3A_671 : i32
        %add3A_673 = arith.constant 16 : i32
        %add3A_674 = arith.addi %add3A_673, %mul3A_672 : i32
        %add3A_675 = arith.constant 64 : i32
        %add3A_676 = arith.addi %add3A_674, %add3A_675 : i32
        %get3A_677 = arith.index_cast %add3A_676 : i32 to index
        %get3A_678 = tpu.vector_load %arg11[%get3A_677] {strides = array<i32>} : memref<4144xi32, #tpu.memory_space<vmem>>, vector<16xi32>,
        %add3A_679 = arith.constant 1 : i32
        %add3A_680 = arith.addi %add3A_676, %add3A_679 : i32
        %get3A_681 = arith.index_cast %add3A_680 : i32 to index
        %get3A_682 = tpu.vector_load %arg11[%get3A_681] {strides = array<i32>} : memref<4144xi32, #tpu.memory_space<vmem>>, vector<16xi32>,
        %get3A_683 = arith.index_cast %add3A_676 : i32 to index
        %get3A_684 = tpu.vector_load %arg13[%get3A_683] {strides = array<i32>} : memref<4144xf32, #tpu.memory_space<vmem>>, vector<16xf32>,
        %sub3A_685 = arith.constant 1 : i32
        %sub3A_686 = arith.subi %add3A_676, %sub3A_685 : i32
        %get3A_687 = arith.index_cast %sub3A_686 : i32 to index
        %get3A_688 = tpu.vector_load %arg13[%get3A_687] {strides = array<i32>} : memref<4144xf32, #tpu.memory_space<vmem>>, vector<16xf32>,
        %get3A_689 = arith.index_cast %add3A_676 : i32 to index
        %get3A_690 = tpu.vector_load %arg14[%get3A_689] {strides = array<i32>} : memref<4144xi32, #tpu.memory_space<vmem>>, vector<16xi32>,
        %sub3A_691 = arith.constant 1 : i32
        %sub3A_692 = arith.subi %add3A_676, %sub3A_691 : i32
        %get3A_693 = arith.index_cast %sub3A_692 : i32 to index
        %get3A_694 = tpu.vector_load %arg14[%get3A_693] {strides = array<i32>} : memref<4144xi32, #tpu.memory_space<vmem>>, vector<16xi32>,
        %shift_right_arithmetic3A_695 = arith.constant 4 : i32
        %shift_right_arithmetic3A_696 = vector.broadcast %shift_right_arithmetic3A_695 : i32 to vector<16xi32>
        %shift_right_arithmetic3A_697 = arith.shrsi %get3A_690, %shift_right_arithmetic3A_696 : vector<16xi32>
        %shift_right_arithmetic3A_698 = arith.constant 4 : i32
        %shift_right_arithmetic3A_699 = vector.broadcast %shift_right_arithmetic3A_698 : i32 to vector<16xi32>
        %shift_right_arithmetic3A_700 = arith.shrsi %get3A_694, %shift_right_arithmetic3A_699 : vector<16xi32>
        %eq3A_701 = arith.cmpi eq, %shift_right_arithmetic3A_697, %shift_right_arithmetic3A_700 : vector<16xi32>
        %jit3A_702 = arith.constant 0.000000e+00 : f32
        %broadcast_in_dim3A_703 = vector.broadcast %jit3A_702 : f32 to vector<16xf32>
        %select_n3A_704 = arith.select %eq3A_701, %get3A_688, %broadcast_in_dim3A_703 : vector<16xi1>, vector<16xf32>
        %get3A_705 = arith.index_cast %add3A_676 : i32 to index
        %get3A_706 = tpu.vector_load %arg12[%get3A_705] {strides = array<i32>} : memref<4144xi32, #tpu.memory_space<vmem>>, vector<16xi32>,
        %broadcast_in_dim3A_707 = vector.broadcast %squeeze3A_670 : i32 to vector<16xi32>
        %max3A_708 = arith.maxsi %get3A_706, %broadcast_in_dim3A_707 : vector<16xi32>
        %broadcast_in_dim3A_709 = arith.constant true
        %broadcast_in_dim3A_710 = vector.broadcast %broadcast_in_dim3A_709 : i1 to vector<16xi1>
        %masked_cummax3A_711 = arith.constant -2147483648 : i32
        %masked_cummax3A_712 = vector.broadcast %masked_cummax3A_711 : i32 to vector<16xi32>
        %masked_cummax3A_713 = arith.xori %max3A_708, %masked_cummax3A_712 : vector<16xi32>
        %masked_cummax3A_714 = tpu.scan <max>, %masked_cummax3A_713 masked %broadcast_in_dim3A_710 : vector<16xi32>, vector<16xi1> -> vector<16xi32>
        %masked_cummax3A_715 = arith.xori %masked_cummax3A_714, %masked_cummax3A_712 : vector<16xi32>
        %swap3A_716 = arith.index_cast %add3A_676 : i32 to index
        %swap3A_717 = tpu.vector_load %arg12[%swap3A_716] {strides = array<i32>} : memref<4144xi32, #tpu.memory_space<vmem>>, vector<16xi32>,
        tpu.vector_store %arg12[%swap3A_716], %masked_cummax3A_715 {strides = array<i32>} : memref<4144xi32, #tpu.memory_space<vmem>>, vector<16xi32>,
        %mul3A_718 = arith.constant 128 : i32
        %mul3A_719 = arith.muli %while3A_324, %mul3A_718 : i32
        %add3A_720 = arith.constant 64 : i32
        %add3A_721 = arith.addi %mul3A_719, %add3A_720 : i32
        %add3A_722 = vector.broadcast %add3A_721 : i32 to vector<16xi32>
        %add3A_723 = arith.addi %iota3A, %add3A_722 : vector<16xi32>
        %ne3A_724 = arith.cmpi ne, %get3A_678, %get3A_682 : vector<16xi32>
        %ne3A_725 = vector.broadcast %select_n3A_238 : i32 to vector<16xi32>
        %ne3A_726 = arith.cmpi ne, %add3A_723, %ne3A_725 : vector<16xi32>
        %and3A_727 = arith.andi %ne3A_724, %ne3A_726 : vector<16xi1>
        %swap3A_728 = arith.index_cast %while3A_324 : i32 to index
        %swap3A_729 = arith.constant 64 : index
        %swap3A_730 = tpu.vector_load %arg15[%swap3A_728, %swap3A_729] {strides = array<i32>} : memref<32x128xi32, #tpu.memory_space<vmem>>, vector<16xi32>,
        tpu.vector_store %arg15[%swap3A_728, %swap3A_729], %get3A_678 {strides = array<i32>} : memref<32x128xi32, #tpu.memory_space<vmem>>, vector<16xi32>,
        %eq3A_731 = arith.cmpi eq, %get3A_678, %broadcast_in_dim3A_72 : vector<16xi32>
        %select_n3A_732 = arith.select %eq3A_731, %broadcast_in_dim3A_75, %get3A_678 : vector<16xi1>, vector<16xi32>
        %select_n3A_733 = arith.select %and3A_727, %select_n3A_732, %broadcast_in_dim3A_3 : vector<16xi1>, vector<16xi32>
        %swap3A_734 = arith.index_cast %while3A_324 : i32 to index
        %swap3A_735 = arith.constant 64 : index
        %swap3A_736 = tpu.vector_load %arg16[%swap3A_734, %swap3A_735] {strides = array<i32>} : memref<32x128xi32, #tpu.memory_space<vmem>>, vector<16xi32>,
        tpu.vector_store %arg16[%swap3A_734, %swap3A_735], %select_n3A_733 {strides = array<i32>} : memref<32x128xi32, #tpu.memory_space<vmem>>, vector<16xi32>,
        %sub3A_737 = arith.subf %get3A_684, %select_n3A_704 : vector<16xf32>
        %swap3A_738 = arith.index_cast %while3A_324 : i32 to index
        %swap3A_739 = arith.constant 64 : index
        %swap3A_740 = tpu.vector_load %arg17[%swap3A_738, %swap3A_739] {strides = array<i32>} : memref<32x128xf32, #tpu.memory_space<vmem>>, vector<16xf32>,
        tpu.vector_store %arg17[%swap3A_738, %swap3A_739], %sub3A_737 {strides = array<i32>} : memref<32x128xf32, #tpu.memory_space<vmem>>, vector<16xf32>,
        %sub3A_741 = arith.subi %get3A_690, %get3A_694 : vector<16xi32>
        %convert_element_type3A_742 = arith.sitofp %sub3A_741 : vector<16xi32> to vector<16xf32>
        %swap3A_743 = arith.index_cast %while3A_324 : i32 to index
        %swap3A_744 = arith.constant 64 : index
        %swap3A_745 = tpu.vector_load %arg18[%swap3A_743, %swap3A_744] {strides = array<i32>} : memref<32x128xf32, #tpu.memory_space<vmem>>, vector<16xf32>,
        tpu.vector_store %arg18[%swap3A_743, %swap3A_744], %convert_element_type3A_742 {strides = array<i32>} : memref<32x128xf32, #tpu.memory_space<vmem>>, vector<16xf32>,
        %and3A_746 = arith.constant 16383 : i32
        %and3A_747 = vector.broadcast %and3A_746 : i32 to vector<16xi32>
        %and3A_748 = arith.andi %masked_cummax3A_715, %and3A_747 : vector<16xi32>
        %convert_element_type3A_749 = arith.sitofp %and3A_748 : vector<16xi32> to vector<16xf32>
        %mul3A_750 = arith.constant 6.10351563E-5 : f32
        %mul3A_751 = vector.broadcast %mul3A_750 : f32 to vector<16xf32>
        %mul3A_752 = arith.mulf %convert_element_type3A_749, %mul3A_751 : vector<16xf32>
        %swap3A_753 = arith.index_cast %while3A_324 : i32 to index
        %swap3A_754 = arith.constant 64 : index
        %swap3A_755 = tpu.vector_load %arg19[%swap3A_753, %swap3A_754] {strides = array<i32>} : memref<32x128xf32, #tpu.memory_space<vmem>>, vector<16xf32>,
        tpu.vector_store %arg19[%swap3A_753, %swap3A_754], %mul3A_752 {strides = array<i32>} : memref<32x128xf32, #tpu.memory_space<vmem>>, vector<16xf32>,
        %slice3A_756 = vector.extract_strided_slice %masked_cummax3A_715 {offsets = [15], sizes = [1], strides = [1]} : vector<16xi32> to vector<1xi32>
        %squeeze3A_757 = vector.extract %slice3A_756[0] : i32 from vector<1xi32>
        %mul3A_758 = arith.constant 128 : i32
        %mul3A_759 = arith.muli %while3A_324, %mul3A_758 : i32
        %add3A_760 = arith.constant 16 : i32
        %add3A_761 = arith.addi %add3A_760, %mul3A_759 : i32
        %add3A_762 = arith.constant 80 : i32
        %add3A_763 = arith.addi %add3A_761, %add3A_762 : i32
        %get3A_764 = arith.index_cast %add3A_763 : i32 to index
        %get3A_765 = tpu.vector_load %arg11[%get3A_764] {strides = array<i32>} : memref<4144xi32, #tpu.memory_space<vmem>>, vector<16xi32>,
        %add3A_766 = arith.constant 1 : i32
        %add3A_767 = arith.addi %add3A_763, %add3A_766 : i32
        %get3A_768 = arith.index_cast %add3A_767 : i32 to index
        %get3A_769 = tpu.vector_load %arg11[%get3A_768] {strides = array<i32>} : memref<4144xi32, #tpu.memory_space<vmem>>, vector<16xi32>,
        %get3A_770 = arith.index_cast %add3A_763 : i32 to index
        %get3A_771 = tpu.vector_load %arg13[%get3A_770] {strides = array<i32>} : memref<4144xf32, #tpu.memory_space<vmem>>, vector<16xf32>,
        %sub3A_772 = arith.constant 1 : i32
        %sub3A_773 = arith.subi %add3A_763, %sub3A_772 : i32
        %get3A_774 = arith.index_cast %sub3A_773 : i32 to index
        %get3A_775 = tpu.vector_load %arg13[%get3A_774] {strides = array<i32>} : memref<4144xf32, #tpu.memory_space<vmem>>, vector<16xf32>,
        %get3A_776 = arith.index_cast %add3A_763 : i32 to index
        %get3A_777 = tpu.vector_load %arg14[%get3A_776] {strides = array<i32>} : memref<4144xi32, #tpu.memory_space<vmem>>, vector<16xi32>,
        %sub3A_778 = arith.constant 1 : i32
        %sub3A_779 = arith.subi %add3A_763, %sub3A_778 : i32
        %get3A_780 = arith.index_cast %sub3A_779 : i32 to index
        %get3A_781 = tpu.vector_load %arg14[%get3A_780] {strides = array<i32>} : memref<4144xi32, #tpu.memory_space<vmem>>, vector<16xi32>,
        %shift_right_arithmetic3A_782 = arith.constant 4 : i32
        %shift_right_arithmetic3A_783 = vector.broadcast %shift_right_arithmetic3A_782 : i32 to vector<16xi32>
        %shift_right_arithmetic3A_784 = arith.shrsi %get3A_777, %shift_right_arithmetic3A_783 : vector<16xi32>
        %shift_right_arithmetic3A_785 = arith.constant 4 : i32
        %shift_right_arithmetic3A_786 = vector.broadcast %shift_right_arithmetic3A_785 : i32 to vector<16xi32>
        %shift_right_arithmetic3A_787 = arith.shrsi %get3A_781, %shift_right_arithmetic3A_786 : vector<16xi32>
        %eq3A_788 = arith.cmpi eq, %shift_right_arithmetic3A_784, %shift_right_arithmetic3A_787 : vector<16xi32>
        %jit3A_789 = arith.constant 0.000000e+00 : f32
        %broadcast_in_dim3A_790 = vector.broadcast %jit3A_789 : f32 to vector<16xf32>
        %select_n3A_791 = arith.select %eq3A_788, %get3A_775, %broadcast_in_dim3A_790 : vector<16xi1>, vector<16xf32>
        %get3A_792 = arith.index_cast %add3A_763 : i32 to index
        %get3A_793 = tpu.vector_load %arg12[%get3A_792] {strides = array<i32>} : memref<4144xi32, #tpu.memory_space<vmem>>, vector<16xi32>,
        %broadcast_in_dim3A_794 = vector.broadcast %squeeze3A_757 : i32 to vector<16xi32>
        %max3A_795 = arith.maxsi %get3A_793, %broadcast_in_dim3A_794 : vector<16xi32>
        %broadcast_in_dim3A_796 = arith.constant true
        %broadcast_in_dim3A_797 = vector.broadcast %broadcast_in_dim3A_796 : i1 to vector<16xi1>
        %masked_cummax3A_798 = arith.constant -2147483648 : i32
        %masked_cummax3A_799 = vector.broadcast %masked_cummax3A_798 : i32 to vector<16xi32>
        %masked_cummax3A_800 = arith.xori %max3A_795, %masked_cummax3A_799 : vector<16xi32>
        %masked_cummax3A_801 = tpu.scan <max>, %masked_cummax3A_800 masked %broadcast_in_dim3A_797 : vector<16xi32>, vector<16xi1> -> vector<16xi32>
        %masked_cummax3A_802 = arith.xori %masked_cummax3A_801, %masked_cummax3A_799 : vector<16xi32>
        %swap3A_803 = arith.index_cast %add3A_763 : i32 to index
        %swap3A_804 = tpu.vector_load %arg12[%swap3A_803] {strides = array<i32>} : memref<4144xi32, #tpu.memory_space<vmem>>, vector<16xi32>,
        tpu.vector_store %arg12[%swap3A_803], %masked_cummax3A_802 {strides = array<i32>} : memref<4144xi32, #tpu.memory_space<vmem>>, vector<16xi32>,
        %mul3A_805 = arith.constant 128 : i32
        %mul3A_806 = arith.muli %while3A_324, %mul3A_805 : i32
        %add3A_807 = arith.constant 80 : i32
        %add3A_808 = arith.addi %mul3A_806, %add3A_807 : i32
        %add3A_809 = vector.broadcast %add3A_808 : i32 to vector<16xi32>
        %add3A_810 = arith.addi %iota3A, %add3A_809 : vector<16xi32>
        %ne3A_811 = arith.cmpi ne, %get3A_765, %get3A_769 : vector<16xi32>
        %ne3A_812 = vector.broadcast %select_n3A_238 : i32 to vector<16xi32>
        %ne3A_813 = arith.cmpi ne, %add3A_810, %ne3A_812 : vector<16xi32>
        %and3A_814 = arith.andi %ne3A_811, %ne3A_813 : vector<16xi1>
        %swap3A_815 = arith.index_cast %while3A_324 : i32 to index
        %swap3A_816 = arith.constant 80 : index
        %swap3A_817 = tpu.vector_load %arg15[%swap3A_815, %swap3A_816] {strides = array<i32>} : memref<32x128xi32, #tpu.memory_space<vmem>>, vector<16xi32>,
        tpu.vector_store %arg15[%swap3A_815, %swap3A_816], %get3A_765 {strides = array<i32>} : memref<32x128xi32, #tpu.memory_space<vmem>>, vector<16xi32>,
        %eq3A_818 = arith.cmpi eq, %get3A_765, %broadcast_in_dim3A_72 : vector<16xi32>
        %select_n3A_819 = arith.select %eq3A_818, %broadcast_in_dim3A_75, %get3A_765 : vector<16xi1>, vector<16xi32>
        %select_n3A_820 = arith.select %and3A_814, %select_n3A_819, %broadcast_in_dim3A_3 : vector<16xi1>, vector<16xi32>
        %swap3A_821 = arith.index_cast %while3A_324 : i32 to index
        %swap3A_822 = arith.constant 80 : index
        %swap3A_823 = tpu.vector_load %arg16[%swap3A_821, %swap3A_822] {strides = array<i32>} : memref<32x128xi32, #tpu.memory_space<vmem>>, vector<16xi32>,
        tpu.vector_store %arg16[%swap3A_821, %swap3A_822], %select_n3A_820 {strides = array<i32>} : memref<32x128xi32, #tpu.memory_space<vmem>>, vector<16xi32>,
        %sub3A_824 = arith.subf %get3A_771, %select_n3A_791 : vector<16xf32>
        %swap3A_825 = arith.index_cast %while3A_324 : i32 to index
        %swap3A_826 = arith.constant 80 : index
        %swap3A_827 = tpu.vector_load %arg17[%swap3A_825, %swap3A_826] {strides = array<i32>} : memref<32x128xf32, #tpu.memory_space<vmem>>, vector<16xf32>,
        tpu.vector_store %arg17[%swap3A_825, %swap3A_826], %sub3A_824 {strides = array<i32>} : memref<32x128xf32, #tpu.memory_space<vmem>>, vector<16xf32>,
        %sub3A_828 = arith.subi %get3A_777, %get3A_781 : vector<16xi32>
        %convert_element_type3A_829 = arith.sitofp %sub3A_828 : vector<16xi32> to vector<16xf32>
        %swap3A_830 = arith.index_cast %while3A_324 : i32 to index
        %swap3A_831 = arith.constant 80 : index
        %swap3A_832 = tpu.vector_load %arg18[%swap3A_830, %swap3A_831] {strides = array<i32>} : memref<32x128xf32, #tpu.memory_space<vmem>>, vector<16xf32>,
        tpu.vector_store %arg18[%swap3A_830, %swap3A_831], %convert_element_type3A_829 {strides = array<i32>} : memref<32x128xf32, #tpu.memory_space<vmem>>, vector<16xf32>,
        %and3A_833 = arith.constant 16383 : i32
        %and3A_834 = vector.broadcast %and3A_833 : i32 to vector<16xi32>
        %and3A_835 = arith.andi %masked_cummax3A_802, %and3A_834 : vector<16xi32>
        %convert_element_type3A_836 = arith.sitofp %and3A_835 : vector<16xi32> to vector<16xf32>
        %mul3A_837 = arith.constant 6.10351563E-5 : f32
        %mul3A_838 = vector.broadcast %mul3A_837 : f32 to vector<16xf32>
        %mul3A_839 = arith.mulf %convert_element_type3A_836, %mul3A_838 : vector<16xf32>
        %swap3A_840 = arith.index_cast %while3A_324 : i32 to index
        %swap3A_841 = arith.constant 80 : index
        %swap3A_842 = tpu.vector_load %arg19[%swap3A_840, %swap3A_841] {strides = array<i32>} : memref<32x128xf32, #tpu.memory_space<vmem>>, vector<16xf32>,
        tpu.vector_store %arg19[%swap3A_840, %swap3A_841], %mul3A_839 {strides = array<i32>} : memref<32x128xf32, #tpu.memory_space<vmem>>, vector<16xf32>,
        %slice3A_843 = vector.extract_strided_slice %masked_cummax3A_802 {offsets = [15], sizes = [1], strides = [1]} : vector<16xi32> to vector<1xi32>
        %squeeze3A_844 = vector.extract %slice3A_843[0] : i32 from vector<1xi32>
        %mul3A_845 = arith.constant 128 : i32
        %mul3A_846 = arith.muli %while3A_324, %mul3A_845 : i32
        %add3A_847 = arith.constant 16 : i32
        %add3A_848 = arith.addi %add3A_847, %mul3A_846 : i32
        %add3A_849 = arith.constant 96 : i32
        %add3A_850 = arith.addi %add3A_848, %add3A_849 : i32
        %get3A_851 = arith.index_cast %add3A_850 : i32 to index
        %get3A_852 = tpu.vector_load %arg11[%get3A_851] {strides = array<i32>} : memref<4144xi32, #tpu.memory_space<vmem>>, vector<16xi32>,
        %add3A_853 = arith.constant 1 : i32
        %add3A_854 = arith.addi %add3A_850, %add3A_853 : i32
        %get3A_855 = arith.index_cast %add3A_854 : i32 to index
        %get3A_856 = tpu.vector_load %arg11[%get3A_855] {strides = array<i32>} : memref<4144xi32, #tpu.memory_space<vmem>>, vector<16xi32>,
        %get3A_857 = arith.index_cast %add3A_850 : i32 to index
        %get3A_858 = tpu.vector_load %arg13[%get3A_857] {strides = array<i32>} : memref<4144xf32, #tpu.memory_space<vmem>>, vector<16xf32>,
        %sub3A_859 = arith.constant 1 : i32
        %sub3A_860 = arith.subi %add3A_850, %sub3A_859 : i32
        %get3A_861 = arith.index_cast %sub3A_860 : i32 to index
        %get3A_862 = tpu.vector_load %arg13[%get3A_861] {strides = array<i32>} : memref<4144xf32, #tpu.memory_space<vmem>>, vector<16xf32>,
        %get3A_863 = arith.index_cast %add3A_850 : i32 to index
        %get3A_864 = tpu.vector_load %arg14[%get3A_863] {strides = array<i32>} : memref<4144xi32, #tpu.memory_space<vmem>>, vector<16xi32>,
        %sub3A_865 = arith.constant 1 : i32
        %sub3A_866 = arith.subi %add3A_850, %sub3A_865 : i32
        %get3A_867 = arith.index_cast %sub3A_866 : i32 to index
        %get3A_868 = tpu.vector_load %arg14[%get3A_867] {strides = array<i32>} : memref<4144xi32, #tpu.memory_space<vmem>>, vector<16xi32>,
        %shift_right_arithmetic3A_869 = arith.constant 4 : i32
        %shift_right_arithmetic3A_870 = vector.broadcast %shift_right_arithmetic3A_869 : i32 to vector<16xi32>
        %shift_right_arithmetic3A_871 = arith.shrsi %get3A_864, %shift_right_arithmetic3A_870 : vector<16xi32>
        %shift_right_arithmetic3A_872 = arith.constant 4 : i32
        %shift_right_arithmetic3A_873 = vector.broadcast %shift_right_arithmetic3A_872 : i32 to vector<16xi32>
        %shift_right_arithmetic3A_874 = arith.shrsi %get3A_868, %shift_right_arithmetic3A_873 : vector<16xi32>
        %eq3A_875 = arith.cmpi eq, %shift_right_arithmetic3A_871, %shift_right_arithmetic3A_874 : vector<16xi32>
        %jit3A_876 = arith.constant 0.000000e+00 : f32
        %broadcast_in_dim3A_877 = vector.broadcast %jit3A_876 : f32 to vector<16xf32>
        %select_n3A_878 = arith.select %eq3A_875, %get3A_862, %broadcast_in_dim3A_877 : vector<16xi1>, vector<16xf32>
        %get3A_879 = arith.index_cast %add3A_850 : i32 to index
        %get3A_880 = tpu.vector_load %arg12[%get3A_879] {strides = array<i32>} : memref<4144xi32, #tpu.memory_space<vmem>>, vector<16xi32>,
        %broadcast_in_dim3A_881 = vector.broadcast %squeeze3A_844 : i32 to vector<16xi32>
        %max3A_882 = arith.maxsi %get3A_880, %broadcast_in_dim3A_881 : vector<16xi32>
        %broadcast_in_dim3A_883 = arith.constant true
        %broadcast_in_dim3A_884 = vector.broadcast %broadcast_in_dim3A_883 : i1 to vector<16xi1>
        %masked_cummax3A_885 = arith.constant -2147483648 : i32
        %masked_cummax3A_886 = vector.broadcast %masked_cummax3A_885 : i32 to vector<16xi32>
        %masked_cummax3A_887 = arith.xori %max3A_882, %masked_cummax3A_886 : vector<16xi32>
        %masked_cummax3A_888 = tpu.scan <max>, %masked_cummax3A_887 masked %broadcast_in_dim3A_884 : vector<16xi32>, vector<16xi1> -> vector<16xi32>
        %masked_cummax3A_889 = arith.xori %masked_cummax3A_888, %masked_cummax3A_886 : vector<16xi32>
        %swap3A_890 = arith.index_cast %add3A_850 : i32 to index
        %swap3A_891 = tpu.vector_load %arg12[%swap3A_890] {strides = array<i32>} : memref<4144xi32, #tpu.memory_space<vmem>>, vector<16xi32>,
        tpu.vector_store %arg12[%swap3A_890], %masked_cummax3A_889 {strides = array<i32>} : memref<4144xi32, #tpu.memory_space<vmem>>, vector<16xi32>,
        %mul3A_892 = arith.constant 128 : i32
        %mul3A_893 = arith.muli %while3A_324, %mul3A_892 : i32
        %add3A_894 = arith.constant 96 : i32
        %add3A_895 = arith.addi %mul3A_893, %add3A_894 : i32
        %add3A_896 = vector.broadcast %add3A_895 : i32 to vector<16xi32>
        %add3A_897 = arith.addi %iota3A, %add3A_896 : vector<16xi32>
        %ne3A_898 = arith.cmpi ne, %get3A_852, %get3A_856 : vector<16xi32>
        %ne3A_899 = vector.broadcast %select_n3A_238 : i32 to vector<16xi32>
        %ne3A_900 = arith.cmpi ne, %add3A_897, %ne3A_899 : vector<16xi32>
        %and3A_901 = arith.andi %ne3A_898, %ne3A_900 : vector<16xi1>
        %swap3A_902 = arith.index_cast %while3A_324 : i32 to index
        %swap3A_903 = arith.constant 96 : index
        %swap3A_904 = tpu.vector_load %arg15[%swap3A_902, %swap3A_903] {strides = array<i32>} : memref<32x128xi32, #tpu.memory_space<vmem>>, vector<16xi32>,
        tpu.vector_store %arg15[%swap3A_902, %swap3A_903], %get3A_852 {strides = array<i32>} : memref<32x128xi32, #tpu.memory_space<vmem>>, vector<16xi32>,
        %eq3A_905 = arith.cmpi eq, %get3A_852, %broadcast_in_dim3A_72 : vector<16xi32>
        %select_n3A_906 = arith.select %eq3A_905, %broadcast_in_dim3A_75, %get3A_852 : vector<16xi1>, vector<16xi32>
        %select_n3A_907 = arith.select %and3A_901, %select_n3A_906, %broadcast_in_dim3A_3 : vector<16xi1>, vector<16xi32>
        %swap3A_908 = arith.index_cast %while3A_324 : i32 to index
        %swap3A_909 = arith.constant 96 : index
        %swap3A_910 = tpu.vector_load %arg16[%swap3A_908, %swap3A_909] {strides = array<i32>} : memref<32x128xi32, #tpu.memory_space<vmem>>, vector<16xi32>,
        tpu.vector_store %arg16[%swap3A_908, %swap3A_909], %select_n3A_907 {strides = array<i32>} : memref<32x128xi32, #tpu.memory_space<vmem>>, vector<16xi32>,
        %sub3A_911 = arith.subf %get3A_858, %select_n3A_878 : vector<16xf32>
        %swap3A_912 = arith.index_cast %while3A_324 : i32 to index
        %swap3A_913 = arith.constant 96 : index
        %swap3A_914 = tpu.vector_load %arg17[%swap3A_912, %swap3A_913] {strides = array<i32>} : memref<32x128xf32, #tpu.memory_space<vmem>>, vector<16xf32>,
        tpu.vector_store %arg17[%swap3A_912, %swap3A_913], %sub3A_911 {strides = array<i32>} : memref<32x128xf32, #tpu.memory_space<vmem>>, vector<16xf32>,
        %sub3A_915 = arith.subi %get3A_864, %get3A_868 : vector<16xi32>
        %convert_element_type3A_916 = arith.sitofp %sub3A_915 : vector<16xi32> to vector<16xf32>
        %swap3A_917 = arith.index_cast %while3A_324 : i32 to index
        %swap3A_918 = arith.constant 96 : index
        %swap3A_919 = tpu.vector_load %arg18[%swap3A_917, %swap3A_918] {strides = array<i32>} : memref<32x128xf32, #tpu.memory_space<vmem>>, vector<16xf32>,
        tpu.vector_store %arg18[%swap3A_917, %swap3A_918], %convert_element_type3A_916 {strides = array<i32>} : memref<32x128xf32, #tpu.memory_space<vmem>>, vector<16xf32>,
        %and3A_920 = arith.constant 16383 : i32
        %and3A_921 = vector.broadcast %and3A_920 : i32 to vector<16xi32>
        %and3A_922 = arith.andi %masked_cummax3A_889, %and3A_921 : vector<16xi32>
        %convert_element_type3A_923 = arith.sitofp %and3A_922 : vector<16xi32> to vector<16xf32>
        %mul3A_924 = arith.constant 6.10351563E-5 : f32
        %mul3A_925 = vector.broadcast %mul3A_924 : f32 to vector<16xf32>
        %mul3A_926 = arith.mulf %convert_element_type3A_923, %mul3A_925 : vector<16xf32>
        %swap3A_927 = arith.index_cast %while3A_324 : i32 to index
        %swap3A_928 = arith.constant 96 : index
        %swap3A_929 = tpu.vector_load %arg19[%swap3A_927, %swap3A_928] {strides = array<i32>} : memref<32x128xf32, #tpu.memory_space<vmem>>, vector<16xf32>,
        tpu.vector_store %arg19[%swap3A_927, %swap3A_928], %mul3A_926 {strides = array<i32>} : memref<32x128xf32, #tpu.memory_space<vmem>>, vector<16xf32>,
        %slice3A_930 = vector.extract_strided_slice %masked_cummax3A_889 {offsets = [15], sizes = [1], strides = [1]} : vector<16xi32> to vector<1xi32>
        %squeeze3A_931 = vector.extract %slice3A_930[0] : i32 from vector<1xi32>
        %mul3A_932 = arith.constant 128 : i32
        %mul3A_933 = arith.muli %while3A_324, %mul3A_932 : i32
        %add3A_934 = arith.constant 16 : i32
        %add3A_935 = arith.addi %add3A_934, %mul3A_933 : i32
        %add3A_936 = arith.constant 112 : i32
        %add3A_937 = arith.addi %add3A_935, %add3A_936 : i32
        %get3A_938 = arith.index_cast %add3A_937 : i32 to index
        %get3A_939 = tpu.vector_load %arg11[%get3A_938] {strides = array<i32>} : memref<4144xi32, #tpu.memory_space<vmem>>, vector<16xi32>,
        %add3A_940 = arith.constant 1 : i32
        %add3A_941 = arith.addi %add3A_937, %add3A_940 : i32
        %get3A_942 = arith.index_cast %add3A_941 : i32 to index
        %get3A_943 = tpu.vector_load %arg11[%get3A_942] {strides = array<i32>} : memref<4144xi32, #tpu.memory_space<vmem>>, vector<16xi32>,
        %get3A_944 = arith.index_cast %add3A_937 : i32 to index
        %get3A_945 = tpu.vector_load %arg13[%get3A_944] {strides = array<i32>} : memref<4144xf32, #tpu.memory_space<vmem>>, vector<16xf32>,
        %sub3A_946 = arith.constant 1 : i32
        %sub3A_947 = arith.subi %add3A_937, %sub3A_946 : i32
        %get3A_948 = arith.index_cast %sub3A_947 : i32 to index
        %get3A_949 = tpu.vector_load %arg13[%get3A_948] {strides = array<i32>} : memref<4144xf32, #tpu.memory_space<vmem>>, vector<16xf32>,
        %get3A_950 = arith.index_cast %add3A_937 : i32 to index
        %get3A_951 = tpu.vector_load %arg14[%get3A_950] {strides = array<i32>} : memref<4144xi32, #tpu.memory_space<vmem>>, vector<16xi32>,
        %sub3A_952 = arith.constant 1 : i32
        %sub3A_953 = arith.subi %add3A_937, %sub3A_952 : i32
        %get3A_954 = arith.index_cast %sub3A_953 : i32 to index
        %get3A_955 = tpu.vector_load %arg14[%get3A_954] {strides = array<i32>} : memref<4144xi32, #tpu.memory_space<vmem>>, vector<16xi32>,
        %shift_right_arithmetic3A_956 = arith.constant 4 : i32
        %shift_right_arithmetic3A_957 = vector.broadcast %shift_right_arithmetic3A_956 : i32 to vector<16xi32>
        %shift_right_arithmetic3A_958 = arith.shrsi %get3A_951, %shift_right_arithmetic3A_957 : vector<16xi32>
        %shift_right_arithmetic3A_959 = arith.constant 4 : i32
        %shift_right_arithmetic3A_960 = vector.broadcast %shift_right_arithmetic3A_959 : i32 to vector<16xi32>
        %shift_right_arithmetic3A_961 = arith.shrsi %get3A_955, %shift_right_arithmetic3A_960 : vector<16xi32>
        %eq3A_962 = arith.cmpi eq, %shift_right_arithmetic3A_958, %shift_right_arithmetic3A_961 : vector<16xi32>
        %jit3A_963 = arith.constant 0.000000e+00 : f32
        %broadcast_in_dim3A_964 = vector.broadcast %jit3A_963 : f32 to vector<16xf32>
        %select_n3A_965 = arith.select %eq3A_962, %get3A_949, %broadcast_in_dim3A_964 : vector<16xi1>, vector<16xf32>
        %get3A_966 = arith.index_cast %add3A_937 : i32 to index
        %get3A_967 = tpu.vector_load %arg12[%get3A_966] {strides = array<i32>} : memref<4144xi32, #tpu.memory_space<vmem>>, vector<16xi32>,
        %broadcast_in_dim3A_968 = vector.broadcast %squeeze3A_931 : i32 to vector<16xi32>
        %max3A_969 = arith.maxsi %get3A_967, %broadcast_in_dim3A_968 : vector<16xi32>
        %broadcast_in_dim3A_970 = arith.constant true
        %broadcast_in_dim3A_971 = vector.broadcast %broadcast_in_dim3A_970 : i1 to vector<16xi1>
        %masked_cummax3A_972 = arith.constant -2147483648 : i32
        %masked_cummax3A_973 = vector.broadcast %masked_cummax3A_972 : i32 to vector<16xi32>
        %masked_cummax3A_974 = arith.xori %max3A_969, %masked_cummax3A_973 : vector<16xi32>
        %masked_cummax3A_975 = tpu.scan <max>, %masked_cummax3A_974 masked %broadcast_in_dim3A_971 : vector<16xi32>, vector<16xi1> -> vector<16xi32>
        %masked_cummax3A_976 = arith.xori %masked_cummax3A_975, %masked_cummax3A_973 : vector<16xi32>
        %swap3A_977 = arith.index_cast %add3A_937 : i32 to index
        %swap3A_978 = tpu.vector_load %arg12[%swap3A_977] {strides = array<i32>} : memref<4144xi32, #tpu.memory_space<vmem>>, vector<16xi32>,
        tpu.vector_store %arg12[%swap3A_977], %masked_cummax3A_976 {strides = array<i32>} : memref<4144xi32, #tpu.memory_space<vmem>>, vector<16xi32>,
        %mul3A_979 = arith.constant 128 : i32
        %mul3A_980 = arith.muli %while3A_324, %mul3A_979 : i32
        %add3A_981 = arith.constant 112 : i32
        %add3A_982 = arith.addi %mul3A_980, %add3A_981 : i32
        %add3A_983 = vector.broadcast %add3A_982 : i32 to vector<16xi32>
        %add3A_984 = arith.addi %iota3A, %add3A_983 : vector<16xi32>
        %ne3A_985 = arith.cmpi ne, %get3A_939, %get3A_943 : vector<16xi32>
        %ne3A_986 = vector.broadcast %select_n3A_238 : i32 to vector<16xi32>
        %ne3A_987 = arith.cmpi ne, %add3A_984, %ne3A_986 : vector<16xi32>
        %and3A_988 = arith.andi %ne3A_985, %ne3A_987 : vector<16xi1>
        %swap3A_989 = arith.index_cast %while3A_324 : i32 to index
        %swap3A_990 = arith.constant 112 : index
        %swap3A_991 = tpu.vector_load %arg15[%swap3A_989, %swap3A_990] {strides = array<i32>} : memref<32x128xi32, #tpu.memory_space<vmem>>, vector<16xi32>,
        tpu.vector_store %arg15[%swap3A_989, %swap3A_990], %get3A_939 {strides = array<i32>} : memref<32x128xi32, #tpu.memory_space<vmem>>, vector<16xi32>,
        %eq3A_992 = arith.cmpi eq, %get3A_939, %broadcast_in_dim3A_72 : vector<16xi32>
        %select_n3A_993 = arith.select %eq3A_992, %broadcast_in_dim3A_75, %get3A_939 : vector<16xi1>, vector<16xi32>
        %select_n3A_994 = arith.select %and3A_988, %select_n3A_993, %broadcast_in_dim3A_3 : vector<16xi1>, vector<16xi32>
        %swap3A_995 = arith.index_cast %while3A_324 : i32 to index
        %swap3A_996 = arith.constant 112 : index
        %swap3A_997 = tpu.vector_load %arg16[%swap3A_995, %swap3A_996] {strides = array<i32>} : memref<32x128xi32, #tpu.memory_space<vmem>>, vector<16xi32>,
        tpu.vector_store %arg16[%swap3A_995, %swap3A_996], %select_n3A_994 {strides = array<i32>} : memref<32x128xi32, #tpu.memory_space<vmem>>, vector<16xi32>,
        %sub3A_998 = arith.subf %get3A_945, %select_n3A_965 : vector<16xf32>
        %swap3A_999 = arith.index_cast %while3A_324 : i32 to index
        %swap3A_1000 = arith.constant 112 : index
        %swap3A_1001 = tpu.vector_load %arg17[%swap3A_999, %swap3A_1000] {strides = array<i32>} : memref<32x128xf32, #tpu.memory_space<vmem>>, vector<16xf32>,
        tpu.vector_store %arg17[%swap3A_999, %swap3A_1000], %sub3A_998 {strides = array<i32>} : memref<32x128xf32, #tpu.memory_space<vmem>>, vector<16xf32>,
        %sub3A_1002 = arith.subi %get3A_951, %get3A_955 : vector<16xi32>
        %convert_element_type3A_1003 = arith.sitofp %sub3A_1002 : vector<16xi32> to vector<16xf32>
        %swap3A_1004 = arith.index_cast %while3A_324 : i32 to index
        %swap3A_1005 = arith.constant 112 : index
        %swap3A_1006 = tpu.vector_load %arg18[%swap3A_1004, %swap3A_1005] {strides = array<i32>} : memref<32x128xf32, #tpu.memory_space<vmem>>, vector<16xf32>,
        tpu.vector_store %arg18[%swap3A_1004, %swap3A_1005], %convert_element_type3A_1003 {strides = array<i32>} : memref<32x128xf32, #tpu.memory_space<vmem>>, vector<16xf32>,
        %and3A_1007 = arith.constant 16383 : i32
        %and3A_1008 = vector.broadcast %and3A_1007 : i32 to vector<16xi32>
        %and3A_1009 = arith.andi %masked_cummax3A_976, %and3A_1008 : vector<16xi32>
        %convert_element_type3A_1010 = arith.sitofp %and3A_1009 : vector<16xi32> to vector<16xf32>
        %mul3A_1011 = arith.constant 6.10351563E-5 : f32
        %mul3A_1012 = vector.broadcast %mul3A_1011 : f32 to vector<16xf32>
        %mul3A_1013 = arith.mulf %convert_element_type3A_1010, %mul3A_1012 : vector<16xf32>
        %swap3A_1014 = arith.index_cast %while3A_324 : i32 to index
        %swap3A_1015 = arith.constant 112 : index
        %swap3A_1016 = tpu.vector_load %arg19[%swap3A_1014, %swap3A_1015] {strides = array<i32>} : memref<32x128xf32, #tpu.memory_space<vmem>>, vector<16xf32>,
        tpu.vector_store %arg19[%swap3A_1014, %swap3A_1015], %mul3A_1013 {strides = array<i32>} : memref<32x128xf32, #tpu.memory_space<vmem>>, vector<16xf32>,
        %slice3A_1017 = vector.extract_strided_slice %masked_cummax3A_976 {offsets = [15], sizes = [1], strides = [1]} : vector<16xi32> to vector<1xi32>
        %squeeze3A_1018 = vector.extract %slice3A_1017[0] : i32 from vector<1xi32>
        %dma_start3A_1019 = arith.constant 0 : i32
        %dma_start3A_1020 = tpu.memref_slice %arg17[%while3A_324, %dma_start3A_1019] : memref<32x128xf32, #tpu.memory_space<vmem>> -> memref<1x128xf32, #tpu.memory_space<vmem>>
        %dma_start3A_1021 = tpu.memref_squeeze %dma_start3A_1020 : memref<1x128xf32, #tpu.memory_space<vmem>> -> memref<128xf32, #tpu.memory_space<vmem>>
        %dma_start3A_1022 = arith.constant 0 : i32
        %dma_start3A_1023 = tpu.memref_slice %arg15[%while3A_324, %dma_start3A_1022] : memref<32x128xi32, #tpu.memory_space<vmem>> -> memref<1x128xi32, #tpu.memory_space<vmem>>
        %dma_start3A_1024 = tpu.memref_squeeze %dma_start3A_1023 : memref<1x128xi32, #tpu.memory_space<vmem>> -> memref<128xi32, #tpu.memory_space<vmem>>
        %dma_start3A_1025 = arith.constant 0 : i32
        %dma_start3A_1026 = tpu.memref_slice %arg36[%dma_start3A_1025] : memref<100096xf32, #tpu.memory_space<vmem_shared>> -> memref<100096xf32, #tpu.memory_space<vmem_shared>>
        tpu.enqueue_indirect_dma source(%dma_start3A_1021 : memref<128xf32, #tpu.memory_space<vmem>>) target(%dma_start3A_1026 : memref<100096xf32, #tpu.memory_space<vmem_shared>>) offsets(%dma_start3A_1024 : memref<128xi32, #tpu.memory_space<vmem>>) semaphore(%arg41 : memref<!tpu.dma_semaphore, #tpu.memory_space<semaphore_mem>>) {add = true}
        %dma_start3A_1027 = arith.constant 0 : i32
        %dma_start3A_1028 = tpu.memref_slice %arg18[%while3A_324, %dma_start3A_1027] : memref<32x128xf32, #tpu.memory_space<vmem>> -> memref<1x128xf32, #tpu.memory_space<vmem>>
        %dma_start3A_1029 = tpu.memref_squeeze %dma_start3A_1028 : memref<1x128xf32, #tpu.memory_space<vmem>> -> memref<128xf32, #tpu.memory_space<vmem>>
        %dma_start3A_1030 = arith.constant 0 : i32
        %dma_start3A_1031 = tpu.memref_slice %arg15[%while3A_324, %dma_start3A_1030] : memref<32x128xi32, #tpu.memory_space<vmem>> -> memref<1x128xi32, #tpu.memory_space<vmem>>
        %dma_start3A_1032 = tpu.memref_squeeze %dma_start3A_1031 : memref<1x128xi32, #tpu.memory_space<vmem>> -> memref<128xi32, #tpu.memory_space<vmem>>
        %dma_start3A_1033 = arith.constant 0 : i32
        %dma_start3A_1034 = tpu.memref_slice %arg35[%dma_start3A_1033] : memref<100096xf32, #tpu.memory_space<vmem_shared>> -> memref<100096xf32, #tpu.memory_space<vmem_shared>>
        tpu.enqueue_indirect_dma source(%dma_start3A_1029 : memref<128xf32, #tpu.memory_space<vmem>>) target(%dma_start3A_1034 : memref<100096xf32, #tpu.memory_space<vmem_shared>>) offsets(%dma_start3A_1032 : memref<128xi32, #tpu.memory_space<vmem>>) semaphore(%arg41 : memref<!tpu.dma_semaphore, #tpu.memory_space<semaphore_mem>>) {add = true}
        %dma_start3A_1035 = arith.constant 0 : i32
        %dma_start3A_1036 = tpu.memref_slice %arg19[%while3A_324, %dma_start3A_1035] : memref<32x128xf32, #tpu.memory_space<vmem>> -> memref<1x128xf32, #tpu.memory_space<vmem>>
        %dma_start3A_1037 = tpu.memref_squeeze %dma_start3A_1036 : memref<1x128xf32, #tpu.memory_space<vmem>> -> memref<128xf32, #tpu.memory_space<vmem>>
        %dma_start3A_1038 = arith.constant 0 : i32
        %dma_start3A_1039 = tpu.memref_slice %arg16[%while3A_324, %dma_start3A_1038] : memref<32x128xi32, #tpu.memory_space<vmem>> -> memref<1x128xi32, #tpu.memory_space<vmem>>
        %dma_start3A_1040 = tpu.memref_squeeze %dma_start3A_1039 : memref<1x128xi32, #tpu.memory_space<vmem>> -> memref<128xi32, #tpu.memory_space<vmem>>
        %dma_start3A_1041 = arith.constant 0 : i32
        %dma_start3A_1042 = tpu.memref_slice %arg37[%dma_start3A_1041] : memref<100096xf32, #tpu.memory_space<vmem_shared>> -> memref<100096xf32, #tpu.memory_space<vmem_shared>>
        tpu.enqueue_indirect_dma source(%dma_start3A_1037 : memref<128xf32, #tpu.memory_space<vmem>>) target(%dma_start3A_1042 : memref<100096xf32, #tpu.memory_space<vmem_shared>>) offsets(%dma_start3A_1040 : memref<128xi32, #tpu.memory_space<vmem>>) semaphore(%arg41 : memref<!tpu.dma_semaphore, #tpu.memory_space<semaphore_mem>>)
        scf.yield %squeeze3A_1018 : i32
      }
      %while3A_298 = arith.constant 1 : i32
      %while3A_299 = scf.for %while3A_324 = %while3A_295 to %while3A_291 step %while3A_298 iter_args(%while3A_325 = %while3A_297) -> (i32)  : i32 {
        %mul3A_326 = arith.constant 128 : i32
        %mul3A_327 = arith.muli %while3A_324, %mul3A_326 : i32
        %add3A_328 = arith.constant 16 : i32
        %add3A_329 = arith.addi %add3A_328, %mul3A_327 : i32
        %add3A_330 = arith.constant 0 : i32
        %add3A_331 = arith.addi %add3A_329, %add3A_330 : i32
        %get3A_332 = arith.index_cast %add3A_331 : i32 to index
        %get3A_333 = tpu.vector_load %arg11[%get3A_332] {strides = array<i32>} : memref<4144xi32, #tpu.memory_space<vmem>>, vector<16xi32>,
        %add3A_334 = arith.constant 1 : i32
        %add3A_335 = arith.addi %add3A_331, %add3A_334 : i32
        %get3A_336 = arith.index_cast %add3A_335 : i32 to index
        %get3A_337 = tpu.vector_load %arg11[%get3A_336] {strides = array<i32>} : memref<4144xi32, #tpu.memory_space<vmem>>, vector<16xi32>,
        %get3A_338 = arith.index_cast %add3A_331 : i32 to index
        %get3A_339 = tpu.vector_load %arg13[%get3A_338] {strides = array<i32>} : memref<4144xf32, #tpu.memory_space<vmem>>, vector<16xf32>,
        %sub3A_340 = arith.constant 1 : i32
        %sub3A_341 = arith.subi %add3A_331, %sub3A_340 : i32
        %get3A_342 = arith.index_cast %sub3A_341 : i32 to index
        %get3A_343 = tpu.vector_load %arg13[%get3A_342] {strides = array<i32>} : memref<4144xf32, #tpu.memory_space<vmem>>, vector<16xf32>,
        %get3A_344 = arith.index_cast %add3A_331 : i32 to index
        %get3A_345 = tpu.vector_load %arg14[%get3A_344] {strides = array<i32>} : memref<4144xi32, #tpu.memory_space<vmem>>, vector<16xi32>,
        %sub3A_346 = arith.constant 1 : i32
        %sub3A_347 = arith.subi %add3A_331, %sub3A_346 : i32
        %get3A_348 = arith.index_cast %sub3A_347 : i32 to index
        %get3A_349 = tpu.vector_load %arg14[%get3A_348] {strides = array<i32>} : memref<4144xi32, #tpu.memory_space<vmem>>, vector<16xi32>,
        %shift_right_arithmetic3A = arith.constant 4 : i32
        %shift_right_arithmetic3A_350 = vector.broadcast %shift_right_arithmetic3A : i32 to vector<16xi32>
        %shift_right_arithmetic3A_351 = arith.shrsi %get3A_345, %shift_right_arithmetic3A_350 : vector<16xi32>
        %shift_right_arithmetic3A_352 = arith.constant 4 : i32
        %shift_right_arithmetic3A_353 = vector.broadcast %shift_right_arithmetic3A_352 : i32 to vector<16xi32>
        %shift_right_arithmetic3A_354 = arith.shrsi %get3A_349, %shift_right_arithmetic3A_353 : vector<16xi32>
        %eq3A_355 = arith.cmpi eq, %shift_right_arithmetic3A_351, %shift_right_arithmetic3A_354 : vector<16xi32>
        %jit3A_356 = arith.constant 0.000000e+00 : f32
        %broadcast_in_dim3A_357 = vector.broadcast %jit3A_356 : f32 to vector<16xf32>
        %select_n3A_358 = arith.select %eq3A_355, %get3A_343, %broadcast_in_dim3A_357 : vector<16xi1>, vector<16xf32>
        %get3A_359 = arith.index_cast %add3A_331 : i32 to index
        %get3A_360 = tpu.vector_load %arg12[%get3A_359] {strides = array<i32>} : memref<4144xi32, #tpu.memory_space<vmem>>, vector<16xi32>,
        %broadcast_in_dim3A_361 = vector.broadcast %while3A_325 : i32 to vector<16xi32>
        %max3A_362 = arith.maxsi %get3A_360, %broadcast_in_dim3A_361 : vector<16xi32>
        %broadcast_in_dim3A_363 = arith.constant true
        %broadcast_in_dim3A_364 = vector.broadcast %broadcast_in_dim3A_363 : i1 to vector<16xi1>
        %masked_cummax3A = arith.constant -2147483648 : i32
        %masked_cummax3A_365 = vector.broadcast %masked_cummax3A : i32 to vector<16xi32>
        %masked_cummax3A_366 = arith.xori %max3A_362, %masked_cummax3A_365 : vector<16xi32>
        %masked_cummax3A_367 = tpu.scan <max>, %masked_cummax3A_366 masked %broadcast_in_dim3A_364 : vector<16xi32>, vector<16xi1> -> vector<16xi32>
        %masked_cummax3A_368 = arith.xori %masked_cummax3A_367, %masked_cummax3A_365 : vector<16xi32>
        %swap3A_369 = arith.index_cast %add3A_331 : i32 to index
        %swap3A_370 = tpu.vector_load %arg12[%swap3A_369] {strides = array<i32>} : memref<4144xi32, #tpu.memory_space<vmem>>, vector<16xi32>,
        tpu.vector_store %arg12[%swap3A_369], %masked_cummax3A_368 {strides = array<i32>} : memref<4144xi32, #tpu.memory_space<vmem>>, vector<16xi32>,
        %mul3A_371 = arith.constant 128 : i32
        %mul3A_372 = arith.muli %while3A_324, %mul3A_371 : i32
        %add3A_373 = arith.constant 0 : i32
        %add3A_374 = arith.addi %mul3A_372, %add3A_373 : i32
        %add3A_375 = vector.broadcast %add3A_374 : i32 to vector<16xi32>
        %add3A_376 = arith.addi %iota3A, %add3A_375 : vector<16xi32>
        %ne3A = arith.cmpi ne, %get3A_333, %get3A_337 : vector<16xi32>
        %ne3A_377 = vector.broadcast %select_n3A_238 : i32 to vector<16xi32>
        %ne3A_378 = arith.cmpi ne, %add3A_376, %ne3A_377 : vector<16xi32>
        %and3A_379 = arith.andi %ne3A, %ne3A_378 : vector<16xi1>
        %swap3A_380 = arith.index_cast %while3A_324 : i32 to index
        %swap3A_381 = arith.constant 0 : index
        %swap3A_382 = tpu.vector_load %arg15[%swap3A_380, %swap3A_381] {strides = array<i32>} : memref<32x128xi32, #tpu.memory_space<vmem>>, vector<16xi32>,
        tpu.vector_store %arg15[%swap3A_380, %swap3A_381], %get3A_333 {strides = array<i32>} : memref<32x128xi32, #tpu.memory_space<vmem>>, vector<16xi32>,
        %eq3A_383 = arith.cmpi eq, %get3A_333, %broadcast_in_dim3A_72 : vector<16xi32>
        %select_n3A_384 = arith.select %eq3A_383, %broadcast_in_dim3A_75, %get3A_333 : vector<16xi1>, vector<16xi32>
        %select_n3A_385 = arith.select %and3A_379, %select_n3A_384, %broadcast_in_dim3A_3 : vector<16xi1>, vector<16xi32>
        %swap3A_386 = arith.index_cast %while3A_324 : i32 to index
        %swap3A_387 = arith.constant 0 : index
        %swap3A_388 = tpu.vector_load %arg16[%swap3A_386, %swap3A_387] {strides = array<i32>} : memref<32x128xi32, #tpu.memory_space<vmem>>, vector<16xi32>,
        tpu.vector_store %arg16[%swap3A_386, %swap3A_387], %select_n3A_385 {strides = array<i32>} : memref<32x128xi32, #tpu.memory_space<vmem>>, vector<16xi32>,
        %sub3A_389 = arith.subf %get3A_339, %select_n3A_358 : vector<16xf32>
        %swap3A_390 = arith.index_cast %while3A_324 : i32 to index
        %swap3A_391 = arith.constant 0 : index
        %swap3A_392 = tpu.vector_load %arg17[%swap3A_390, %swap3A_391] {strides = array<i32>} : memref<32x128xf32, #tpu.memory_space<vmem>>, vector<16xf32>,
        tpu.vector_store %arg17[%swap3A_390, %swap3A_391], %sub3A_389 {strides = array<i32>} : memref<32x128xf32, #tpu.memory_space<vmem>>, vector<16xf32>,
        %sub3A_393 = arith.subi %get3A_345, %get3A_349 : vector<16xi32>
        %convert_element_type3A_394 = arith.sitofp %sub3A_393 : vector<16xi32> to vector<16xf32>
        %swap3A_395 = arith.index_cast %while3A_324 : i32 to index
        %swap3A_396 = arith.constant 0 : index
        %swap3A_397 = tpu.vector_load %arg18[%swap3A_395, %swap3A_396] {strides = array<i32>} : memref<32x128xf32, #tpu.memory_space<vmem>>, vector<16xf32>,
        tpu.vector_store %arg18[%swap3A_395, %swap3A_396], %convert_element_type3A_394 {strides = array<i32>} : memref<32x128xf32, #tpu.memory_space<vmem>>, vector<16xf32>,
        %and3A_398 = arith.constant 16383 : i32
        %and3A_399 = vector.broadcast %and3A_398 : i32 to vector<16xi32>
        %and3A_400 = arith.andi %masked_cummax3A_368, %and3A_399 : vector<16xi32>
        %convert_element_type3A_401 = arith.sitofp %and3A_400 : vector<16xi32> to vector<16xf32>
        %mul3A_402 = arith.constant 6.10351563E-5 : f32
        %mul3A_403 = vector.broadcast %mul3A_402 : f32 to vector<16xf32>
        %mul3A_404 = arith.mulf %convert_element_type3A_401, %mul3A_403 : vector<16xf32>
        %swap3A_405 = arith.index_cast %while3A_324 : i32 to index
        %swap3A_406 = arith.constant 0 : index
        %swap3A_407 = tpu.vector_load %arg19[%swap3A_405, %swap3A_406] {strides = array<i32>} : memref<32x128xf32, #tpu.memory_space<vmem>>, vector<16xf32>,
        tpu.vector_store %arg19[%swap3A_405, %swap3A_406], %mul3A_404 {strides = array<i32>} : memref<32x128xf32, #tpu.memory_space<vmem>>, vector<16xf32>,
        %slice3A_408 = vector.extract_strided_slice %masked_cummax3A_368 {offsets = [15], sizes = [1], strides = [1]} : vector<16xi32> to vector<1xi32>
        %squeeze3A_409 = vector.extract %slice3A_408[0] : i32 from vector<1xi32>
        %mul3A_410 = arith.constant 128 : i32
        %mul3A_411 = arith.muli %while3A_324, %mul3A_410 : i32
        %add3A_412 = arith.constant 16 : i32
        %add3A_413 = arith.addi %add3A_412, %mul3A_411 : i32
        %add3A_414 = arith.constant 16 : i32
        %add3A_415 = arith.addi %add3A_413, %add3A_414 : i32
        %get3A_416 = arith.index_cast %add3A_415 : i32 to index
        %get3A_417 = tpu.vector_load %arg11[%get3A_416] {strides = array<i32>} : memref<4144xi32, #tpu.memory_space<vmem>>, vector<16xi32>,
        %add3A_418 = arith.constant 1 : i32
        %add3A_419 = arith.addi %add3A_415, %add3A_418 : i32
        %get3A_420 = arith.index_cast %add3A_419 : i32 to index
        %get3A_421 = tpu.vector_load %arg11[%get3A_420] {strides = array<i32>} : memref<4144xi32, #tpu.memory_space<vmem>>, vector<16xi32>,
        %get3A_422 = arith.index_cast %add3A_415 : i32 to index
        %get3A_423 = tpu.vector_load %arg13[%get3A_422] {strides = array<i32>} : memref<4144xf32, #tpu.memory_space<vmem>>, vector<16xf32>,
        %sub3A_424 = arith.constant 1 : i32
        %sub3A_425 = arith.subi %add3A_415, %sub3A_424 : i32
        %get3A_426 = arith.index_cast %sub3A_425 : i32 to index
        %get3A_427 = tpu.vector_load %arg13[%get3A_426] {strides = array<i32>} : memref<4144xf32, #tpu.memory_space<vmem>>, vector<16xf32>,
        %get3A_428 = arith.index_cast %add3A_415 : i32 to index
        %get3A_429 = tpu.vector_load %arg14[%get3A_428] {strides = array<i32>} : memref<4144xi32, #tpu.memory_space<vmem>>, vector<16xi32>,
        %sub3A_430 = arith.constant 1 : i32
        %sub3A_431 = arith.subi %add3A_415, %sub3A_430 : i32
        %get3A_432 = arith.index_cast %sub3A_431 : i32 to index
        %get3A_433 = tpu.vector_load %arg14[%get3A_432] {strides = array<i32>} : memref<4144xi32, #tpu.memory_space<vmem>>, vector<16xi32>,
        %shift_right_arithmetic3A_434 = arith.constant 4 : i32
        %shift_right_arithmetic3A_435 = vector.broadcast %shift_right_arithmetic3A_434 : i32 to vector<16xi32>
        %shift_right_arithmetic3A_436 = arith.shrsi %get3A_429, %shift_right_arithmetic3A_435 : vector<16xi32>
        %shift_right_arithmetic3A_437 = arith.constant 4 : i32
        %shift_right_arithmetic3A_438 = vector.broadcast %shift_right_arithmetic3A_437 : i32 to vector<16xi32>
        %shift_right_arithmetic3A_439 = arith.shrsi %get3A_433, %shift_right_arithmetic3A_438 : vector<16xi32>
        %eq3A_440 = arith.cmpi eq, %shift_right_arithmetic3A_436, %shift_right_arithmetic3A_439 : vector<16xi32>
        %jit3A_441 = arith.constant 0.000000e+00 : f32
        %broadcast_in_dim3A_442 = vector.broadcast %jit3A_441 : f32 to vector<16xf32>
        %select_n3A_443 = arith.select %eq3A_440, %get3A_427, %broadcast_in_dim3A_442 : vector<16xi1>, vector<16xf32>
        %get3A_444 = arith.index_cast %add3A_415 : i32 to index
        %get3A_445 = tpu.vector_load %arg12[%get3A_444] {strides = array<i32>} : memref<4144xi32, #tpu.memory_space<vmem>>, vector<16xi32>,
        %broadcast_in_dim3A_446 = vector.broadcast %squeeze3A_409 : i32 to vector<16xi32>
        %max3A_447 = arith.maxsi %get3A_445, %broadcast_in_dim3A_446 : vector<16xi32>
        %broadcast_in_dim3A_448 = arith.constant true
        %broadcast_in_dim3A_449 = vector.broadcast %broadcast_in_dim3A_448 : i1 to vector<16xi1>
        %masked_cummax3A_450 = arith.constant -2147483648 : i32
        %masked_cummax3A_451 = vector.broadcast %masked_cummax3A_450 : i32 to vector<16xi32>
        %masked_cummax3A_452 = arith.xori %max3A_447, %masked_cummax3A_451 : vector<16xi32>
        %masked_cummax3A_453 = tpu.scan <max>, %masked_cummax3A_452 masked %broadcast_in_dim3A_449 : vector<16xi32>, vector<16xi1> -> vector<16xi32>
        %masked_cummax3A_454 = arith.xori %masked_cummax3A_453, %masked_cummax3A_451 : vector<16xi32>
        %swap3A_455 = arith.index_cast %add3A_415 : i32 to index
        %swap3A_456 = tpu.vector_load %arg12[%swap3A_455] {strides = array<i32>} : memref<4144xi32, #tpu.memory_space<vmem>>, vector<16xi32>,
        tpu.vector_store %arg12[%swap3A_455], %masked_cummax3A_454 {strides = array<i32>} : memref<4144xi32, #tpu.memory_space<vmem>>, vector<16xi32>,
        %mul3A_457 = arith.constant 128 : i32
        %mul3A_458 = arith.muli %while3A_324, %mul3A_457 : i32
        %add3A_459 = arith.constant 16 : i32
        %add3A_460 = arith.addi %mul3A_458, %add3A_459 : i32
        %add3A_461 = vector.broadcast %add3A_460 : i32 to vector<16xi32>
        %add3A_462 = arith.addi %iota3A, %add3A_461 : vector<16xi32>
        %ne3A_463 = arith.cmpi ne, %get3A_417, %get3A_421 : vector<16xi32>
        %ne3A_464 = vector.broadcast %select_n3A_238 : i32 to vector<16xi32>
        %ne3A_465 = arith.cmpi ne, %add3A_462, %ne3A_464 : vector<16xi32>
        %and3A_466 = arith.andi %ne3A_463, %ne3A_465 : vector<16xi1>
        %swap3A_467 = arith.index_cast %while3A_324 : i32 to index
        %swap3A_468 = arith.constant 16 : index
        %swap3A_469 = tpu.vector_load %arg15[%swap3A_467, %swap3A_468] {strides = array<i32>} : memref<32x128xi32, #tpu.memory_space<vmem>>, vector<16xi32>,
        tpu.vector_store %arg15[%swap3A_467, %swap3A_468], %get3A_417 {strides = array<i32>} : memref<32x128xi32, #tpu.memory_space<vmem>>, vector<16xi32>,
        %eq3A_470 = arith.cmpi eq, %get3A_417, %broadcast_in_dim3A_72 : vector<16xi32>
        %select_n3A_471 = arith.select %eq3A_470, %broadcast_in_dim3A_75, %get3A_417 : vector<16xi1>, vector<16xi32>
        %select_n3A_472 = arith.select %and3A_466, %select_n3A_471, %broadcast_in_dim3A_3 : vector<16xi1>, vector<16xi32>
        %swap3A_473 = arith.index_cast %while3A_324 : i32 to index
        %swap3A_474 = arith.constant 16 : index
        %swap3A_475 = tpu.vector_load %arg16[%swap3A_473, %swap3A_474] {strides = array<i32>} : memref<32x128xi32, #tpu.memory_space<vmem>>, vector<16xi32>,
        tpu.vector_store %arg16[%swap3A_473, %swap3A_474], %select_n3A_472 {strides = array<i32>} : memref<32x128xi32, #tpu.memory_space<vmem>>, vector<16xi32>,
        %sub3A_476 = arith.subf %get3A_423, %select_n3A_443 : vector<16xf32>
        %swap3A_477 = arith.index_cast %while3A_324 : i32 to index
        %swap3A_478 = arith.constant 16 : index
        %swap3A_479 = tpu.vector_load %arg17[%swap3A_477, %swap3A_478] {strides = array<i32>} : memref<32x128xf32, #tpu.memory_space<vmem>>, vector<16xf32>,
        tpu.vector_store %arg17[%swap3A_477, %swap3A_478], %sub3A_476 {strides = array<i32>} : memref<32x128xf32, #tpu.memory_space<vmem>>, vector<16xf32>,
        %sub3A_480 = arith.subi %get3A_429, %get3A_433 : vector<16xi32>
        %convert_element_type3A_481 = arith.sitofp %sub3A_480 : vector<16xi32> to vector<16xf32>
        %swap3A_482 = arith.index_cast %while3A_324 : i32 to index
        %swap3A_483 = arith.constant 16 : index
        %swap3A_484 = tpu.vector_load %arg18[%swap3A_482, %swap3A_483] {strides = array<i32>} : memref<32x128xf32, #tpu.memory_space<vmem>>, vector<16xf32>,
        tpu.vector_store %arg18[%swap3A_482, %swap3A_483], %convert_element_type3A_481 {strides = array<i32>} : memref<32x128xf32, #tpu.memory_space<vmem>>, vector<16xf32>,
        %and3A_485 = arith.constant 16383 : i32
        %and3A_486 = vector.broadcast %and3A_485 : i32 to vector<16xi32>
        %and3A_487 = arith.andi %masked_cummax3A_454, %and3A_486 : vector<16xi32>
        %convert_element_type3A_488 = arith.sitofp %and3A_487 : vector<16xi32> to vector<16xf32>
        %mul3A_489 = arith.constant 6.10351563E-5 : f32
        %mul3A_490 = vector.broadcast %mul3A_489 : f32 to vector<16xf32>
        %mul3A_491 = arith.mulf %convert_element_type3A_488, %mul3A_490 : vector<16xf32>
        %swap3A_492 = arith.index_cast %while3A_324 : i32 to index
        %swap3A_493 = arith.constant 16 : index
        %swap3A_494 = tpu.vector_load %arg19[%swap3A_492, %swap3A_493] {strides = array<i32>} : memref<32x128xf32, #tpu.memory_space<vmem>>, vector<16xf32>,
        tpu.vector_store %arg19[%swap3A_492, %swap3A_493], %mul3A_491 {strides = array<i32>} : memref<32x128xf32, #tpu.memory_space<vmem>>, vector<16xf32>,
        %slice3A_495 = vector.extract_strided_slice %masked_cummax3A_454 {offsets = [15], sizes = [1], strides = [1]} : vector<16xi32> to vector<1xi32>
        %squeeze3A_496 = vector.extract %slice3A_495[0] : i32 from vector<1xi32>
        %mul3A_497 = arith.constant 128 : i32
        %mul3A_498 = arith.muli %while3A_324, %mul3A_497 : i32
        %add3A_499 = arith.constant 16 : i32
        %add3A_500 = arith.addi %add3A_499, %mul3A_498 : i32
        %add3A_501 = arith.constant 32 : i32
        %add3A_502 = arith.addi %add3A_500, %add3A_501 : i32
        %get3A_503 = arith.index_cast %add3A_502 : i32 to index
        %get3A_504 = tpu.vector_load %arg11[%get3A_503] {strides = array<i32>} : memref<4144xi32, #tpu.memory_space<vmem>>, vector<16xi32>,
        %add3A_505 = arith.constant 1 : i32
        %add3A_506 = arith.addi %add3A_502, %add3A_505 : i32
        %get3A_507 = arith.index_cast %add3A_506 : i32 to index
        %get3A_508 = tpu.vector_load %arg11[%get3A_507] {strides = array<i32>} : memref<4144xi32, #tpu.memory_space<vmem>>, vector<16xi32>,
        %get3A_509 = arith.index_cast %add3A_502 : i32 to index
        %get3A_510 = tpu.vector_load %arg13[%get3A_509] {strides = array<i32>} : memref<4144xf32, #tpu.memory_space<vmem>>, vector<16xf32>,
        %sub3A_511 = arith.constant 1 : i32
        %sub3A_512 = arith.subi %add3A_502, %sub3A_511 : i32
        %get3A_513 = arith.index_cast %sub3A_512 : i32 to index
        %get3A_514 = tpu.vector_load %arg13[%get3A_513] {strides = array<i32>} : memref<4144xf32, #tpu.memory_space<vmem>>, vector<16xf32>,
        %get3A_515 = arith.index_cast %add3A_502 : i32 to index
        %get3A_516 = tpu.vector_load %arg14[%get3A_515] {strides = array<i32>} : memref<4144xi32, #tpu.memory_space<vmem>>, vector<16xi32>,
        %sub3A_517 = arith.constant 1 : i32
        %sub3A_518 = arith.subi %add3A_502, %sub3A_517 : i32
        %get3A_519 = arith.index_cast %sub3A_518 : i32 to index
        %get3A_520 = tpu.vector_load %arg14[%get3A_519] {strides = array<i32>} : memref<4144xi32, #tpu.memory_space<vmem>>, vector<16xi32>,
        %shift_right_arithmetic3A_521 = arith.constant 4 : i32
        %shift_right_arithmetic3A_522 = vector.broadcast %shift_right_arithmetic3A_521 : i32 to vector<16xi32>
        %shift_right_arithmetic3A_523 = arith.shrsi %get3A_516, %shift_right_arithmetic3A_522 : vector<16xi32>
        %shift_right_arithmetic3A_524 = arith.constant 4 : i32
        %shift_right_arithmetic3A_525 = vector.broadcast %shift_right_arithmetic3A_524 : i32 to vector<16xi32>
        %shift_right_arithmetic3A_526 = arith.shrsi %get3A_520, %shift_right_arithmetic3A_525 : vector<16xi32>
        %eq3A_527 = arith.cmpi eq, %shift_right_arithmetic3A_523, %shift_right_arithmetic3A_526 : vector<16xi32>
        %jit3A_528 = arith.constant 0.000000e+00 : f32
        %broadcast_in_dim3A_529 = vector.broadcast %jit3A_528 : f32 to vector<16xf32>
        %select_n3A_530 = arith.select %eq3A_527, %get3A_514, %broadcast_in_dim3A_529 : vector<16xi1>, vector<16xf32>
        %get3A_531 = arith.index_cast %add3A_502 : i32 to index
        %get3A_532 = tpu.vector_load %arg12[%get3A_531] {strides = array<i32>} : memref<4144xi32, #tpu.memory_space<vmem>>, vector<16xi32>,
        %broadcast_in_dim3A_533 = vector.broadcast %squeeze3A_496 : i32 to vector<16xi32>
        %max3A_534 = arith.maxsi %get3A_532, %broadcast_in_dim3A_533 : vector<16xi32>
        %broadcast_in_dim3A_535 = arith.constant true
        %broadcast_in_dim3A_536 = vector.broadcast %broadcast_in_dim3A_535 : i1 to vector<16xi1>
        %masked_cummax3A_537 = arith.constant -2147483648 : i32
        %masked_cummax3A_538 = vector.broadcast %masked_cummax3A_537 : i32 to vector<16xi32>
        %masked_cummax3A_539 = arith.xori %max3A_534, %masked_cummax3A_538 : vector<16xi32>
        %masked_cummax3A_540 = tpu.scan <max>, %masked_cummax3A_539 masked %broadcast_in_dim3A_536 : vector<16xi32>, vector<16xi1> -> vector<16xi32>
        %masked_cummax3A_541 = arith.xori %masked_cummax3A_540, %masked_cummax3A_538 : vector<16xi32>
        %swap3A_542 = arith.index_cast %add3A_502 : i32 to index
        %swap3A_543 = tpu.vector_load %arg12[%swap3A_542] {strides = array<i32>} : memref<4144xi32, #tpu.memory_space<vmem>>, vector<16xi32>,
        tpu.vector_store %arg12[%swap3A_542], %masked_cummax3A_541 {strides = array<i32>} : memref<4144xi32, #tpu.memory_space<vmem>>, vector<16xi32>,
        %mul3A_544 = arith.constant 128 : i32
        %mul3A_545 = arith.muli %while3A_324, %mul3A_544 : i32
        %add3A_546 = arith.constant 32 : i32
        %add3A_547 = arith.addi %mul3A_545, %add3A_546 : i32
        %add3A_548 = vector.broadcast %add3A_547 : i32 to vector<16xi32>
        %add3A_549 = arith.addi %iota3A, %add3A_548 : vector<16xi32>
        %ne3A_550 = arith.cmpi ne, %get3A_504, %get3A_508 : vector<16xi32>
        %ne3A_551 = vector.broadcast %select_n3A_238 : i32 to vector<16xi32>
        %ne3A_552 = arith.cmpi ne, %add3A_549, %ne3A_551 : vector<16xi32>
        %and3A_553 = arith.andi %ne3A_550, %ne3A_552 : vector<16xi1>
        %swap3A_554 = arith.index_cast %while3A_324 : i32 to index
        %swap3A_555 = arith.constant 32 : index
        %swap3A_556 = tpu.vector_load %arg15[%swap3A_554, %swap3A_555] {strides = array<i32>} : memref<32x128xi32, #tpu.memory_space<vmem>>, vector<16xi32>,
        tpu.vector_store %arg15[%swap3A_554, %swap3A_555], %get3A_504 {strides = array<i32>} : memref<32x128xi32, #tpu.memory_space<vmem>>, vector<16xi32>,
        %eq3A_557 = arith.cmpi eq, %get3A_504, %broadcast_in_dim3A_72 : vector<16xi32>
        %select_n3A_558 = arith.select %eq3A_557, %broadcast_in_dim3A_75, %get3A_504 : vector<16xi1>, vector<16xi32>
        %select_n3A_559 = arith.select %and3A_553, %select_n3A_558, %broadcast_in_dim3A_3 : vector<16xi1>, vector<16xi32>
        %swap3A_560 = arith.index_cast %while3A_324 : i32 to index
        %swap3A_561 = arith.constant 32 : index
        %swap3A_562 = tpu.vector_load %arg16[%swap3A_560, %swap3A_561] {strides = array<i32>} : memref<32x128xi32, #tpu.memory_space<vmem>>, vector<16xi32>,
        tpu.vector_store %arg16[%swap3A_560, %swap3A_561], %select_n3A_559 {strides = array<i32>} : memref<32x128xi32, #tpu.memory_space<vmem>>, vector<16xi32>,
        %sub3A_563 = arith.subf %get3A_510, %select_n3A_530 : vector<16xf32>
        %swap3A_564 = arith.index_cast %while3A_324 : i32 to index
        %swap3A_565 = arith.constant 32 : index
        %swap3A_566 = tpu.vector_load %arg17[%swap3A_564, %swap3A_565] {strides = array<i32>} : memref<32x128xf32, #tpu.memory_space<vmem>>, vector<16xf32>,
        tpu.vector_store %arg17[%swap3A_564, %swap3A_565], %sub3A_563 {strides = array<i32>} : memref<32x128xf32, #tpu.memory_space<vmem>>, vector<16xf32>,
        %sub3A_567 = arith.subi %get3A_516, %get3A_520 : vector<16xi32>
        %convert_element_type3A_568 = arith.sitofp %sub3A_567 : vector<16xi32> to vector<16xf32>
        %swap3A_569 = arith.index_cast %while3A_324 : i32 to index
        %swap3A_570 = arith.constant 32 : index
        %swap3A_571 = tpu.vector_load %arg18[%swap3A_569, %swap3A_570] {strides = array<i32>} : memref<32x128xf32, #tpu.memory_space<vmem>>, vector<16xf32>,
        tpu.vector_store %arg18[%swap3A_569, %swap3A_570], %convert_element_type3A_568 {strides = array<i32>} : memref<32x128xf32, #tpu.memory_space<vmem>>, vector<16xf32>,
        %and3A_572 = arith.constant 16383 : i32
        %and3A_573 = vector.broadcast %and3A_572 : i32 to vector<16xi32>
        %and3A_574 = arith.andi %masked_cummax3A_541, %and3A_573 : vector<16xi32>
        %convert_element_type3A_575 = arith.sitofp %and3A_574 : vector<16xi32> to vector<16xf32>
        %mul3A_576 = arith.constant 6.10351563E-5 : f32
        %mul3A_577 = vector.broadcast %mul3A_576 : f32 to vector<16xf32>
        %mul3A_578 = arith.mulf %convert_element_type3A_575, %mul3A_577 : vector<16xf32>
        %swap3A_579 = arith.index_cast %while3A_324 : i32 to index
        %swap3A_580 = arith.constant 32 : index
        %swap3A_581 = tpu.vector_load %arg19[%swap3A_579, %swap3A_580] {strides = array<i32>} : memref<32x128xf32, #tpu.memory_space<vmem>>, vector<16xf32>,
        tpu.vector_store %arg19[%swap3A_579, %swap3A_580], %mul3A_578 {strides = array<i32>} : memref<32x128xf32, #tpu.memory_space<vmem>>, vector<16xf32>,
        %slice3A_582 = vector.extract_strided_slice %masked_cummax3A_541 {offsets = [15], sizes = [1], strides = [1]} : vector<16xi32> to vector<1xi32>
        %squeeze3A_583 = vector.extract %slice3A_582[0] : i32 from vector<1xi32>
        %mul3A_584 = arith.constant 128 : i32
        %mul3A_585 = arith.muli %while3A_324, %mul3A_584 : i32
        %add3A_586 = arith.constant 16 : i32
        %add3A_587 = arith.addi %add3A_586, %mul3A_585 : i32
        %add3A_588 = arith.constant 48 : i32
        %add3A_589 = arith.addi %add3A_587, %add3A_588 : i32
        %get3A_590 = arith.index_cast %add3A_589 : i32 to index
        %get3A_591 = tpu.vector_load %arg11[%get3A_590] {strides = array<i32>} : memref<4144xi32, #tpu.memory_space<vmem>>, vector<16xi32>,
        %add3A_592 = arith.constant 1 : i32
        %add3A_593 = arith.addi %add3A_589, %add3A_592 : i32
        %get3A_594 = arith.index_cast %add3A_593 : i32 to index
        %get3A_595 = tpu.vector_load %arg11[%get3A_594] {strides = array<i32>} : memref<4144xi32, #tpu.memory_space<vmem>>, vector<16xi32>,
        %get3A_596 = arith.index_cast %add3A_589 : i32 to index
        %get3A_597 = tpu.vector_load %arg13[%get3A_596] {strides = array<i32>} : memref<4144xf32, #tpu.memory_space<vmem>>, vector<16xf32>,
        %sub3A_598 = arith.constant 1 : i32
        %sub3A_599 = arith.subi %add3A_589, %sub3A_598 : i32
        %get3A_600 = arith.index_cast %sub3A_599 : i32 to index
        %get3A_601 = tpu.vector_load %arg13[%get3A_600] {strides = array<i32>} : memref<4144xf32, #tpu.memory_space<vmem>>, vector<16xf32>,
        %get3A_602 = arith.index_cast %add3A_589 : i32 to index
        %get3A_603 = tpu.vector_load %arg14[%get3A_602] {strides = array<i32>} : memref<4144xi32, #tpu.memory_space<vmem>>, vector<16xi32>,
        %sub3A_604 = arith.constant 1 : i32
        %sub3A_605 = arith.subi %add3A_589, %sub3A_604 : i32
        %get3A_606 = arith.index_cast %sub3A_605 : i32 to index
        %get3A_607 = tpu.vector_load %arg14[%get3A_606] {strides = array<i32>} : memref<4144xi32, #tpu.memory_space<vmem>>, vector<16xi32>,
        %shift_right_arithmetic3A_608 = arith.constant 4 : i32
        %shift_right_arithmetic3A_609 = vector.broadcast %shift_right_arithmetic3A_608 : i32 to vector<16xi32>
        %shift_right_arithmetic3A_610 = arith.shrsi %get3A_603, %shift_right_arithmetic3A_609 : vector<16xi32>
        %shift_right_arithmetic3A_611 = arith.constant 4 : i32
        %shift_right_arithmetic3A_612 = vector.broadcast %shift_right_arithmetic3A_611 : i32 to vector<16xi32>
        %shift_right_arithmetic3A_613 = arith.shrsi %get3A_607, %shift_right_arithmetic3A_612 : vector<16xi32>
        %eq3A_614 = arith.cmpi eq, %shift_right_arithmetic3A_610, %shift_right_arithmetic3A_613 : vector<16xi32>
        %jit3A_615 = arith.constant 0.000000e+00 : f32
        %broadcast_in_dim3A_616 = vector.broadcast %jit3A_615 : f32 to vector<16xf32>
        %select_n3A_617 = arith.select %eq3A_614, %get3A_601, %broadcast_in_dim3A_616 : vector<16xi1>, vector<16xf32>
        %get3A_618 = arith.index_cast %add3A_589 : i32 to index
        %get3A_619 = tpu.vector_load %arg12[%get3A_618] {strides = array<i32>} : memref<4144xi32, #tpu.memory_space<vmem>>, vector<16xi32>,
        %broadcast_in_dim3A_620 = vector.broadcast %squeeze3A_583 : i32 to vector<16xi32>
        %max3A_621 = arith.maxsi %get3A_619, %broadcast_in_dim3A_620 : vector<16xi32>
        %broadcast_in_dim3A_622 = arith.constant true
        %broadcast_in_dim3A_623 = vector.broadcast %broadcast_in_dim3A_622 : i1 to vector<16xi1>
        %masked_cummax3A_624 = arith.constant -2147483648 : i32
        %masked_cummax3A_625 = vector.broadcast %masked_cummax3A_624 : i32 to vector<16xi32>
        %masked_cummax3A_626 = arith.xori %max3A_621, %masked_cummax3A_625 : vector<16xi32>
        %masked_cummax3A_627 = tpu.scan <max>, %masked_cummax3A_626 masked %broadcast_in_dim3A_623 : vector<16xi32>, vector<16xi1> -> vector<16xi32>
        %masked_cummax3A_628 = arith.xori %masked_cummax3A_627, %masked_cummax3A_625 : vector<16xi32>
        %swap3A_629 = arith.index_cast %add3A_589 : i32 to index
        %swap3A_630 = tpu.vector_load %arg12[%swap3A_629] {strides = array<i32>} : memref<4144xi32, #tpu.memory_space<vmem>>, vector<16xi32>,
        tpu.vector_store %arg12[%swap3A_629], %masked_cummax3A_628 {strides = array<i32>} : memref<4144xi32, #tpu.memory_space<vmem>>, vector<16xi32>,
        %mul3A_631 = arith.constant 128 : i32
        %mul3A_632 = arith.muli %while3A_324, %mul3A_631 : i32
        %add3A_633 = arith.constant 48 : i32
        %add3A_634 = arith.addi %mul3A_632, %add3A_633 : i32
        %add3A_635 = vector.broadcast %add3A_634 : i32 to vector<16xi32>
        %add3A_636 = arith.addi %iota3A, %add3A_635 : vector<16xi32>
        %ne3A_637 = arith.cmpi ne, %get3A_591, %get3A_595 : vector<16xi32>
        %ne3A_638 = vector.broadcast %select_n3A_238 : i32 to vector<16xi32>
        %ne3A_639 = arith.cmpi ne, %add3A_636, %ne3A_638 : vector<16xi32>
        %and3A_640 = arith.andi %ne3A_637, %ne3A_639 : vector<16xi1>
        %swap3A_641 = arith.index_cast %while3A_324 : i32 to index
        %swap3A_642 = arith.constant 48 : index
        %swap3A_643 = tpu.vector_load %arg15[%swap3A_641, %swap3A_642] {strides = array<i32>} : memref<32x128xi32, #tpu.memory_space<vmem>>, vector<16xi32>,
        tpu.vector_store %arg15[%swap3A_641, %swap3A_642], %get3A_591 {strides = array<i32>} : memref<32x128xi32, #tpu.memory_space<vmem>>, vector<16xi32>,
        %eq3A_644 = arith.cmpi eq, %get3A_591, %broadcast_in_dim3A_72 : vector<16xi32>
        %select_n3A_645 = arith.select %eq3A_644, %broadcast_in_dim3A_75, %get3A_591 : vector<16xi1>, vector<16xi32>
        %select_n3A_646 = arith.select %and3A_640, %select_n3A_645, %broadcast_in_dim3A_3 : vector<16xi1>, vector<16xi32>
        %swap3A_647 = arith.index_cast %while3A_324 : i32 to index
        %swap3A_648 = arith.constant 48 : index
        %swap3A_649 = tpu.vector_load %arg16[%swap3A_647, %swap3A_648] {strides = array<i32>} : memref<32x128xi32, #tpu.memory_space<vmem>>, vector<16xi32>,
        tpu.vector_store %arg16[%swap3A_647, %swap3A_648], %select_n3A_646 {strides = array<i32>} : memref<32x128xi32, #tpu.memory_space<vmem>>, vector<16xi32>,
        %sub3A_650 = arith.subf %get3A_597, %select_n3A_617 : vector<16xf32>
        %swap3A_651 = arith.index_cast %while3A_324 : i32 to index
        %swap3A_652 = arith.constant 48 : index
        %swap3A_653 = tpu.vector_load %arg17[%swap3A_651, %swap3A_652] {strides = array<i32>} : memref<32x128xf32, #tpu.memory_space<vmem>>, vector<16xf32>,
        tpu.vector_store %arg17[%swap3A_651, %swap3A_652], %sub3A_650 {strides = array<i32>} : memref<32x128xf32, #tpu.memory_space<vmem>>, vector<16xf32>,
        %sub3A_654 = arith.subi %get3A_603, %get3A_607 : vector<16xi32>
        %convert_element_type3A_655 = arith.sitofp %sub3A_654 : vector<16xi32> to vector<16xf32>
        %swap3A_656 = arith.index_cast %while3A_324 : i32 to index
        %swap3A_657 = arith.constant 48 : index
        %swap3A_658 = tpu.vector_load %arg18[%swap3A_656, %swap3A_657] {strides = array<i32>} : memref<32x128xf32, #tpu.memory_space<vmem>>, vector<16xf32>,
        tpu.vector_store %arg18[%swap3A_656, %swap3A_657], %convert_element_type3A_655 {strides = array<i32>} : memref<32x128xf32, #tpu.memory_space<vmem>>, vector<16xf32>,
        %and3A_659 = arith.constant 16383 : i32
        %and3A_660 = vector.broadcast %and3A_659 : i32 to vector<16xi32>
        %and3A_661 = arith.andi %masked_cummax3A_628, %and3A_660 : vector<16xi32>
        %convert_element_type3A_662 = arith.sitofp %and3A_661 : vector<16xi32> to vector<16xf32>
        %mul3A_663 = arith.constant 6.10351563E-5 : f32
        %mul3A_664 = vector.broadcast %mul3A_663 : f32 to vector<16xf32>
        %mul3A_665 = arith.mulf %convert_element_type3A_662, %mul3A_664 : vector<16xf32>
        %swap3A_666 = arith.index_cast %while3A_324 : i32 to index
        %swap3A_667 = arith.constant 48 : index
        %swap3A_668 = tpu.vector_load %arg19[%swap3A_666, %swap3A_667] {strides = array<i32>} : memref<32x128xf32, #tpu.memory_space<vmem>>, vector<16xf32>,
        tpu.vector_store %arg19[%swap3A_666, %swap3A_667], %mul3A_665 {strides = array<i32>} : memref<32x128xf32, #tpu.memory_space<vmem>>, vector<16xf32>,
        %slice3A_669 = vector.extract_strided_slice %masked_cummax3A_628 {offsets = [15], sizes = [1], strides = [1]} : vector<16xi32> to vector<1xi32>
        %squeeze3A_670 = vector.extract %slice3A_669[0] : i32 from vector<1xi32>
        %mul3A_671 = arith.constant 128 : i32
        %mul3A_672 = arith.muli %while3A_324, %mul3A_671 : i32
        %add3A_673 = arith.constant 16 : i32
        %add3A_674 = arith.addi %add3A_673, %mul3A_672 : i32
        %add3A_675 = arith.constant 64 : i32
        %add3A_676 = arith.addi %add3A_674, %add3A_675 : i32
        %get3A_677 = arith.index_cast %add3A_676 : i32 to index
        %get3A_678 = tpu.vector_load %arg11[%get3A_677] {strides = array<i32>} : memref<4144xi32, #tpu.memory_space<vmem>>, vector<16xi32>,
        %add3A_679 = arith.constant 1 : i32
        %add3A_680 = arith.addi %add3A_676, %add3A_679 : i32
        %get3A_681 = arith.index_cast %add3A_680 : i32 to index
        %get3A_682 = tpu.vector_load %arg11[%get3A_681] {strides = array<i32>} : memref<4144xi32, #tpu.memory_space<vmem>>, vector<16xi32>,
        %get3A_683 = arith.index_cast %add3A_676 : i32 to index
        %get3A_684 = tpu.vector_load %arg13[%get3A_683] {strides = array<i32>} : memref<4144xf32, #tpu.memory_space<vmem>>, vector<16xf32>,
        %sub3A_685 = arith.constant 1 : i32
        %sub3A_686 = arith.subi %add3A_676, %sub3A_685 : i32
        %get3A_687 = arith.index_cast %sub3A_686 : i32 to index
        %get3A_688 = tpu.vector_load %arg13[%get3A_687] {strides = array<i32>} : memref<4144xf32, #tpu.memory_space<vmem>>, vector<16xf32>,
        %get3A_689 = arith.index_cast %add3A_676 : i32 to index
        %get3A_690 = tpu.vector_load %arg14[%get3A_689] {strides = array<i32>} : memref<4144xi32, #tpu.memory_space<vmem>>, vector<16xi32>,
        %sub3A_691 = arith.constant 1 : i32
        %sub3A_692 = arith.subi %add3A_676, %sub3A_691 : i32
        %get3A_693 = arith.index_cast %sub3A_692 : i32 to index
        %get3A_694 = tpu.vector_load %arg14[%get3A_693] {strides = array<i32>} : memref<4144xi32, #tpu.memory_space<vmem>>, vector<16xi32>,
        %shift_right_arithmetic3A_695 = arith.constant 4 : i32
        %shift_right_arithmetic3A_696 = vector.broadcast %shift_right_arithmetic3A_695 : i32 to vector<16xi32>
        %shift_right_arithmetic3A_697 = arith.shrsi %get3A_690, %shift_right_arithmetic3A_696 : vector<16xi32>
        %shift_right_arithmetic3A_698 = arith.constant 4 : i32
        %shift_right_arithmetic3A_699 = vector.broadcast %shift_right_arithmetic3A_698 : i32 to vector<16xi32>
        %shift_right_arithmetic3A_700 = arith.shrsi %get3A_694, %shift_right_arithmetic3A_699 : vector<16xi32>
        %eq3A_701 = arith.cmpi eq, %shift_right_arithmetic3A_697, %shift_right_arithmetic3A_700 : vector<16xi32>
        %jit3A_702 = arith.constant 0.000000e+00 : f32
        %broadcast_in_dim3A_703 = vector.broadcast %jit3A_702 : f32 to vector<16xf32>
        %select_n3A_704 = arith.select %eq3A_701, %get3A_688, %broadcast_in_dim3A_703 : vector<16xi1>, vector<16xf32>
        %get3A_705 = arith.index_cast %add3A_676 : i32 to index
        %get3A_706 = tpu.vector_load %arg12[%get3A_705] {strides = array<i32>} : memref<4144xi32, #tpu.memory_space<vmem>>, vector<16xi32>,
        %broadcast_in_dim3A_707 = vector.broadcast %squeeze3A_670 : i32 to vector<16xi32>
        %max3A_708 = arith.maxsi %get3A_706, %broadcast_in_dim3A_707 : vector<16xi32>
        %broadcast_in_dim3A_709 = arith.constant true
        %broadcast_in_dim3A_710 = vector.broadcast %broadcast_in_dim3A_709 : i1 to vector<16xi1>
        %masked_cummax3A_711 = arith.constant -2147483648 : i32
        %masked_cummax3A_712 = vector.broadcast %masked_cummax3A_711 : i32 to vector<16xi32>
        %masked_cummax3A_713 = arith.xori %max3A_708, %masked_cummax3A_712 : vector<16xi32>
        %masked_cummax3A_714 = tpu.scan <max>, %masked_cummax3A_713 masked %broadcast_in_dim3A_710 : vector<16xi32>, vector<16xi1> -> vector<16xi32>
        %masked_cummax3A_715 = arith.xori %masked_cummax3A_714, %masked_cummax3A_712 : vector<16xi32>
        %swap3A_716 = arith.index_cast %add3A_676 : i32 to index
        %swap3A_717 = tpu.vector_load %arg12[%swap3A_716] {strides = array<i32>} : memref<4144xi32, #tpu.memory_space<vmem>>, vector<16xi32>,
        tpu.vector_store %arg12[%swap3A_716], %masked_cummax3A_715 {strides = array<i32>} : memref<4144xi32, #tpu.memory_space<vmem>>, vector<16xi32>,
        %mul3A_718 = arith.constant 128 : i32
        %mul3A_719 = arith.muli %while3A_324, %mul3A_718 : i32
        %add3A_720 = arith.constant 64 : i32
        %add3A_721 = arith.addi %mul3A_719, %add3A_720 : i32
        %add3A_722 = vector.broadcast %add3A_721 : i32 to vector<16xi32>
        %add3A_723 = arith.addi %iota3A, %add3A_722 : vector<16xi32>
        %ne3A_724 = arith.cmpi ne, %get3A_678, %get3A_682 : vector<16xi32>
        %ne3A_725 = vector.broadcast %select_n3A_238 : i32 to vector<16xi32>
        %ne3A_726 = arith.cmpi ne, %add3A_723, %ne3A_725 : vector<16xi32>
        %and3A_727 = arith.andi %ne3A_724, %ne3A_726 : vector<16xi1>
        %swap3A_728 = arith.index_cast %while3A_324 : i32 to index
        %swap3A_729 = arith.constant 64 : index
        %swap3A_730 = tpu.vector_load %arg15[%swap3A_728, %swap3A_729] {strides = array<i32>} : memref<32x128xi32, #tpu.memory_space<vmem>>, vector<16xi32>,
        tpu.vector_store %arg15[%swap3A_728, %swap3A_729], %get3A_678 {strides = array<i32>} : memref<32x128xi32, #tpu.memory_space<vmem>>, vector<16xi32>,
        %eq3A_731 = arith.cmpi eq, %get3A_678, %broadcast_in_dim3A_72 : vector<16xi32>
        %select_n3A_732 = arith.select %eq3A_731, %broadcast_in_dim3A_75, %get3A_678 : vector<16xi1>, vector<16xi32>
        %select_n3A_733 = arith.select %and3A_727, %select_n3A_732, %broadcast_in_dim3A_3 : vector<16xi1>, vector<16xi32>
        %swap3A_734 = arith.index_cast %while3A_324 : i32 to index
        %swap3A_735 = arith.constant 64 : index
        %swap3A_736 = tpu.vector_load %arg16[%swap3A_734, %swap3A_735] {strides = array<i32>} : memref<32x128xi32, #tpu.memory_space<vmem>>, vector<16xi32>,
        tpu.vector_store %arg16[%swap3A_734, %swap3A_735], %select_n3A_733 {strides = array<i32>} : memref<32x128xi32, #tpu.memory_space<vmem>>, vector<16xi32>,
        %sub3A_737 = arith.subf %get3A_684, %select_n3A_704 : vector<16xf32>
        %swap3A_738 = arith.index_cast %while3A_324 : i32 to index
        %swap3A_739 = arith.constant 64 : index
        %swap3A_740 = tpu.vector_load %arg17[%swap3A_738, %swap3A_739] {strides = array<i32>} : memref<32x128xf32, #tpu.memory_space<vmem>>, vector<16xf32>,
        tpu.vector_store %arg17[%swap3A_738, %swap3A_739], %sub3A_737 {strides = array<i32>} : memref<32x128xf32, #tpu.memory_space<vmem>>, vector<16xf32>,
        %sub3A_741 = arith.subi %get3A_690, %get3A_694 : vector<16xi32>
        %convert_element_type3A_742 = arith.sitofp %sub3A_741 : vector<16xi32> to vector<16xf32>
        %swap3A_743 = arith.index_cast %while3A_324 : i32 to index
        %swap3A_744 = arith.constant 64 : index
        %swap3A_745 = tpu.vector_load %arg18[%swap3A_743, %swap3A_744] {strides = array<i32>} : memref<32x128xf32, #tpu.memory_space<vmem>>, vector<16xf32>,
        tpu.vector_store %arg18[%swap3A_743, %swap3A_744], %convert_element_type3A_742 {strides = array<i32>} : memref<32x128xf32, #tpu.memory_space<vmem>>, vector<16xf32>,
        %and3A_746 = arith.constant 16383 : i32
        %and3A_747 = vector.broadcast %and3A_746 : i32 to vector<16xi32>
        %and3A_748 = arith.andi %masked_cummax3A_715, %and3A_747 : vector<16xi32>
        %convert_element_type3A_749 = arith.sitofp %and3A_748 : vector<16xi32> to vector<16xf32>
        %mul3A_750 = arith.constant 6.10351563E-5 : f32
        %mul3A_751 = vector.broadcast %mul3A_750 : f32 to vector<16xf32>
        %mul3A_752 = arith.mulf %convert_element_type3A_749, %mul3A_751 : vector<16xf32>
        %swap3A_753 = arith.index_cast %while3A_324 : i32 to index
        %swap3A_754 = arith.constant 64 : index
        %swap3A_755 = tpu.vector_load %arg19[%swap3A_753, %swap3A_754] {strides = array<i32>} : memref<32x128xf32, #tpu.memory_space<vmem>>, vector<16xf32>,
        tpu.vector_store %arg19[%swap3A_753, %swap3A_754], %mul3A_752 {strides = array<i32>} : memref<32x128xf32, #tpu.memory_space<vmem>>, vector<16xf32>,
        %slice3A_756 = vector.extract_strided_slice %masked_cummax3A_715 {offsets = [15], sizes = [1], strides = [1]} : vector<16xi32> to vector<1xi32>
        %squeeze3A_757 = vector.extract %slice3A_756[0] : i32 from vector<1xi32>
        %mul3A_758 = arith.constant 128 : i32
        %mul3A_759 = arith.muli %while3A_324, %mul3A_758 : i32
        %add3A_760 = arith.constant 16 : i32
        %add3A_761 = arith.addi %add3A_760, %mul3A_759 : i32
        %add3A_762 = arith.constant 80 : i32
        %add3A_763 = arith.addi %add3A_761, %add3A_762 : i32
        %get3A_764 = arith.index_cast %add3A_763 : i32 to index
        %get3A_765 = tpu.vector_load %arg11[%get3A_764] {strides = array<i32>} : memref<4144xi32, #tpu.memory_space<vmem>>, vector<16xi32>,
        %add3A_766 = arith.constant 1 : i32
        %add3A_767 = arith.addi %add3A_763, %add3A_766 : i32
        %get3A_768 = arith.index_cast %add3A_767 : i32 to index
        %get3A_769 = tpu.vector_load %arg11[%get3A_768] {strides = array<i32>} : memref<4144xi32, #tpu.memory_space<vmem>>, vector<16xi32>,
        %get3A_770 = arith.index_cast %add3A_763 : i32 to index
        %get3A_771 = tpu.vector_load %arg13[%get3A_770] {strides = array<i32>} : memref<4144xf32, #tpu.memory_space<vmem>>, vector<16xf32>,
        %sub3A_772 = arith.constant 1 : i32
        %sub3A_773 = arith.subi %add3A_763, %sub3A_772 : i32
        %get3A_774 = arith.index_cast %sub3A_773 : i32 to index
        %get3A_775 = tpu.vector_load %arg13[%get3A_774] {strides = array<i32>} : memref<4144xf32, #tpu.memory_space<vmem>>, vector<16xf32>,
        %get3A_776 = arith.index_cast %add3A_763 : i32 to index
        %get3A_777 = tpu.vector_load %arg14[%get3A_776] {strides = array<i32>} : memref<4144xi32, #tpu.memory_space<vmem>>, vector<16xi32>,
        %sub3A_778 = arith.constant 1 : i32
        %sub3A_779 = arith.subi %add3A_763, %sub3A_778 : i32
        %get3A_780 = arith.index_cast %sub3A_779 : i32 to index
        %get3A_781 = tpu.vector_load %arg14[%get3A_780] {strides = array<i32>} : memref<4144xi32, #tpu.memory_space<vmem>>, vector<16xi32>,
        %shift_right_arithmetic3A_782 = arith.constant 4 : i32
        %shift_right_arithmetic3A_783 = vector.broadcast %shift_right_arithmetic3A_782 : i32 to vector<16xi32>
        %shift_right_arithmetic3A_784 = arith.shrsi %get3A_777, %shift_right_arithmetic3A_783 : vector<16xi32>
        %shift_right_arithmetic3A_785 = arith.constant 4 : i32
        %shift_right_arithmetic3A_786 = vector.broadcast %shift_right_arithmetic3A_785 : i32 to vector<16xi32>
        %shift_right_arithmetic3A_787 = arith.shrsi %get3A_781, %shift_right_arithmetic3A_786 : vector<16xi32>
        %eq3A_788 = arith.cmpi eq, %shift_right_arithmetic3A_784, %shift_right_arithmetic3A_787 : vector<16xi32>
        %jit3A_789 = arith.constant 0.000000e+00 : f32
        %broadcast_in_dim3A_790 = vector.broadcast %jit3A_789 : f32 to vector<16xf32>
        %select_n3A_791 = arith.select %eq3A_788, %get3A_775, %broadcast_in_dim3A_790 : vector<16xi1>, vector<16xf32>
        %get3A_792 = arith.index_cast %add3A_763 : i32 to index
        %get3A_793 = tpu.vector_load %arg12[%get3A_792] {strides = array<i32>} : memref<4144xi32, #tpu.memory_space<vmem>>, vector<16xi32>,
        %broadcast_in_dim3A_794 = vector.broadcast %squeeze3A_757 : i32 to vector<16xi32>
        %max3A_795 = arith.maxsi %get3A_793, %broadcast_in_dim3A_794 : vector<16xi32>
        %broadcast_in_dim3A_796 = arith.constant true
        %broadcast_in_dim3A_797 = vector.broadcast %broadcast_in_dim3A_796 : i1 to vector<16xi1>
        %masked_cummax3A_798 = arith.constant -2147483648 : i32
        %masked_cummax3A_799 = vector.broadcast %masked_cummax3A_798 : i32 to vector<16xi32>
        %masked_cummax3A_800 = arith.xori %max3A_795, %masked_cummax3A_799 : vector<16xi32>
        %masked_cummax3A_801 = tpu.scan <max>, %masked_cummax3A_800 masked %broadcast_in_dim3A_797 : vector<16xi32>, vector<16xi1> -> vector<16xi32>
        %masked_cummax3A_802 = arith.xori %masked_cummax3A_801, %masked_cummax3A_799 : vector<16xi32>
        %swap3A_803 = arith.index_cast %add3A_763 : i32 to index
        %swap3A_804 = tpu.vector_load %arg12[%swap3A_803] {strides = array<i32>} : memref<4144xi32, #tpu.memory_space<vmem>>, vector<16xi32>,
        tpu.vector_store %arg12[%swap3A_803], %masked_cummax3A_802 {strides = array<i32>} : memref<4144xi32, #tpu.memory_space<vmem>>, vector<16xi32>,
        %mul3A_805 = arith.constant 128 : i32
        %mul3A_806 = arith.muli %while3A_324, %mul3A_805 : i32
        %add3A_807 = arith.constant 80 : i32
        %add3A_808 = arith.addi %mul3A_806, %add3A_807 : i32
        %add3A_809 = vector.broadcast %add3A_808 : i32 to vector<16xi32>
        %add3A_810 = arith.addi %iota3A, %add3A_809 : vector<16xi32>
        %ne3A_811 = arith.cmpi ne, %get3A_765, %get3A_769 : vector<16xi32>
        %ne3A_812 = vector.broadcast %select_n3A_238 : i32 to vector<16xi32>
        %ne3A_813 = arith.cmpi ne, %add3A_810, %ne3A_812 : vector<16xi32>
        %and3A_814 = arith.andi %ne3A_811, %ne3A_813 : vector<16xi1>
        %swap3A_815 = arith.index_cast %while3A_324 : i32 to index
        %swap3A_816 = arith.constant 80 : index
        %swap3A_817 = tpu.vector_load %arg15[%swap3A_815, %swap3A_816] {strides = array<i32>} : memref<32x128xi32, #tpu.memory_space<vmem>>, vector<16xi32>,
        tpu.vector_store %arg15[%swap3A_815, %swap3A_816], %get3A_765 {strides = array<i32>} : memref<32x128xi32, #tpu.memory_space<vmem>>, vector<16xi32>,
        %eq3A_818 = arith.cmpi eq, %get3A_765, %broadcast_in_dim3A_72 : vector<16xi32>
        %select_n3A_819 = arith.select %eq3A_818, %broadcast_in_dim3A_75, %get3A_765 : vector<16xi1>, vector<16xi32>
        %select_n3A_820 = arith.select %and3A_814, %select_n3A_819, %broadcast_in_dim3A_3 : vector<16xi1>, vector<16xi32>
        %swap3A_821 = arith.index_cast %while3A_324 : i32 to index
        %swap3A_822 = arith.constant 80 : index
        %swap3A_823 = tpu.vector_load %arg16[%swap3A_821, %swap3A_822] {strides = array<i32>} : memref<32x128xi32, #tpu.memory_space<vmem>>, vector<16xi32>,
        tpu.vector_store %arg16[%swap3A_821, %swap3A_822], %select_n3A_820 {strides = array<i32>} : memref<32x128xi32, #tpu.memory_space<vmem>>, vector<16xi32>,
        %sub3A_824 = arith.subf %get3A_771, %select_n3A_791 : vector<16xf32>
        %swap3A_825 = arith.index_cast %while3A_324 : i32 to index
        %swap3A_826 = arith.constant 80 : index
        %swap3A_827 = tpu.vector_load %arg17[%swap3A_825, %swap3A_826] {strides = array<i32>} : memref<32x128xf32, #tpu.memory_space<vmem>>, vector<16xf32>,
        tpu.vector_store %arg17[%swap3A_825, %swap3A_826], %sub3A_824 {strides = array<i32>} : memref<32x128xf32, #tpu.memory_space<vmem>>, vector<16xf32>,
        %sub3A_828 = arith.subi %get3A_777, %get3A_781 : vector<16xi32>
        %convert_element_type3A_829 = arith.sitofp %sub3A_828 : vector<16xi32> to vector<16xf32>
        %swap3A_830 = arith.index_cast %while3A_324 : i32 to index
        %swap3A_831 = arith.constant 80 : index
        %swap3A_832 = tpu.vector_load %arg18[%swap3A_830, %swap3A_831] {strides = array<i32>} : memref<32x128xf32, #tpu.memory_space<vmem>>, vector<16xf32>,
        tpu.vector_store %arg18[%swap3A_830, %swap3A_831], %convert_element_type3A_829 {strides = array<i32>} : memref<32x128xf32, #tpu.memory_space<vmem>>, vector<16xf32>,
        %and3A_833 = arith.constant 16383 : i32
        %and3A_834 = vector.broadcast %and3A_833 : i32 to vector<16xi32>
        %and3A_835 = arith.andi %masked_cummax3A_802, %and3A_834 : vector<16xi32>
        %convert_element_type3A_836 = arith.sitofp %and3A_835 : vector<16xi32> to vector<16xf32>
        %mul3A_837 = arith.constant 6.10351563E-5 : f32
        %mul3A_838 = vector.broadcast %mul3A_837 : f32 to vector<16xf32>
        %mul3A_839 = arith.mulf %convert_element_type3A_836, %mul3A_838 : vector<16xf32>
        %swap3A_840 = arith.index_cast %while3A_324 : i32 to index
        %swap3A_841 = arith.constant 80 : index
        %swap3A_842 = tpu.vector_load %arg19[%swap3A_840, %swap3A_841] {strides = array<i32>} : memref<32x128xf32, #tpu.memory_space<vmem>>, vector<16xf32>,
        tpu.vector_store %arg19[%swap3A_840, %swap3A_841], %mul3A_839 {strides = array<i32>} : memref<32x128xf32, #tpu.memory_space<vmem>>, vector<16xf32>,
        %slice3A_843 = vector.extract_strided_slice %masked_cummax3A_802 {offsets = [15], sizes = [1], strides = [1]} : vector<16xi32> to vector<1xi32>
        %squeeze3A_844 = vector.extract %slice3A_843[0] : i32 from vector<1xi32>
        %mul3A_845 = arith.constant 128 : i32
        %mul3A_846 = arith.muli %while3A_324, %mul3A_845 : i32
        %add3A_847 = arith.constant 16 : i32
        %add3A_848 = arith.addi %add3A_847, %mul3A_846 : i32
        %add3A_849 = arith.constant 96 : i32
        %add3A_850 = arith.addi %add3A_848, %add3A_849 : i32
        %get3A_851 = arith.index_cast %add3A_850 : i32 to index
        %get3A_852 = tpu.vector_load %arg11[%get3A_851] {strides = array<i32>} : memref<4144xi32, #tpu.memory_space<vmem>>, vector<16xi32>,
        %add3A_853 = arith.constant 1 : i32
        %add3A_854 = arith.addi %add3A_850, %add3A_853 : i32
        %get3A_855 = arith.index_cast %add3A_854 : i32 to index
        %get3A_856 = tpu.vector_load %arg11[%get3A_855] {strides = array<i32>} : memref<4144xi32, #tpu.memory_space<vmem>>, vector<16xi32>,
        %get3A_857 = arith.index_cast %add3A_850 : i32 to index
        %get3A_858 = tpu.vector_load %arg13[%get3A_857] {strides = array<i32>} : memref<4144xf32, #tpu.memory_space<vmem>>, vector<16xf32>,
        %sub3A_859 = arith.constant 1 : i32
        %sub3A_860 = arith.subi %add3A_850, %sub3A_859 : i32
        %get3A_861 = arith.index_cast %sub3A_860 : i32 to index
        %get3A_862 = tpu.vector_load %arg13[%get3A_861] {strides = array<i32>} : memref<4144xf32, #tpu.memory_space<vmem>>, vector<16xf32>,
        %get3A_863 = arith.index_cast %add3A_850 : i32 to index
        %get3A_864 = tpu.vector_load %arg14[%get3A_863] {strides = array<i32>} : memref<4144xi32, #tpu.memory_space<vmem>>, vector<16xi32>,
        %sub3A_865 = arith.constant 1 : i32
        %sub3A_866 = arith.subi %add3A_850, %sub3A_865 : i32
        %get3A_867 = arith.index_cast %sub3A_866 : i32 to index
        %get3A_868 = tpu.vector_load %arg14[%get3A_867] {strides = array<i32>} : memref<4144xi32, #tpu.memory_space<vmem>>, vector<16xi32>,
        %shift_right_arithmetic3A_869 = arith.constant 4 : i32
        %shift_right_arithmetic3A_870 = vector.broadcast %shift_right_arithmetic3A_869 : i32 to vector<16xi32>
        %shift_right_arithmetic3A_871 = arith.shrsi %get3A_864, %shift_right_arithmetic3A_870 : vector<16xi32>
        %shift_right_arithmetic3A_872 = arith.constant 4 : i32
        %shift_right_arithmetic3A_873 = vector.broadcast %shift_right_arithmetic3A_872 : i32 to vector<16xi32>
        %shift_right_arithmetic3A_874 = arith.shrsi %get3A_868, %shift_right_arithmetic3A_873 : vector<16xi32>
        %eq3A_875 = arith.cmpi eq, %shift_right_arithmetic3A_871, %shift_right_arithmetic3A_874 : vector<16xi32>
        %jit3A_876 = arith.constant 0.000000e+00 : f32
        %broadcast_in_dim3A_877 = vector.broadcast %jit3A_876 : f32 to vector<16xf32>
        %select_n3A_878 = arith.select %eq3A_875, %get3A_862, %broadcast_in_dim3A_877 : vector<16xi1>, vector<16xf32>
        %get3A_879 = arith.index_cast %add3A_850 : i32 to index
        %get3A_880 = tpu.vector_load %arg12[%get3A_879] {strides = array<i32>} : memref<4144xi32, #tpu.memory_space<vmem>>, vector<16xi32>,
        %broadcast_in_dim3A_881 = vector.broadcast %squeeze3A_844 : i32 to vector<16xi32>
        %max3A_882 = arith.maxsi %get3A_880, %broadcast_in_dim3A_881 : vector<16xi32>
        %broadcast_in_dim3A_883 = arith.constant true
        %broadcast_in_dim3A_884 = vector.broadcast %broadcast_in_dim3A_883 : i1 to vector<16xi1>
        %masked_cummax3A_885 = arith.constant -2147483648 : i32
        %masked_cummax3A_886 = vector.broadcast %masked_cummax3A_885 : i32 to vector<16xi32>
        %masked_cummax3A_887 = arith.xori %max3A_882, %masked_cummax3A_886 : vector<16xi32>
        %masked_cummax3A_888 = tpu.scan <max>, %masked_cummax3A_887 masked %broadcast_in_dim3A_884 : vector<16xi32>, vector<16xi1> -> vector<16xi32>
        %masked_cummax3A_889 = arith.xori %masked_cummax3A_888, %masked_cummax3A_886 : vector<16xi32>
        %swap3A_890 = arith.index_cast %add3A_850 : i32 to index
        %swap3A_891 = tpu.vector_load %arg12[%swap3A_890] {strides = array<i32>} : memref<4144xi32, #tpu.memory_space<vmem>>, vector<16xi32>,
        tpu.vector_store %arg12[%swap3A_890], %masked_cummax3A_889 {strides = array<i32>} : memref<4144xi32, #tpu.memory_space<vmem>>, vector<16xi32>,
        %mul3A_892 = arith.constant 128 : i32
        %mul3A_893 = arith.muli %while3A_324, %mul3A_892 : i32
        %add3A_894 = arith.constant 96 : i32
        %add3A_895 = arith.addi %mul3A_893, %add3A_894 : i32
        %add3A_896 = vector.broadcast %add3A_895 : i32 to vector<16xi32>
        %add3A_897 = arith.addi %iota3A, %add3A_896 : vector<16xi32>
        %ne3A_898 = arith.cmpi ne, %get3A_852, %get3A_856 : vector<16xi32>
        %ne3A_899 = vector.broadcast %select_n3A_238 : i32 to vector<16xi32>
        %ne3A_900 = arith.cmpi ne, %add3A_897, %ne3A_899 : vector<16xi32>
        %and3A_901 = arith.andi %ne3A_898, %ne3A_900 : vector<16xi1>
        %swap3A_902 = arith.index_cast %while3A_324 : i32 to index
        %swap3A_903 = arith.constant 96 : index
        %swap3A_904 = tpu.vector_load %arg15[%swap3A_902, %swap3A_903] {strides = array<i32>} : memref<32x128xi32, #tpu.memory_space<vmem>>, vector<16xi32>,
        tpu.vector_store %arg15[%swap3A_902, %swap3A_903], %get3A_852 {strides = array<i32>} : memref<32x128xi32, #tpu.memory_space<vmem>>, vector<16xi32>,
        %eq3A_905 = arith.cmpi eq, %get3A_852, %broadcast_in_dim3A_72 : vector<16xi32>
        %select_n3A_906 = arith.select %eq3A_905, %broadcast_in_dim3A_75, %get3A_852 : vector<16xi1>, vector<16xi32>
        %select_n3A_907 = arith.select %and3A_901, %select_n3A_906, %broadcast_in_dim3A_3 : vector<16xi1>, vector<16xi32>
        %swap3A_908 = arith.index_cast %while3A_324 : i32 to index
        %swap3A_909 = arith.constant 96 : index
        %swap3A_910 = tpu.vector_load %arg16[%swap3A_908, %swap3A_909] {strides = array<i32>} : memref<32x128xi32, #tpu.memory_space<vmem>>, vector<16xi32>,
        tpu.vector_store %arg16[%swap3A_908, %swap3A_909], %select_n3A_907 {strides = array<i32>} : memref<32x128xi32, #tpu.memory_space<vmem>>, vector<16xi32>,
        %sub3A_911 = arith.subf %get3A_858, %select_n3A_878 : vector<16xf32>
        %swap3A_912 = arith.index_cast %while3A_324 : i32 to index
        %swap3A_913 = arith.constant 96 : index
        %swap3A_914 = tpu.vector_load %arg17[%swap3A_912, %swap3A_913] {strides = array<i32>} : memref<32x128xf32, #tpu.memory_space<vmem>>, vector<16xf32>,
        tpu.vector_store %arg17[%swap3A_912, %swap3A_913], %sub3A_911 {strides = array<i32>} : memref<32x128xf32, #tpu.memory_space<vmem>>, vector<16xf32>,
        %sub3A_915 = arith.subi %get3A_864, %get3A_868 : vector<16xi32>
        %convert_element_type3A_916 = arith.sitofp %sub3A_915 : vector<16xi32> to vector<16xf32>
        %swap3A_917 = arith.index_cast %while3A_324 : i32 to index
        %swap3A_918 = arith.constant 96 : index
        %swap3A_919 = tpu.vector_load %arg18[%swap3A_917, %swap3A_918] {strides = array<i32>} : memref<32x128xf32, #tpu.memory_space<vmem>>, vector<16xf32>,
        tpu.vector_store %arg18[%swap3A_917, %swap3A_918], %convert_element_type3A_916 {strides = array<i32>} : memref<32x128xf32, #tpu.memory_space<vmem>>, vector<16xf32>,
        %and3A_920 = arith.constant 16383 : i32
        %and3A_921 = vector.broadcast %and3A_920 : i32 to vector<16xi32>
        %and3A_922 = arith.andi %masked_cummax3A_889, %and3A_921 : vector<16xi32>
        %convert_element_type3A_923 = arith.sitofp %and3A_922 : vector<16xi32> to vector<16xf32>
        %mul3A_924 = arith.constant 6.10351563E-5 : f32
        %mul3A_925 = vector.broadcast %mul3A_924 : f32 to vector<16xf32>
        %mul3A_926 = arith.mulf %convert_element_type3A_923, %mul3A_925 : vector<16xf32>
        %swap3A_927 = arith.index_cast %while3A_324 : i32 to index
        %swap3A_928 = arith.constant 96 : index
        %swap3A_929 = tpu.vector_load %arg19[%swap3A_927, %swap3A_928] {strides = array<i32>} : memref<32x128xf32, #tpu.memory_space<vmem>>, vector<16xf32>,
        tpu.vector_store %arg19[%swap3A_927, %swap3A_928], %mul3A_926 {strides = array<i32>} : memref<32x128xf32, #tpu.memory_space<vmem>>, vector<16xf32>,
        %slice3A_930 = vector.extract_strided_slice %masked_cummax3A_889 {offsets = [15], sizes = [1], strides = [1]} : vector<16xi32> to vector<1xi32>
        %squeeze3A_931 = vector.extract %slice3A_930[0] : i32 from vector<1xi32>
        %mul3A_932 = arith.constant 128 : i32
        %mul3A_933 = arith.muli %while3A_324, %mul3A_932 : i32
        %add3A_934 = arith.constant 16 : i32
        %add3A_935 = arith.addi %add3A_934, %mul3A_933 : i32
        %add3A_936 = arith.constant 112 : i32
        %add3A_937 = arith.addi %add3A_935, %add3A_936 : i32
        %get3A_938 = arith.index_cast %add3A_937 : i32 to index
        %get3A_939 = tpu.vector_load %arg11[%get3A_938] {strides = array<i32>} : memref<4144xi32, #tpu.memory_space<vmem>>, vector<16xi32>,
        %add3A_940 = arith.constant 1 : i32
        %add3A_941 = arith.addi %add3A_937, %add3A_940 : i32
        %get3A_942 = arith.index_cast %add3A_941 : i32 to index
        %get3A_943 = tpu.vector_load %arg11[%get3A_942] {strides = array<i32>} : memref<4144xi32, #tpu.memory_space<vmem>>, vector<16xi32>,
        %get3A_944 = arith.index_cast %add3A_937 : i32 to index
        %get3A_945 = tpu.vector_load %arg13[%get3A_944] {strides = array<i32>} : memref<4144xf32, #tpu.memory_space<vmem>>, vector<16xf32>,
        %sub3A_946 = arith.constant 1 : i32
        %sub3A_947 = arith.subi %add3A_937, %sub3A_946 : i32
        %get3A_948 = arith.index_cast %sub3A_947 : i32 to index
        %get3A_949 = tpu.vector_load %arg13[%get3A_948] {strides = array<i32>} : memref<4144xf32, #tpu.memory_space<vmem>>, vector<16xf32>,
        %get3A_950 = arith.index_cast %add3A_937 : i32 to index
        %get3A_951 = tpu.vector_load %arg14[%get3A_950] {strides = array<i32>} : memref<4144xi32, #tpu.memory_space<vmem>>, vector<16xi32>,
        %sub3A_952 = arith.constant 1 : i32
        %sub3A_953 = arith.subi %add3A_937, %sub3A_952 : i32
        %get3A_954 = arith.index_cast %sub3A_953 : i32 to index
        %get3A_955 = tpu.vector_load %arg14[%get3A_954] {strides = array<i32>} : memref<4144xi32, #tpu.memory_space<vmem>>, vector<16xi32>,
        %shift_right_arithmetic3A_956 = arith.constant 4 : i32
        %shift_right_arithmetic3A_957 = vector.broadcast %shift_right_arithmetic3A_956 : i32 to vector<16xi32>
        %shift_right_arithmetic3A_958 = arith.shrsi %get3A_951, %shift_right_arithmetic3A_957 : vector<16xi32>
        %shift_right_arithmetic3A_959 = arith.constant 4 : i32
        %shift_right_arithmetic3A_960 = vector.broadcast %shift_right_arithmetic3A_959 : i32 to vector<16xi32>
        %shift_right_arithmetic3A_961 = arith.shrsi %get3A_955, %shift_right_arithmetic3A_960 : vector<16xi32>
        %eq3A_962 = arith.cmpi eq, %shift_right_arithmetic3A_958, %shift_right_arithmetic3A_961 : vector<16xi32>
        %jit3A_963 = arith.constant 0.000000e+00 : f32
        %broadcast_in_dim3A_964 = vector.broadcast %jit3A_963 : f32 to vector<16xf32>
        %select_n3A_965 = arith.select %eq3A_962, %get3A_949, %broadcast_in_dim3A_964 : vector<16xi1>, vector<16xf32>
        %get3A_966 = arith.index_cast %add3A_937 : i32 to index
        %get3A_967 = tpu.vector_load %arg12[%get3A_966] {strides = array<i32>} : memref<4144xi32, #tpu.memory_space<vmem>>, vector<16xi32>,
        %broadcast_in_dim3A_968 = vector.broadcast %squeeze3A_931 : i32 to vector<16xi32>
        %max3A_969 = arith.maxsi %get3A_967, %broadcast_in_dim3A_968 : vector<16xi32>
        %broadcast_in_dim3A_970 = arith.constant true
        %broadcast_in_dim3A_971 = vector.broadcast %broadcast_in_dim3A_970 : i1 to vector<16xi1>
        %masked_cummax3A_972 = arith.constant -2147483648 : i32
        %masked_cummax3A_973 = vector.broadcast %masked_cummax3A_972 : i32 to vector<16xi32>
        %masked_cummax3A_974 = arith.xori %max3A_969, %masked_cummax3A_973 : vector<16xi32>
        %masked_cummax3A_975 = tpu.scan <max>, %masked_cummax3A_974 masked %broadcast_in_dim3A_971 : vector<16xi32>, vector<16xi1> -> vector<16xi32>
        %masked_cummax3A_976 = arith.xori %masked_cummax3A_975, %masked_cummax3A_973 : vector<16xi32>
        %swap3A_977 = arith.index_cast %add3A_937 : i32 to index
        %swap3A_978 = tpu.vector_load %arg12[%swap3A_977] {strides = array<i32>} : memref<4144xi32, #tpu.memory_space<vmem>>, vector<16xi32>,
        tpu.vector_store %arg12[%swap3A_977], %masked_cummax3A_976 {strides = array<i32>} : memref<4144xi32, #tpu.memory_space<vmem>>, vector<16xi32>,
        %mul3A_979 = arith.constant 128 : i32
        %mul3A_980 = arith.muli %while3A_324, %mul3A_979 : i32
        %add3A_981 = arith.constant 112 : i32
        %add3A_982 = arith.addi %mul3A_980, %add3A_981 : i32
        %add3A_983 = vector.broadcast %add3A_982 : i32 to vector<16xi32>
        %add3A_984 = arith.addi %iota3A, %add3A_983 : vector<16xi32>
        %ne3A_985 = arith.cmpi ne, %get3A_939, %get3A_943 : vector<16xi32>
        %ne3A_986 = vector.broadcast %select_n3A_238 : i32 to vector<16xi32>
        %ne3A_987 = arith.cmpi ne, %add3A_984, %ne3A_986 : vector<16xi32>
        %and3A_988 = arith.andi %ne3A_985, %ne3A_987 : vector<16xi1>
        %swap3A_989 = arith.index_cast %while3A_324 : i32 to index
        %swap3A_990 = arith.constant 112 : index
        %swap3A_991 = tpu.vector_load %arg15[%swap3A_989, %swap3A_990] {strides = array<i32>} : memref<32x128xi32, #tpu.memory_space<vmem>>, vector<16xi32>,
        tpu.vector_store %arg15[%swap3A_989, %swap3A_990], %get3A_939 {strides = array<i32>} : memref<32x128xi32, #tpu.memory_space<vmem>>, vector<16xi32>,
        %eq3A_992 = arith.cmpi eq, %get3A_939, %broadcast_in_dim3A_72 : vector<16xi32>
        %select_n3A_993 = arith.select %eq3A_992, %broadcast_in_dim3A_75, %get3A_939 : vector<16xi1>, vector<16xi32>
        %select_n3A_994 = arith.select %and3A_988, %select_n3A_993, %broadcast_in_dim3A_3 : vector<16xi1>, vector<16xi32>
        %swap3A_995 = arith.index_cast %while3A_324 : i32 to index
        %swap3A_996 = arith.constant 112 : index
        %swap3A_997 = tpu.vector_load %arg16[%swap3A_995, %swap3A_996] {strides = array<i32>} : memref<32x128xi32, #tpu.memory_space<vmem>>, vector<16xi32>,
        tpu.vector_store %arg16[%swap3A_995, %swap3A_996], %select_n3A_994 {strides = array<i32>} : memref<32x128xi32, #tpu.memory_space<vmem>>, vector<16xi32>,
        %sub3A_998 = arith.subf %get3A_945, %select_n3A_965 : vector<16xf32>
        %swap3A_999 = arith.index_cast %while3A_324 : i32 to index
        %swap3A_1000 = arith.constant 112 : index
        %swap3A_1001 = tpu.vector_load %arg17[%swap3A_999, %swap3A_1000] {strides = array<i32>} : memref<32x128xf32, #tpu.memory_space<vmem>>, vector<16xf32>,
        tpu.vector_store %arg17[%swap3A_999, %swap3A_1000], %sub3A_998 {strides = array<i32>} : memref<32x128xf32, #tpu.memory_space<vmem>>, vector<16xf32>,
        %sub3A_1002 = arith.subi %get3A_951, %get3A_955 : vector<16xi32>
        %convert_element_type3A_1003 = arith.sitofp %sub3A_1002 : vector<16xi32> to vector<16xf32>
        %swap3A_1004 = arith.index_cast %while3A_324 : i32 to index
        %swap3A_1005 = arith.constant 112 : index
        %swap3A_1006 = tpu.vector_load %arg18[%swap3A_1004, %swap3A_1005] {strides = array<i32>} : memref<32x128xf32, #tpu.memory_space<vmem>>, vector<16xf32>,
        tpu.vector_store %arg18[%swap3A_1004, %swap3A_1005], %convert_element_type3A_1003 {strides = array<i32>} : memref<32x128xf32, #tpu.memory_space<vmem>>, vector<16xf32>,
        %and3A_1007 = arith.constant 16383 : i32
        %and3A_1008 = vector.broadcast %and3A_1007 : i32 to vector<16xi32>
        %and3A_1009 = arith.andi %masked_cummax3A_976, %and3A_1008 : vector<16xi32>
        %convert_element_type3A_1010 = arith.sitofp %and3A_1009 : vector<16xi32> to vector<16xf32>
        %mul3A_1011 = arith.constant 6.10351563E-5 : f32
        %mul3A_1012 = vector.broadcast %mul3A_1011 : f32 to vector<16xf32>
        %mul3A_1013 = arith.mulf %convert_element_type3A_1010, %mul3A_1012 : vector<16xf32>
        %swap3A_1014 = arith.index_cast %while3A_324 : i32 to index
        %swap3A_1015 = arith.constant 112 : index
        %swap3A_1016 = tpu.vector_load %arg19[%swap3A_1014, %swap3A_1015] {strides = array<i32>} : memref<32x128xf32, #tpu.memory_space<vmem>>, vector<16xf32>,
        tpu.vector_store %arg19[%swap3A_1014, %swap3A_1015], %mul3A_1013 {strides = array<i32>} : memref<32x128xf32, #tpu.memory_space<vmem>>, vector<16xf32>,
        %slice3A_1017 = vector.extract_strided_slice %masked_cummax3A_976 {offsets = [15], sizes = [1], strides = [1]} : vector<16xi32> to vector<1xi32>
        %squeeze3A_1018 = vector.extract %slice3A_1017[0] : i32 from vector<1xi32>
        %dma_start3A_1019 = arith.constant 0 : i32
        %dma_start3A_1020 = tpu.memref_slice %arg17[%while3A_324, %dma_start3A_1019] : memref<32x128xf32, #tpu.memory_space<vmem>> -> memref<1x128xf32, #tpu.memory_space<vmem>>
        %dma_start3A_1021 = tpu.memref_squeeze %dma_start3A_1020 : memref<1x128xf32, #tpu.memory_space<vmem>> -> memref<128xf32, #tpu.memory_space<vmem>>
        %dma_start3A_1022 = arith.constant 0 : i32
        %dma_start3A_1023 = tpu.memref_slice %arg15[%while3A_324, %dma_start3A_1022] : memref<32x128xi32, #tpu.memory_space<vmem>> -> memref<1x128xi32, #tpu.memory_space<vmem>>
        %dma_start3A_1024 = tpu.memref_squeeze %dma_start3A_1023 : memref<1x128xi32, #tpu.memory_space<vmem>> -> memref<128xi32, #tpu.memory_space<vmem>>
        %dma_start3A_1025 = arith.constant 0 : i32
        %dma_start3A_1026 = tpu.memref_slice %arg36[%dma_start3A_1025] : memref<100096xf32, #tpu.memory_space<vmem_shared>> -> memref<100096xf32, #tpu.memory_space<vmem_shared>>
        tpu.enqueue_indirect_dma source(%dma_start3A_1021 : memref<128xf32, #tpu.memory_space<vmem>>) target(%dma_start3A_1026 : memref<100096xf32, #tpu.memory_space<vmem_shared>>) offsets(%dma_start3A_1024 : memref<128xi32, #tpu.memory_space<vmem>>) semaphore(%arg41 : memref<!tpu.dma_semaphore, #tpu.memory_space<semaphore_mem>>) {add = true}
        %dma_start3A_1027 = arith.constant 0 : i32
        %dma_start3A_1028 = tpu.memref_slice %arg18[%while3A_324, %dma_start3A_1027] : memref<32x128xf32, #tpu.memory_space<vmem>> -> memref<1x128xf32, #tpu.memory_space<vmem>>
        %dma_start3A_1029 = tpu.memref_squeeze %dma_start3A_1028 : memref<1x128xf32, #tpu.memory_space<vmem>> -> memref<128xf32, #tpu.memory_space<vmem>>
        %dma_start3A_1030 = arith.constant 0 : i32
        %dma_start3A_1031 = tpu.memref_slice %arg15[%while3A_324, %dma_start3A_1030] : memref<32x128xi32, #tpu.memory_space<vmem>> -> memref<1x128xi32, #tpu.memory_space<vmem>>
        %dma_start3A_1032 = tpu.memref_squeeze %dma_start3A_1031 : memref<1x128xi32, #tpu.memory_space<vmem>> -> memref<128xi32, #tpu.memory_space<vmem>>
        %dma_start3A_1033 = arith.constant 0 : i32
        %dma_start3A_1034 = tpu.memref_slice %arg35[%dma_start3A_1033] : memref<100096xf32, #tpu.memory_space<vmem_shared>> -> memref<100096xf32, #tpu.memory_space<vmem_shared>>
        tpu.enqueue_indirect_dma source(%dma_start3A_1029 : memref<128xf32, #tpu.memory_space<vmem>>) target(%dma_start3A_1034 : memref<100096xf32, #tpu.memory_space<vmem_shared>>) offsets(%dma_start3A_1032 : memref<128xi32, #tpu.memory_space<vmem>>) semaphore(%arg41 : memref<!tpu.dma_semaphore, #tpu.memory_space<semaphore_mem>>) {add = true}
        %dma_start3A_1035 = arith.constant 0 : i32
        %dma_start3A_1036 = tpu.memref_slice %arg19[%while3A_324, %dma_start3A_1035] : memref<32x128xf32, #tpu.memory_space<vmem>> -> memref<1x128xf32, #tpu.memory_space<vmem>>
        %dma_start3A_1037 = tpu.memref_squeeze %dma_start3A_1036 : memref<1x128xf32, #tpu.memory_space<vmem>> -> memref<128xf32, #tpu.memory_space<vmem>>
        %dma_start3A_1038 = arith.constant 0 : i32
        %dma_start3A_1039 = tpu.memref_slice %arg16[%while3A_324, %dma_start3A_1038] : memref<32x128xi32, #tpu.memory_space<vmem>> -> memref<1x128xi32, #tpu.memory_space<vmem>>
        %dma_start3A_1040 = tpu.memref_squeeze %dma_start3A_1039 : memref<1x128xi32, #tpu.memory_space<vmem>> -> memref<128xi32, #tpu.memory_space<vmem>>
        %dma_start3A_1041 = arith.constant 0 : i32
        %dma_start3A_1042 = tpu.memref_slice %arg37[%dma_start3A_1041] : memref<100096xf32, #tpu.memory_space<vmem_shared>> -> memref<100096xf32, #tpu.memory_space<vmem_shared>>
        tpu.enqueue_indirect_dma source(%dma_start3A_1037 : memref<128xf32, #tpu.memory_space<vmem>>) target(%dma_start3A_1042 : memref<100096xf32, #tpu.memory_space<vmem_shared>>) offsets(%dma_start3A_1040 : memref<128xi32, #tpu.memory_space<vmem>>) semaphore(%arg41 : memref<!tpu.dma_semaphore, #tpu.memory_space<semaphore_mem>>)
        scf.yield %squeeze3A_1018 : i32
      }
      %while3A_300 = arith.constant 0 : i32
      %while3A_301 = arith.constant 0 : i32
      %while3A_302 = arith.subi %shift_right_logical3A_289, %while3A_300 : i32
      %while3A_303 = arith.addi %while3A_300, %while3A_302 : i32
      %while3A_304 = arith.constant 1 : i32
      %while3A_305 = arith.divsi %while3A_302, %while3A_304 : i32
      %while3A_306 = arith.muli %while3A_305, %while3A_304 : i32
      %while3A_307 = arith.addi %while3A_300, %while3A_306 : i32
      %while3A_308 = arith.constant 1 : i32
      %while3A_309 = scf.for %while3A_324 = %while3A_300 to %while3A_307 step %while3A_308 iter_args(%while3A_325 = %while3A_301) -> (i32)  : i32 {
        %dma_wait3A_326 = arith.constant 0 : i32
        %dma_wait3A_327 = tpu.memref_slice %arg17[%while3A_324, %dma_wait3A_326] : memref<32x128xf32, #tpu.memory_space<vmem>> -> memref<1x128xf32, #tpu.memory_space<vmem>>
        %dma_wait3A_328 = tpu.memref_squeeze %dma_wait3A_327 : memref<1x128xf32, #tpu.memory_space<vmem>> -> memref<128xf32, #tpu.memory_space<vmem>>
        %dma_wait3A_329 = arith.constant 0 : i32
        %dma_wait3A_330 = tpu.memref_slice %arg15[%while3A_324, %dma_wait3A_329] : memref<32x128xi32, #tpu.memory_space<vmem>> -> memref<1x128xi32, #tpu.memory_space<vmem>>
        %dma_wait3A_331 = tpu.memref_squeeze %dma_wait3A_330 : memref<1x128xi32, #tpu.memory_space<vmem>> -> memref<128xi32, #tpu.memory_space<vmem>>
        %dma_wait3A_332 = arith.constant 0 : i32
        %dma_wait3A_333 = tpu.memref_slice %arg36[%dma_wait3A_332] : memref<100096xf32, #tpu.memory_space<vmem_shared>> -> memref<100096xf32, #tpu.memory_space<vmem_shared>>
        tpu.wait_indirect_dma semaphore(%arg41 : memref<!tpu.dma_semaphore, #tpu.memory_space<semaphore_mem>>) src(%dma_wait3A_328 : memref<128xf32, #tpu.memory_space<vmem>>) dst(%dma_wait3A_333 : memref<100096xf32, #tpu.memory_space<vmem_shared>>)
        %dma_wait3A_334 = arith.constant 0 : i32
        %dma_wait3A_335 = tpu.memref_slice %arg18[%while3A_324, %dma_wait3A_334] : memref<32x128xf32, #tpu.memory_space<vmem>> -> memref<1x128xf32, #tpu.memory_space<vmem>>
        %dma_wait3A_336 = tpu.memref_squeeze %dma_wait3A_335 : memref<1x128xf32, #tpu.memory_space<vmem>> -> memref<128xf32, #tpu.memory_space<vmem>>
        %dma_wait3A_337 = arith.constant 0 : i32
        %dma_wait3A_338 = tpu.memref_slice %arg15[%while3A_324, %dma_wait3A_337] : memref<32x128xi32, #tpu.memory_space<vmem>> -> memref<1x128xi32, #tpu.memory_space<vmem>>
        %dma_wait3A_339 = tpu.memref_squeeze %dma_wait3A_338 : memref<1x128xi32, #tpu.memory_space<vmem>> -> memref<128xi32, #tpu.memory_space<vmem>>
        %dma_wait3A_340 = arith.constant 0 : i32
        %dma_wait3A_341 = tpu.memref_slice %arg35[%dma_wait3A_340] : memref<100096xf32, #tpu.memory_space<vmem_shared>> -> memref<100096xf32, #tpu.memory_space<vmem_shared>>
        tpu.wait_indirect_dma semaphore(%arg41 : memref<!tpu.dma_semaphore, #tpu.memory_space<semaphore_mem>>) src(%dma_wait3A_336 : memref<128xf32, #tpu.memory_space<vmem>>) dst(%dma_wait3A_341 : memref<100096xf32, #tpu.memory_space<vmem_shared>>)
        %dma_wait3A_342 = arith.constant 0 : i32
        %dma_wait3A_343 = tpu.memref_slice %arg19[%while3A_324, %dma_wait3A_342] : memref<32x128xf32, #tpu.memory_space<vmem>> -> memref<1x128xf32, #tpu.memory_space<vmem>>
        %dma_wait3A_344 = tpu.memref_squeeze %dma_wait3A_343 : memref<1x128xf32, #tpu.memory_space<vmem>> -> memref<128xf32, #tpu.memory_space<vmem>>
        %dma_wait3A_345 = arith.constant 0 : i32
        %dma_wait3A_346 = tpu.memref_slice %arg16[%while3A_324, %dma_wait3A_345] : memref<32x128xi32, #tpu.memory_space<vmem>> -> memref<1x128xi32, #tpu.memory_space<vmem>>
        %dma_wait3A_347 = tpu.memref_squeeze %dma_wait3A_346 : memref<1x128xi32, #tpu.memory_space<vmem>> -> memref<128xi32, #tpu.memory_space<vmem>>
        %dma_wait3A_348 = arith.constant 0 : i32
        %dma_wait3A_349 = tpu.memref_slice %arg37[%dma_wait3A_348] : memref<100096xf32, #tpu.memory_space<vmem_shared>> -> memref<100096xf32, #tpu.memory_space<vmem_shared>>
        tpu.wait_indirect_dma semaphore(%arg41 : memref<!tpu.dma_semaphore, #tpu.memory_space<semaphore_mem>>) src(%dma_wait3A_344 : memref<128xf32, #tpu.memory_space<vmem>>) dst(%dma_wait3A_349 : memref<100096xf32, #tpu.memory_space<vmem_shared>>)
        %while3A_350 = arith.constant 0 : i32
        scf.yield %while3A_350 : i32
      }
      %while3A_310 = arith.constant 1 : i32
      %while3A_311 = scf.for %while3A_324 = %while3A_307 to %while3A_303 step %while3A_310 iter_args(%while3A_325 = %while3A_309) -> (i32)  : i32 {
        %dma_wait3A_326 = arith.constant 0 : i32
        %dma_wait3A_327 = tpu.memref_slice %arg17[%while3A_324, %dma_wait3A_326] : memref<32x128xf32, #tpu.memory_space<vmem>> -> memref<1x128xf32, #tpu.memory_space<vmem>>
        %dma_wait3A_328 = tpu.memref_squeeze %dma_wait3A_327 : memref<1x128xf32, #tpu.memory_space<vmem>> -> memref<128xf32, #tpu.memory_space<vmem>>
        %dma_wait3A_329 = arith.constant 0 : i32
        %dma_wait3A_330 = tpu.memref_slice %arg15[%while3A_324, %dma_wait3A_329] : memref<32x128xi32, #tpu.memory_space<vmem>> -> memref<1x128xi32, #tpu.memory_space<vmem>>
        %dma_wait3A_331 = tpu.memref_squeeze %dma_wait3A_330 : memref<1x128xi32, #tpu.memory_space<vmem>> -> memref<128xi32, #tpu.memory_space<vmem>>
        %dma_wait3A_332 = arith.constant 0 : i32
        %dma_wait3A_333 = tpu.memref_slice %arg36[%dma_wait3A_332] : memref<100096xf32, #tpu.memory_space<vmem_shared>> -> memref<100096xf32, #tpu.memory_space<vmem_shared>>
        tpu.wait_indirect_dma semaphore(%arg41 : memref<!tpu.dma_semaphore, #tpu.memory_space<semaphore_mem>>) src(%dma_wait3A_328 : memref<128xf32, #tpu.memory_space<vmem>>) dst(%dma_wait3A_333 : memref<100096xf32, #tpu.memory_space<vmem_shared>>)
        %dma_wait3A_334 = arith.constant 0 : i32
        %dma_wait3A_335 = tpu.memref_slice %arg18[%while3A_324, %dma_wait3A_334] : memref<32x128xf32, #tpu.memory_space<vmem>> -> memref<1x128xf32, #tpu.memory_space<vmem>>
        %dma_wait3A_336 = tpu.memref_squeeze %dma_wait3A_335 : memref<1x128xf32, #tpu.memory_space<vmem>> -> memref<128xf32, #tpu.memory_space<vmem>>
        %dma_wait3A_337 = arith.constant 0 : i32
        %dma_wait3A_338 = tpu.memref_slice %arg15[%while3A_324, %dma_wait3A_337] : memref<32x128xi32, #tpu.memory_space<vmem>> -> memref<1x128xi32, #tpu.memory_space<vmem>>
        %dma_wait3A_339 = tpu.memref_squeeze %dma_wait3A_338 : memref<1x128xi32, #tpu.memory_space<vmem>> -> memref<128xi32, #tpu.memory_space<vmem>>
        %dma_wait3A_340 = arith.constant 0 : i32
        %dma_wait3A_341 = tpu.memref_slice %arg35[%dma_wait3A_340] : memref<100096xf32, #tpu.memory_space<vmem_shared>> -> memref<100096xf32, #tpu.memory_space<vmem_shared>>
        tpu.wait_indirect_dma semaphore(%arg41 : memref<!tpu.dma_semaphore, #tpu.memory_space<semaphore_mem>>) src(%dma_wait3A_336 : memref<128xf32, #tpu.memory_space<vmem>>) dst(%dma_wait3A_341 : memref<100096xf32, #tpu.memory_space<vmem_shared>>)
        %dma_wait3A_342 = arith.constant 0 : i32
        %dma_wait3A_343 = tpu.memref_slice %arg19[%while3A_324, %dma_wait3A_342] : memref<32x128xf32, #tpu.memory_space<vmem>> -> memref<1x128xf32, #tpu.memory_space<vmem>>
        %dma_wait3A_344 = tpu.memref_squeeze %dma_wait3A_343 : memref<1x128xf32, #tpu.memory_space<vmem>> -> memref<128xf32, #tpu.memory_space<vmem>>
        %dma_wait3A_345 = arith.constant 0 : i32
        %dma_wait3A_346 = tpu.memref_slice %arg16[%while3A_324, %dma_wait3A_345] : memref<32x128xi32, #tpu.memory_space<vmem>> -> memref<1x128xi32, #tpu.memory_space<vmem>>
        %dma_wait3A_347 = tpu.memref_squeeze %dma_wait3A_346 : memref<1x128xi32, #tpu.memory_space<vmem>> -> memref<128xi32, #tpu.memory_space<vmem>>
        %dma_wait3A_348 = arith.constant 0 : i32
        %dma_wait3A_349 = tpu.memref_slice %arg37[%dma_wait3A_348] : memref<100096xf32, #tpu.memory_space<vmem_shared>> -> memref<100096xf32, #tpu.memory_space<vmem_shared>>
        tpu.wait_indirect_dma semaphore(%arg41 : memref<!tpu.dma_semaphore, #tpu.memory_space<semaphore_mem>>) src(%dma_wait3A_344 : memref<128xf32, #tpu.memory_space<vmem>>) dst(%dma_wait3A_349 : memref<100096xf32, #tpu.memory_space<vmem_shared>>)
        %while3A_350 = arith.constant 0 : i32
        scf.yield %while3A_350 : i32
      }
      %get3A_312 = arith.index_cast %scan3A_220 : i32 to index
      %get3A_313 = tpu.vector_load %arg14[%get3A_312] {strides = array<i32>} : memref<4144xi32, #tpu.memory_space<vmem>>, vector<16xi32>,
      %slice3A_314 = vector.extract_strided_slice %get3A_313 {offsets = [15], sizes = [1], strides = [1]} : vector<16xi32> to vector<1xi32>
      %squeeze3A_315 = vector.extract %slice3A_314[0] : i32 from vector<1xi32>
      %get3A_316 = arith.index_cast %scan3A_220 : i32 to index
      %get3A_317 = tpu.vector_load %arg11[%get3A_316] {strides = array<i32>} : memref<4144xi32, #tpu.memory_space<vmem>>, vector<16xi32>,
      %slice3A_318 = vector.extract_strided_slice %get3A_317 {offsets = [15], sizes = [1], strides = [1]} : vector<16xi32> to vector<1xi32>
      %squeeze3A_319 = vector.extract %slice3A_318[0] : i32 from vector<1xi32>
      %get3A_320 = arith.index_cast %scan3A_220 : i32 to index
      %get3A_321 = tpu.vector_load %arg12[%get3A_320] {strides = array<i32>} : memref<4144xi32, #tpu.memory_space<vmem>>, vector<16xi32>,
      %slice3A_322 = vector.extract_strided_slice %get3A_321 {offsets = [15], sizes = [1], strides = [1]} : vector<16xi32> to vector<1xi32>
      %squeeze3A_323 = vector.extract %slice3A_322[0] : i32 from vector<1xi32>
      scf.yield %squeeze3A_319, %squeeze3A_323, %squeeze3A_315 : i32, i32, i32
    }
    %scan3A_113 = arith.constant 50 : i32
    %and3A_114 = arith.constant 16383 : i32
    %and3A_115 = arith.andi %scan3A_112#1, %and3A_114 : i32
    %convert_element_type3A_116 = arith.sitofp %and3A_115 : i32 to f32
    %mul3A_117 = arith.constant 6.10351563E-5 : f32
    %mul3A_118 = arith.mulf %convert_element_type3A_116, %mul3A_117 : f32
    %eq3A_119 = arith.constant -1 : i32
    %eq3A_120 = arith.cmpi eq, %select_n3A, %eq3A_119 : i32
    %jit3A_121 = arith.constant 100000 : i32
    %select_n3A_122 = arith.select %eq3A_120, %jit3A_121, %select_n3A : i32
    %eq3A_123 = arith.constant 0 : i32
    %eq3A_124 = vector.broadcast %eq3A_123 : i32 to vector<16xi32>
    %eq3A_125 = arith.cmpi eq, %iota3A, %eq3A_124 : vector<16xi32>
    %broadcast_in_dim3A_126 = vector.broadcast %select_n3A_122 : i32 to vector<16xi32>
    %eq3A_127 = arith.constant 1 : i32
    %eq3A_128 = vector.broadcast %eq3A_127 : i32 to vector<16xi32>
    %eq3A_129 = arith.cmpi eq, %iota3A, %eq3A_128 : vector<16xi32>
    %broadcast_in_dim3A_130 = vector.broadcast %scan3A_112#0 : i32 to vector<16xi32>
    %select_n3A_131 = arith.select %eq3A_129, %broadcast_in_dim3A_130, %broadcast_in_dim3A_3 : vector<16xi1>, vector<16xi32>
    %select_n3A_132 = arith.select %eq3A_125, %broadcast_in_dim3A_126, %select_n3A_131 : vector<16xi1>, vector<16xi32>
    %eq3A_133 = arith.constant 1 : i32
    %eq3A_134 = vector.broadcast %eq3A_133 : i32 to vector<16xi32>
    %eq3A_135 = arith.cmpi eq, %iota3A, %eq3A_134 : vector<16xi32>
    %broadcast_in_dim3A_136 = vector.broadcast %mul3A_118 : f32 to vector<16xf32>
    %broadcast_in_dim3A_137 = arith.constant 0xFF800000 : f32
    %broadcast_in_dim3A_138 = vector.broadcast %broadcast_in_dim3A_137 : f32 to vector<16xf32>
    %select_n3A_139 = arith.select %eq3A_135, %broadcast_in_dim3A_136, %broadcast_in_dim3A_138 : vector<16xi1>, vector<16xf32>
    %swap3A_140 = arith.constant 0 : index
    %swap3A_141 = tpu.vector_load %arg26[%swap3A_140] {strides = array<i32>} : memref<16xi32, #tpu.memory_space<vmem>>, vector<16xi32>,
    tpu.vector_store %arg26[%swap3A_140], %select_n3A_132 {strides = array<i32>} : memref<16xi32, #tpu.memory_space<vmem>>, vector<16xi32>,
    %swap3A_142 = arith.constant 0 : index
    %swap3A_143 = tpu.vector_load %arg27[%swap3A_142] {strides = array<i32>} : memref<16xf32, #tpu.memory_space<vmem>>, vector<16xf32>,
    tpu.vector_store %arg27[%swap3A_142], %select_n3A_139 {strides = array<i32>} : memref<16xf32, #tpu.memory_space<vmem>>, vector<16xf32>,
    %mul3A_144 = arith.constant 8 : i32
    %mul3A_145 = arith.muli %arg1, %mul3A_144 : i32
    %multiple_of3A_146 = tpu.assume_multiple %mul3A_145, 8 : i32
    "tpu.region"() ({
      %run_scoped3A = tpu.sem_alloc : memref<!tpu.dma_semaphore, #tpu.memory_space<semaphore_mem>>
      %dma_start3A_158 = arith.constant 0 : i32
      %dma_start3A_159 = tpu.memref_slice %arg26[%dma_start3A_158] : memref<16xi32, #tpu.memory_space<vmem>> -> memref<8xi32, #tpu.memory_space<vmem>>
      %dma_start3A_160 = tpu.memref_slice %arg38[%multiple_of3A_146] : memref<128xi32, #tpu.memory_space<vmem_shared>> -> memref<8xi32, #tpu.memory_space<vmem_shared>>
      %dma_start3A_161 = tpu.memref_slice %arg38[%multiple_of3A_146] : memref<128xi32, #tpu.memory_space<vmem_shared>> -> memref<8xi32, #tpu.memory_space<vmem_shared>>
      %dma_start3A_162 = arith.constant 0 : i32
      %dma_start3A_163 = tpu.memref_slice %arg26[%dma_start3A_162] : memref<16xi32, #tpu.memory_space<vmem>> -> memref<8xi32, #tpu.memory_space<vmem>>
      tpu.enqueue_dma source(%dma_start3A_163 : memref<8xi32, #tpu.memory_space<vmem>>) target(%dma_start3A_161 : memref<8xi32, #tpu.memory_space<vmem_shared>>) target_semaphore(%run_scoped3A : memref<!tpu.dma_semaphore, #tpu.memory_space<semaphore_mem>>)
      %dma_wait3A = arith.constant 0 : i32
      %dma_wait3A_164 = tpu.memref_slice %arg26[%dma_wait3A] : memref<16xi32, #tpu.memory_space<vmem>> -> memref<8xi32, #tpu.memory_space<vmem>>
      %dma_wait3A_165 = tpu.memref_slice %arg38[%multiple_of3A_146] : memref<128xi32, #tpu.memory_space<vmem_shared>> -> memref<8xi32, #tpu.memory_space<vmem_shared>>
      %dma_wait3A_166 = tpu.memref_slice %arg38[%multiple_of3A_146] : memref<128xi32, #tpu.memory_space<vmem_shared>> -> memref<8xi32, #tpu.memory_space<vmem_shared>>
      %dma_wait3A_167 = arith.constant 0 : i32
      %dma_wait3A_168 = tpu.memref_slice %arg26[%dma_wait3A_167] : memref<16xi32, #tpu.memory_space<vmem>> -> memref<8xi32, #tpu.memory_space<vmem>>
      tpu.wait_dma2 semaphore(%run_scoped3A : memref<!tpu.dma_semaphore, #tpu.memory_space<semaphore_mem>>) src(%dma_wait3A_168 : memref<8xi32, #tpu.memory_space<vmem>>) dst(%dma_wait3A_166 : memref<8xi32, #tpu.memory_space<vmem_shared>>)
      tpu.yield
    }) : () -> ()
    "tpu.region"() ({
      %run_scoped3A = tpu.sem_alloc : memref<!tpu.dma_semaphore, #tpu.memory_space<semaphore_mem>>
      %dma_start3A_158 = arith.constant 0 : i32
      %dma_start3A_159 = tpu.memref_slice %arg27[%dma_start3A_158] : memref<16xf32, #tpu.memory_space<vmem>> -> memref<8xf32, #tpu.memory_space<vmem>>
      %dma_start3A_160 = tpu.memref_slice %arg39[%multiple_of3A_146] : memref<128xf32, #tpu.memory_space<vmem_shared>> -> memref<8xf32, #tpu.memory_space<vmem_shared>>
      %dma_start3A_161 = tpu.memref_slice %arg39[%multiple_of3A_146] : memref<128xf32, #tpu.memory_space<vmem_shared>> -> memref<8xf32, #tpu.memory_space<vmem_shared>>
      %dma_start3A_162 = arith.constant 0 : i32
      %dma_start3A_163 = tpu.memref_slice %arg27[%dma_start3A_162] : memref<16xf32, #tpu.memory_space<vmem>> -> memref<8xf32, #tpu.memory_space<vmem>>
      tpu.enqueue_dma source(%dma_start3A_163 : memref<8xf32, #tpu.memory_space<vmem>>) target(%dma_start3A_161 : memref<8xf32, #tpu.memory_space<vmem_shared>>) target_semaphore(%run_scoped3A : memref<!tpu.dma_semaphore, #tpu.memory_space<semaphore_mem>>)
      %dma_wait3A = arith.constant 0 : i32
      %dma_wait3A_164 = tpu.memref_slice %arg27[%dma_wait3A] : memref<16xf32, #tpu.memory_space<vmem>> -> memref<8xf32, #tpu.memory_space<vmem>>
      %dma_wait3A_165 = tpu.memref_slice %arg39[%multiple_of3A_146] : memref<128xf32, #tpu.memory_space<vmem_shared>> -> memref<8xf32, #tpu.memory_space<vmem_shared>>
      %dma_wait3A_166 = tpu.memref_slice %arg39[%multiple_of3A_146] : memref<128xf32, #tpu.memory_space<vmem_shared>> -> memref<8xf32, #tpu.memory_space<vmem_shared>>
      %dma_wait3A_167 = arith.constant 0 : i32
      %dma_wait3A_168 = tpu.memref_slice %arg27[%dma_wait3A_167] : memref<16xf32, #tpu.memory_space<vmem>> -> memref<8xf32, #tpu.memory_space<vmem>>
      tpu.wait_dma2 semaphore(%run_scoped3A : memref<!tpu.dma_semaphore, #tpu.memory_space<semaphore_mem>>) src(%dma_wait3A_168 : memref<8xf32, #tpu.memory_space<vmem>>) dst(%dma_wait3A_166 : memref<8xf32, #tpu.memory_space<vmem_shared>>)
      tpu.yield
    }) : () -> ()
    %barrier3A_147 = arith.constant 0 : index
    tpu.barrier barrier_id(%barrier3A_147)
    %eq3A_148 = arith.constant 0 : i32
    %eq3A_149 = arith.cmpi eq, %arg1, %eq3A_148 : i32
    %convert_element_type3A_150 = arith.extui %eq3A_149 : i1 to i32
    %cond3A_151 = arith.constant 0 : i32
    %cond3A_152 = arith.cmpi ne, %convert_element_type3A_150, %cond3A_151 : i32
    scf.if %cond3A_152 {
      "tpu.region"() ({
        %run_scoped3A_353 = tpu.sem_alloc : memref<!tpu.dma_semaphore, #tpu.memory_space<semaphore_mem>>
        tpu.enqueue_dma source(%arg38 : memref<128xi32, #tpu.memory_space<vmem_shared>>) target(%arg29 : memref<128xi32, #tpu.memory_space<vmem>>) target_semaphore(%run_scoped3A_353 : memref<!tpu.dma_semaphore, #tpu.memory_space<semaphore_mem>>)
        tpu.wait_dma2 semaphore(%run_scoped3A_353 : memref<!tpu.dma_semaphore, #tpu.memory_space<semaphore_mem>>) src(%arg38 : memref<128xi32, #tpu.memory_space<vmem_shared>>) dst(%arg29 : memref<128xi32, #tpu.memory_space<vmem>>)
        tpu.yield
      }) : () -> ()
      "tpu.region"() ({
        %run_scoped3A_353 = tpu.sem_alloc : memref<!tpu.dma_semaphore, #tpu.memory_space<semaphore_mem>>
        tpu.enqueue_dma source(%arg39 : memref<128xf32, #tpu.memory_space<vmem_shared>>) target(%arg30 : memref<128xf32, #tpu.memory_space<vmem>>) target_semaphore(%run_scoped3A_353 : memref<!tpu.dma_semaphore, #tpu.memory_space<semaphore_mem>>)
        tpu.wait_dma2 semaphore(%run_scoped3A_353 : memref<!tpu.dma_semaphore, #tpu.memory_space<semaphore_mem>>) src(%arg39 : memref<128xf32, #tpu.memory_space<vmem_shared>>) dst(%arg30 : memref<128xf32, #tpu.memory_space<vmem>>)
        tpu.yield
      }) : () -> ()
      "tpu.region"() ({
        %run_scoped3A_353 = tpu.sem_alloc : memref<!tpu.dma_semaphore, #tpu.memory_space<semaphore_mem>>
        %dma_start3A_354 = arith.constant 100000 : i32
        %dma_start3A_355 = tpu.memref_slice %arg37[%dma_start3A_354] : memref<100096xf32, #tpu.memory_space<vmem_shared>> -> memref<32xf32, #tpu.memory_space<vmem_shared>>
        %dma_start3A_356 = arith.constant 100000 : i32
        %dma_start3A_357 = tpu.memref_slice %arg37[%dma_start3A_356] : memref<100096xf32, #tpu.memory_space<vmem_shared>> -> memref<32xf32, #tpu.memory_space<vmem_shared>>
        tpu.enqueue_dma source(%dma_start3A_357 : memref<32xf32, #tpu.memory_space<vmem_shared>>) target(%arg28 : memref<32xf32, #tpu.memory_space<vmem>>) target_semaphore(%run_scoped3A_353 : memref<!tpu.dma_semaphore, #tpu.memory_space<semaphore_mem>>)
        %dma_wait3A = arith.constant 100000 : i32
        %dma_wait3A_358 = tpu.memref_slice %arg37[%dma_wait3A] : memref<100096xf32, #tpu.memory_space<vmem_shared>> -> memref<32xf32, #tpu.memory_space<vmem_shared>>
        %dma_wait3A_359 = arith.constant 100000 : i32
        %dma_wait3A_360 = tpu.memref_slice %arg37[%dma_wait3A_359] : memref<100096xf32, #tpu.memory_space<vmem_shared>> -> memref<32xf32, #tpu.memory_space<vmem_shared>>
        tpu.wait_dma2 semaphore(%run_scoped3A_353 : memref<!tpu.dma_semaphore, #tpu.memory_space<semaphore_mem>>) src(%dma_wait3A_360 : memref<32xf32, #tpu.memory_space<vmem_shared>>) dst(%arg28 : memref<32xf32, #tpu.memory_space<vmem>>)
        tpu.yield
      }) : () -> ()
      %broadcast_in_dim3A_158 = arith.constant 2147483647 : i32
      %broadcast_in_dim3A_159 = vector.broadcast %broadcast_in_dim3A_158 : i32 to vector<16xi32>
      %swap3A_160 = arith.constant 32 : index
      %swap3A_161 = tpu.vector_load %arg31[%swap3A_160] {strides = array<i32>} : memref<48xi32, #tpu.memory_space<vmem>>, vector<16xi32>,
      tpu.vector_store %arg31[%swap3A_160], %broadcast_in_dim3A_159 {strides = array<i32>} : memref<48xi32, #tpu.memory_space<vmem>>, vector<16xi32>,
      %shift_right_logical3A = arith.constant 1 : i32
      %shift_right_logical3A_162 = vector.broadcast %shift_right_logical3A : i32 to vector<16xi32>
      %shift_right_logical3A_163 = arith.shrui %iota3A, %shift_right_logical3A_162 : vector<16xi32>
      %and3A_164 = arith.constant 1 : i32
      %and3A_165 = vector.broadcast %and3A_164 : i32 to vector<16xi32>
      %and3A_166 = arith.andi %iota3A, %and3A_165 : vector<16xi32>
      %eq3A_167 = arith.constant 1 : i32
      %eq3A_168 = vector.broadcast %eq3A_167 : i32 to vector<16xi32>
      %eq3A_169 = arith.cmpi eq, %and3A_166, %eq3A_168 : vector<16xi32>
      %add3A_170 = arith.constant 0 : i32
      %add3A_171 = vector.broadcast %add3A_170 : i32 to vector<16xi32>
      %add3A_172 = arith.addi %shift_right_logical3A_163, %add3A_171 : vector<16xi32>
      %mul3A_173 = arith.constant 8 : i32
      %mul3A_174 = vector.broadcast %mul3A_173 : i32 to vector<16xi32>
      %mul3A_175 = arith.muli %add3A_172, %mul3A_174 : vector<16xi32>
      %and3A_176 = arith.constant 1 : i32
      %and3A_177 = vector.broadcast %and3A_176 : i32 to vector<16xi32>
      %and3A_178 = arith.andi %iota3A, %and3A_177 : vector<16xi32>
      %add3A_179 = arith.addi %mul3A_175, %and3A_178 : vector<16xi32>
      %gather3A = tpu.vector_load_idx %arg29[%add3A_179] : memref<128xi32, #tpu.memory_space<vmem>>[vector<16xi32>], vector<16xi32>,
      %swap3A_180 = arith.constant 0 : index
      %swap3A_181 = tpu.vector_load %arg31[%swap3A_180] {strides = array<i32>} : memref<48xi32, #tpu.memory_space<vmem>>, vector<16xi32>,
      tpu.vector_store %arg31[%swap3A_180], %gather3A {strides = array<i32>} : memref<48xi32, #tpu.memory_space<vmem>>, vector<16xi32>,
      %add3A_182 = arith.constant 1 : i32
      %add3A_183 = vector.broadcast %add3A_182 : i32 to vector<16xi32>
      %add3A_184 = arith.addi %add3A_172, %add3A_183 : vector<16xi32>
      %gather3A_185 = tpu.vector_load_idx %arg28[%add3A_184] : memref<32xf32, #tpu.memory_space<vmem>>[vector<16xi32>], vector<16xf32>,
      %mul3A_186 = arith.constant 8 : i32
      %mul3A_187 = vector.broadcast %mul3A_186 : i32 to vector<16xi32>
      %mul3A_188 = arith.muli %add3A_172, %mul3A_187 : vector<16xi32>
      %add3A_189 = arith.constant 1 : i32
      %add3A_190 = vector.broadcast %add3A_189 : i32 to vector<16xi32>
      %add3A_191 = arith.addi %mul3A_188, %add3A_190 : vector<16xi32>
      %gather3A_192 = tpu.vector_load_idx %arg30[%add3A_191] : memref<128xf32, #tpu.memory_space<vmem>>[vector<16xi32>], vector<16xf32>,
      %select_n3A_193 = arith.select %eq3A_169, %gather3A_192, %gather3A_185 : vector<16xi1>, vector<16xf32>
      %swap3A_194 = arith.constant 0 : index
      %swap3A_195 = tpu.vector_load %arg32[%swap3A_194] {strides = array<i32>} : memref<48xf32, #tpu.memory_space<vmem>>, vector<16xf32>,
      tpu.vector_store %arg32[%swap3A_194], %select_n3A_193 {strides = array<i32>} : memref<48xf32, #tpu.memory_space<vmem>>, vector<16xf32>,
      %add3A_196 = arith.constant 8 : i32
      %add3A_197 = vector.broadcast %add3A_196 : i32 to vector<16xi32>
      %add3A_198 = arith.addi %shift_right_logical3A_163, %add3A_197 : vector<16xi32>
      %mul3A_199 = arith.constant 8 : i32
      %mul3A_200 = vector.broadcast %mul3A_199 : i32 to vector<16xi32>
      %mul3A_201 = arith.muli %add3A_198, %mul3A_200 : vector<16xi32>
      %and3A_202 = arith.constant 1 : i32
      %and3A_203 = vector.broadcast %and3A_202 : i32 to vector<16xi32>
      %and3A_204 = arith.andi %iota3A, %and3A_203 : vector<16xi32>
      %add3A_205 = arith.addi %mul3A_201, %and3A_204 : vector<16xi32>
      %gather3A_206 = tpu.vector_load_idx %arg29[%add3A_205] : memref<128xi32, #tpu.memory_space<vmem>>[vector<16xi32>], vector<16xi32>,
      %swap3A_207 = arith.constant 16 : index
      %swap3A_208 = tpu.vector_load %arg31[%swap3A_207] {strides = array<i32>} : memref<48xi32, #tpu.memory_space<vmem>>, vector<16xi32>,
      tpu.vector_store %arg31[%swap3A_207], %gather3A_206 {strides = array<i32>} : memref<48xi32, #tpu.memory_space<vmem>>, vector<16xi32>,
      %add3A_209 = arith.constant 1 : i32
      %add3A_210 = vector.broadcast %add3A_209 : i32 to vector<16xi32>
      %add3A_211 = arith.addi %add3A_198, %add3A_210 : vector<16xi32>
      %gather3A_212 = tpu.vector_load_idx %arg28[%add3A_211] : memref<32xf32, #tpu.memory_space<vmem>>[vector<16xi32>], vector<16xf32>,
      %mul3A_213 = arith.constant 8 : i32
      %mul3A_214 = vector.broadcast %mul3A_213 : i32 to vector<16xi32>
      %mul3A_215 = arith.muli %add3A_198, %mul3A_214 : vector<16xi32>
      %add3A_216 = arith.constant 1 : i32
      %add3A_217 = vector.broadcast %add3A_216 : i32 to vector<16xi32>
      %add3A_218 = arith.addi %mul3A_215, %add3A_217 : vector<16xi32>
      %gather3A_219 = tpu.vector_load_idx %arg30[%add3A_218] : memref<128xf32, #tpu.memory_space<vmem>>[vector<16xi32>], vector<16xf32>,
      %select_n3A_220 = arith.select %eq3A_169, %gather3A_219, %gather3A_212 : vector<16xi1>, vector<16xf32>
      %swap3A_221 = arith.constant 16 : index
      %swap3A_222 = tpu.vector_load %arg32[%swap3A_221] {strides = array<i32>} : memref<48xf32, #tpu.memory_space<vmem>>, vector<16xf32>,
      tpu.vector_store %arg32[%swap3A_221], %select_n3A_220 {strides = array<i32>} : memref<48xf32, #tpu.memory_space<vmem>>, vector<16xf32>,
      %get3A_223 = arith.constant 0 : index
      %get3A_224 = tpu.vector_load %arg31[%get3A_223] {strides = array<i32>} : memref<48xi32, #tpu.memory_space<vmem>>, vector<16xi32>,
      %get3A_225 = arith.constant 0 : index
      %get3A_226 = tpu.vector_load %arg32[%get3A_225] {strides = array<i32>} : memref<48xf32, #tpu.memory_space<vmem>>, vector<16xf32>,
      %get3A_227 = arith.constant 1 : index
      %get3A_228 = tpu.vector_load %arg31[%get3A_227] {strides = array<i32>} : memref<48xi32, #tpu.memory_space<vmem>>, vector<16xi32>,
      %broadcast_in_dim3A_229 = arith.constant -1 : i32
      %broadcast_in_dim3A_230 = vector.broadcast %broadcast_in_dim3A_229 : i32 to vector<16xi32>
      %eq3A_231 = arith.cmpi eq, %get3A_224, %broadcast_in_dim3A_230 : vector<16xi32>
      %broadcast_in_dim3A_232 = arith.constant 0xFF800000 : f32
      %broadcast_in_dim3A_233 = vector.broadcast %broadcast_in_dim3A_232 : f32 to vector<16xf32>
      %max3A_234 = arith.maximumf %get3A_226, %broadcast_in_dim3A_233 : vector<16xf32>
      %select_n3A_235 = arith.select %eq3A_231, %max3A_234, %get3A_226 : vector<16xi1>, vector<16xf32>
      %swap3A_236 = arith.constant 16 : index
      %swap3A_237 = tpu.vector_load %arg20[%swap3A_236] {strides = array<i32>} : memref<160xi32, #tpu.memory_space<vmem>>, vector<16xi32>,
      tpu.vector_store %arg20[%swap3A_236], %get3A_224 {strides = array<i32>} : memref<160xi32, #tpu.memory_space<vmem>>, vector<16xi32>,
      %swap3A_238 = arith.constant 16 : index
      %swap3A_239 = tpu.vector_load %arg21[%swap3A_238] {strides = array<i32>} : memref<160xf32, #tpu.memory_space<vmem>>, vector<16xf32>,
      tpu.vector_store %arg21[%swap3A_238], %select_n3A_235 {strides = array<i32>} : memref<160xf32, #tpu.memory_space<vmem>>, vector<16xf32>,
      %get3A_240 = arith.constant 15 : index
      %get3A_241 = tpu.vector_load %arg20[%get3A_240] {strides = array<i32>} : memref<160xi32, #tpu.memory_space<vmem>>, vector<16xi32>,
      %get3A_242 = arith.constant 15 : index
      %get3A_243 = tpu.vector_load %arg21[%get3A_242] {strides = array<i32>} : memref<160xf32, #tpu.memory_space<vmem>>, vector<16xf32>,
      %eq3A_244 = arith.cmpi eq, %get3A_224, %get3A_241 : vector<16xi32>
      %max3A_245 = arith.maximumf %select_n3A_235, %get3A_243 : vector<16xf32>
      %select_n3A_246 = arith.select %eq3A_244, %max3A_245, %select_n3A_235 : vector<16xi1>, vector<16xf32>
      %swap3A_247 = arith.constant 16 : index
      %swap3A_248 = tpu.vector_load %arg21[%swap3A_247] {strides = array<i32>} : memref<160xf32, #tpu.memory_space<vmem>>, vector<16xf32>,
      tpu.vector_store %arg21[%swap3A_247], %select_n3A_246 {strides = array<i32>} : memref<160xf32, #tpu.memory_space<vmem>>, vector<16xf32>,
      %get3A_249 = arith.constant 14 : index
      %get3A_250 = tpu.vector_load %arg20[%get3A_249] {strides = array<i32>} : memref<160xi32, #tpu.memory_space<vmem>>, vector<16xi32>,
      %get3A_251 = arith.constant 14 : index
      %get3A_252 = tpu.vector_load %arg21[%get3A_251] {strides = array<i32>} : memref<160xf32, #tpu.memory_space<vmem>>, vector<16xf32>,
      %eq3A_253 = arith.cmpi eq, %get3A_224, %get3A_250 : vector<16xi32>
      %max3A_254 = arith.maximumf %select_n3A_246, %get3A_252 : vector<16xf32>
      %select_n3A_255 = arith.select %eq3A_253, %max3A_254, %select_n3A_246 : vector<16xi1>, vector<16xf32>
      %swap3A_256 = arith.constant 16 : index
      %swap3A_257 = tpu.vector_load %arg21[%swap3A_256] {strides = array<i32>} : memref<160xf32, #tpu.memory_space<vmem>>, vector<16xf32>,
      tpu.vector_store %arg21[%swap3A_256], %select_n3A_255 {strides = array<i32>} : memref<160xf32, #tpu.memory_space<vmem>>, vector<16xf32>,
      %get3A_258 = arith.constant 12 : index
      %get3A_259 = tpu.vector_load %arg20[%get3A_258] {strides = array<i32>} : memref<160xi32, #tpu.memory_space<vmem>>, vector<16xi32>,
      %get3A_260 = arith.constant 12 : index
      %get3A_261 = tpu.vector_load %arg21[%get3A_260] {strides = array<i32>} : memref<160xf32, #tpu.memory_space<vmem>>, vector<16xf32>,
      %eq3A_262 = arith.cmpi eq, %get3A_224, %get3A_259 : vector<16xi32>
      %max3A_263 = arith.maximumf %select_n3A_255, %get3A_261 : vector<16xf32>
      %select_n3A_264 = arith.select %eq3A_262, %max3A_263, %select_n3A_255 : vector<16xi1>, vector<16xf32>
      %swap3A_265 = arith.constant 16 : index
      %swap3A_266 = tpu.vector_load %arg21[%swap3A_265] {strides = array<i32>} : memref<160xf32, #tpu.memory_space<vmem>>, vector<16xf32>,
      tpu.vector_store %arg21[%swap3A_265], %select_n3A_264 {strides = array<i32>} : memref<160xf32, #tpu.memory_space<vmem>>, vector<16xf32>,
      %get3A_267 = arith.constant 8 : index
      %get3A_268 = tpu.vector_load %arg20[%get3A_267] {strides = array<i32>} : memref<160xi32, #tpu.memory_space<vmem>>, vector<16xi32>,
      %get3A_269 = arith.constant 8 : index
      %get3A_270 = tpu.vector_load %arg21[%get3A_269] {strides = array<i32>} : memref<160xf32, #tpu.memory_space<vmem>>, vector<16xf32>,
      %eq3A_271 = arith.cmpi eq, %get3A_224, %get3A_268 : vector<16xi32>
      %max3A_272 = arith.maximumf %select_n3A_264, %get3A_270 : vector<16xf32>
      %select_n3A_273 = arith.select %eq3A_271, %max3A_272, %select_n3A_264 : vector<16xi1>, vector<16xf32>
      %ne3A = arith.cmpi ne, %get3A_224, %get3A_228 : vector<16xi32>
      %select_n3A_274 = arith.select %ne3A, %get3A_224, %broadcast_in_dim3A_3 : vector<16xi1>, vector<16xi32>
      %swap3A_275 = arith.constant 0 : i32
      %swap3A_276 = arith.index_cast %swap3A_275 : i32 to index
      %swap3A_277 = arith.constant 0 : index
      %swap3A_278 = tpu.vector_load %arg33[%swap3A_276, %swap3A_277] {strides = array<i32>} : memref<2x16xi32, #tpu.memory_space<vmem>>, vector<16xi32>,
      tpu.vector_store %arg33[%swap3A_276, %swap3A_277], %select_n3A_274 {strides = array<i32>} : memref<2x16xi32, #tpu.memory_space<vmem>>, vector<16xi32>,
      %swap3A_279 = arith.constant 0 : i32
      %swap3A_280 = arith.index_cast %swap3A_279 : i32 to index
      %swap3A_281 = arith.constant 0 : index
      %swap3A_282 = tpu.vector_load %arg34[%swap3A_280, %swap3A_281] {strides = array<i32>} : memref<2x16xf32, #tpu.memory_space<vmem>>, vector<16xf32>,
      tpu.vector_store %arg34[%swap3A_280, %swap3A_281], %select_n3A_273 {strides = array<i32>} : memref<2x16xf32, #tpu.memory_space<vmem>>, vector<16xf32>,
      %slice3A_283 = vector.extract_strided_slice %get3A_224 {offsets = [15], sizes = [1], strides = [1]} : vector<16xi32> to vector<1xi32>
      %squeeze3A_284 = vector.extract %slice3A_283[0] : i32 from vector<1xi32>
      %slice3A_285 = vector.extract_strided_slice %select_n3A_273 {offsets = [15], sizes = [1], strides = [1]} : vector<16xf32> to vector<1xf32>
      %squeeze3A_286 = vector.extract %slice3A_285[0] : f32 from vector<1xf32>
      %get3A_287 = arith.constant 16 : index
      %get3A_288 = tpu.vector_load %arg31[%get3A_287] {strides = array<i32>} : memref<48xi32, #tpu.memory_space<vmem>>, vector<16xi32>,
      %get3A_289 = arith.constant 16 : index
      %get3A_290 = tpu.vector_load %arg32[%get3A_289] {strides = array<i32>} : memref<48xf32, #tpu.memory_space<vmem>>, vector<16xf32>,
      %get3A_291 = arith.constant 17 : index
      %get3A_292 = tpu.vector_load %arg31[%get3A_291] {strides = array<i32>} : memref<48xi32, #tpu.memory_space<vmem>>, vector<16xi32>,
      %broadcast_in_dim3A_293 = vector.broadcast %squeeze3A_284 : i32 to vector<16xi32>
      %eq3A_294 = arith.cmpi eq, %get3A_288, %broadcast_in_dim3A_293 : vector<16xi32>
      %broadcast_in_dim3A_295 = vector.broadcast %squeeze3A_286 : f32 to vector<16xf32>
      %max3A_296 = arith.maximumf %get3A_290, %broadcast_in_dim3A_295 : vector<16xf32>
      %select_n3A_297 = arith.select %eq3A_294, %max3A_296, %get3A_290 : vector<16xi1>, vector<16xf32>
      %swap3A_298 = arith.constant 16 : index
      %swap3A_299 = tpu.vector_load %arg20[%swap3A_298] {strides = array<i32>} : memref<160xi32, #tpu.memory_space<vmem>>, vector<16xi32>,
      tpu.vector_store %arg20[%swap3A_298], %get3A_288 {strides = array<i32>} : memref<160xi32, #tpu.memory_space<vmem>>, vector<16xi32>,
      %swap3A_300 = arith.constant 16 : index
      %swap3A_301 = tpu.vector_load %arg21[%swap3A_300] {strides = array<i32>} : memref<160xf32, #tpu.memory_space<vmem>>, vector<16xf32>,
      tpu.vector_store %arg21[%swap3A_300], %select_n3A_297 {strides = array<i32>} : memref<160xf32, #tpu.memory_space<vmem>>, vector<16xf32>,
      %get3A_302 = arith.constant 15 : index
      %get3A_303 = tpu.vector_load %arg20[%get3A_302] {strides = array<i32>} : memref<160xi32, #tpu.memory_space<vmem>>, vector<16xi32>,
      %get3A_304 = arith.constant 15 : index
      %get3A_305 = tpu.vector_load %arg21[%get3A_304] {strides = array<i32>} : memref<160xf32, #tpu.memory_space<vmem>>, vector<16xf32>,
      %eq3A_306 = arith.cmpi eq, %get3A_288, %get3A_303 : vector<16xi32>
      %max3A_307 = arith.maximumf %select_n3A_297, %get3A_305 : vector<16xf32>
      %select_n3A_308 = arith.select %eq3A_306, %max3A_307, %select_n3A_297 : vector<16xi1>, vector<16xf32>
      %swap3A_309 = arith.constant 16 : index
      %swap3A_310 = tpu.vector_load %arg21[%swap3A_309] {strides = array<i32>} : memref<160xf32, #tpu.memory_space<vmem>>, vector<16xf32>,
      tpu.vector_store %arg21[%swap3A_309], %select_n3A_308 {strides = array<i32>} : memref<160xf32, #tpu.memory_space<vmem>>, vector<16xf32>,
      %get3A_311 = arith.constant 14 : index
      %get3A_312 = tpu.vector_load %arg20[%get3A_311] {strides = array<i32>} : memref<160xi32, #tpu.memory_space<vmem>>, vector<16xi32>,
      %get3A_313 = arith.constant 14 : index
      %get3A_314 = tpu.vector_load %arg21[%get3A_313] {strides = array<i32>} : memref<160xf32, #tpu.memory_space<vmem>>, vector<16xf32>,
      %eq3A_315 = arith.cmpi eq, %get3A_288, %get3A_312 : vector<16xi32>
      %max3A_316 = arith.maximumf %select_n3A_308, %get3A_314 : vector<16xf32>
      %select_n3A_317 = arith.select %eq3A_315, %max3A_316, %select_n3A_308 : vector<16xi1>, vector<16xf32>
      %swap3A_318 = arith.constant 16 : index
      %swap3A_319 = tpu.vector_load %arg21[%swap3A_318] {strides = array<i32>} : memref<160xf32, #tpu.memory_space<vmem>>, vector<16xf32>,
      tpu.vector_store %arg21[%swap3A_318], %select_n3A_317 {strides = array<i32>} : memref<160xf32, #tpu.memory_space<vmem>>, vector<16xf32>,
      %get3A_320 = arith.constant 12 : index
      %get3A_321 = tpu.vector_load %arg20[%get3A_320] {strides = array<i32>} : memref<160xi32, #tpu.memory_space<vmem>>, vector<16xi32>,
      %get3A_322 = arith.constant 12 : index
      %get3A_323 = tpu.vector_load %arg21[%get3A_322] {strides = array<i32>} : memref<160xf32, #tpu.memory_space<vmem>>, vector<16xf32>,
      %eq3A_324 = arith.cmpi eq, %get3A_288, %get3A_321 : vector<16xi32>
      %max3A_325 = arith.maximumf %select_n3A_317, %get3A_323 : vector<16xf32>
      %select_n3A_326 = arith.select %eq3A_324, %max3A_325, %select_n3A_317 : vector<16xi1>, vector<16xf32>
      %swap3A_327 = arith.constant 16 : index
      %swap3A_328 = tpu.vector_load %arg21[%swap3A_327] {strides = array<i32>} : memref<160xf32, #tpu.memory_space<vmem>>, vector<16xf32>,
      tpu.vector_store %arg21[%swap3A_327], %select_n3A_326 {strides = array<i32>} : memref<160xf32, #tpu.memory_space<vmem>>, vector<16xf32>,
      %get3A_329 = arith.constant 8 : index
      %get3A_330 = tpu.vector_load %arg20[%get3A_329] {strides = array<i32>} : memref<160xi32, #tpu.memory_space<vmem>>, vector<16xi32>,
      %get3A_331 = arith.constant 8 : index
      %get3A_332 = tpu.vector_load %arg21[%get3A_331] {strides = array<i32>} : memref<160xf32, #tpu.memory_space<vmem>>, vector<16xf32>,
      %eq3A_333 = arith.cmpi eq, %get3A_288, %get3A_330 : vector<16xi32>
      %max3A_334 = arith.maximumf %select_n3A_326, %get3A_332 : vector<16xf32>
      %select_n3A_335 = arith.select %eq3A_333, %max3A_334, %select_n3A_326 : vector<16xi1>, vector<16xf32>
      %ne3A_336 = arith.cmpi ne, %get3A_288, %get3A_292 : vector<16xi32>
      %select_n3A_337 = arith.select %ne3A_336, %get3A_288, %broadcast_in_dim3A_3 : vector<16xi1>, vector<16xi32>
      %swap3A_338 = arith.constant 1 : i32
      %swap3A_339 = arith.index_cast %swap3A_338 : i32 to index
      %swap3A_340 = arith.constant 0 : index
      %swap3A_341 = tpu.vector_load %arg33[%swap3A_339, %swap3A_340] {strides = array<i32>} : memref<2x16xi32, #tpu.memory_space<vmem>>, vector<16xi32>,
      tpu.vector_store %arg33[%swap3A_339, %swap3A_340], %select_n3A_337 {strides = array<i32>} : memref<2x16xi32, #tpu.memory_space<vmem>>, vector<16xi32>,
      %swap3A_342 = arith.constant 1 : i32
      %swap3A_343 = arith.index_cast %swap3A_342 : i32 to index
      %swap3A_344 = arith.constant 0 : index
      %swap3A_345 = tpu.vector_load %arg34[%swap3A_343, %swap3A_344] {strides = array<i32>} : memref<2x16xf32, #tpu.memory_space<vmem>>, vector<16xf32>,
      tpu.vector_store %arg34[%swap3A_343, %swap3A_344], %select_n3A_335 {strides = array<i32>} : memref<2x16xf32, #tpu.memory_space<vmem>>, vector<16xf32>,
      %slice3A_346 = vector.extract_strided_slice %get3A_288 {offsets = [15], sizes = [1], strides = [1]} : vector<16xi32> to vector<1xi32>
      %squeeze3A_347 = vector.extract %slice3A_346[0] : i32 from vector<1xi32>
      %slice3A_348 = vector.extract_strided_slice %select_n3A_335 {offsets = [15], sizes = [1], strides = [1]} : vector<16xf32> to vector<1xf32>
      %squeeze3A_349 = vector.extract %slice3A_348[0] : f32 from vector<1xf32>
      %run_scoped3A = arith.constant 0 : i32
      %run_scoped3A_350 = arith.constant 0 : i32
      "tpu.region"() ({
        %run_scoped3A_353 = tpu.sem_alloc : memref<!tpu.dma_semaphore, #tpu.memory_space<semaphore_mem>>
        %dma_start3A_354 = arith.constant 0 : i32
        %dma_start3A_355 = tpu.memref_slice %arg34[%run_scoped3A, %dma_start3A_354] : memref<2x16xf32, #tpu.memory_space<vmem>> -> memref<1x16xf32, #tpu.memory_space<vmem>>
        %dma_start3A_356 = tpu.memref_squeeze %dma_start3A_355 : memref<1x16xf32, #tpu.memory_space<vmem>> -> memref<16xf32, #tpu.memory_space<vmem>>
        %dma_start3A_357 = arith.constant 0 : i32
        %dma_start3A_358 = tpu.memref_slice %arg33[%run_scoped3A_350, %dma_start3A_357] : memref<2x16xi32, #tpu.memory_space<vmem>> -> memref<1x16xi32, #tpu.memory_space<vmem>>
        %dma_start3A_359 = tpu.memref_squeeze %dma_start3A_358 : memref<1x16xi32, #tpu.memory_space<vmem>> -> memref<16xi32, #tpu.memory_space<vmem>>
        %dma_start3A_360 = arith.constant 0 : i32
        %dma_start3A_361 = tpu.memref_slice %arg37[%dma_start3A_360] : memref<100096xf32, #tpu.memory_space<vmem_shared>> -> memref<100096xf32, #tpu.memory_space<vmem_shared>>
        tpu.enqueue_indirect_dma source(%dma_start3A_356 : memref<16xf32, #tpu.memory_space<vmem>>) target(%dma_start3A_361 : memref<100096xf32, #tpu.memory_space<vmem_shared>>) offsets(%dma_start3A_359 : memref<16xi32, #tpu.memory_space<vmem>>) semaphore(%run_scoped3A_353 : memref<!tpu.dma_semaphore, #tpu.memory_space<semaphore_mem>>)
        %dma_wait3A = arith.constant 0 : i32
        %dma_wait3A_362 = tpu.memref_slice %arg34[%run_scoped3A, %dma_wait3A] : memref<2x16xf32, #tpu.memory_space<vmem>> -> memref<1x16xf32, #tpu.memory_space<vmem>>
        %dma_wait3A_363 = tpu.memref_squeeze %dma_wait3A_362 : memref<1x16xf32, #tpu.memory_space<vmem>> -> memref<16xf32, #tpu.memory_space<vmem>>
        %dma_wait3A_364 = arith.constant 0 : i32
        %dma_wait3A_365 = tpu.memref_slice %arg33[%run_scoped3A_350, %dma_wait3A_364] : memref<2x16xi32, #tpu.memory_space<vmem>> -> memref<1x16xi32, #tpu.memory_space<vmem>>
        %dma_wait3A_366 = tpu.memref_squeeze %dma_wait3A_365 : memref<1x16xi32, #tpu.memory_space<vmem>> -> memref<16xi32, #tpu.memory_space<vmem>>
        %dma_wait3A_367 = arith.constant 0 : i32
        %dma_wait3A_368 = tpu.memref_slice %arg37[%dma_wait3A_367] : memref<100096xf32, #tpu.memory_space<vmem_shared>> -> memref<100096xf32, #tpu.memory_space<vmem_shared>>
        tpu.wait_indirect_dma semaphore(%run_scoped3A_353 : memref<!tpu.dma_semaphore, #tpu.memory_space<semaphore_mem>>) src(%dma_wait3A_363 : memref<16xf32, #tpu.memory_space<vmem>>) dst(%dma_wait3A_368 : memref<100096xf32, #tpu.memory_space<vmem_shared>>)
        tpu.yield
      }) : () -> ()
      %run_scoped3A_351 = arith.constant 1 : i32
      %run_scoped3A_352 = arith.constant 1 : i32
      "tpu.region"() ({
        %run_scoped3A_353 = tpu.sem_alloc : memref<!tpu.dma_semaphore, #tpu.memory_space<semaphore_mem>>
        %dma_start3A_354 = arith.constant 0 : i32
        %dma_start3A_355 = tpu.memref_slice %arg34[%run_scoped3A_351, %dma_start3A_354] : memref<2x16xf32, #tpu.memory_space<vmem>> -> memref<1x16xf32, #tpu.memory_space<vmem>>
        %dma_start3A_356 = tpu.memref_squeeze %dma_start3A_355 : memref<1x16xf32, #tpu.memory_space<vmem>> -> memref<16xf32, #tpu.memory_space<vmem>>
        %dma_start3A_357 = arith.constant 0 : i32
        %dma_start3A_358 = tpu.memref_slice %arg33[%run_scoped3A_352, %dma_start3A_357] : memref<2x16xi32, #tpu.memory_space<vmem>> -> memref<1x16xi32, #tpu.memory_space<vmem>>
        %dma_start3A_359 = tpu.memref_squeeze %dma_start3A_358 : memref<1x16xi32, #tpu.memory_space<vmem>> -> memref<16xi32, #tpu.memory_space<vmem>>
        %dma_start3A_360 = arith.constant 0 : i32
        %dma_start3A_361 = tpu.memref_slice %arg37[%dma_start3A_360] : memref<100096xf32, #tpu.memory_space<vmem_shared>> -> memref<100096xf32, #tpu.memory_space<vmem_shared>>
        tpu.enqueue_indirect_dma source(%dma_start3A_356 : memref<16xf32, #tpu.memory_space<vmem>>) target(%dma_start3A_361 : memref<100096xf32, #tpu.memory_space<vmem_shared>>) offsets(%dma_start3A_359 : memref<16xi32, #tpu.memory_space<vmem>>) semaphore(%run_scoped3A_353 : memref<!tpu.dma_semaphore, #tpu.memory_space<semaphore_mem>>)
        %dma_wait3A = arith.constant 0 : i32
        %dma_wait3A_362 = tpu.memref_slice %arg34[%run_scoped3A_351, %dma_wait3A] : memref<2x16xf32, #tpu.memory_space<vmem>> -> memref<1x16xf32, #tpu.memory_space<vmem>>
        %dma_wait3A_363 = tpu.memref_squeeze %dma_wait3A_362 : memref<1x16xf32, #tpu.memory_space<vmem>> -> memref<16xf32, #tpu.memory_space<vmem>>
        %dma_wait3A_364 = arith.constant 0 : i32
        %dma_wait3A_365 = tpu.memref_slice %arg33[%run_scoped3A_352, %dma_wait3A_364] : memref<2x16xi32, #tpu.memory_space<vmem>> -> memref<1x16xi32, #tpu.memory_space<vmem>>
        %dma_wait3A_366 = tpu.memref_squeeze %dma_wait3A_365 : memref<1x16xi32, #tpu.memory_space<vmem>> -> memref<16xi32, #tpu.memory_space<vmem>>
        %dma_wait3A_367 = arith.constant 0 : i32
        %dma_wait3A_368 = tpu.memref_slice %arg37[%dma_wait3A_367] : memref<100096xf32, #tpu.memory_space<vmem_shared>> -> memref<100096xf32, #tpu.memory_space<vmem_shared>>
        tpu.wait_indirect_dma semaphore(%run_scoped3A_353 : memref<!tpu.dma_semaphore, #tpu.memory_space<semaphore_mem>>) src(%dma_wait3A_363 : memref<16xf32, #tpu.memory_space<vmem>>) dst(%dma_wait3A_368 : memref<100096xf32, #tpu.memory_space<vmem_shared>>)
        tpu.yield
      }) : () -> ()
    } else {
    }
    %barrier3A_153 = arith.constant 0 : index
    tpu.barrier barrier_id(%barrier3A_153)
    %mul3A_154 = arith.constant 100096 : i32
    %mul3A_155 = arith.muli %arg0, %mul3A_154 : i32
    %add3A_156 = arith.addi %mul3A_155, %multiple_of3A_6 : i32
    %multiple_of3A_157 = tpu.assume_multiple %add3A_156, 8 : i32
    "tpu.region"() ({
      %run_scoped3A = tpu.sem_alloc : memref<!tpu.dma_semaphore, #tpu.memory_space<semaphore_mem>>
      %dma_start3A_158 = tpu.memref_slice %arg35[%multiple_of3A_6] : memref<100096xf32, #tpu.memory_space<vmem_shared>> -> memref<6256xf32, #tpu.memory_space<vmem_shared>>
      %dma_start3A_159 = tpu.memref_slice %arg35[%multiple_of3A_6] : memref<100096xf32, #tpu.memory_space<vmem_shared>> -> memref<6256xf32, #tpu.memory_space<vmem_shared>>
      tpu.enqueue_dma source(%dma_start3A_159 : memref<6256xf32, #tpu.memory_space<vmem_shared>>) target(%arg25 : memref<6256xf32, #tpu.memory_space<vmem>>) target_semaphore(%run_scoped3A : memref<!tpu.dma_semaphore, #tpu.memory_space<semaphore_mem>>)
      %dma_wait3A = tpu.memref_slice %arg35[%multiple_of3A_6] : memref<100096xf32, #tpu.memory_space<vmem_shared>> -> memref<6256xf32, #tpu.memory_space<vmem_shared>>
      %dma_wait3A_160 = tpu.memref_slice %arg35[%multiple_of3A_6] : memref<100096xf32, #tpu.memory_space<vmem_shared>> -> memref<6256xf32, #tpu.memory_space<vmem_shared>>
      tpu.wait_dma2 semaphore(%run_scoped3A : memref<!tpu.dma_semaphore, #tpu.memory_space<semaphore_mem>>) src(%dma_wait3A_160 : memref<6256xf32, #tpu.memory_space<vmem_shared>>) dst(%arg25 : memref<6256xf32, #tpu.memory_space<vmem>>)
      tpu.yield
    }) : () -> ()
    "tpu.region"() ({
      %run_scoped3A = tpu.sem_alloc : memref<!tpu.dma_semaphore, #tpu.memory_space<semaphore_mem>>
      %dma_start3A_158 = tpu.memref_slice %arg5[%multiple_of3A_157] : memref<200192xf32, #tpu.memory_space<hbm>> -> memref<6256xf32, #tpu.memory_space<hbm>>
      %dma_start3A_159 = tpu.memref_slice %arg5[%multiple_of3A_157] : memref<200192xf32, #tpu.memory_space<hbm>> -> memref<6256xf32, #tpu.memory_space<hbm>>
      tpu.enqueue_dma source(%arg25 : memref<6256xf32, #tpu.memory_space<vmem>>) target(%dma_start3A_159 : memref<6256xf32, #tpu.memory_space<hbm>>) target_semaphore(%run_scoped3A : memref<!tpu.dma_semaphore, #tpu.memory_space<semaphore_mem>>)
      %dma_wait3A = tpu.memref_slice %arg5[%multiple_of3A_157] : memref<200192xf32, #tpu.memory_space<hbm>> -> memref<6256xf32, #tpu.memory_space<hbm>>
      %dma_wait3A_160 = tpu.memref_slice %arg5[%multiple_of3A_157] : memref<200192xf32, #tpu.memory_space<hbm>> -> memref<6256xf32, #tpu.memory_space<hbm>>
      tpu.wait_dma2 semaphore(%run_scoped3A : memref<!tpu.dma_semaphore, #tpu.memory_space<semaphore_mem>>) src(%arg25 : memref<6256xf32, #tpu.memory_space<vmem>>) dst(%dma_wait3A_160 : memref<6256xf32, #tpu.memory_space<hbm>>)
      tpu.yield
    }) : () -> ()
    "tpu.region"() ({
      %run_scoped3A = tpu.sem_alloc : memref<!tpu.dma_semaphore, #tpu.memory_space<semaphore_mem>>
      %dma_start3A_158 = tpu.memref_slice %arg36[%multiple_of3A_6] : memref<100096xf32, #tpu.memory_space<vmem_shared>> -> memref<6256xf32, #tpu.memory_space<vmem_shared>>
      %dma_start3A_159 = tpu.memref_slice %arg36[%multiple_of3A_6] : memref<100096xf32, #tpu.memory_space<vmem_shared>> -> memref<6256xf32, #tpu.memory_space<vmem_shared>>
      tpu.enqueue_dma source(%dma_start3A_159 : memref<6256xf32, #tpu.memory_space<vmem_shared>>) target(%arg25 : memref<6256xf32, #tpu.memory_space<vmem>>) target_semaphore(%run_scoped3A : memref<!tpu.dma_semaphore, #tpu.memory_space<semaphore_mem>>)
      %dma_wait3A = tpu.memref_slice %arg36[%multiple_of3A_6] : memref<100096xf32, #tpu.memory_space<vmem_shared>> -> memref<6256xf32, #tpu.memory_space<vmem_shared>>
      %dma_wait3A_160 = tpu.memref_slice %arg36[%multiple_of3A_6] : memref<100096xf32, #tpu.memory_space<vmem_shared>> -> memref<6256xf32, #tpu.memory_space<vmem_shared>>
      tpu.wait_dma2 semaphore(%run_scoped3A : memref<!tpu.dma_semaphore, #tpu.memory_space<semaphore_mem>>) src(%dma_wait3A_160 : memref<6256xf32, #tpu.memory_space<vmem_shared>>) dst(%arg25 : memref<6256xf32, #tpu.memory_space<vmem>>)
      tpu.yield
    }) : () -> ()
    "tpu.region"() ({
      %run_scoped3A = tpu.sem_alloc : memref<!tpu.dma_semaphore, #tpu.memory_space<semaphore_mem>>
      %dma_start3A_158 = tpu.memref_slice %arg6[%multiple_of3A_157] : memref<200192xf32, #tpu.memory_space<hbm>> -> memref<6256xf32, #tpu.memory_space<hbm>>
      %dma_start3A_159 = tpu.memref_slice %arg6[%multiple_of3A_157] : memref<200192xf32, #tpu.memory_space<hbm>> -> memref<6256xf32, #tpu.memory_space<hbm>>
      tpu.enqueue_dma source(%arg25 : memref<6256xf32, #tpu.memory_space<vmem>>) target(%dma_start3A_159 : memref<6256xf32, #tpu.memory_space<hbm>>) target_semaphore(%run_scoped3A : memref<!tpu.dma_semaphore, #tpu.memory_space<semaphore_mem>>)
      %dma_wait3A = tpu.memref_slice %arg6[%multiple_of3A_157] : memref<200192xf32, #tpu.memory_space<hbm>> -> memref<6256xf32, #tpu.memory_space<hbm>>
      %dma_wait3A_160 = tpu.memref_slice %arg6[%multiple_of3A_157] : memref<200192xf32, #tpu.memory_space<hbm>> -> memref<6256xf32, #tpu.memory_space<hbm>>
      tpu.wait_dma2 semaphore(%run_scoped3A : memref<!tpu.dma_semaphore, #tpu.memory_space<semaphore_mem>>) src(%arg25 : memref<6256xf32, #tpu.memory_space<vmem>>) dst(%dma_wait3A_160 : memref<6256xf32, #tpu.memory_space<hbm>>)
      tpu.yield
    }) : () -> ()
    "tpu.region"() ({
      %run_scoped3A = tpu.sem_alloc : memref<!tpu.dma_semaphore, #tpu.memory_space<semaphore_mem>>
      %dma_start3A_158 = tpu.memref_slice %arg37[%multiple_of3A_6] : memref<100096xf32, #tpu.memory_space<vmem_shared>> -> memref<6256xf32, #tpu.memory_space<vmem_shared>>
      %dma_start3A_159 = tpu.memref_slice %arg37[%multiple_of3A_6] : memref<100096xf32, #tpu.memory_space<vmem_shared>> -> memref<6256xf32, #tpu.memory_space<vmem_shared>>
      tpu.enqueue_dma source(%dma_start3A_159 : memref<6256xf32, #tpu.memory_space<vmem_shared>>) target(%arg25 : memref<6256xf32, #tpu.memory_space<vmem>>) target_semaphore(%run_scoped3A : memref<!tpu.dma_semaphore, #tpu.memory_space<semaphore_mem>>)
      %dma_wait3A = tpu.memref_slice %arg37[%multiple_of3A_6] : memref<100096xf32, #tpu.memory_space<vmem_shared>> -> memref<6256xf32, #tpu.memory_space<vmem_shared>>
      %dma_wait3A_160 = tpu.memref_slice %arg37[%multiple_of3A_6] : memref<100096xf32, #tpu.memory_space<vmem_shared>> -> memref<6256xf32, #tpu.memory_space<vmem_shared>>
      tpu.wait_dma2 semaphore(%run_scoped3A : memref<!tpu.dma_semaphore, #tpu.memory_space<semaphore_mem>>) src(%dma_wait3A_160 : memref<6256xf32, #tpu.memory_space<vmem_shared>>) dst(%arg25 : memref<6256xf32, #tpu.memory_space<vmem>>)
      tpu.yield
    }) : () -> ()
    "tpu.region"() ({
      %run_scoped3A = tpu.sem_alloc : memref<!tpu.dma_semaphore, #tpu.memory_space<semaphore_mem>>
      %dma_start3A_158 = tpu.memref_slice %arg7[%multiple_of3A_157] : memref<200192xf32, #tpu.memory_space<hbm>> -> memref<6256xf32, #tpu.memory_space<hbm>>
      %dma_start3A_159 = tpu.memref_slice %arg7[%multiple_of3A_157] : memref<200192xf32, #tpu.memory_space<hbm>> -> memref<6256xf32, #tpu.memory_space<hbm>>
      tpu.enqueue_dma source(%arg25 : memref<6256xf32, #tpu.memory_space<vmem>>) target(%dma_start3A_159 : memref<6256xf32, #tpu.memory_space<hbm>>) target_semaphore(%run_scoped3A : memref<!tpu.dma_semaphore, #tpu.memory_space<semaphore_mem>>)
      %dma_wait3A = tpu.memref_slice %arg7[%multiple_of3A_157] : memref<200192xf32, #tpu.memory_space<hbm>> -> memref<6256xf32, #tpu.memory_space<hbm>>
      %dma_wait3A_160 = tpu.memref_slice %arg7[%multiple_of3A_157] : memref<200192xf32, #tpu.memory_space<hbm>> -> memref<6256xf32, #tpu.memory_space<hbm>>
      tpu.wait_dma2 semaphore(%run_scoped3A : memref<!tpu.dma_semaphore, #tpu.memory_space<semaphore_mem>>) src(%arg25 : memref<6256xf32, #tpu.memory_space<vmem>>) dst(%dma_wait3A_160 : memref<6256xf32, #tpu.memory_space<hbm>>)
      tpu.yield
    }) : () -> ()
    return
  }
}

module attributes {stable_mosaic.version = 14 : i64} {
  func.func @tc_body(%arg0: i32, %arg1: memref<2x5888xf32, #tpu.memory_space<vmem>>, %arg2: memref<2x5888xf32, #tpu.memory_space<vmem>>, %arg3: memref<2x5888xf32, #tpu.memory_space<vmem>>, %arg4: memref<1x1xf32, #tpu.memory_space<smem>>, %arg5: memref<2xf32, #tpu.memory_space<smem>>) attributes {dimension_semantics = [#tpu.dimension_semantics<arbitrary>], iteration_bounds = array<i64: 17>, scalar_prefetch = 0 : i64, scratch_operands = 1 : i64, tpu.core_type = #tpu.core_type<tc>, window_params = [{transform_indices = @transform_0, window_bounds = array<i64: 2, 5888>}, {transform_indices = @transform_1, window_bounds = array<i64: 2, 5888>}, {transform_indices = @transform_2, window_bounds = array<i64: 2, 5888>}, {transform_indices = @transform_3, window_bounds = array<i64: 1, 1>}]} {
    %eq3A = arith.constant 0 : i32
    %eq3A_0 = arith.cmpi eq, %arg0, %eq3A : i32
    %convert_element_type3A = arith.extui %eq3A_0 : i1 to i32
    %cond3A = arith.constant 0 : i32
    %cond3A_1 = arith.cmpi ne, %convert_element_type3A, %cond3A : i32
    scf.if %cond3A_1 {
      %swap3A_84 = arith.constant 0.000000e+00 : f32
      %swap3A_85 = arith.constant 0 : index
      %swap3A_86 = memref.load %arg5[%swap3A_85] : memref<2xf32, #tpu.memory_space<smem>>
      memref.store %swap3A_84, %arg5[%swap3A_85] : memref<2xf32, #tpu.memory_space<smem>>
      %swap3A_87 = arith.constant 0.000000e+00 : f32
      %swap3A_88 = arith.constant 1 : index
      %swap3A_89 = memref.load %arg5[%swap3A_88] : memref<2xf32, #tpu.memory_space<smem>>
      memref.store %swap3A_87, %arg5[%swap3A_88] : memref<2xf32, #tpu.memory_space<smem>>
    } else {
    }
    %get3A = arith.constant 0 : index
    %get3A_2 = arith.constant 0 : index
    %get3A_3 = vector.load %arg1[%get3A, %get3A_2] : memref<2x5888xf32, #tpu.memory_space<vmem>>, vector<1x5888xf32>
    %get3A_4 = arith.constant 1 : index
    %get3A_5 = arith.constant 0 : index
    %get3A_6 = vector.load %arg1[%get3A_4, %get3A_5] : memref<2x5888xf32, #tpu.memory_space<vmem>>, vector<1x5888xf32>
    %add3A = arith.addf %get3A_3, %get3A_6 : vector<1x5888xf32>
    %get3A_7 = arith.constant 0 : index
    %get3A_8 = arith.constant 0 : index
    %get3A_9 = vector.load %arg2[%get3A_7, %get3A_8] : memref<2x5888xf32, #tpu.memory_space<vmem>>, vector<1x5888xf32>
    %get3A_10 = arith.constant 1 : index
    %get3A_11 = arith.constant 0 : index
    %get3A_12 = vector.load %arg2[%get3A_10, %get3A_11] : memref<2x5888xf32, #tpu.memory_space<vmem>>, vector<1x5888xf32>
    %add3A_13 = arith.addf %get3A_9, %get3A_12 : vector<1x5888xf32>
    %get3A_14 = arith.constant 0 : index
    %get3A_15 = arith.constant 0 : index
    %get3A_16 = vector.load %arg3[%get3A_14, %get3A_15] : memref<2x5888xf32, #tpu.memory_space<vmem>>, vector<1x5888xf32>
    %get3A_17 = arith.constant 1 : index
    %get3A_18 = arith.constant 0 : index
    %get3A_19 = vector.load %arg3[%get3A_17, %get3A_18] : memref<2x5888xf32, #tpu.memory_space<vmem>>, vector<1x5888xf32>
    %max3A = arith.maximumf %get3A_16, %get3A_19 : vector<1x5888xf32>
    %iota3A = tpu.iota {dimensions = array<i32: 1>} : vector<1x5888xi32>
    %mul3A = arith.constant 5888 : i32
    %mul3A_20 = arith.muli %arg0, %mul3A : i32
    %add3A_21 = vector.broadcast %mul3A_20 : i32 to vector<1x5888xi32>
    %add3A_22 = arith.addi %iota3A, %add3A_21 : vector<1x5888xi32>
    %lt3A = arith.constant 100000 : i32
    %lt3A_23 = vector.broadcast %lt3A : i32 to vector<1x5888xi32>
    %lt3A_24 = arith.cmpi slt, %add3A_22, %lt3A_23 : vector<1x5888xi32>
    %gt3A = arith.constant 0.000000e+00 : f32
    %gt3A_25 = vector.broadcast %gt3A : f32 to vector<1x5888xf32>
    %gt3A_26 = arith.cmpf ogt, %add3A, %gt3A_25 : vector<1x5888xf32>
    %and3A = arith.andi %lt3A_24, %gt3A_26 : vector<1x5888xi1>
    %max3A_27 = arith.constant 1.000000e+00 : f32
    %max3A_28 = vector.broadcast %max3A_27 : f32 to vector<1x5888xf32>
    %max3A_29 = arith.maximumf %add3A, %max3A_28 : vector<1x5888xf32>
    %div3A = arith.divf %add3A_13, %max3A_29 : vector<1x5888xf32>
    %jit3A = arith.constant 0.000000e+00 : f32
    %broadcast_in_dim3A = vector.broadcast %jit3A : f32 to vector<1x5888xf32>
    %select_n3A = arith.select %and3A, %div3A, %broadcast_in_dim3A : vector<1x5888xi1>, vector<1x5888xf32>
    %jit3A_30 = arith.constant 0.000000e+00 : f32
    %broadcast_in_dim3A_31 = vector.broadcast %jit3A_30 : f32 to vector<1x5888xf32>
    %select_n3A_32 = arith.select %and3A, %max3A, %broadcast_in_dim3A_31 : vector<1x5888xi1>, vector<1x5888xf32>
    %min3A = arith.constant 0.000000e+00 : f32
    %min3A_33 = vector.broadcast %min3A : f32 to vector<1x5888xf32>
    %min3A_34 = arith.minimumf %select_n3A, %min3A_33 : vector<1x5888xf32>
    %abs3A = math.absf %select_n3A : vector<1x5888xf32>
    %neg3A = arith.constant 0.000000e+00 : f32
    %neg3A_35 = vector.broadcast %neg3A : f32 to vector<1x5888xf32>
    %neg3A_36 = arith.subf %neg3A_35, %abs3A : vector<1x5888xf32>
    %exp3A = math.exp %neg3A_36 : vector<1x5888xf32>
    %log1p3A = math.log1p %exp3A : vector<1x5888xf32>
    %sub3A = arith.subf %min3A_34, %log1p3A : vector<1x5888xf32>
    %mul3A_37 = arith.mulf %select_n3A_32, %sub3A : vector<1x5888xf32>
    %sub3A_38 = arith.constant 1.000000e+00 : f32
    %sub3A_39 = vector.broadcast %sub3A_38 : f32 to vector<1x5888xf32>
    %sub3A_40 = arith.subf %sub3A_39, %select_n3A_32 : vector<1x5888xf32>
    %sub3A_41 = arith.constant 1.000000e+00 : f32
    %sub3A_42 = vector.broadcast %sub3A_41 : f32 to vector<1x5888xf32>
    %sub3A_43 = arith.subf %sub3A_42, %select_n3A : vector<1x5888xf32>
    %min3A_44 = arith.constant 0.000000e+00 : f32
    %min3A_45 = vector.broadcast %min3A_44 : f32 to vector<1x5888xf32>
    %min3A_46 = arith.minimumf %sub3A_43, %min3A_45 : vector<1x5888xf32>
    %abs3A_47 = math.absf %sub3A_43 : vector<1x5888xf32>
    %neg3A_48 = arith.constant 0.000000e+00 : f32
    %neg3A_49 = vector.broadcast %neg3A_48 : f32 to vector<1x5888xf32>
    %neg3A_50 = arith.subf %neg3A_49, %abs3A_47 : vector<1x5888xf32>
    %exp3A_51 = math.exp %neg3A_50 : vector<1x5888xf32>
    %log1p3A_52 = math.log1p %exp3A_51 : vector<1x5888xf32>
    %sub3A_53 = arith.subf %min3A_46, %log1p3A_52 : vector<1x5888xf32>
    %mul3A_54 = arith.mulf %sub3A_40, %sub3A_53 : vector<1x5888xf32>
    %add3A_55 = arith.addf %mul3A_37, %mul3A_54 : vector<1x5888xf32>
    %jit3A_56 = arith.constant 0.000000e+00 : f32
    %broadcast_in_dim3A_57 = vector.broadcast %jit3A_56 : f32 to vector<1x5888xf32>
    %select_n3A_58 = arith.select %and3A, %add3A_55, %broadcast_in_dim3A_57 : vector<1x5888xi1>, vector<1x5888xf32>
    %get3A_59 = arith.constant 0 : index
    %get3A_60 = memref.load %arg5[%get3A_59] : memref<2xf32, #tpu.memory_space<smem>>
    %reduce_sum3A = vector.shape_cast %select_n3A_58 : vector<1x5888xf32> to vector<1x1x5888xf32>
    %reduce_sum3A_61 = arith.constant dense<0.000000e+00> : vector<1xf32>
    %reduce_sum3A_62 = vector.multi_reduction <add>, %reduce_sum3A, %reduce_sum3A_61 [1, 2] : vector<1x1x5888xf32> to vector<1xf32>
    %reduce_sum3A_63 = vector.shape_cast %reduce_sum3A_62 : vector<1xf32> to vector<1x1x1xf32>
    %reduce_sum3A_64 = vector.extract %reduce_sum3A_63[0, 0, 0] : f32 from vector<1x1x1xf32>
    %add3A_65 = arith.addf %get3A_60, %reduce_sum3A_64 : f32
    %swap3A = arith.constant 0 : index
    %swap3A_66 = memref.load %arg5[%swap3A] : memref<2xf32, #tpu.memory_space<smem>>
    memref.store %add3A_65, %arg5[%swap3A] : memref<2xf32, #tpu.memory_space<smem>>
    %get3A_67 = arith.constant 1 : index
    %get3A_68 = memref.load %arg5[%get3A_67] : memref<2xf32, #tpu.memory_space<smem>>
    %convert_element_type3A_69 = arith.extui %and3A : vector<1x5888xi1> to vector<1x5888xi32>
    %convert_element_type3A_70 = arith.sitofp %convert_element_type3A_69 : vector<1x5888xi32> to vector<1x5888xf32>
    %reduce_sum3A_71 = vector.shape_cast %convert_element_type3A_70 : vector<1x5888xf32> to vector<1x1x5888xf32>
    %reduce_sum3A_72 = arith.constant dense<0.000000e+00> : vector<1xf32>
    %reduce_sum3A_73 = vector.multi_reduction <add>, %reduce_sum3A_71, %reduce_sum3A_72 [1, 2] : vector<1x1x5888xf32> to vector<1xf32>
    %reduce_sum3A_74 = vector.shape_cast %reduce_sum3A_73 : vector<1xf32> to vector<1x1x1xf32>
    %reduce_sum3A_75 = vector.extract %reduce_sum3A_74[0, 0, 0] : f32 from vector<1x1x1xf32>
    %add3A_76 = arith.addf %get3A_68, %reduce_sum3A_75 : f32
    %swap3A_77 = arith.constant 1 : index
    %swap3A_78 = memref.load %arg5[%swap3A_77] : memref<2xf32, #tpu.memory_space<smem>>
    memref.store %add3A_76, %arg5[%swap3A_77] : memref<2xf32, #tpu.memory_space<smem>>
    %eq3A_79 = arith.constant 16 : i32
    %eq3A_80 = arith.cmpi eq, %arg0, %eq3A_79 : i32
    %convert_element_type3A_81 = arith.extui %eq3A_80 : i1 to i32
    %cond3A_82 = arith.constant 0 : i32
    %cond3A_83 = arith.cmpi ne, %convert_element_type3A_81, %cond3A_82 : i32
    scf.if %cond3A_83 {
      %get3A_84 = arith.constant 0 : index
      %get3A_85 = memref.load %arg5[%get3A_84] : memref<2xf32, #tpu.memory_space<smem>>
      %neg3A_86 = arith.constant 0.000000e+00 : f32
      %neg3A_87 = arith.subf %neg3A_86, %get3A_85 : f32
      %get3A_88 = arith.constant 1 : index
      %get3A_89 = memref.load %arg5[%get3A_88] : memref<2xf32, #tpu.memory_space<smem>>
      %div3A_90 = arith.divf %neg3A_87, %get3A_89 : f32
      %swap3A_91 = arith.constant 0 : index
      %swap3A_92 = arith.constant 0 : index
      %swap3A_93 = memref.load %arg4[%swap3A_91, %swap3A_92] : memref<1x1xf32, #tpu.memory_space<smem>>
      memref.store %div3A_90, %arg4[%swap3A_91, %swap3A_92] : memref<1x1xf32, #tpu.memory_space<smem>>
    } else {
    }
    return
  }
  func.func @transform_0(%arg0: i32) -> (i32, i32) {
    %c0_i32 = arith.constant 0 : i32
    %c0_i32_0 = arith.constant 0 : i32
    return %c0_i32, %arg0 : i32, i32
  }
  func.func @transform_1(%arg0: i32) -> (i32, i32) {
    %c0_i32 = arith.constant 0 : i32
    %c0_i32_0 = arith.constant 0 : i32
    return %c0_i32, %arg0 : i32, i32
  }
  func.func @transform_2(%arg0: i32) -> (i32, i32) {
    %c0_i32 = arith.constant 0 : i32
    %c0_i32_0 = arith.constant 0 : i32
    return %c0_i32, %arg0 : i32, i32
  }
  func.func @transform_3(%arg0: i32) -> (i32, i32) {
    %c0_i32 = arith.constant 0 : i32
    %c0_i32_0 = arith.constant 0 : i32
    %c0_i32_1 = arith.constant 0 : i32
    return %c0_i32, %c0_i32_0 : i32, i32
  }
}

</mosaic_0001>

<sc_bundles>
// kernel: kernel.4.cloned.1.call-start
scs
__scs_entry_jumppad:
0x0: {  	(pc) =	sbr.rel $0x88, $3  }
0x1: {  	(tag) =	ssettag $0x0;
	lr =	simm.s32 $0x1  }
0x2: {  	[smem:$0x3F9E] =	sst lr;
	_ =	strace $0xD0000000  }
0x3: {  	_ = 	snop  }
0x4: {  	_ = 	snop  }
0x5: {  	_ = 	snop  }
0x6: {  	_ = 	snop  }
0x7: {  	_ = 	snop  }
__scs_overlays_trampoline_lowered:
0x8: {  	[smem:$0x3FAD] =	sst s0  }
0x9: {  	[smem:$0x3FAE] =	sst s1  }
0xa: {  	[smem:$0x3FAF] =	sst s2  }
0xb: {  	[smem:$0x3FB0] =	sst s3  }
0xc: {  	[smem:$0x3FB1] =	sst s4  }
0xd: {  	[smem:$0x3FB2] =	sst s5  }
0xe: {  	[smem:$0x3FB3] =	sst s6  }
0xf: {  	[smem:$0x3FB4] =	sst s7  }
0x10: {  	[smem:$0x3FB5] =	sst s8  }
0x11: {  	[smem:$0x3FB6] =	sst s9;
	s0 =	simm.s32 @!p0 $0x0  }
0x12: {  	s1 =	sld [smem:$0x3F9C];
	s0 =	simm.s32 @p0 $0x1  }
0x13: {  	[smem:$0x3FB7] =	sst s0;
	s0 =	simm.s32 @!p1 $0x0  }
0x14: {  	s2 =	sld [smem:$0x3F9B];
	s0 =	simm.s32 @p1 $0x1  }
0x15: {  	[smem:$0x3FB8] =	sst s0;
	s0 =	simm.s32 @!p2 $0x0  }
0x16: {  	s3 =	sld [smem:$0x3FDB];
	s0 =	simm.s32 @p2 $0x1  }
0x17: {  	s4 =	simm.s32 $0x1BF5;
	[smem:$0x3FBA] =	sst s0  }
0x18: {  	s0 =	sld [smem:$0x3F9D];
	_ =	swait.ge [sflag:s4], $0x0  }
0x19: {  	s7 =	sld [smem:$0x3F9E]  }
0x1a: {  	s8 =	sadd.s32 $0xFFFFE003, lr  }
0x1b: {  	s9 =	sadd.s32 $0xFFFFFEF7, lr;
	s5 =	simm.s32 $0xFFFFFFFF;
	p2 =	slt.u32 s8, $0xFFFFF086  }
0x1c: {  	p1 =	slt.u32 s9, $0xF7A;
	s5 =	simm.s32 @!p2 $0x0  }
0x1d: {  	s5 =	simm.s32 @p1 $0x1;
	p0 =	seq.s32 s7, s2  }
0x1e: {  	s7 =	smul.u32 @!p0 $0xF7A, s2;
	p2 =	seq.s32 @!p0 s5, $0x0  }
0x1f: {  	s9 =	smul.u32 $0xF7A, s1;
	s8 =	simm.s32 @!p0 $0x1BF5;
	p2 =	por !p2, p0  }
0x20: {  	[sflag:s8] =	ssyncset.s32 @!p0 $0xFFFFF086;
	s6 =	sadd.s32 @!p0 s3, s7;
	s7 =	simm.s32 @!p0 $0x108  }
0x21: {  	s3 =	sadd.s32 s3, s9;
	s6 =	sadd.s32 @!p0 $0x88, s6;
	s7 =	simm.s32 @p2 $0x1082  }
0x22: {  	[simem:s7], [sflag:s8] =	dma.local @!p0 [hbm:s6], $0xF7A  }
0x23: {  	s9 =	sor.u32 $0xD0000000, s2;
	s6 =	simm.s32 $0x108;
	_ =	swait.ge @!p0 [sflag:s8], $0x0  }
0x24: {  	s3 =	sadd.s32 $0x88, s3;
	s6 =	simm.s32 @!p1 $0x1082;
	[sflag:s4] =	ssyncset.s32 $0xFFFFF086  }
0x25: {  	[simem:s6], [sflag:s4] =	dma.local [hbm:s3], $0xF7A  }
0x26: {  	[smem:$0x3F9E] =	sst s1;
	(tag) =	ssettag s2;
	_ =	strace s9  }
0x27: {  	s1 =	sld [smem:$0x3FAE]  }
0x28: {  	s2 =	sld [smem:$0x3FAF]  }
0x29: {  	s4 =	sld [smem:$0x3FB1]  }
0x2a: {  	p0 =	seq.s32 s5, $0x0;
	s5 =	sld [smem:$0x3FB2]  }
0x2b: {  	s6 =	sld [smem:$0x3FB3]  }
0x2c: {  	s7 =	sld [smem:$0x3FB4]  }
0x2d: {  	s3 =	simm.s32 $0x108;
	s8 =	sld [smem:$0x3FB5]  }
0x2e: {  	s3 =	simm.s32 @!p0 $0x1082;
	s9 =	sld [smem:$0x3FB6]  }
0x2f: {  	lr =	sadd.s32 s0, s3;
	s0 =	sld [smem:$0x3FAD]  }
0x30: {  	s3 =	sld [smem:$0x3FB0]  }
0x31: {  	[smem:$0x3FB9] =	sst s10  }
0x32: {  	s10 =	sld [smem:$0x3FB7];
	_ =	sdelay $0x3  }
0x33: {  	p0 =	seq.s32 s10, $0x1;
	s10 =	sld [smem:$0x3FB9];
	_ =	sdelay $0x3  }
0x34: {  	[smem:$0x3FB9] =	sst s10  }
0x35: {  	s10 =	sld [smem:$0x3FB8];
	_ =	sdelay $0x3  }
0x36: {  	p1 =	seq.s32 s10, $0x1;
	s10 =	sld [smem:$0x3FB9];
	_ =	sdelay $0x3  }
0x37: {  	[smem:$0x3FB9] =	sst s10  }
0x38: {  	s10 =	sld [smem:$0x3FBA]  }
0x39: {  	_ = 	snop;
	(pc) =	sbr.ind lr, $3  }
0x3a: {  	_ = 	snop  }
0x3b: {  	_ = 	snop  }
0x3c: {  	p2 =	seq.s32 s10, $0x1;
	s10 =	sld [smem:$0x3FB9]  }
0x3d: {  	_ =	shalt  }
0x3e: {  	_ =	shalt  }
0x3f: {  	_ =	shalt  }
0x40: {  	_ =	shalt  }
0x41: {  	_ =	shalt  }
0x42: {  	_ =	shalt  }
0x43: {  	_ =	shalt  }
0x44: {  	_ =	shalt  }
0x45: {  	_ =	shalt  }
0x46: {  	_ =	shalt  }
0x47: {  	_ =	shalt  }
0x48: {  	_ =	shalt  }
0x49: {  	_ =	shalt  }
0x4a: {  	_ =	shalt  }
0x4b: {  	_ =	shalt  }
0x4c: {  	_ =	shalt  }
0x4d: {  	_ =	shalt  }
0x4e: {  	_ =	shalt  }
0x4f: {  	_ =	shalt  }
0x50: {  	_ =	shalt  }
0x51: {  	_ =	shalt  }
0x52: {  	_ =	shalt  }
0x53: {  	_ =	shalt  }
0x54: {  	_ =	shalt  }
0x55: {  	_ =	shalt  }
0x56: {  	_ =	shalt  }
0x57: {  	_ =	shalt  }
0x58: {  	_ =	shalt  }
0x59: {  	_ =	shalt  }
0x5a: {  	_ =	shalt  }
0x5b: {  	_ =	shalt  }
0x5c: {  	_ =	shalt  }
0x5d: {  	_ =	shalt  }
0x5e: {  	_ =	shalt  }
0x5f: {  	_ =	shalt  }
0x60: {  	_ =	shalt  }
0x61: {  	_ =	shalt  }
0x62: {  	_ =	shalt  }
0x63: {  	_ =	shalt  }
0x64: {  	_ =	shalt  }
0x65: {  	_ =	shalt  }
0x66: {  	_ =	shalt  }
0x67: {  	_ =	shalt  }
0x68: {  	_ =	shalt  }
0x69: {  	_ =	shalt  }
0x6a: {  	_ =	shalt  }
0x6b: {  	_ =	shalt  }
0x6c: {  	_ =	shalt  }
0x6d: {  	_ =	shalt  }
0x6e: {  	_ =	shalt  }
0x6f: {  	_ =	shalt  }
0x70: {  	_ =	shalt  }
0x71: {  	_ =	shalt  }
0x72: {  	_ =	shalt  }
0x73: {  	_ =	shalt  }
0x74: {  	_ =	shalt  }
0x75: {  	_ =	shalt  }
0x76: {  	_ =	shalt  }
0x77: {  	_ =	shalt  }
0x78: {  	_ =	shalt  }
0x79: {  	_ =	shalt  }
0x7a: {  	_ =	shalt  }
0x7b: {  	_ =	shalt  }
0x7c: {  	_ =	shalt  }
0x7d: {  	_ =	shalt  }
0x7e: {  	_ =	shalt  }
0x7f: {  	_ =	shalt  }
0x80: {  	_ =	shalt  }
0x81: {  	_ =	shalt  }
0x82: {  	_ =	shalt  }
0x83: {  	_ =	shalt  }
0x84: {  	_ =	shalt  }
0x85: {  	_ =	shalt  }
0x86: {  	_ =	shalt  }
0x87: {  	_ =	shalt  }
.Lfunc_end0:
.L_simem_size_0:
called_computation_lowered:
.L_overlay_start_0:
0x88: {  	s2 =	sld [smem:$0x3FD9]  }
0x89: {  	s3 =	sld [smem:$0x3FFE];
	_ =	sdelay $0x1  }
0x8a: {  	s1 =	srdreg.scid  }
0x8b: {  	s0 =	sand.u32 $0x1, s1  }
0x8c: {  	s17 =	sshll.u32 s0, $0xA;
	s2 =	sadd.s32 s3, s2  }
0x8d: {  	s2 =	sadd.s32 s2, s17  }
0x8e: {  	[smem:$0x3FC5] =	sst s2  }
0x8f: {  	_ = 	snop  }
0x90: {  	s2 =	sld [smem:$0x3FC9]  }
0x91: {  	s18 =	sld [smem:$0x3FC8]  }
0x92: {  	s4 =	sld [smem:$0x3FC7];
	(tm) =	ssettm $0x1  }
0x93: {  	s5 =	sld [smem:$0x3FFB];
	_ =	sdelay $0x3  }
0x94: {  	_ =	strace s5  }
0x95: {  	s5 =	sld [smem:$0x3FFC];
	_ =	sdelay $0x3  }
0x96: {  	_ =	strace s5  }
0x97: {  	s5 =	sld [smem:$0x3FFD];
	_ =	sdelay $0x3  }
0x98: {  	_ =	strace s5  }
0x99: {  	_ =	strace $0x8FFFFFFF  }
0x9a: {  	s19 =	sld [smem:$0x3FDB];
	_ =	sdelay $0x1  }
0x9b: {  	s6 =	simm.s32 $_scs_section_size  }
0x9c: {  	s7 =	simm.s32 $_size__tile_overlayer_lowered;
	s8 =	simm.s32 $_tile_overlayer_lowered  }
0x9d: {  	s22 =	simm.s32 $0x1BFF;
	s21 =	sshll.u32 s8, $0x1;
	s5 =	sadd.s32 s6, s19  }
0x9e: {  	s9 =	simm.s32 $0x0;
	s20 =	sshll.u32 s7, $0x1;
	s7 =	sadd.s32 s21, s5  }
0x9f: {  	[timem:s9], [sflag:s22] =	dma.local [hbm:s7], s20  }
0xa0: {  	_ =	swait.ge [sflag:s22], s20  }
0xa1: {  	s6 =	ssub.s32 $0x0, s20;
	[sflag:s22] =	ssyncset.done $0x0  }
0xa2: {  	[sflag:s22] =	ssyncadd.s32 s6;
	_ =	sdelay $0x1  }
0xa3: {  	s23 =	simm.s32 $0x1B8B  }
0xa4: {  	_ =	swait.ge [sflag:s23], $0x1  }
0xa5: {  	[sflag:s23] =	ssyncset.done $0x0  }
0xa6: {  	s25 =	simm.s32 $0x1B8E;
	s24 =	sld [smem:$0x3FFE];
	[sflag:s23] =	ssyncadd.s32 $0xFFFFFFFF  }
0xa7: {  	s26 =	simm.s32 $execute0_lowered;
	[smem:$0x3FD2] =	sst s25  }
0xa8: {  	s7 =	sshll.u32 s26, $0x1;
	_ =	strace $0x80000046;
	[dreg:$0x1] =	wrdreg $0xFFFFFFFF  }
0xa9: {  	s28 =	simm.s32 $_size_execute0_lowered;
	s5 =	sadd.s32 s5, s7;
	[dreg:$0x0] =	wrdreg $0x0  }
0xaa: {  	s7 =	sshll.u32 s28, $0x1;
	[dreg:$0x2] =	wrdreg s5  }
0xab: {  	[dreg:$0x3] =	wrdreg s7  }
0xac: {  	[dreg:$0x4] =	wrdreg $0xC0  }
0xad: {  	_ =	task [dreg:s9], $0x5FFFF  }
0xae: {  	[dreg:$0x1] =	wrdreg $0xFFFFFFFF  }
0xaf: {  	[dreg:$0x0] =	wrdreg $0x60  }
0xb0: {  	[dreg:$0x2] =	wrdreg s2  }
0xb1: {  	[dreg:$0x3] =	wrdreg s18  }
0xb2: {  	[dreg:$0x4] =	wrdreg s4  }
0xb3: {  	[dreg:$0x5] =	wrdreg s24  }
0xb4: {  	[dreg:$0x6] =	wrdreg $0x111000  }
0xb5: {  	[dreg:$0x7] =	wrdreg $0x129700  }
0xb6: {  	[dreg:$0x8] =	wrdreg $0x141E00  }
0xb7: {  	[dreg:$0x9] =	wrdreg $0x15A500  }
0xb8: {  	[dreg:$0xa] =	wrdreg $0x15A580  }
0xb9: {  	[dreg:$0xb] =	wrdreg $0x9  }
0xba: {  	_ =	task.clear_ibuf [dreg:s9], $0xCFFFF;
	_ =	strace $0x90000046  }
0xbb: {  	s29 =	simm.s32 $0x9;
	_ =	strace $0x80000048  }
0xbc: {  	_ =	swait.ge [sflag:s29], $0x1  }
0xbd: {  	[sflag:s29] =	ssyncadd.s32 $0xFFFFFFFF  }
0xbe: {  	_ =	strace $0x90000048  }
0xbf: {  	_ =	sfence  }
0xc0: {  	s30 =	sld [smem:$0x0];
	_ =	sdelay $0x2  }
0xc1: {  	s31 =	sshll.u32 s1, $0xD;
	s1 =	sshrl.u32 s1, $0x2  }
0xc2: {  	s3 =	sand.u32 $0x4000, s31;
	s1 =	sadd.s32 s1, s30  }
0xc3: {  	s0 =	sor.u32 s3, s0;
	s1 =	sshll.u32 s1, $0x11  }
0xc4: {  	s0 =	sor.u32 s1, s0  }
0xc5: {  	s0 =	sadd.s32 $0x8F2B, s0  }
0xc6: {  	[sflag:s0] =	ssyncadd.remote.s32 $0x1  }
0xc7: {  	_ =	sfence.sel $0xFFFF  }
0xc8: {  	[dreg:$0x0] =	wrdreg $0xFFFFFFFF;
	(pc) =	sbr.abs _section_cstart, $3  }
0xc9: {  	[dreg:$0x1] =	wrdreg $0xFFFFFFFF  }
0xca: {  	_ =	task.clear_ibuf [dreg:s9], $0x2FFFF;
	_ =	strace $0x9FFFFFFF  }
0xcb: {  	(tm) =	ssettm $0x7FFFFFFF  }
tec
execute0_lowered:
.L_overlay_start_1:
0x0: {  	(tag) =	ssettag $0x1  }
0x1: {  	s0 =	rddreg [dreg:$0x0]  }
0x2: {  	s1 =	rddreg [dreg:$0x1]  }
0x3: {  	s2 =	rddreg [dreg:$0x2]  }
0x4: {  	s7 =	rddreg [dreg:$0x3]  }
0x5: {  	s3 =	rddreg [dreg:$0x4]  }
0x6: {  	s4 =	rddreg [dreg:$0x5]  }
0x7: {  	s5 =	rddreg [dreg:$0x6]  }
0x8: {  	s14 =	rddreg [dreg:$0x7];
	s6 =	stileid.u32  }
0x9: {  	s16 =	rddreg [dreg:$0x8];
	s8 =	srdreg.scid  }
0xa: {  	s12 =	simm.s32 $0x0;
	v1 =	vimm.f32 $0.0e+00;
	s28 =	simm.s32 $0x4;
	s31 =	simm.s32 $0x80  }
0xb: {  	v2 =	vimm.f32 $-Inf;
	v3 =	vimm.s32 $0xFFFFFFFF;
	vm0 =	vcmask $0x3F3C;
	s9 =	sadd.s32 $0x186A1, s6;
	s8 =	sand.u32 $0x1, s8;
	s11 =	smul.u32 $0x1870, s6  }
0xc: {  	v5 =	vimm.s32 $0x186A0;
	vm1 =	vcmask $0x300;
	v6 =	vimm.s32 $0xF;
	[smem:$0x7FF] =	sst s12;
	s22 =	sshll.u32 s6, $0x3;
	s24 =	sadd.s32 $0x186A0, s5  }
0xd: {  	v7 =	vimm.s32 $0x29282120;
	vm2 =	vcmask $0x308;
	v8 =	vimm.s32 $0x39383130;
	p0 =	sne.s32 s6, $0x0;
	s26 =	smul.u32 $0x18700, s8;
	s10 =	sshll.u32 s8, $0x4  }
0xe: {  	v4 =	vlaneseq.u32;
	v9 =	vimm.s32 $0x9080100;
	v10 =	vimm.s32 $0x19181110;
	s8 =	ssub.s32 $0x2, s8;
	_ =	strace $0x80000047;
	s23 =	sadd.s32 s22, s14  }
0xf: {  	vm5 =	vcmask $0x1F10;
	vm3 =	vcmask $0x704;
	vm4 =	vcmask $0xB08;
	[dreg:$0x12] =	wrdreg s24;
	s29 =	sor.u32 s6, s10;
	s13 =	sshrl.u32 s8, $0x1  }
0x10: {  	vm6 =	vcmask $0x1310;
	v7 =	vunpack.c.0.s8.s32 v7;
	v8 =	vunpack.c.0.s8.s32 v8;
	s17 =	sadd.s32 s11, s4;
	s19 =	sadd.s32 s11, s5;
	s10 =	smul.u32 $0x30D40, s29  }
0x11: {  	v9 =	vunpack.c.0.s8.s32 v9;
	vm4 =	vmor vm1, vm4;
	v0 =	vmov s9;
	[dreg:$0x10] =	wrdreg s23;
	s9 =	sadd.s32 s11, s26;
	s8 =	ssub.s32 s8, s13  }
0x12: {  	v10 =	vunpack.c.0.s8.s32 v10;
	v12 =	vshrl.u32 v4, $0x1;
	vm4 =	vmor vm4, vm6;
	s13 =	sadd.s32 s11, s3;
	[dreg:$0xa] =	wrdreg s17;
	s15 =	sshrl.u32 s10, $0x3  }
0x13: {  	vm6 =	vcmask $0x1B18;
	v13 =	vmul.u32 $0x8, v12;
	v7 =	vsel vm5, v8, v7;
	p1 =	sne.s32 s29, $0x0;
	[dreg:$0xb] =	wrdreg s13;
	s18 =	sadd.s32 s2, s15  }
0x14: {  	v8 =	vsel vm5, v10, v9;
	vm4 =	vmor vm4, vm6;
	vm6 =	vcmask $0x2320;
	s9 =	sshrl.u32 s9, $0x3;
	s20 =	sadd.s32 s1, s15;
	[dreg:$0xd] =	wrdreg s18  }
0x15: {  	v9 =	vimm.s32 $0x79787170;
	v10 =	vimm.s32 $0x49484140;
	v7 =	vcombine.low v8, v7;
	s7 =	sadd.s32 s9, s7;
	s21 =	sadd.s32 s0, s15;
	[dreg:$0xe] =	wrdreg s20  }
0x16: {  	vm4 =	vmor vm4, vm6;
	vm6 =	vcmask $0x2B28;
	v8 =	vimm.s32 $0x69686160;
	s30 =	smax.u32 s10, $0x10;
	s25 =	sadd.s32 $0x800, s7;
	[dreg:$0xf] =	wrdreg s21  }
0x17: {  	v14 =	vunpack.c.0.s8.s32 v9;
	v15 =	vunpack.c.0.s8.s32 v10;
	v9 =	vadd.s32 $0x1, v12;
	s9 =	sadd.s32 $0xFFFFFFF0, s30;
	s26 =	sadd.s32 $0x6A00, s7;
	[dreg:$0x13] =	wrdreg s25  }
.Ltmp0:
0x18: {  	v10 =	vor.u32 $0x1, v13;
	v11 =	vunpack.c.0.s8.s32 v8;
	v8 =	vimm.s32 $0x59585150;
	s29 =	sadd.s32 $0xCC00, s7;
	[dreg:$0x14] =	wrdreg s26;
	(pc) =	sbr.rel .LBB2_1-.Ltmp0, $4  }
0x19: {  	vm4 =	vmor vm4, vm6;
	vm6 =	vcmask $0x3330;
	v16 =	vunpack.c.0.s8.s32 v8;
	s30 =	smax.u32 s8, $0x1;
	s9 =	sshrl.u32 s9, $0x3;
	[dreg:$0x15] =	wrdreg s29  }
0x1a: {  	s6 =	simm.s32 $0x3;
	v12 =	vadd.s32 $0x9, v12;
	v13 =	vor.u32 $0x41, v13;
	vm4 =	vmor vm4, vm6;
	[dreg:$0x16] =	wrdreg s30;
	s9 =	sadd.s32 s2, s9  }
0x1b: {  	vm6 =	vcmask $0x3B38;
	v11 =	vsel vm5, v14, v11;
	s7 =	simm.s32 $0x0;
	v14 =	vsel vm5, v16, v15;
	[dreg:$0xc] =	wrdreg s9;
	s9 =	sadd.s32 s22, s16  }
0x1c: {  	v8 =	vimm.s32 $0x7FFFFFFF;
	vm4 =	vmor vm4, vm6;
	s18 =	sadd.s32 $0xC330C, s2;
	s26 =	simm.s32 $0xF300;
	v11 =	vcombine.low v14, v11;
	[dreg:$0x11] =	wrdreg s9  }
.LBB2_15:
0x1d: {  	v14 =	vld [tilespmem:s16+$0x5E80]  }
0x1e: {  	p2 =	seq.s32 s21, $0xFFFFFFFF  }
0x1f: {  	s8 =	sand.u32 $0x3FFF, s19;
	s21 =	simm.s32 @p2 $0x186A0  }
0x20: {  	s8 =	scvt.s32.f32 s8;
	v15 =	vmov s21  }
0x21: {  	v15 =	vnsel vm1, $0x186A0, v15  }
0x22: {  	s8 =	smul.f32 $6.103515630e-05, s8;
	v15 =	vperm.xlane v15, v4;
	v14 =	vperm.xlane v14, v6;
	_ =	sdelay $0x1  }
0x23: {  	v14 =	vsel vm2, v15, v14;
	v15 =	vmov s8  }
0x24: {  	v15 =	vnsel vm3, $0xFF800000, v15;
	[tilespmem:$0x10B80] =	vst v14  }
0x25: {  	s25 =	rddreg [dreg:$0x10];
	s9 =	simm.s32 $0x10B80;
	[tilespmem:$0x10C00] =	vst v15  }
0x26: {  	[spmem:s25] =	stream.linear.scatter [tilespmem:s9], [sflag:$0x4], $0x8, $0x38;
	[tilespmem:$0x15A60] =	vst v63  }
0x27: {  	_ =	swait.ge [sflag:s28], $0x8  }
0x28: {  	[sflag:s28] =	ssyncset.done $0x0  }
0x29: {  	s30 =	simm.s32 $0x10C00;
	s29 =	rddreg [dreg:$0x11];
	[sflag:s28] =	ssyncadd.s32 $0xFFFFFFF8  }
0x2a: {  	[spmem:s29] =	stream.linear.scatter [tilespmem:s30], [sflag:$0x4], $0x8, $0x38;
	[tilespmem:$0x15A60] =	vst v63  }
.Ltmp1:
0x2b: {  	_ =	swait.ge [sflag:s28], $0x8;
	(pc) =	sbr.rel @!p0 .LBB2_16-.Ltmp1, $3  }
0x2c: {  	[sflag:s28] =	ssyncset.done $0x0  }
0x2d: {  	[sflag:s28] =	ssyncadd.s32 $0xFFFFFFF8  }
0x2e: {  	[bflag:$0x0] =	sbarrier.arrive $0xFFFF;
	_ =	sdelay $0x1  }
.LBB2_17:
0x2f: {  	[bflag:$0x0] =	sbarrier.arrive $0xFFFF  }
0x30: {  	s13 =	rddreg [dreg:$0xb]  }
0x31: {  	[tilespmem:s26], [sflag:$0x4] =	stream.linear.gather [spmem:s13], $0x1870, $0x38;
	[tilespmem:$0x15A60] =	vst v63  }
0x32: {  	_ =	swait.ge [sflag:s28], $0x1870  }
0x33: {  	[sflag:s28] =	ssyncset.done $0x0  }
0x34: {  	s8 =	simm.s32 $0x0;
	s9 =	rddreg [dreg:$0x13];
	[sflag:s28] =	ssyncadd.s32 $0xFFFFE790  }
0x35: {  	[hbm4b:s9+s8] =	stream.linear.scatter [tilespmem:s26], [sflag:$0x4], $0x1870, $0x38;
	[tilespmem:$0x15A60] =	vst v63  }
0x36: {  	_ =	swait.ge [sflag:s28], $0x1870  }
0x37: {  	[sflag:s28] =	ssyncset.done $0x0  }
0x38: {  	s17 =	rddreg [dreg:$0xa];
	[sflag:s28] =	ssyncadd.s32 $0xFFFFE790  }
0x39: {  	[tilespmem:s26], [sflag:$0x4] =	stream.linear.gather [spmem:s17], $0x1870, $0x38;
	[tilespmem:$0x15A60] =	vst v63  }
0x3a: {  	_ =	swait.ge [sflag:s28], $0x1870  }
0x3b: {  	[sflag:s28] =	ssyncset.done $0x0  }
0x3c: {  	s25 =	rddreg [dreg:$0x14];
	[sflag:s28] =	ssyncadd.s32 $0xFFFFE790  }
0x3d: {  	[hbm4b:s25+s8] =	stream.linear.scatter [tilespmem:s26], [sflag:$0x4], $0x1870, $0x38;
	[tilespmem:$0x15A60] =	vst v63  }
0x3e: {  	_ =	swait.ge [sflag:s28], $0x1870  }
0x3f: {  	[sflag:s28] =	ssyncset.done $0x0  }
0x40: {  	[sflag:s28] =	ssyncadd.s32 $0xFFFFE790  }
0x41: {  	[tilespmem:s26], [sflag:$0x4] =	stream.linear.gather [spmem:s15], $0x1870, $0x38;
	[tilespmem:$0x15A60] =	vst v63  }
0x42: {  	_ =	swait.ge [sflag:s28], $0x1870  }
0x43: {  	[sflag:s28] =	ssyncset.done $0x0  }
0x44: {  	s29 =	rddreg [dreg:$0x15];
	[sflag:s28] =	ssyncadd.s32 $0xFFFFE790  }
0x45: {  	[hbm4b:s29+s8] =	stream.linear.scatter [tilespmem:s26], [sflag:$0x4], $0x1870, $0x38;
	[tilespmem:$0x15A60] =	vst v63  }
0x46: {  	_ =	swait.ge [sflag:s28], $0x1870  }
0x47: {  	s7 =	sadd.s32 $0x1, s7;
	s30 =	rddreg [dreg:$0x16]  }
0x48: {  	p2 =	sne.s32 s7, s30  }
.Ltmp2:
0x49: {  	_ = 	snop;
	(pc) =	sbr.rel @!p2 .LBB2_18-.Ltmp2, $3  }
0x4a: {  	_ =	sdelay $0x1  }
0x4b: {  	[sflag:s28] =	ssyncset.done $0x0  }
0x4c: {  	s19 =	smov.u32 s15;
	[sflag:s28] =	ssyncadd.s32 $0xFFFFE790  }
.LBB2_1:
0x4d: {  	s8 =	simm.s32 $0x40;
	s9 =	simm.s32 $0x0  }
.LBB2_2:
0x4e: {  	p2 =	sne.s32 s8, $0x6180;
	[tilespmem:s9+$0xF300] =	vst v1;
	s9 =	smov.u32 s8;
	s8 =	sadd.s32 $0x40, s8  }
.Ltmp3:
0x4f: {  	(pc) =	sbr.rel @p2 .LBB2_2-.Ltmp3, $2  }
0x50: {  	_ =	sdelay $0x2  }
0x51: {  	s9 =	sshra.s32 s9, $0x2  }
0x52: {  	[tilespmem:s9+$0xF300] =	vst v1  }
0x53: {  	[spmem:s13] =	stream.linear.scatter [tilespmem:s26], [sflag:$0x4], $0x1870, $0x38;
	[tilespmem:$0x15A60] =	vst v63  }
0x54: {  	_ =	swait.ge [sflag:s28], $0x1870  }
0x55: {  	[sflag:s28] =	ssyncset.done $0x0  }
0x56: {  	[sflag:s28] =	ssyncadd.s32 $0xFFFFE790  }
0x57: {  	[spmem:s17] =	stream.linear.scatter [tilespmem:s26], [sflag:$0x4], $0x1870, $0x38;
	[tilespmem:$0x15A60] =	vst v63  }
0x58: {  	_ =	swait.ge [sflag:s28], $0x1870  }
0x59: {  	[sflag:s28] =	ssyncset.done $0x0  }
0x5a: {  	s8 =	simm.s32 $0x40;
	s9 =	simm.s32 $0x0;
	[sflag:s28] =	ssyncadd.s32 $0xFFFFE790  }
.LBB2_4:
0x5b: {  	p2 =	sne.s32 s8, $0x6180;
	[tilespmem:s9+$0xF300] =	vst v2;
	s9 =	smov.u32 s8;
	s8 =	sadd.s32 $0x40, s8  }
.Ltmp4:
0x5c: {  	(pc) =	sbr.rel @p2 .LBB2_4-.Ltmp4, $2  }
0x5d: {  	_ =	sdelay $0x2  }
0x5e: {  	s9 =	sshra.s32 s9, $0x2  }
0x5f: {  	[tilespmem:s9+$0xF300] =	vst v2  }
0x60: {  	[spmem:s19] =	stream.linear.scatter [tilespmem:s26], [sflag:$0x4], $0x1870, $0x38;
	[tilespmem:$0x15A60] =	vst v63  }
0x61: {  	_ =	swait.ge [sflag:s28], $0x1870  }
0x62: {  	[sflag:s28] =	ssyncset.done $0x0  }
0x63: {  	[sflag:s28] =	ssyncadd.s32 $0xFFFFE790  }
0x64: {  	[tilespmem:$0xF080] =	vst v3  }
0x65: {  	[tilespmem:$0xF180] =	vst v1  }
0x66: {  	[tilespmem:$0xF0A0] =	vst v3  }
0x67: {  	[tilespmem:$0xF1A0] =	vst v1  }
0x68: {  	[tilespmem:$0xF0C0] =	vst v3  }
0x69: {  	[tilespmem:$0xF1C0] =	vst v1  }
0x6a: {  	[tilespmem:$0xF0E0] =	vst v3  }
0x6b: {  	[tilespmem:$0xF1E0] =	vst v1  }
0x6c: {  	[tilespmem:$0xF100] =	vst v3  }
0x6d: {  	[tilespmem:$0xF200] =	vst v1  }
0x6e: {  	[bflag:$0x0] =	sbarrier.arrive $0xFFFF  }
0x6f: {  	s8 =	simm.s32 $0x0;
	s12 =	simm.s32 $0xF280;
	s21 =	rddreg [dreg:$0xc]  }
0x70: {  	[tilespmem:s12], [sflag:$0x4] =	stream.linear.gather [hbm4b:s21+s8], $0x10, $0x38;
	[tilespmem:$0x15A60] =	vst v63  }
0x71: {  	_ =	swait.ge [sflag:s28], $0x10  }
0x72: {  	[sflag:s28] =	ssyncset.done $0x0  }
0x73: {  	[sflag:s28] =	ssyncadd.s32 $0xFFFFFFF0  }
0x74: {  	v14 =	vld [tilespmem:$0xF280];
	_ =	sdelay $0x4  }
0x75: {  	(v2sf) =	vpush v14, $0xF;
	_ =	sdelay $0xc  }
0x76: {  	s11 =	rddreg [dreg:$0xd]  }
0x77: {  	[tilespmem:s12], [sflag:$0x4] =	stream.linear.gather [hbm4b:s11+s8], $0x10, $0x38;
	[tilespmem:$0x15A60] =	vst v63  }
0x78: {  	s22 =	spop (v2sf)  }
0x79: {  	_ =	swait.ge [sflag:s28], $0x10  }
0x7a: {  	[sflag:s28] =	ssyncset.done $0x0  }
0x7b: {  	[sflag:s28] =	ssyncadd.s32 $0xFFFFFFF0  }
0x7c: {  	v14 =	vld [tilespmem:$0xF280];
	_ =	sdelay $0x4  }
0x7d: {  	(v2sf) =	vpush v14, $0x0;
	_ =	sdelay $0x9  }
0x7e: {  	[tilespmem:s8], [sflag:$0x1] =	stream.linear.gather [hbm4b:s11+s8], $0xFB0, $0x38;
	[tilespmem:$0x15A60] =	vst v63  }
0x7f: {  	s24 =	simm.s32 $0x1F80;
	s23 =	rddreg [dreg:$0xe]  }
0x80: {  	[tilespmem:s24], [sflag:$0x1] =	stream.linear.gather [hbm4b:s23+s8], $0xFA0, $0x38;
	[tilespmem:$0x15A60] =	vst v63  }
0x81: {  	s29 =	simm.s32 $0x3F00;
	s25 =	rddreg [dreg:$0xf]  }
0x82: {  	[tilespmem:s29], [sflag:$0x1] =	stream.linear.gather [hbm4b:s25+s8], $0xFA0, $0x38;
	[tilespmem:$0x15A60] =	vst v63  }
.Ltmp5:
0x83: {  	s21 =	spop (v2sf);
	(pc) =	sbr.rel .LBB2_6-.Ltmp5, $4  }
0x84: {  	p2 =	seq.s32 s22, s21  }
0x85: {  	s15 =	smov.u32 s19;
	s21 =	simm.s32 @!p2 $0xFFFFFFFF  }
0x86: {  	s9 =	simm.s32 $0xFFFFFFFF;
	s30 =	simm.s32 $0x0;
	s21 =	simm.s32 @!p1 $0xFFFFFFFF  }
0x87: {  	s14 =	simm.s32 $0x0;
	s19 =	simm.s32 $0xFFFFFFFF;
	p2 =	por $0x0, $0x0;
	v14 =	vmov s21  }
.LBB2_13:
0x88: {  	[sflag:s6] =	ssyncadd.s32 $0xFFFFFF80  }
.LBB2_14:
0x89: {  	v15 =	vld [tilespmem:s16+$0x9000]  }
0x8a: {  	v16 =	vld [tilespmem:s16+$0x6F00];
	_ =	sdelay $0x3  }
0x8b: {  	(v2sf) =	vpush v15, $0xF  }
0x8c: {  	(v2sf) =	vpush v16, $0xF;
	_ =	sdelay $0x9  }
0x8d: {  	p3 =	sne.s32 s14, $0x32  }
.Ltmp6:
0x8e: {  	_ = 	snop;
	(pc) =	sbr.rel @!p3 .LBB2_15-.Ltmp6, $3  }
0x8f: {  	_ =	sdelay $0x1  }
0x90: {  	s9 =	spop (v2sf)  }
0x91: {  	s30 =	sadd.s32 $0xFA0, s30;
	p2 =	por !p2, !p2;
	s19 =	spop (v2sf)  }
.LBB2_6:
0x92: {  	s11 =	smov.u32 s14  }
0x93: {  	s14 =	sadd.s32 $0x1, s14;
	p3 =	seq.s32 s11, $0x31  }
0x94: {  	s12 =	smul.u32 @!p3 $0xFA0, s14;
	_ =	sdelay $0x1  }
0x95: {  	s13 =	sand.u32 @!p3 $0x1, s14;
	s12 =	sadd.s32 @!p3 s10, s12  }
0x96: {  	s16 =	smul.u32 @!p3 $0x3EC0, s13;
	p4 =	sne.s32 @!p3 s12, $0x619860  }
0x97: {  	s23 =	simm.s32 @!p3 $0x0;
	s20 =	sadd.s32 @!p3 $0x1, s13;
	p5 =	por !p4, p3  }
0x98: {  	s16 =	sshrl.u32 @!p3 s16, $0x2;
	p4 =	por p4, p3;
	s12 =	sshrl.u32 @!p5 s12, $0x3  }
0x99: {  	s22 =	simm.s32 @!p5 $0x0;
	s17 =	sadd.s32 @!p5 s2, s12;
	s12 =	simm.s32 @p5 $0xC330C  }
0x9a: {  	[tilespmem:s16], [sflag:s20] =	stream.linear.gather @!p5 [hbm4b:s17+s22], $0xFB0, $0x38;
	[tilespmem:$0x15A60] =	vst v63  }
0x9b: {  	s13 =	smul.u32 @!p3 $0xFA0, s13;
	s17 =	simm.s32 @!p4 $0x0;
	s22 =	sadd.s32 @!p3 s1, s12  }
0x9c: {  	[tilespmem:s16], [sflag:s20] =	stream.linear.gather @!p4 [hbm4b:s18+s17], $0xFA0, $0x38;
	[tilespmem:$0x15A60] =	vst v63  }
0x9d: {  	s17 =	sand.u32 $0x1, s11;
	s11 =	smul.u32 $0xFA0, s11;
	s16 =	sadd.s32 @!p3 $0x1F80, s13  }
0x9e: {  	[tilespmem:s16], [sflag:s20] =	stream.linear.gather @!p3 [hbm4b:s22+s23], $0xFA0, $0x38;
	[tilespmem:$0x15A60] =	vst v63  }
0x9f: {  	s12 =	sadd.s32 @!p3 s0, s12;
	s13 =	sadd.s32 @!p3 $0x3F00, s13;
	s11 =	sadd.s32 s10, s11  }
0xa0: {  	[tilespmem:s13], [sflag:s20] =	stream.linear.gather @!p3 [hbm4b:s12+s23], $0xFA0, $0x38;
	[tilespmem:$0x15A60] =	vst v63  }
0xa1: {  	p3 =	sne.s32 s11, $0x619860;
	s11 =	sadd.s32 $0x1, s17  }
0xa2: {  	_ =	swait.ge @p3 [sflag:s11], $0xFB0  }
0xa3: {  	[sflag:s11] =	ssyncset.done @p3 $0x0  }
0xa4: {  	[sflag:s11] =	ssyncadd.s32 @p3 $0xFFFFF050  }
0xa5: {  	_ =	swait.ge @!p3 [sflag:s11], $0xFA0  }
0xa6: {  	[sflag:s11] =	ssyncset.done @!p3 $0x0  }
0xa7: {  	[sflag:s11] =	ssyncadd.s32 @!p3 $0xFFFFF060  }
0xa8: {  	_ =	swait.ge [sflag:s11], $0xFA0  }
0xa9: {  	[sflag:s11] =	ssyncset.done $0x0  }
0xaa: {  	s12 =	simm.s32 $0x1;
	[sflag:s11] =	ssyncadd.s32 $0xFFFFF060  }
0xab: {  	s12 =	simm.s32 @!p2 $0x0;
	s13 =	smul.u32 @!p3 $0x3EC0, s17;
	_ =	swait.ge [sflag:s11], $0xFA0  }
0xac: {  	s24 =	smul.u32 $0x3E80, s12;
	[sflag:s11] =	ssyncset.done $0x0  }
0xad: {  	v15 =	vimm.s32 @!p3 $0x7FFFFFFF;
	[sflag:s11] =	ssyncadd.s32 $0xFFFFF060;
	s11 =	sshrl.u32 @!p3 s13, $0x2  }
0xae: {  	s25 =	sshrl.u32 s24, $0x2;
	[tilespmem:s11+$0xFA0] =	vst @!p3 v15;
	v15 =	vmov s9  }
0xaf: {  	s22 =	sadd.s32 $0x1FA0, s25;
	[tilespmem:$0x9000] =	vst v15  }
0xb0: {  	s12 =	smul.u32 $0x3EC0, s12;
	v15 =	vld [tilespmem:s22+$0xFFFFFFE0];
	_ =	sdelay $0x1  }
0xb1: {  	s9 =	sshrl.u32 s12, $0x2  }
0xb2: {  	s16 =	sadd.s32 $0x21, s9  }
0xb3: {  	v16 =	vld [tilespmem:s16+$0xFFFFFFDF]  }
0xb4: {  	s20 =	sadd.s32 $0x3F20, s25;
	v15 =	vmul.f32 $1.638400000e+04, v15  }
0xb5: {  	v17 =	vld [tilespmem:s20+$0xFFFFFFE0]  }
0xb6: {  	v15 =	vtrunc.f32 v15  }
0xb7: {  	v15 =	vcvt.f32.s32 v15  }
0xb8: {  	v18 =	vshll.u32 v16, $0xE  }
0xb9: {  	v15 =	vadd.s32 v15, v18  }
0xba: {  	(xrf2) =	vadd.scan.msk.f32 $0xffff, v17;
	v15 =	vxor.u32 $0x80000000, v15  }
0xbb: {  	(xrf0) =	vmax.scan.msk.u32 $0xffff, v15;
	_ =	sdelay $0x1  }
0xbc: {  	v17 =	vld [tilespmem:s16+$0xFFFFFFE0];
	_ =	sdelay $0x3  }
0xbd: {  	v15, _, _ =	vpop (xrf0)  }
0xbe: {  	vm5 =	vne.s32 v16, v17;
	v15 =	vxor.u32 $0x80000000, v15  }
0xbf: {  	vm5 =	vmor vm5, vm0  }
0xc0: {  	[tilespmem:s8+$0x5E90] =	vst.msk vm5, v16  }
0xc1: {  	s9 =	sadd.s32 $0x0, s30;
	[tilespmem:s8+$0x6F10] =	vst.msk vm5, v15;
	v15, _, _ =	vpop (xrf2)  }
0xc2: {  	[tilespmem:s8+$0x7F90] =	vst.msk vm5, v15;
	v15 =	vor.u32 s9, v4  }
0xc3: {  	[tilespmem:s8+$0x9010] =	vst.msk vm5, v15  }
0xc4: {  	v15 =	vmpcnt.ones.xlane vm5;
	v16 =	vld [tilespmem:s22+$0xFFFFFFF0];
	_ =	sdelay $0x1  }
0xc5: {  	(v2sf) =	vpush v15, $0x0;
	_ =	sdelay $0x1  }
0xc6: {  	v15 =	vld [tilespmem:s16+$0xFFFFFFEF]  }
0xc7: {  	v17 =	vld [tilespmem:s20+$0xFFFFFFF0];
	v16 =	vmul.f32 $1.638400000e+04, v16;
	_ =	sdelay $0x1  }
0xc8: {  	v16 =	vtrunc.f32 v16  }
0xc9: {  	v16 =	vcvt.f32.s32 v16  }
0xca: {  	v60 =	vshll.u32 v15, $0xE  }
0xcb: {  	(xrf2) =	vadd.scan.msk.f32 $0xffff, v17;
	v16 =	vadd.s32 v16, v60  }
0xcc: {  	v16 =	vxor.u32 $0x80000000, v16  }
0xcd: {  	v17 =	vld [tilespmem:s16+$0xFFFFFFF0];
	(xrf0) =	vmax.scan.msk.u32 $0xffff, v16;
	_ =	sdelay $0x4  }
0xce: {  	vm5 =	vne.s32 v15, v17;
	s13 =	spop (v2sf)  }
0xcf: {  	vm5 =	vmor vm5, vm0;
	s11 =	sadd.s32 $0x0, s13;
	v16, _, _ =	vpop (xrf0)  }
0xd0: {  	[tilespmem:s11+$0x5E90] =	vst.msk vm5, v15;
	v16 =	vxor.u32 $0x80000000, v16  }
0xd1: {  	s23 =	sadd.s32 $0x10, s9;
	v15, _, _ =	vpop (xrf2);
	[tilespmem:s11+$0x6F10] =	vst.msk vm5, v16  }
0xd2: {  	[tilespmem:s11+$0x7F90] =	vst.msk vm5, v15;
	v15 =	vor.u32 s23, v4  }
0xd3: {  	[tilespmem:s11+$0x9010] =	vst.msk vm5, v15  }
0xd4: {  	v15 =	vmpcnt.ones.xlane vm5;
	v16 =	vld [tilespmem:s22+$0x0];
	_ =	sdelay $0x1  }
0xd5: {  	(v2sf) =	vpush v15, $0x0;
	_ =	sdelay $0x1  }
0xd6: {  	v15 =	vld [tilespmem:s16+$0xFFFFFFFF]  }
0xd7: {  	v16 =	vmul.f32 $1.638400000e+04, v16  }
0xd8: {  	v17 =	vld [tilespmem:s20+$0x0]  }
0xd9: {  	v16 =	vtrunc.f32 v16  }
0xda: {  	v16 =	vcvt.f32.s32 v16  }
0xdb: {  	v61 =	vshll.u32 v15, $0xE  }
0xdc: {  	v16 =	vadd.s32 v16, v61  }
0xdd: {  	(xrf2) =	vadd.scan.msk.f32 $0xffff, v17;
	v16 =	vxor.u32 $0x80000000, v16  }
0xde: {  	v17 =	vld [tilespmem:s16+$0x0];
	(xrf0) =	vmax.scan.msk.u32 $0xffff, v16;
	_ =	sdelay $0x4  }
0xdf: {  	vm5 =	vne.s32 v15, v17;
	s24 =	spop (v2sf)  }
0xe0: {  	vm5 =	vmor vm5, vm0;
	s11 =	sadd.s32 s11, s24;
	v16, _, _ =	vpop (xrf0)  }
0xe1: {  	[tilespmem:s11+$0x5E90] =	vst.msk vm5, v15;
	v15 =	vxor.u32 $0x80000000, v16;
	_ =	sdelay $0x2  }
0xe2: {  	s25 =	sadd.s32 $0x20, s9;
	[tilespmem:s11+$0x6F10] =	vst.msk vm5, v15;
	v15, _, _ =	vpop (xrf2)  }
0xe3: {  	[tilespmem:s11+$0x7F90] =	vst.msk vm5, v15;
	v15 =	vor.u32 s25, v4  }
0xe4: {  	[tilespmem:s11+$0x9010] =	vst.msk vm5, v15  }
0xe5: {  	v15 =	vmpcnt.ones.xlane vm5;
	v16 =	vld [tilespmem:s22+$0x10];
	_ =	sdelay $0x1  }
0xe6: {  	(v2sf) =	vpush v15, $0x0;
	_ =	sdelay $0x1  }
0xe7: {  	v15 =	vld [tilespmem:s16+$0xF]  }
0xe8: {  	v17 =	vld [tilespmem:s20+$0x10];
	v16 =	vmul.f32 $1.638400000e+04, v16;
	_ =	sdelay $0x1  }
0xe9: {  	v16 =	vtrunc.f32 v16  }
0xea: {  	v16 =	vcvt.f32.s32 v16  }
0xeb: {  	v62 =	vshll.u32 v15, $0xE  }
0xec: {  	(xrf2) =	vadd.scan.msk.f32 $0xffff, v17;
	v16 =	vadd.s32 v16, v62  }
0xed: {  	v16 =	vxor.u32 $0x80000000, v16  }
0xee: {  	v17 =	vld [tilespmem:s16+$0x10];
	(xrf0) =	vmax.scan.msk.u32 $0xffff, v16;
	_ =	sdelay $0x4  }
0xef: {  	vm5 =	vne.s32 v15, v17;
	s13 =	spop (v2sf)  }
0xf0: {  	vm5 =	vmor vm5, vm0;
	s11 =	sadd.s32 s11, s13;
	v16, _, _ =	vpop (xrf0)  }
0xf1: {  	[tilespmem:s11+$0x5E90] =	vst.msk vm5, v15;
	v16 =	vxor.u32 $0x80000000, v16  }
0xf2: {  	s23 =	sadd.s32 $0x30, s9;
	v15, _, _ =	vpop (xrf2);
	[tilespmem:s11+$0x6F10] =	vst.msk vm5, v16  }
0xf3: {  	[tilespmem:s11+$0x7F90] =	vst.msk vm5, v15;
	v15 =	vor.u32 s23, v4  }
0xf4: {  	[tilespmem:s11+$0x9010] =	vst.msk vm5, v15  }
0xf5: {  	v15 =	vmpcnt.ones.xlane vm5;
	v16 =	vld [tilespmem:s22+$0x20];
	_ =	sdelay $0x1  }
0xf6: {  	(v2sf) =	vpush v15, $0x0;
	_ =	sdelay $0x1  }
0xf7: {  	v15 =	vld [tilespmem:s16+$0x1F]  }
0xf8: {  	v16 =	vmul.f32 $1.638400000e+04, v16  }
0xf9: {  	v17 =	vld [tilespmem:s20+$0x20]  }
0xfa: {  	v16 =	vtrunc.f32 v16  }
0xfb: {  	v16 =	vcvt.f32.s32 v16  }
0xfc: {  	v63 =	vshll.u32 v15, $0xE  }
0xfd: {  	v16 =	vadd.s32 v16, v63  }
0xfe: {  	(xrf2) =	vadd.scan.msk.f32 $0xffff, v17;
	v16 =	vxor.u32 $0x80000000, v16  }
0xff: {  	v17 =	vld [tilespmem:s16+$0x20];
	(xrf0) =	vmax.scan.msk.u32 $0xffff, v16;
	_ =	sdelay $0x4  }
0x100: {  	vm5 =	vne.s32 v15, v17;
	s24 =	spop (v2sf)  }
0x101: {  	vm5 =	vmor vm5, vm0;
	s11 =	sadd.s32 s11, s24;
	v16, _, _ =	vpop (xrf0)  }
0x102: {  	[tilespmem:s11+$0x5E90] =	vst.msk vm5, v15;
	v15 =	vxor.u32 $0x80000000, v16;
	v16 =	vmpcnt.ones.xlane vm5;
	_ =	sdelay $0x1  }
0x103: {  	(v2sf) =	vpush v16, $0x0;
	_ =	sdelay $0x8  }
0x104: {  	s9 =	sadd.s32 $0x40, s9;
	[tilespmem:s11+$0x6F10] =	vst.msk vm5, v15;
	v15, _, _ =	vpop (xrf2)  }
0x105: {  	s25 =	smul.u32 $0x3EC0, s17;
	[tilespmem:s11+$0x7F90] =	vst.msk vm5, v15;
	v15 =	vor.u32 s9, v4  }
0x106: {  	s22 =	sadd.s32 $0x50, s22;
	[tilespmem:s11+$0x9010] =	vst.msk vm5, v15  }
0x107: {  	s29 =	simm.s32 $0x50;
	s17 =	sshrl.u32 s25, $0x2;
	s23 =	simm.s32 $0xA0;
	v15 =	vld [tilespmem:s22+$0xFFFFFFE0]  }
.LBB2_7:
0x108: {  	p3 =	sne.s32 s23, $0xF50;
	s16 =	sadd.s32 $0x50, s16;
	s20 =	sadd.s32 $0x50, s20  }
0x109: {  	s9 =	smov.u32 s23;
	s23 =	sadd.s32 $0x50, s23  }
0x10a: {  	v16 =	vld [tilespmem:s16+$0xFFFFFFE0];
	s12 =	spop (v2sf)  }
0x10b: {  	v17 =	vld [tilespmem:s16+$0xFFFFFFDF];
	s11 =	sadd.s32 s11, s12  }
0x10c: {  	v18 =	vld [tilespmem:s20+$0xFFFFFFE0];
	v15 =	vmul.f32 $1.638400000e+04, v15;
	_ =	sdelay $0x1  }
0x10d: {  	v15 =	vtrunc.f32 v15  }
0x10e: {  	v15 =	vcvt.f32.s32 v15  }
0x10f: {  	v19 =	vshll.u32 v17, $0xE;
	vm5 =	vne.s32 v17, v16  }
0x110: {  	v15 =	vadd.s32 v15, v19;
	(xrf2) =	vadd.scan.msk.f32 $0xffff, v18  }
0x111: {  	v15 =	vxor.u32 $0x80000000, v15  }
0x112: {  	(xrf0) =	vmax.scan.msk.u32 $0xffff, v15;
	_ =	sdelay $0x5  }
0x113: {  	vm5 =	vmor vm5, vm0;
	v15, _, _ =	vpop (xrf0)  }
0x114: {  	v16 =	vmpcnt.ones.xlane vm5;
	v18 =	vxor.u32 $0x80000000, v15;
	[tilespmem:s11+$0x5E90] =	vst.msk vm5, v17  }
0x115: {  	s12 =	sadd.s32 s29, s30;
	s29 =	smov.u32 s9;
	[tilespmem:s11+$0x6F10] =	vst.msk vm5, v18;
	v15, _, _ =	vpop (xrf2)  }
0x116: {  	s13 =	sadd.s32 $0x10, s12;
	s9 =	sadd.s32 $0x20, s12;
	s25 =	sadd.s32 $0x30, s12;
	[tilespmem:s11+$0x7F90] =	vst.msk vm5, v15;
	v15 =	vor.u32 s12, v4;
	(v2sf) =	vpush v16, $0x0  }
0x117: {  	s24 =	sadd.s32 $0x40, s12;
	[tilespmem:s11+$0x9010] =	vst.msk vm5, v15  }
0x118: {  	v15 =	vld [tilespmem:s22+$0xFFFFFFF0];
	_ =	sdelay $0x2  }
0x119: {  	v16 =	vld [tilespmem:s16+$0xFFFFFFF0]  }
0x11a: {  	v17 =	vld [tilespmem:s16+$0xFFFFFFEF]  }
0x11b: {  	v18 =	vld [tilespmem:s20+$0xFFFFFFF0];
	v15 =	vmul.f32 $1.638400000e+04, v15;
	_ =	sdelay $0x1  }
0x11c: {  	v15 =	vtrunc.f32 v15  }
0x11d: {  	v15 =	vcvt.f32.s32 v15  }
0x11e: {  	v19 =	vshll.u32 v17, $0xE;
	vm5 =	vne.s32 v17, v16  }
0x11f: {  	v15 =	vadd.s32 v15, v19;
	(xrf2) =	vadd.scan.msk.f32 $0xffff, v18  }
0x120: {  	v15 =	vxor.u32 $0x80000000, v15  }
0x121: {  	(xrf0) =	vmax.scan.msk.u32 $0xffff, v15  }
0x122: {  	s12 =	spop (v2sf);
	_ =	sdelay $0x4  }
0x123: {  	vm5 =	vmor vm5, vm0;
	s11 =	sadd.s32 s11, s12;
	v15, _, _ =	vpop (xrf0)  }
0x124: {  	v16 =	vmpcnt.ones.xlane vm5;
	v18 =	vxor.u32 $0x80000000, v15;
	[tilespmem:s11+$0x5E90] =	vst.msk vm5, v17  }
0x125: {  	[tilespmem:s11+$0x6F10] =	vst.msk vm5, v18;
	v15, _, _ =	vpop (xrf2)  }
0x126: {  	[tilespmem:s11+$0x7F90] =	vst.msk vm5, v15;
	v15 =	vor.u32 s13, v4;
	(v2sf) =	vpush v16, $0x0  }
0x127: {  	[tilespmem:s11+$0x9010] =	vst.msk vm5, v15  }
0x128: {  	v15 =	vld [tilespmem:s22+$0x0];
	_ =	sdelay $0x2  }
0x129: {  	v16 =	vld [tilespmem:s16+$0x0]  }
0x12a: {  	v17 =	vld [tilespmem:s16+$0xFFFFFFFF]  }
0x12b: {  	v18 =	vld [tilespmem:s20+$0x0];
	v15 =	vmul.f32 $1.638400000e+04, v15;
	_ =	sdelay $0x1  }
0x12c: {  	v15 =	vtrunc.f32 v15  }
0x12d: {  	v15 =	vcvt.f32.s32 v15  }
0x12e: {  	v19 =	vshll.u32 v17, $0xE;
	vm5 =	vne.s32 v17, v16  }
0x12f: {  	v15 =	vadd.s32 v15, v19;
	(xrf2) =	vadd.scan.msk.f32 $0xffff, v18  }
0x130: {  	v15 =	vxor.u32 $0x80000000, v15  }
0x131: {  	(xrf0) =	vmax.scan.msk.u32 $0xffff, v15  }
0x132: {  	s12 =	spop (v2sf)  }
0x133: {  	vm5 =	vmor vm5, vm0;
	s11 =	sadd.s32 s11, s12  }
0x134: {  	v16 =	vmpcnt.ones.xlane vm5;
	[tilespmem:s11+$0x5E90] =	vst.msk vm5, v17;
	_ =	sdelay $0x1  }
0x135: {  	(v2sf) =	vpush v16, $0x0  }
0x136: {  	v15, _, _ =	vpop (xrf0)  }
0x137: {  	v16 =	vxor.u32 $0x80000000, v15  }
0x138: {  	[tilespmem:s11+$0x6F10] =	vst.msk vm5, v16;
	v15, _, _ =	vpop (xrf2)  }
0x139: {  	[tilespmem:s11+$0x7F90] =	vst.msk vm5, v15;
	v15 =	vor.u32 s9, v4  }
0x13a: {  	[tilespmem:s11+$0x9010] =	vst.msk vm5, v15  }
0x13b: {  	v15 =	vld [tilespmem:s16+$0xF]  }
0x13c: {  	v16 =	vld [tilespmem:s22+$0x10]  }
0x13d: {  	v17 =	vld [tilespmem:s20+$0x10]  }
0x13e: {  	v18 =	vld [tilespmem:s16+$0x10];
	_ =	sdelay $0x2  }
0x13f: {  	v16 =	vmul.f32 $1.638400000e+04, v16;
	_ =	sdelay $0x1  }
0x140: {  	v16 =	vtrunc.f32 v16;
	vm5 =	vne.s32 v15, v18  }
0x141: {  	v16 =	vcvt.f32.s32 v16;
	s9 =	spop (v2sf)  }
0x142: {  	v18 =	vshll.u32 v15, $0xE  }
0x143: {  	v16 =	vadd.s32 v16, v18;
	(xrf2) =	vadd.scan.msk.f32 $0xffff, v17  }
0x144: {  	v16 =	vxor.u32 $0x80000000, v16  }
0x145: {  	vm5 =	vmor vm5, vm0;
	(xrf0) =	vmax.scan.msk.u32 $0xffff, v16  }
0x146: {  	v16 =	vmpcnt.ones.xlane vm5;
	_ =	sdelay $0x1  }
0x147: {  	(v2sf) =	vpush v16, $0x0;
	_ =	sdelay $0x2  }
0x148: {  	s9 =	sadd.s32 s11, s9;
	v16, _, _ =	vpop (xrf0)  }
0x149: {  	v16 =	vxor.u32 $0x80000000, v16;
	[tilespmem:s9+$0x5E90] =	vst.msk vm5, v15  }
0x14a: {  	[tilespmem:s9+$0x6F10] =	vst.msk vm5, v16;
	v15, _, _ =	vpop (xrf2)  }
0x14b: {  	[tilespmem:s9+$0x7F90] =	vst.msk vm5, v15;
	v15 =	vor.u32 s25, v4  }
0x14c: {  	[tilespmem:s9+$0x9010] =	vst.msk vm5, v15  }
0x14d: {  	v15 =	vld [tilespmem:s22+$0x20]  }
0x14e: {  	v16 =	vld [tilespmem:s16+$0x1F]  }
0x14f: {  	v17 =	vld [tilespmem:s16+$0x20]  }
0x150: {  	v18 =	vld [tilespmem:s20+$0x20];
	_ =	sdelay $0x1  }
0x151: {  	v15 =	vmul.f32 $1.638400000e+04, v15;
	_ =	sdelay $0x1  }
0x152: {  	v15 =	vtrunc.f32 v15;
	vm5 =	vne.s32 v16, v17;
	s11 =	spop (v2sf)  }
0x153: {  	s11 =	sadd.s32 s9, s11;
	v15 =	vcvt.f32.s32 v15;
	vm5 =	vmor vm5, vm0  }
0x154: {  	v17 =	vshll.u32 v16, $0xE;
	[tilespmem:s11+$0x5E90] =	vst.msk vm5, v16;
	v16 =	vmpcnt.ones.xlane vm5  }
0x155: {  	v15 =	vadd.s32 v15, v17;
	(xrf2) =	vadd.scan.msk.f32 $0xffff, v18  }
0x156: {  	v15 =	vxor.u32 $0x80000000, v15;
	(v2sf) =	vpush v16, $0x0  }
0x157: {  	(xrf0) =	vmax.scan.msk.u32 $0xffff, v15;
	_ =	sdelay $0x5  }
0x158: {  	v15, _, _ =	vpop (xrf0)  }
.Ltmp7:
0x159: {  	v16 =	vxor.u32 $0x80000000, v15;
	(pc) =	sbr.rel @p3 .LBB2_7-.Ltmp7, $4  }
0x15a: {  	[tilespmem:s11+$0x6F10] =	vst.msk vm5, v16;
	v15, _, _ =	vpop (xrf2)  }
0x15b: {  	[tilespmem:s11+$0x7F90] =	vst.msk vm5, v15;
	v15 =	vor.u32 s24, v4  }
0x15c: {  	s22 =	sadd.s32 $0x50, s22;
	[tilespmem:s11+$0x9010] =	vst.msk vm5, v15  }
0x15d: {  	v15 =	vld [tilespmem:s22+$0xFFFFFFE0]  }
0x15e: {  	_ =	sdelay $0x1  }
0x15f: {  	s16 =	sadd.s32 $0x50, s16  }
0x160: {  	v16 =	vld [tilespmem:s16+$0xFFFFFFDF]  }
0x161: {  	s9 =	sadd.s32 $0x50, s20;
	v15 =	vmul.f32 $1.638400000e+04, v15  }
0x162: {  	v17 =	vld [tilespmem:s9+$0xFFFFFFE0]  }
0x163: {  	v15 =	vtrunc.f32 v15  }
0x164: {  	v15 =	vcvt.f32.s32 v15  }
0x165: {  	v18 =	vshll.u32 v16, $0xE  }
0x166: {  	v15 =	vadd.s32 v15, v18  }
0x167: {  	(xrf2) =	vadd.scan.msk.f32 $0xffff, v17;
	v15 =	vxor.u32 $0x80000000, v15  }
0x168: {  	(xrf0) =	vmax.scan.msk.u32 $0xffff, v15;
	_ =	sdelay $0x1  }
0x169: {  	v17 =	vld [tilespmem:s16+$0xFFFFFFE0];
	_ =	sdelay $0x3  }
0x16a: {  	v15, _, _ =	vpop (xrf0)  }
0x16b: {  	s12 =	spop (v2sf);
	vm5 =	vne.s32 v16, v17;
	v15 =	vxor.u32 $0x80000000, v15  }
0x16c: {  	s12 =	sadd.s32 s11, s12;
	vm5 =	vmor vm5, vm0  }
0x16d: {  	[tilespmem:s12+$0x5E90] =	vst.msk vm5, v16  }
0x16e: {  	s11 =	sadd.s32 s29, s30;
	[tilespmem:s12+$0x6F10] =	vst.msk vm5, v15;
	v15, _, _ =	vpop (xrf2)  }
0x16f: {  	[tilespmem:s12+$0x7F90] =	vst.msk vm5, v15;
	v15 =	vor.u32 s11, v4  }
0x170: {  	[tilespmem:s12+$0x9010] =	vst.msk vm5, v15  }
0x171: {  	v15 =	vmpcnt.ones.xlane vm5;
	v16 =	vld [tilespmem:s22+$0xFFFFFFF0];
	_ =	sdelay $0x1  }
0x172: {  	(v2sf) =	vpush v15, $0x0;
	_ =	sdelay $0x1  }
0x173: {  	v15 =	vld [tilespmem:s16+$0xFFFFFFEF]  }
0x174: {  	v17 =	vld [tilespmem:s9+$0xFFFFFFF0];
	v16 =	vmul.f32 $1.638400000e+04, v16;
	_ =	sdelay $0x1  }
0x175: {  	v16 =	vtrunc.f32 v16  }
0x176: {  	v16 =	vcvt.f32.s32 v16  }
0x177: {  	v58 =	vshll.u32 v15, $0xE  }
0x178: {  	(xrf2) =	vadd.scan.msk.f32 $0xffff, v17;
	v16 =	vadd.s32 v16, v58  }
0x179: {  	v16 =	vxor.u32 $0x80000000, v16  }
0x17a: {  	v17 =	vld [tilespmem:s16+$0xFFFFFFF0];
	(xrf0) =	vmax.scan.msk.u32 $0xffff, v16;
	_ =	sdelay $0x4  }
0x17b: {  	vm5 =	vne.s32 v15, v17;
	s13 =	spop (v2sf)  }
0x17c: {  	vm5 =	vmor vm5, vm0;
	s12 =	sadd.s32 s12, s13;
	v16, _, _ =	vpop (xrf0)  }
0x17d: {  	[tilespmem:s12+$0x5E90] =	vst.msk vm5, v15;
	v16 =	vxor.u32 $0x80000000, v16  }
0x17e: {  	s25 =	sadd.s32 $0x10, s11;
	v15, _, _ =	vpop (xrf2);
	[tilespmem:s12+$0x6F10] =	vst.msk vm5, v16  }
0x17f: {  	[tilespmem:s12+$0x7F90] =	vst.msk vm5, v15;
	v15 =	vor.u32 s25, v4  }
0x180: {  	[tilespmem:s12+$0x9010] =	vst.msk vm5, v15  }
0x181: {  	v15 =	vmpcnt.ones.xlane vm5;
	v16 =	vld [tilespmem:s22+$0x0];
	_ =	sdelay $0x1  }
0x182: {  	(v2sf) =	vpush v15, $0x0;
	_ =	sdelay $0x1  }
0x183: {  	v15 =	vld [tilespmem:s16+$0xFFFFFFFF]  }
0x184: {  	v16 =	vmul.f32 $1.638400000e+04, v16  }
0x185: {  	v17 =	vld [tilespmem:s9+$0x0]  }
0x186: {  	v16 =	vtrunc.f32 v16  }
0x187: {  	v16 =	vcvt.f32.s32 v16  }
0x188: {  	v59 =	vshll.u32 v15, $0xE  }
0x189: {  	v16 =	vadd.s32 v16, v59  }
0x18a: {  	(xrf2) =	vadd.scan.msk.f32 $0xffff, v17;
	v16 =	vxor.u32 $0x80000000, v16  }
0x18b: {  	v17 =	vld [tilespmem:s16+$0x0];
	(xrf0) =	vmax.scan.msk.u32 $0xffff, v16;
	_ =	sdelay $0x4  }
0x18c: {  	vm5 =	vne.s32 v15, v17;
	s29 =	spop (v2sf)  }
0x18d: {  	vm5 =	vmor vm5, vm0;
	s12 =	sadd.s32 s12, s29;
	v16, _, _ =	vpop (xrf0)  }
0x18e: {  	[tilespmem:s12+$0x5E90] =	vst.msk vm5, v15;
	v15 =	vxor.u32 $0x80000000, v16;
	_ =	sdelay $0x2  }
0x18f: {  	s20 =	sadd.s32 $0x20, s11;
	[tilespmem:s12+$0x6F10] =	vst.msk vm5, v15;
	v15, _, _ =	vpop (xrf2)  }
0x190: {  	[tilespmem:s12+$0x7F90] =	vst.msk vm5, v15;
	v15 =	vor.u32 s20, v4  }
0x191: {  	[tilespmem:s12+$0x9010] =	vst.msk vm5, v15  }
0x192: {  	v15 =	vmpcnt.ones.xlane vm5;
	v16 =	vld [tilespmem:s22+$0x10];
	_ =	sdelay $0x1  }
0x193: {  	(v2sf) =	vpush v15, $0x0;
	_ =	sdelay $0x1  }
0x194: {  	v15 =	vld [tilespmem:s16+$0xF]  }
0x195: {  	v17 =	vld [tilespmem:s9+$0x10];
	v16 =	vmul.f32 $1.638400000e+04, v16;
	_ =	sdelay $0x1  }
0x196: {  	v16 =	vtrunc.f32 v16  }
0x197: {  	v16 =	vcvt.f32.s32 v16  }
0x198: {  	v60 =	vshll.u32 v15, $0xE  }
0x199: {  	(xrf2) =	vadd.scan.msk.f32 $0xffff, v17;
	v16 =	vadd.s32 v16, v60  }
0x19a: {  	v16 =	vxor.u32 $0x80000000, v16  }
0x19b: {  	v17 =	vld [tilespmem:s16+$0x10];
	(xrf0) =	vmax.scan.msk.u32 $0xffff, v16;
	_ =	sdelay $0x4  }
0x19c: {  	vm5 =	vne.s32 v15, v17;
	s23 =	spop (v2sf)  }
0x19d: {  	vm5 =	vmor vm5, vm0;
	s12 =	sadd.s32 s12, s23;
	v16, _, _ =	vpop (xrf0)  }
0x19e: {  	[tilespmem:s12+$0x5E90] =	vst.msk vm5, v15;
	v16 =	vxor.u32 $0x80000000, v16  }
0x19f: {  	s24 =	sadd.s32 $0x30, s11;
	v15, _, _ =	vpop (xrf2);
	[tilespmem:s12+$0x6F10] =	vst.msk vm5, v16  }
0x1a0: {  	[tilespmem:s12+$0x7F90] =	vst.msk vm5, v15;
	v15 =	vor.u32 s24, v4  }
0x1a1: {  	[tilespmem:s12+$0x9010] =	vst.msk vm5, v15  }
0x1a2: {  	v15 =	vld [tilespmem:s16+$0x1F]  }
0x1a3: {  	v16 =	vld [tilespmem:s16+$0x20]  }
0x1a4: {  	v17 =	vmpcnt.ones.xlane vm5;
	v61 =	vld [tilespmem:s22+$0x20];
	_ =	sdelay $0x1  }
0x1a5: {  	(v2sf) =	vpush v17, $0x0;
	_ =	sdelay $0x1  }
0x1a6: {  	vm5 =	vne.s32 v15, v16  }
0x1a7: {  	v17 =	vmul.f32 $1.638400000e+04, v61;
	vm5 =	vmor vm5, vm0  }
0x1a8: {  	v16 =	vld [tilespmem:s9+$0x20];
	v62 =	vmpcnt.ones.xlane vm5  }
0x1a9: {  	v17 =	vtrunc.f32 v17  }
0x1aa: {  	v17 =	vcvt.f32.s32 v17;
	(v2sf) =	vpush v62, $0x0  }
0x1ab: {  	v63 =	vshll.u32 v15, $0xE  }
0x1ac: {  	v17 =	vadd.s32 v17, v63  }
0x1ad: {  	(xrf2) =	vadd.scan.msk.f32 $0xffff, v16;
	v16 =	vxor.u32 $0x80000000, v17  }
0x1ae: {  	(xrf0) =	vmax.scan.msk.u32 $0xffff, v16;
	_ =	sdelay $0x4  }
0x1af: {  	s25 =	spop (v2sf)  }
0x1b0: {  	s9 =	sadd.s32 s12, s25;
	v16, _, _ =	vpop (xrf0)  }
0x1b1: {  	[tilespmem:s9+$0x5E90] =	vst.msk vm5, v15;
	v15 =	vxor.u32 $0x80000000, v16;
	_ =	sdelay $0x2  }
0x1b2: {  	s11 =	sadd.s32 $0x40, s11;
	[tilespmem:s9+$0x6F10] =	vst.msk vm5, v15;
	v15, _, _ =	vpop (xrf2)  }
0x1b3: {  	[tilespmem:s9+$0x7F90] =	vst.msk vm5, v15;
	v15 =	vor.u32 s11, v4;
	s29 =	spop (v2sf)  }
0x1b4: {  	[tilespmem:s9+$0x9010] =	vst.msk vm5, v15;
	s16 =	sadd.s32 s9, s29  }
0x1b5: {  	v15 =	vld [tilespmem:s17+$0xF9F];
	[tilespmem:s16+$0x5E90] =	vst v5;
	s9 =	sadd.s32 $0x7F, s16  }
0x1b6: {  	[tilespmem:s16+$0x5EA0] =	vst v5;
	s17 =	sshrl.u32 s9, $0x7  }
0x1b7: {  	[tilespmem:s16+$0x5EB0] =	vst v5;
	p3 =	seq.s32 s17, $0x0  }
.Ltmp8:
0x1b8: {  	[tilespmem:s16+$0x5EC0] =	vst v5;
	(pc) =	sbr.rel @p3 .LBB2_14-.Ltmp8, $4  }
0x1b9: {  	[tilespmem:s16+$0x5ED0] =	vst v5  }
0x1ba: {  	[tilespmem:s16+$0x5EE0] =	vst v5  }
0x1bb: {  	[tilespmem:s16+$0x5EF0] =	vst v5  }
0x1bc: {  	[tilespmem:s16+$0x5F00] =	vst v5  }
0x1bd: {  	s29 =	simm.s32 $0x0  }
0x1be: {  	v16 =	vld [tilespmem:s29+$0x6F10];
	_ =	sdelay $0x4  }
0x1bf: {  	vm5 =	vgt.s32 v16, s19  }
0x1c0: {  	v16 =	vnsel vm5, s19, v16  }
0x1c1: {  	v16 =	vxor.u32 $0x80000000, v16  }
0x1c2: {  	(xrf0) =	vmax.scan.msk.u32 $0xffff, v16;
	_ =	sdelay $0x4  }
0x1c3: {  	v16 =	vld [tilespmem:s29+$0x6F20]  }
0x1c4: {  	v17, _, _ =	vpop (xrf0)  }
0x1c5: {  	v18 =	vxor.u32 $0x80000000, v17  }
0x1c6: {  	v19 =	vbroadcast v18, $0xF;
	_ =	sdelay $0x1  }
0x1c7: {  	vm5 =	vgt.s32 v16, v19  }
0x1c8: {  	v16 =	vsel vm5, v16, v19  }
0x1c9: {  	v16 =	vxor.u32 $0x80000000, v16  }
0x1ca: {  	(xrf0) =	vmax.scan.msk.u32 $0xffff, v16;
	_ =	sdelay $0x4  }
0x1cb: {  	v16 =	vld [tilespmem:s29+$0x6F30]  }
0x1cc: {  	v19, _, _ =	vpop (xrf0)  }
0x1cd: {  	v21 =	vxor.u32 $0x80000000, v19  }
0x1ce: {  	v20 =	vbroadcast v21, $0xF;
	_ =	sdelay $0x1  }
0x1cf: {  	vm5 =	vgt.s32 v16, v20  }
0x1d0: {  	v16 =	vsel vm5, v16, v20  }
0x1d1: {  	v16 =	vxor.u32 $0x80000000, v16  }
0x1d2: {  	(xrf0) =	vmax.scan.msk.u32 $0xffff, v16;
	_ =	sdelay $0x4  }
0x1d3: {  	v16 =	vld [tilespmem:s29+$0x6F40]  }
0x1d4: {  	v26, _, _ =	vpop (xrf0)  }
0x1d5: {  	v29 =	vxor.u32 $0x80000000, v26  }
0x1d6: {  	v32 =	vbroadcast v29, $0xF  }
0x1d7: {  	v24 =	vld [tilespmem:s29+$0x6F50]  }
0x1d8: {  	v25 =	vld [tilespmem:s29+$0x6F60];
	vm5 =	vgt.s32 v16, v32  }
0x1d9: {  	v22 =	vld [tilespmem:s29+$0x6F70];
	v16 =	vsel vm5, v16, v32  }
0x1da: {  	(v2sf) =	vpush v15, $0x0;
	v28 =	vld [tilespmem:s29+$0x7FC0];
	v16 =	vxor.u32 $0x80000000, v16  }
0x1db: {  	(v2sf) =	vpush v15, $0x1;
	v37 =	vld [tilespmem:s29+$0x901F];
	(xrf0) =	vmax.scan.msk.u32 $0xffff, v16  }
0x1dc: {  	v38 =	vld [tilespmem:s29+$0x9020]  }
0x1dd: {  	v40 =	vld [tilespmem:s29+$0x900F]  }
0x1de: {  	v42 =	vld [tilespmem:s29+$0x9010];
	v15 =	vand.u32 $0x3FFF, v17  }
0x1df: {  	v45 =	vld [tilespmem:s29+$0x905F];
	v15 =	vcvt.s32.f32 v15  }
0x1e0: {  	v47 =	vld [tilespmem:s29+$0x9060]  }
0x1e1: {  	v34 =	vld [tilespmem:s29+$0x904F];
	v15 =	vmul.f32 $6.103515630e-05, v15;
	v39, _, _ =	vpop (xrf0)  }
0x1e2: {  	s23 =	simm.s32 $0x50;
	s12 =	simm.s32 $0x40;
	v35 =	vld [tilespmem:s29+$0x903F];
	v41 =	vxor.u32 $0x80000000, v39  }
0x1e3: {  	v49 =	vor.u32 s12, v4;
	v50 =	vor.u32 s23, v4;
	[tilespmem:s29+$0xE080] =	vst v15;
	v16 =	vld [tilespmem:s29+$0x9040];
	v15 =	vbroadcast v41, $0xF  }
0x1e4: {  	v56 =	vld [tilespmem:s29+$0x9050];
	v59 =	vxor.u32 v38, v37;
	v62 =	vsub.s32 v42, v40;
	[tilespmem:s29+$0x6F10] =	vst v18;
	v18 =	vand.u32 $0x3FFF, v19  }
0x1e5: {  	s20 =	simm.s32 $0x20;
	v31 =	vld [tilespmem:s29+$0x7FBF];
	v63 =	vsub.s32 v47, v45;
	v18 =	vcvt.s32.f32 v18;
	vm5 =	vgt.s32 v24, v15  }
0x1e6: {  	v33 =	vld [tilespmem:s29+$0x7FCF];
	[tilespmem:s29+$0x6F20] =	vst v21;
	v21 =	vor.u32 s20, v4;
	v19 =	vand.u32 $0x3FFF, v26;
	v15 =	vsel vm5, v24, v15  }
0x1e7: {  	v36 =	vld [tilespmem:s29+$0x902F];
	v18 =	vmul.f32 $6.103515630e-05, v18;
	v19 =	vcvt.s32.f32 v19;
	v15 =	vxor.u32 $0x80000000, v15  }
0x1e8: {  	v17 =	vld [tilespmem:s29+$0x9030];
	[tilespmem:s29+$0x6F30] =	vst v29;
	v29 =	vxor.u32 v42, v40;
	(xrf0) =	vmax.scan.msk.u32 $0xffff, v15;
	v15 =	vxor.u32 v16, v35  }
0x1e9: {  	v23 =	vld [tilespmem:s29+$0x5EC1];
	s19 =	simm.s32 $0x0;
	s9 =	spop (v2sf);
	[tilespmem:s29+$0xE090] =	vst v18;
	v18 =	vmul.f32 $6.103515630e-05, v19;
	v32 =	vsub.s32 v56, v34;
	vm5 =	vlt.u32 v15, $0x10  }
0x1ea: {  	v43 =	vld [tilespmem:s29+$0x7F9F];
	s11 =	spop (v2sf);
	v19 =	vor.u32 s19, v4;
	v32 =	vcvt.s32.f32 v32;
	v15 =	vnsel vm5, $0x0, v31  }
0x1eb: {  	p3 =	seq.s32 s9, s11;
	s9 =	sadd.s32 $0xFFFFFFFF, s16;
	[tilespmem:s29+$0xE0A0] =	vst v18;
	v24 =	vld [tilespmem:s29+$0x7F8F];
	v35 =	vsub.s32 v16, v35;
	v18 =	vsub.f32 v28, v15;
	v28 =	vxor.u32 v56, v34  }
0x1ec: {  	v44 =	vld [tilespmem:s29+$0x7FD0];
	s9 =	simm.s32 @!p3 $0xFFFFFFFE;
	v58 =	vand.u32 $0x3FFF, v39;
	v35 =	vcvt.s32.f32 v35;
	vm5 =	vlt.u32 v28, $0x10  }
0x1ed: {  	s25 =	simm.s32 $0x70;
	v26 =	vld [tilespmem:s29+$0x7F90];
	v15 =	vmov s9;
	[tilespmem:s29+$0xC0B0] =	vst v18;
	v18 =	vsub.s32 v17, v36;
	v33 =	vnsel vm5, $0x0, v33  }
0x1ee: {  	s22 =	simm.s32 $0x10;
	v30 =	vld [tilespmem:s29+$0x7FAF];
	vm5 =	vlt.u32 v29, $0x10;
	v29 =	vxor.u32 v17, v36;
	v17 =	vor.u32 s25, v4;
	v46, _, _ =	vpop (xrf0)  }
0x1ef: {  	v27 =	vld [tilespmem:s29+$0x7FA0];
	v48 =	vcvt.s32.f32 v18;
	v18 =	vor.u32 s22, v4;
	v31 =	vxor.u32 $0x80000000, v46  }
0x1f0: {  	v57 =	vld [tilespmem:s29+$0x7FE0];
	v16 =	vnsel vm5, $0x0, v24;
	vm5 =	vlt.u32 v59, $0x10;
	v61 =	vbroadcast v31, $0xF  }
0x1f1: {  	v28 =	vld [tilespmem:s29+$0x5EC0];
	vm6 =	vlt.u32 v29, $0x10;
	v29 =	vcvt.s32.f32 v58;
	v33 =	vsub.f32 v44, v33  }
0x1f2: {  	s24 =	simm.s32 $0x60;
	[tilespmem:s29+$0xD0C0] =	vst v32;
	v24 =	vld [tilespmem:s29+$0x7FDF];
	v26 =	vsub.f32 v26, v16;
	v60 =	vnsel vm5, $0x0, v43;
	vm5 =	vgt.s32 v25, v61  }
0x1f3: {  	p3 =	sne.s32 s17, $0x1;
	v20 =	vld [tilespmem:s29+$0x6F80];
	v16 =	vor.u32 s24, v4;
	[tilespmem:s29+$0x6F50] =	vst v31;
	v31 =	vnsel vm6, $0x0, v30;
	v25 =	vsel vm5, v25, v61  }
.Ltmp9:
0x1f4: {  	v32 =	vld [tilespmem:s29+$0x5EB0];
	[tilespmem:s29+$0x6F40] =	vst v41;
	v36 =	vsub.f32 v27, v60;
	v27 =	vand.u32 $0x3FFF, v46;
	v39 =	vxor.u32 $0x80000000, v25;
	(pc) =	sbr.rel @!p3 .LBB2_11-.Ltmp9, $4  }
0x1f5: {  	[tilespmem:s29+$0xC080] =	vst v26;
	v26 =	vsub.s32 v38, v37;
	v37 =	vld [tilespmem:s29+$0x7FB0];
	v25 =	vxor.u32 v47, v45;
	(xrf0) =	vmax.scan.msk.u32 $0xffff, v39  }
0x1f6: {  	v34 =	vld [tilespmem:s29+$0x5EB1];
	[tilespmem:s29+$0xD0B0] =	vst v35;
	v30 =	vcvt.s32.f32 v27;
	v27 =	vcvt.s32.f32 v62;
	vm6 =	vlt.u32 v25, $0x10  }
0x1f7: {  	[tilespmem:s29+$0xD0A0] =	vst v48;
	vm7 =	veq.s32 v28, v14;
	v38 =	vcvt.s32.f32 v63;
	v25 =	vld [tilespmem:s29+$0x906F];
	v24 =	vnsel vm6, $0x0, v24  }
0x1f8: {  	s20 =	sadd.s32 $0xFFFFFFFF, s17;
	s9 =	simm.s32 $0x30;
	s22 =	simm.s32 $0x200;
	[tilespmem:s29+$0xA0B0] =	vst v28;
	vm5 =	vne.s32 v49, v15;
	vm6 =	vne.s32 v50, v15;
	v35 =	vsub.f32 v57, v24;
	v24 =	vld [tilespmem:s29+$0x9070]  }
.LBB2_10:
0x1f9: {  	p4 =	sne.s32 s20, $0x1;
	s20 =	sadd.s32 $0xFFFFFFFF, s20;
	vm8 =	vne.s32 v21, v15;
	v21 =	vor.u32 s9, v4;
	vm9 =	vne.s32 v28, v23;
	v23 =	vld [tilespmem:s29+$0x9080];
	s19 =	sadd.s32 $0x80, s19  }
0x1fa: {  	s12 =	sadd.s32 $0x10, s19;
	s13 =	sadd.s32 $0x20, s19;
	s24 =	sadd.s32 $0x50, s19;
	[tilespmem:s29+$0xC090] =	vst v36;
	v31 =	vsub.f32 v37, v31;
	vm10 =	vne.s32 v21, v15;
	v21 =	vsel vm7, v0, v28;
	v28 =	vld [tilespmem:s29+$0x7FEF]  }
0x1fb: {  	v29 =	vmul.f32 $6.103515630e-05, v29;
	s11 =	sadd.s32 $0x40, s19;
	s25 =	sadd.s32 $0x60, s19;
	s9 =	sadd.s32 $0x70, s19;
	vm7 =	vne.s32 v32, v34;
	[tilespmem:s29+$0xA0A0] =	vst v32;
	vm9 =	vmand vm10, vm9;
	v34 =	vld [tilespmem:s29+$0x7FF0];
	v36, _, _ =	vpop (xrf0)  }
0x1fc: {  	vm10 =	veq.s32 v32, v14;
	v37 =	vnsel vm9, $0x186A0, v21;
	v39 =	vxor.u32 $0x80000000, v36;
	v21 =	vld [tilespmem:s29+$0x907F]  }
0x1fd: {  	v40 =	vld [tilespmem:s29+$0x5EA1];
	[tilespmem:s29+$0xE0B0] =	vst v29;
	v29 =	vxor.u32 v24, v25;
	v41 =	vbroadcast v39, $0xF;
	v24 =	vsub.s32 v24, v25  }
0x1fe: {  	s23 =	sshra.s32 s22, $0x2;
	v25 =	vand.u32 $0x3FFF, v36;
	[tilespmem:s29+$0xC0C0] =	vst v33;
	vm9 =	vlt.u32 v29, $0x10;
	v24 =	vcvt.s32.f32 v24;
	v29 =	vld [tilespmem:s29+$0x7FFF]  }
0x1ff: {  	v32 =	vsel vm10, v0, v32;
	[tilespmem:s29+$0xD0D0] =	vst v38;
	v28 =	vnsel vm9, $0x0, v28;
	vm9 =	vgt.s32 v22, v41;
	v33 =	vld [tilespmem:s29+$0x8000]  }
0x200: {  	vm7 =	vmand vm8, vm7;
	v36 =	vld [tilespmem:s29+$0x5EA0];
	[tilespmem:s29+$0xC0A0] =	vst v31;
	v22 =	vsel vm9, v22, v41;
	v28 =	vsub.f32 v34, v28  }
0x201: {  	v32 =	vnsel vm7, $0x186A0, v32;
	v31 =	vld [tilespmem:s29+$0x5E91];
	[tilespmem:s29+$0xC0D0] =	vst v35;
	v22 =	vxor.u32 $0x80000000, v22;
	v34 =	vxor.u32 v23, v21  }
0x202: {  	v30 =	vmul.f32 $6.103515630e-05, v30;
	v35 =	vld [tilespmem:s29+$0x5E90];
	[tilespmem:s29+$0xB0A0] =	vst v32;
	vm7 =	vlt.u32 v34, $0x10;
	(xrf0) =	vmax.scan.msk.u32 $0xffff, v22  }
0x203: {  	v23 =	vsub.s32 v23, v21;
	v22 =	vcvt.s32.f32 v25;
	[tilespmem:s29+$0xD0E0] =	vst v24;
	v24 =	vnsel vm7, $0x0, v29  }
0x204: {  	v21 =	vor.u32 s13, v4;
	v23 =	vcvt.s32.f32 v23;
	[tilespmem:s29+$0xE0C0] =	vst v30;
	v25 =	vld [tilespmem:s29+$0x5EE1];
	v24 =	vsub.f32 v33, v24  }
0x205: {  	v26 =	vcvt.s32.f32 v26;
	v29 =	vor.u32 s19, v4;
	[tilespmem:s29+$0xA090] =	vst v36;
	vm7 =	veq.s32 v36, v14;
	v30 =	vld [tilespmem:s29+$0x5EE0]  }
0x206: {  	v32 =	vor.u32 s12, v4;
	vm8 =	vne.s32 v36, v40;
	v33 =	vsel vm7, v0, v36;
	v34 =	vld [tilespmem:s29+$0x5ED1];
	[tilespmem:s29+$0xD0F0] =	vst v23  }
0x207: {  	vm9 =	vne.s32 v19, v15;
	vm7 =	vne.s32 v35, v31;
	[tilespmem:s29+$0xA080] =	vst v35;
	vm10 =	veq.s32 v35, v14;
	v23 =	vld [tilespmem:s29+$0x5ED0]  }
0x208: {  	vm7 =	vmand vm9, vm7;
	v35 =	vsel vm10, v0, v35;
	vm9 =	vne.s32 v18, v15;
	[tilespmem:s29+$0xC0F0] =	vst v24;
	v24, _, _ =	vpop (xrf0)  }
0x209: {  	v19 =	vmovc v29;
	v18 =	vmovc v32;
	v31 =	vnsel vm7, $0x186A0, v35;
	vm7 =	vmand vm9, vm8;
	[tilespmem:s29+$0xD090] =	vst v26;
	v26 =	vxor.u32 $0x80000000, v24  }
0x20a: {  	v29 =	vnsel vm7, $0x186A0, v33;
	vm7 =	vne.s32 v30, v25;
	[tilespmem:s29+$0xA0D0] =	vst v30;
	v25 =	vbroadcast v26, $0xF  }
0x20b: {  	v22 =	vmul.f32 $6.103515630e-05, v22;
	v32 =	vand.u32 $0x3FFF, v24;
	vm8 =	veq.s32 v30, v14;
	[tilespmem:s29+$0xB0B0] =	vst v37  }
0x20c: {  	vm6 =	vmand vm6, vm7;
	vm9 =	veq.s32 v23, v14;
	[tilespmem:s29+$0xC0E0] =	vst v28;
	v28 =	vld [tilespmem:s29+$0x5F01];
	vm7 =	vgt.s32 v20, v25  }
0x20d: {  	v24 =	vsel vm8, v0, v30;
	vm10 =	vne.s32 v23, v34;
	[tilespmem:s29+$0xD080] =	vst v27;
	v27 =	vld [tilespmem:s29+$0x5EF1];
	v20 =	vsel vm7, v20, v25  }
0x20e: {  	vm5 =	vmand vm5, vm10;
	v25 =	vsel vm9, v0, v23;
	[tilespmem:s29+$0x6F60] =	vst v39;
	v30 =	vld [tilespmem:s29+$0x5EF0];
	v20 =	vxor.u32 $0x80000000, v20  }
0x20f: {  	v33 =	vnsel vm6, $0x186A0, v24;
	[tilespmem:s29+$0xA0C0] =	vst v23;
	v23 =	vnsel vm5, $0x186A0, v25;
	v34 =	vld [tilespmem:s29+$0x5F00];
	(xrf0) =	vmax.scan.msk.u32 $0xffff, v20  }
0x210: {  	v24 =	vor.u32 s24, v4;
	v25 =	vor.u32 s11, v4;
	v20 =	vcvt.s32.f32 v32;
	[tilespmem:s29+$0xB0C0] =	vst v23  }
0x211: {  	v32 =	vor.u32 s9, v4;
	v23 =	vor.u32 s25, v4;
	[tilespmem:s29+$0xE0D0] =	vst v22  }
0x212: {  	v20 =	vmul.f32 $6.103515630e-05, v20;
	[tilespmem:s29+$0xB0D0] =	vst v33  }
0x213: {  	vm6 =	vne.s32 v16, v15;
	vm7 =	vne.s32 v17, v15;
	vm5 =	vne.s32 v30, v27;
	[tilespmem:s29+$0xA0E0] =	vst v30  }
0x214: {  	v16 =	vmovc v23;
	[tilespmem:s29+$0x6F70] =	vst v26;
	vm5 =	vmand vm6, vm5;
	vm6 =	veq.s32 v30, v14;
	vm8 =	vne.s32 v34, v28  }
0x215: {  	[tilespmem:s29+$0xB080] =	vst v31;
	v28 =	vsel vm6, v0, v30;
	vm6 =	vmand vm7, vm8;
	vm7 =	veq.s32 v34, v14;
	v22, _, _ =	vpop (xrf0)  }
0x216: {  	v17 =	vmovc v32;
	[tilespmem:s29+$0xB090] =	vst v29;
	v23 =	vnsel vm5, $0x186A0, v28;
	v26 =	vxor.u32 $0x80000000, v22;
	v27 =	vsel vm7, v0, v34  }
0x217: {  	v22 =	vand.u32 $0x3FFF, v22;
	[tilespmem:s29+$0xB0E0] =	vst v23;
	v23 =	vnsel vm6, $0x186A0, v27;
	(v2sf) =	vpush v26, $0xF  }
0x218: {  	v22 =	vcvt.s32.f32 v22;
	[tilespmem:s29+$0xB0F0] =	vst v23  }
0x219: {  	[tilespmem:s29+$0xE0E0] =	vst v20  }
0x21a: {  	v20 =	vmul.f32 $6.103515630e-05, v22;
	[tilespmem:s29+$0xA0F0] =	vst v34  }
0x21b: {  	[tilespmem:s29+$0x6F80] =	vst v26  }
0x21c: {  	s9 =	sadd.s32 $0xA080, s29;
	s11 =	sadd.s32 $0xC080, s29;
	[tilespmem:s29+$0xE0F0] =	vst v20  }
0x21d: {  	[spmem:s4] =	stream.indirect.scatter.add.f32 [tilespmem:s11], [sflag:$0x3], $0x1, s9, s31, $0xb8;
	[tilespmem:$0x15A60] =	vst v63  }
0x21e: {  	s11 =	sadd.s32 $0xD080, s29  }
0x21f: {  	[spmem:s3] =	stream.indirect.scatter.add.f32 [tilespmem:s11], [sflag:$0x3], $0x1, s9, s31, $0xb8;
	[tilespmem:$0x15A60] =	vst v63  }
0x220: {  	s9 =	sadd.s32 $0xB080, s29;
	s11 =	sadd.s32 $0xE080, s29;
	s29 =	smov.u32 s23  }
0x221: {  	[spmem:s5] =	stream.indirect.scatter [tilespmem:s11], [sflag:$0x3], $0x1, s9, s31, $0xb8;
	[tilespmem:$0x15A60] =	vst v63  }
0x222: {  	v20 =	vld [tilespmem:s29+$0x6F10];
	_ =	sdelay $0x3  }
0x223: {  	s9 =	spop (v2sf)  }
0x224: {  	vm5 =	vgt.s32 v20, s9  }
0x225: {  	v20 =	vnsel vm5, s9, v20  }
0x226: {  	v20 =	vxor.u32 $0x80000000, v20;
	v22 =	vld [tilespmem:s29+$0x6F20]  }
0x227: {  	(xrf0) =	vmax.scan.msk.u32 $0xffff, v20;
	_ =	sdelay $0x4  }
0x228: {  	v26 =	vld [tilespmem:s29+$0x6F50]  }
0x229: {  	v20 =	vld [tilespmem:s29+$0x6F30];
	v28, _, _ =	vpop (xrf0)  }
0x22a: {  	v30 =	vxor.u32 $0x80000000, v28  }
0x22b: {  	v23 =	vbroadcast v30, $0xF;
	_ =	sdelay $0x1  }
0x22c: {  	vm5 =	vgt.s32 v22, v23  }
0x22d: {  	v22 =	vsel vm5, v22, v23  }
0x22e: {  	v22 =	vxor.u32 $0x80000000, v22  }
0x22f: {  	(xrf0) =	vmax.scan.msk.u32 $0xffff, v22;
	_ =	sdelay $0x4  }
0x230: {  	v27 =	vld [tilespmem:s29+$0x6F60]  }
0x231: {  	v31, _, _ =	vpop (xrf0)  }
0x232: {  	v32 =	vxor.u32 $0x80000000, v31  }
0x233: {  	v22 =	vbroadcast v32, $0xF;
	_ =	sdelay $0x1  }
0x234: {  	vm5 =	vgt.s32 v20, v22  }
0x235: {  	v20 =	vsel vm5, v20, v22  }
0x236: {  	v20 =	vxor.u32 $0x80000000, v20  }
0x237: {  	(xrf0) =	vmax.scan.msk.u32 $0xffff, v20;
	_ =	sdelay $0x3  }
0x238: {  	v20 =	vld [tilespmem:s29+$0x6F40]  }
0x239: {  	v22 =	vld [tilespmem:s29+$0x6F70]  }
0x23a: {  	v33, _, _ =	vpop (xrf0)  }
0x23b: {  	v34 =	vxor.u32 $0x80000000, v33  }
0x23c: {  	v23 =	vbroadcast v34, $0xF;
	_ =	sdelay $0x1  }
0x23d: {  	vm5 =	vgt.s32 v20, v23  }
0x23e: {  	v20 =	vsel vm5, v20, v23  }
0x23f: {  	v23 =	vld [tilespmem:s29+$0x5EC1];
	v20 =	vxor.u32 $0x80000000, v20  }
0x240: {  	v35 =	vld [tilespmem:s29+$0x7FA0];
	(xrf0) =	vmax.scan.msk.u32 $0xffff, v20  }
0x241: {  	v36 =	vld [tilespmem:s29+$0x7FAF]  }
0x242: {  	v37 =	vld [tilespmem:s29+$0x7FC0]  }
0x243: {  	v38 =	vld [tilespmem:s29+$0x7FBF]  }
0x244: {  	v39 =	vld [tilespmem:s29+$0x7FCF]  }
0x245: {  	v20 =	vld [tilespmem:s29+$0x6F80]  }
0x246: {  	v40 =	vld [tilespmem:s29+$0x904F];
	v29, _, _ =	vpop (xrf0)  }
0x247: {  	v41 =	vxor.u32 $0x80000000, v29;
	v29 =	vand.u32 $0x3FFF, v29;
	v42 =	vld [tilespmem:s29+$0x9050]  }
0x248: {  	v43 =	vld [tilespmem:s29+$0x903F];
	v29 =	vcvt.s32.f32 v29;
	v44 =	vbroadcast v41, $0xF  }
0x249: {  	v28 =	vand.u32 $0x3FFF, v28;
	v31 =	vand.u32 $0x3FFF, v31;
	v45 =	vld [tilespmem:s29+$0x9040]  }
0x24a: {  	v28 =	vcvt.s32.f32 v28;
	v33 =	vand.u32 $0x3FFF, v33;
	v46 =	vld [tilespmem:s29+$0x902F];
	vm5 =	vgt.s32 v26, v44  }
0x24b: {  	v31 =	vcvt.s32.f32 v31;
	v33 =	vcvt.s32.f32 v33;
	v47 =	vld [tilespmem:s29+$0x9030];
	v26 =	vsel vm5, v26, v44  }
0x24c: {  	v28 =	vmul.f32 $6.103515630e-05, v28;
	v44 =	vld [tilespmem:s29+$0x901F];
	v48 =	vxor.u32 v42, v40;
	v26 =	vxor.u32 $0x80000000, v26  }
0x24d: {  	v33 =	vmul.f32 $6.103515630e-05, v33;
	[tilespmem:s29+$0x6F10] =	vst v30;
	v30 =	vld [tilespmem:s29+$0x9020];
	vm5 =	vlt.u32 v48, $0x10;
	(xrf0) =	vmax.scan.msk.u32 $0xffff, v26  }
0x24e: {  	v26 =	vmul.f32 $6.103515630e-05, v31;
	v48 =	vld [tilespmem:s29+$0x900F];
	[tilespmem:s29+$0xE080] =	vst v28;
	v28 =	vxor.u32 v45, v43;
	v39 =	vnsel vm5, $0x0, v39  }
0x24f: {  	v49 =	vld [tilespmem:s29+$0x9010];
	[tilespmem:s29+$0x6F20] =	vst v32;
	vm5 =	vlt.u32 v28, $0x10;
	v32 =	vsub.s32 v45, v43  }
0x250: {  	v28 =	vld [tilespmem:s29+$0x7F9F];
	[tilespmem:s29+$0xE090] =	vst v26;
	v26 =	vxor.u32 v47, v46;
	v43 =	vsub.s32 v47, v46  }
0x251: {  	v45 =	vld [tilespmem:s29+$0x7F8F];
	vm6 =	vlt.u32 v26, $0x10;
	[tilespmem:s29+$0x6F30] =	vst v34;
	v34 =	vnsel vm5, $0x0, v38  }
0x252: {  	v38 =	vld [tilespmem:s29+$0x7F90];
	v46 =	vxor.u32 v30, v44;
	v26 =	vsub.s32 v30, v44;
	v31 =	vnsel vm6, $0x0, v36  }
0x253: {  	v30 =	vcvt.s32.f32 v43;
	[tilespmem:s29+$0xE0A0] =	vst v33;
	v33 =	vsub.f32 v37, v34;
	v34 =	vld [tilespmem:s29+$0x7FD0];
	v37, _, _ =	vpop (xrf0)  }
0x254: {  	vm5 =	vlt.u32 v46, $0x10;
	v36 =	vxor.u32 v49, v48;
	v43 =	vxor.u32 $0x80000000, v37;
	v44 =	vld [tilespmem:s29+$0x905F]  }
0x255: {  	vm6 =	vlt.u32 v36, $0x10;
	v28 =	vnsel vm5, $0x0, v28;
	[tilespmem:s29+$0xC0B0] =	vst v33;
	v46 =	vld [tilespmem:s29+$0x9060];
	v47 =	vbroadcast v43, $0xF  }
0x256: {  	v33 =	vnsel vm6, $0x0, v45;
	v36 =	vsub.f32 v35, v28;
	v28 =	vld [tilespmem:s29+$0x5EC0];
	[tilespmem:s29+$0x6F50] =	vst v43;
	v35 =	vand.u32 $0x3FFF, v37  }
0x257: {  	v37 =	vsub.f32 v38, v33;
	v38 =	vsub.s32 v42, v40;
	v40 =	vld [tilespmem:s29+$0x7FDF];
	vm5 =	vgt.s32 v27, v47  }
0x258: {  	[tilespmem:s29+$0xD0A0] =	vst v30;
	v33 =	vsub.f32 v34, v39;
	v38 =	vcvt.s32.f32 v38;
	v39 =	vld [tilespmem:s29+$0x7FE0];
	v27 =	vsel vm5, v27, v47  }
.Ltmp10:
0x259: {  	v42 =	vsub.s32 v49, v48;
	v30 =	vcvt.s32.f32 v35;
	[tilespmem:s29+$0xC080] =	vst v37;
	v34 =	vld [tilespmem:s29+$0x5EB1];
	v27 =	vxor.u32 $0x80000000, v27;
	(pc) =	sbr.rel @p4 .LBB2_10-.Ltmp10, $4  }
0x25a: {  	v35 =	vcvt.s32.f32 v32;
	v37 =	vld [tilespmem:s29+$0x7FB0];
	[tilespmem:s29+$0xD0C0] =	vst v38;
	v38 =	vxor.u32 v46, v44;
	(xrf0) =	vmax.scan.msk.u32 $0xffff, v27  }
0x25b: {  	v27 =	vcvt.s32.f32 v42;
	v32 =	vld [tilespmem:s29+$0x5EB0];
	[tilespmem:s29+$0xA0B0] =	vst v28;
	vm6 =	vlt.u32 v38, $0x10;
	v38 =	vsub.s32 v46, v44  }
0x25c: {  	vm5 =	vne.s32 v25, v15;
	vm7 =	veq.s32 v28, v14;
	[tilespmem:s29+$0xD0B0] =	vst v35;
	v35 =	vnsel vm6, $0x0, v40;
	v25 =	vld [tilespmem:s29+$0x906F]  }
0x25d: {  	s22 =	sadd.s32 $0x200, s22;
	s9 =	sadd.s32 $0x30, s19;
	vm6 =	vne.s32 v24, v15;
	v38 =	vcvt.s32.f32 v38;
	[tilespmem:s29+$0x6F40] =	vst v41;
	v35 =	vsub.f32 v39, v35;
	v24 =	vld [tilespmem:s29+$0x9070]  }
.LBB2_11:
0x25e: {  	_ =	sdelay $0x1  }
0x25f: {  	v52, _, _ =	vpop (xrf0)  }
0x260: {  	v55 =	vxor.u32 $0x80000000, v52  }
0x261: {  	v39 =	vld [tilespmem:s29+$0x9080];
	v57 =	vbroadcast v55, $0xF  }
0x262: {  	v48 =	vld [tilespmem:s29+$0x7FEF]  }
0x263: {  	[tilespmem:s29+$0xC090] =	vst v36;
	v40 =	vld [tilespmem:s29+$0x7FF0];
	vm13 =	vgt.s32 v22, v57  }
0x264: {  	v41 =	vld [tilespmem:s29+$0x907F];
	[tilespmem:s29+$0xC0C0] =	vst v33;
	v22 =	vsel vm13, v22, v57  }
0x265: {  	v42 =	vld [tilespmem:s29+$0x5EA1];
	[tilespmem:s29+$0xD080] =	vst v27;
	v22 =	vxor.u32 $0x80000000, v22  }
0x266: {  	v29 =	vmul.f32 $6.103515630e-05, v29;
	v49 =	vld [tilespmem:s29+$0x7FFF];
	vm9 =	vne.s32 v21, v15;
	[tilespmem:s29+$0xD0D0] =	vst v38;
	(xrf0) =	vmax.scan.msk.u32 $0xffff, v22  }
0x267: {  	v50 =	vld [tilespmem:s29+$0x8000];
	v30 =	vmul.f32 $6.103515630e-05, v30;
	v63 =	vor.u32 s9, v4;
	vm15 =	vne.s32 v28, v23;
	[tilespmem:s29+$0xC0D0] =	vst v35  }
0x268: {  	v51 =	vld [tilespmem:s29+$0x5EA0];
	v44 =	vsel vm7, v0, v28;
	v31 =	vsub.f32 v37, v31;
	[tilespmem:s29+$0xA0A0] =	vst v32;
	vm8 =	veq.s32 v32, v14  }
0x269: {  	v54 =	vld [tilespmem:s29+$0x5E91];
	[tilespmem:s29+$0xE0B0] =	vst v29;
	vm10 =	vne.s32 v32, v34;
	v53 =	vsel vm8, v0, v32;
	v56 =	vsub.s32 v24, v25  }
0x26a: {  	v43 =	vld [tilespmem:s29+$0x5E90];
	[tilespmem:s29+$0xE0C0] =	vst v30;
	vm12 =	vmand vm9, vm10;
	v21 =	vand.u32 $0x3FFF, v52;
	v38 =	vcvt.s32.f32 v56  }
0x26b: {  	v58 =	vld [tilespmem:s29+$0x5EE1];
	[tilespmem:s29+$0xC0A0] =	vst v31;
	v31 =	vnsel vm12, $0x186A0, v53;
	vm12 =	vne.s32 v63, v15;
	v21 =	vcvt.s32.f32 v21  }
0x26c: {  	v61 =	vld [tilespmem:s29+$0x5EE0];
	v59 =	vsub.s32 v39, v41;
	v60 =	vxor.u32 v39, v41;
	[tilespmem:s29+$0xD0E0] =	vst v38;
	v38 =	vxor.u32 v24, v25;
	v45, _, _ =	vpop (xrf0)  }
0x26d: {  	v62 =	vld [tilespmem:s29+$0x5ED1];
	[tilespmem:s29+$0x6F60] =	vst v55;
	v39 =	vcvt.s32.f32 v26;
	vm7 =	vlt.u32 v38, $0x10;
	v47 =	vxor.u32 $0x80000000, v45  }
0x26e: {  	v53 =	vld [tilespmem:s29+$0x5EF0];
	[tilespmem:s29+$0xB0A0] =	vst v31;
	vm14 =	vlt.u32 v60, $0x10;
	v46 =	vnsel vm7, $0x0, v48;
	v48 =	vbroadcast v47, $0xF  }
0x26f: {  	[tilespmem:s29+$0xA090] =	vst v51;
	v41 =	vld [tilespmem:s29+$0x5ED0];
	vm8 =	vmand vm12, vm15;
	v21 =	vmul.f32 $6.103515630e-05, v21;
	v29 =	vnsel vm14, $0x0, v49  }
0x270: {  	v55 =	vld [tilespmem:s29+$0x5F00];
	[tilespmem:s29+$0xA080] =	vst v43;
	vm13 =	vne.s32 v19, v15;
	vm14 =	veq.s32 v43, v14;
	vm7 =	vgt.s32 v20, v48  }
0x271: {  	[tilespmem:s29+$0xA0D0] =	vst v61;
	v49 =	vld [tilespmem:s29+$0x5F01];
	v29 =	vsub.f32 v50, v29;
	v52 =	vsel vm14, v0, v43;
	v20 =	vsel vm7, v20, v48  }
0x272: {  	[tilespmem:s29+$0xD090] =	vst v39;
	vm14 =	vne.s32 v61, v58;
	v22 =	vcvt.s32.f32 v59;
	v20 =	vxor.u32 $0x80000000, v20  }
0x273: {  	[tilespmem:s29+$0xE0D0] =	vst v21;
	vm6 =	vmand vm6, vm14;
	v26 =	vsub.f32 v40, v46;
	(xrf0) =	vmax.scan.msk.u32 $0xffff, v20  }
0x274: {  	vm15 =	vne.s32 v41, v62;
	vm12 =	veq.s32 v41, v14;
	[tilespmem:s29+$0xD0F0] =	vst v22;
	v22 =	vnsel vm8, $0x186A0, v44  }
0x275: {  	[tilespmem:s29+$0xA0E0] =	vst v53;
	vm8 =	vne.s32 v51, v42;
	vm5 =	vmand vm5, vm15;
	vm7 =	veq.s32 v51, v14  }
0x276: {  	[tilespmem:s29+$0xA0F0] =	vst v55;
	vm15 =	vne.s32 v55, v49;
	v50 =	vsel vm7, v0, v51;
	vm7 =	vne.s32 v43, v54;
	v51 =	vld [tilespmem:s29+$0x5EF1]  }
0x277: {  	[tilespmem:s29+$0xC0F0] =	vst v29;
	v57 =	vand.u32 $0x3FFF, v45;
	v54 =	vsel vm12, v0, v41;
	vm7 =	vmand vm13, vm7  }
0x278: {  	[tilespmem:s29+$0xA0C0] =	vst v41;
	vm13 =	vne.s32 v18, v15;
	v18 =	vnsel vm5, $0x186A0, v54;
	vm5 =	veq.s32 v61, v14  }
0x279: {  	[tilespmem:s29+$0xB0B0] =	vst v22;
	v20 =	vnsel vm7, $0x186A0, v52;
	v56 =	vsel vm5, v0, v61;
	vm5 =	vmand vm13, vm8;
	v59, _, _ =	vpop (xrf0)  }
0x27a: {  	[tilespmem:s29+$0xC0E0] =	vst v26;
	v58 =	vnsel vm6, $0x186A0, v56;
	v26 =	vnsel vm5, $0x186A0, v50;
	v60 =	vxor.u32 $0x80000000, v59  }
0x27b: {  	[tilespmem:s29+$0x6F70] =	vst v47;
	vm6 =	vne.s32 v16, v15;
	vm5 =	vne.s32 v53, v51;
	(v2sf) =	vpush v60, $0xF  }
0x27c: {  	[tilespmem:s29+$0xB0C0] =	vst v18;
	v18 =	vcvt.s32.f32 v57;
	vm5 =	vmand vm6, vm5;
	vm6 =	veq.s32 v53, v14  }
0x27d: {  	vm7 =	vne.s32 v17, v15;
	[tilespmem:s29+$0xB080] =	vst v20;
	v15 =	vsel vm6, v0, v53;
	vm6 =	veq.s32 v55, v14  }
0x27e: {  	vm7 =	vmand vm7, vm15;
	[tilespmem:s29+$0xB0D0] =	vst v58;
	v15 =	vnsel vm5, $0x186A0, v15;
	v61 =	vsel vm6, v0, v55  }
0x27f: {  	v63 =	vand.u32 $0x3FFF, v59;
	[tilespmem:s29+$0xB0E0] =	vst v15;
	v15 =	vnsel vm7, $0x186A0, v61  }
0x280: {  	v62 =	vmul.f32 $6.103515630e-05, v18;
	[tilespmem:s29+$0xB0F0] =	vst v15;
	v15 =	vcvt.s32.f32 v63  }
0x281: {  	[tilespmem:s29+$0xB090] =	vst v26  }
0x282: {  	[tilespmem:s29+$0xE0E0] =	vst v62;
	v15 =	vmul.f32 $6.103515630e-05, v15  }
0x283: {  	[tilespmem:s29+$0x6F80] =	vst v60  }
0x284: {  	s22 =	sadd.s32 $0xA080, s29;
	s11 =	sadd.s32 $0xC080, s29;
	[tilespmem:s29+$0xE0F0] =	vst v15  }
0x285: {  	[spmem:s4] =	stream.indirect.scatter.add.f32 [tilespmem:s11], [sflag:$0x3], $0x1, s22, s31, $0xb8;
	[tilespmem:$0x15A60] =	vst v63  }
0x286: {  	s23 =	sadd.s32 $0xD080, s29  }
0x287: {  	[spmem:s3] =	stream.indirect.scatter.add.f32 [tilespmem:s23], [sflag:$0x3], $0x1, s22, s31, $0xb8;
	[tilespmem:$0x15A60] =	vst v63  }
0x288: {  	s24 =	sadd.s32 $0xB080, s29;
	s25 =	sadd.s32 $0xE080, s29  }
0x289: {  	[spmem:s5] =	stream.indirect.scatter [tilespmem:s25], [sflag:$0x3], $0x1, s24, s31, $0xb8;
	[tilespmem:$0x15A60] =	vst v63  }
0x28a: {  	s29 =	spop (v2sf)  }
0x28b: {  	_ =	swait.ge [sflag:s6], $0x80  }
0x28c: {  	[sflag:s6] =	ssyncset.done $0x0  }
0x28d: {  	[sflag:s6] =	ssyncadd.s32 $0xFFFFFF80  }
.Ltmp11:
0x28e: {  	_ =	swait.ge [sflag:s6], $0x80;
	(pc) =	sbr.rel @!p3 .LBB2_13-.Ltmp11, $4  }
0x28f: {  	[sflag:s6] =	ssyncset.done $0x0  }
0x290: {  	[sflag:s6] =	ssyncadd.s32 $0xFFFFFF80  }
0x291: {  	_ =	swait.ge [sflag:s6], $0x80  }
0x292: {  	s9 =	sadd.s32 $0xFFFFFFFF, s17;
	[sflag:s6] =	ssyncset.done $0x0  }
.LBB2_12:
0x293: {  	p3 =	sne.s32 s9, $0x1;
	s9 =	sadd.s32 $0xFFFFFFFF, s9;
	[sflag:s6] =	ssyncadd.s32 $0xFFFFFF80  }
0x294: {  	_ =	swait.ge [sflag:s6], $0x80  }
0x295: {  	[sflag:s6] =	ssyncset.done $0x0  }
0x296: {  	[sflag:s6] =	ssyncadd.s32 $0xFFFFFF80  }
.Ltmp12:
0x297: {  	_ =	swait.ge [sflag:s6], $0x80;
	(pc) =	sbr.rel @p3 .LBB2_12-.Ltmp12, $4  }
0x298: {  	[sflag:s6] =	ssyncset.done $0x0  }
0x299: {  	[sflag:s6] =	ssyncadd.s32 $0xFFFFFF80  }
0x29a: {  	_ =	swait.ge [sflag:s6], $0x80  }
0x29b: {  	[sflag:s6] =	ssyncset.done $0x0  }
.Ltmp13:
0x29c: {  	_ = 	snop;
	(pc) =	sbr.rel .LBB2_13-.Ltmp13, $1  }
0x29d: {  	_ =	sdelay $0x3  }
.LBB2_16:
0x29e: {  	s8 =	rddreg [dreg:$0x7];
	s9 =	simm.s32 $0x10D00  }
0x29f: {  	[tilespmem:s9], [sflag:$0x4] =	stream.linear.gather [spmem:s8], $0x80, $0x38;
	[tilespmem:$0x15A60] =	vst v63  }
0x2a0: {  	_ =	swait.ge [sflag:s28], $0x80  }
0x2a1: {  	[sflag:s28] =	ssyncset.done $0x0  }
0x2a2: {  	[sflag:s28] =	ssyncadd.s32 $0xFFFFFF80  }
0x2a3: {  	s11 =	simm.s32 $0x10D80;
	s21 =	rddreg [dreg:$0x8]  }
0x2a4: {  	[tilespmem:s11], [sflag:$0x4] =	stream.linear.gather [spmem:s21], $0x80, $0x38;
	[tilespmem:$0x15A60] =	vst v63  }
0x2a5: {  	_ =	swait.ge [sflag:s28], $0x80  }
0x2a6: {  	[sflag:s28] =	ssyncset.done $0x0  }
0x2a7: {  	s12 =	simm.s32 $0x10C80;
	s22 =	rddreg [dreg:$0x12];
	[sflag:s28] =	ssyncadd.s32 $0xFFFFFF80  }
0x2a8: {  	[tilespmem:s12], [sflag:$0x4] =	stream.linear.gather [spmem:s22], $0x20, $0x38;
	[tilespmem:$0x15A60] =	vst v63  }
0x2a9: {  	_ =	swait.ge [sflag:s28], $0x20  }
0x2aa: {  	[sflag:s28] =	ssyncset.done $0x0  }
0x2ab: {  	[sflag:s28] =	ssyncadd.s32 $0xFFFFFFE0  }
0x2ac: {  	[tilespmem:$0x10E20] =	vst v8  }
0x2ad: {  	v14 =	vld.idx.msk [tilespmem:v7+s9+$0x0], $0xffff;
	_ =	sdelay $0x4  }
0x2ae: {  	[tilespmem:$0x10E00] =	vst v14  }
0x2af: {  	v14 =	vld.idx.msk [tilespmem:v9+s12+$0x0], $0xffff  }
0x2b0: {  	v15 =	vld.idx.msk [tilespmem:v10+s11+$0x0], $0xffff;
	_ =	sdelay $0x4  }
0x2b1: {  	v14 =	vsel vm4, v14, v15  }
0x2b2: {  	[tilespmem:$0x10E80] =	vst v14  }
0x2b3: {  	v14 =	vld.idx.msk [tilespmem:v11+s9+$0x0], $0xffff;
	_ =	sdelay $0x1  }
0x2b4: {  	v15 =	vld [tilespmem:$0x10E00]  }
0x2b5: {  	v16 =	vld [tilespmem:$0x10E80];
	_ =	sdelay $0x1  }
0x2b6: {  	[tilespmem:$0x10E10] =	vst v14  }
0x2b7: {  	v14 =	vld.idx.msk [tilespmem:v12+s12+$0x0], $0xffff  }
0x2b8: {  	v17 =	vld.idx.msk [tilespmem:v13+s11+$0x0], $0xffff;
	[tilespmem:$0xF090] =	vst v15  }
0x2b9: {  	[tilespmem:$0xF190] =	vst v16;
	v18 =	vld [tilespmem:$0xF08F]  }
0x2ba: {  	v19 =	vld [tilespmem:$0xF18F];
	_ =	sdelay $0x4  }
0x2bb: {  	vm5 =	veq.s32 v15, v18;
	v39 =	vmax.f32 v16, v19  }
0x2bc: {  	v16 =	vsel vm5, v39, v16  }
0x2bd: {  	v40 =	vld [tilespmem:$0xF08E];
	[tilespmem:$0xF190] =	vst v16  }
0x2be: {  	v41 =	vld [tilespmem:$0xF18E];
	_ =	sdelay $0x4  }
0x2bf: {  	vm5 =	veq.s32 v15, v40;
	v42 =	vmax.f32 v16, v41  }
0x2c0: {  	v16 =	vsel vm5, v42, v16  }
0x2c1: {  	v43 =	vld [tilespmem:$0xF08C];
	[tilespmem:$0xF190] =	vst v16  }
0x2c2: {  	v44 =	vld [tilespmem:$0xF18C];
	_ =	sdelay $0x4  }
0x2c3: {  	vm5 =	veq.s32 v15, v43;
	v45 =	vmax.f32 v16, v44  }
0x2c4: {  	v16 =	vsel vm5, v45, v16  }
0x2c5: {  	v46 =	vld [tilespmem:$0xF088];
	[tilespmem:$0xF190] =	vst v16  }
0x2c6: {  	v47 =	vld [tilespmem:$0xF188];
	_ =	sdelay $0x1  }
0x2c7: {  	v14 =	vsel vm4, v14, v17  }
0x2c8: {  	[tilespmem:$0x10E90] =	vst v14;
	v14 =	vld [tilespmem:$0x10E10]  }
0x2c9: {  	v48 =	vld [tilespmem:$0x10E90]  }
0x2ca: {  	vm5 =	veq.s32 v15, v46;
	v49 =	vmax.f32 v16, v47  }
0x2cb: {  	v16 =	vsel vm5, v49, v16  }
0x2cc: {  	v50 =	vbroadcast v15, $0xF;
	v51 =	vbroadcast v16, $0xF;
	_ =	sdelay $0x1  }
0x2cd: {  	vm5 =	veq.s32 v14, v50;
	v52 =	vmax.f32 v48, v51  }
0x2ce: {  	[tilespmem:$0xF090] =	vst v14;
	v17 =	vsel vm5, v52, v48  }
0x2cf: {  	v53 =	vld [tilespmem:$0xF08F];
	[tilespmem:$0xF190] =	vst v17  }
0x2d0: {  	v54 =	vld [tilespmem:$0xF18F];
	_ =	sdelay $0x4  }
0x2d1: {  	vm5 =	veq.s32 v14, v53;
	v55 =	vmax.f32 v17, v54  }
0x2d2: {  	v17 =	vsel vm5, v55, v17  }
0x2d3: {  	v56 =	vld [tilespmem:$0xF08E];
	[tilespmem:$0xF190] =	vst v17  }
0x2d4: {  	v57 =	vld [tilespmem:$0xF18E];
	_ =	sdelay $0x4  }
0x2d5: {  	vm5 =	veq.s32 v14, v56;
	v58 =	vmax.f32 v17, v57  }
0x2d6: {  	v17 =	vsel vm5, v58, v17  }
0x2d7: {  	v59 =	vld [tilespmem:$0xF08C];
	[tilespmem:$0xF190] =	vst v17  }
0x2d8: {  	v60 =	vld [tilespmem:$0xF18C];
	_ =	sdelay $0x4  }
0x2d9: {  	v20 =	vld [tilespmem:$0x10E01];
	vm5 =	veq.s32 v14, v59;
	v61 =	vmax.f32 v17, v60  }
0x2da: {  	v62 =	vld [tilespmem:$0x10E11];
	v17 =	vsel vm5, v61, v17  }
0x2db: {  	v63 =	vld [tilespmem:$0xF088];
	[tilespmem:$0xF190] =	vst v17  }
0x2dc: {  	v21 =	vld [tilespmem:$0xF188];
	_ =	sdelay $0x2  }
0x2dd: {  	vm5 =	veq.s32 v15, v20  }
0x2de: {  	[tilespmem:$0x11000] =	vst v16;
	v15 =	vsel vm5, $0x186A0, v15;
	vm5 =	veq.s32 v14, v62  }
0x2df: {  	[tilespmem:$0x10F00] =	vst v15;
	v15 =	vsel vm5, $0x186A0, v14;
	vm5 =	veq.s32 v14, v63;
	v14 =	vmax.f32 v17, v21  }
0x2e0: {  	[tilespmem:$0x10F80] =	vst v15;
	v14 =	vsel vm5, v14, v17  }
0x2e1: {  	s23 =	simm.s32 $0x10;
	s24 =	simm.s32 $0x10F00;
	s25 =	simm.s32 $0x11000;
	[tilespmem:$0x11080] =	vst v14  }
0x2e2: {  	[spmem:s5] =	stream.indirect.scatter [tilespmem:s25], [sflag:$0x4], $0x1, s24, s23, $0xb8;
	[tilespmem:$0x15A60] =	vst v63  }
0x2e3: {  	_ =	swait.ge [sflag:s28], $0x10  }
0x2e4: {  	s29 =	simm.s32 $0x10F80;
	[sflag:s28] =	ssyncset.done $0x0  }
.Ltmp14:
0x2e5: {  	s30 =	simm.s32 $0x11080;
	[sflag:s28] =	ssyncadd.s32 $0xFFFFFFF0;
	(pc) =	sbr.rel .LBB2_17-.Ltmp14, $4  }
0x2e6: {  	[spmem:s5] =	stream.indirect.scatter [tilespmem:s30], [sflag:$0x4], $0x1, s29, s23, $0xb8;
	[tilespmem:$0x15A60] =	vst v63  }
0x2e7: {  	_ =	swait.ge [sflag:s28], $0x10  }
0x2e8: {  	[sflag:s28] =	ssyncset.done $0x0  }
0x2e9: {  	[sflag:s28] =	ssyncadd.s32 $0xFFFFFFF0  }
.LBB2_18:
0x2ea: {  	_ =	sfence.sel $0x180000  }
0x2eb: {  	[bflag:$0x0] =	sbarrier.arrive $0xFFFF  }
0x2ec: {  	_ =	strace $0x90000047  }
0x2ed: {  	[bflag:$0x2] =	sbarrier.arrive $0xFFFF  }
0x2ee: {  	s0 =	rddreg [dreg:$0x9]  }
0x2ef: {  	s0 =	sadd.s32 @!p0 $0x100000, s0  }
0x2f0: {  	[sflag:s0] =	ssyncadd.tile.s32 @!p0 $0x1;
	_ =	shalt  }
.Lfunc_end2:
_tile_overlayer_lowered:
.L_overlay_start_2:
0x2f1: {  	(tag) =	ssettag $0x2  }
0x2f2: {  	s0 =	rddreg [dreg:$0x0];
	s2 =	stileid.u32  }
0x2f3: {  	s1 =	rddreg [dreg:$0x1];
	p0 =	sne.s32 s2, $0x0  }
0x2f4: {  	s3 =	rddreg [dreg:$0x2];
	[bflag:$0x3] =	sbarrier.arrive $0xFFFF;
	s2 =	simm.s32 @!p0 $0x1C04  }
0x2f5: {  	[timem:s3], [sflag:s2] =	dma.local @!p0 [hbm:s0], s1  }
0x2f6: {  	s0 =	simm.s32 @!p0 $0x4  }
0x2f7: {  	_ =	swait.ge @!p0 [sflag:s0], s1  }
0x2f8: {  	s1 =	ssub.s32 @!p0 $0x0, s1;
	[sflag:s0] =	ssyncset.done @!p0 $0x0  }
0x2f9: {  	[sflag:s0] =	ssyncadd.s32 @!p0 s1  }
0x2fa: {  	[bflag:$0x3] =	sbarrier.arrive $0xFFFF  }
0x2fb: {  	_ =	shalt  }

</sc_bundles>
